<compile_context>
chip_gen: v7x
topology: tpu7x:2x2x1
jax: 0.10.2.dev20260603
libtpu: 0.0.44.dev20260713+nightly
codegen_flags: <defaults>
</compile_context>

<pallas_src>
import functools

import jax
import jax.numpy as jnp
from jax import lax
from jax.experimental import pallas as pl
from jax.experimental.pallas import tpu as pltpu
from jax.experimental.pallas import tpu_sc as plsc

SEQ = 8192
BATCH = 4
D = 1024

NC = 2
NS = 16
LANES = 16
NW = NC * NS
RPW = SEQ // NW
CS = 4
NB = 4
NIT = RPW // CS

_mesh = plsc.VectorSubcoreMesh(core_axis_name="c", subcore_axis_name="s")

_scratch = (
    [pltpu.VMEM((CS, BATCH, D), jnp.float32) for _ in range(NB)]
    + [pltpu.VMEM((CS, D), jnp.float32) for _ in range(NB)]
    + [pltpu.SemaphoreType.DMA for _ in range(3 * NB)]
)


@functools.partial(
    pl.kernel,
    mesh=_mesh,
    out_type=jax.ShapeDtypeStruct((SEQ, BATCH, D), jnp.float32),
    scratch_types=_scratch,
)
def _pe_add(x_hbm, pe_hbm, out_hbm, *bufs):
    xb = bufs[0:NB]
    peb = bufs[NB:2 * NB]
    sx = bufs[2 * NB:3 * NB]
    sp = bufs[3 * NB:4 * NB]
    so = bufs[4 * NB:5 * NB]

    wid = lax.axis_index("s") * NC + lax.axis_index("c")
    base = wid * RPW

    H = CS // 2

    def start_in(i, b):
        r0 = base + i * CS
        pltpu.async_copy(x_hbm.at[pl.ds(r0, H)], xb[b].at[pl.ds(0, H)], sx[b])
        pltpu.async_copy(
            x_hbm.at[pl.ds(r0 + H, H)], xb[b].at[pl.ds(H, H)], sx[b])
        pltpu.async_copy(pe_hbm.at[pl.ds(r0, CS)], peb[b], sp[b])

    def wait_in(b):
        pltpu.make_async_copy(
            x_hbm.at[pl.ds(0, H)], xb[b].at[pl.ds(0, H)], sx[b]).wait()
        pltpu.make_async_copy(
            x_hbm.at[pl.ds(0, H)], xb[b].at[pl.ds(H, H)], sx[b]).wait()
        pltpu.make_async_copy(pe_hbm.at[pl.ds(0, CS)], peb[b], sp[b]).wait()

    def start_out(i, b):
        r0 = base + i * CS
        pltpu.async_copy(xb[b], out_hbm.at[pl.ds(r0, CS)], so[b])

    def wait_out(b):
        pltpu.make_async_copy(xb[b], out_hbm.at[pl.ds(0, CS)], so[b]).wait()

    def compute(b):
        xi, pb = xb[b], peb[b]

        def inner(j, c):
            d0 = j * LANES
            for s in range(CS):
                pv = pb[s, pl.ds(d0, LANES)]
                for bt in range(BATCH):
                    xi[s, bt, pl.ds(d0, LANES)] = (
                        xi[s, bt, pl.ds(d0, LANES)] + pv
                    )
            return c

        lax.fori_loop(0, D // LANES, inner, 0)

    start_in(0, 0)
    start_in(1, 1)

    for i in range(NB):
        b = i
        b2 = (b + 2) % NB
        if i < 2:
            start_in(i + 2, b2)
        else:
            wait_out(b2)
            start_in(i + 2, b2)
        wait_in(b)
        compute(b)
        start_out(i, b)

    def group(g, carry):
        for b in range(NB):
            i = g * NB + b
            b2 = (b + 2) % NB

            @pl.when(i + 2 < NIT)
            def _():
                wait_out(b2)
                start_in(i + 2, b2)

            wait_in(b)
            compute(b)
            start_out(i, b)

        return carry

    lax.fori_loop(1, NIT // NB, group, 0)

    for b in range(NB):
        wait_out(b)


def kernel(x, pe):
    return _pe_add(x, pe)

# --- scband reference (transcript-rebuilt; emitter-appended) ---
"""Pipeline reference for scband-abs-positional-encoding-56573309223018 (READ-ONLY COPY).

The authoritative reference and input builder live on the scoring server;
editing this copy changes nothing except your own understanding.
"""

import jax, jax.numpy as jnp
import numpy as np

D_MODEL = 1024
MAX_LEN = 8192
SEQ_LEN = 8192
BATCH = 4

def setup_inputs(seed: int = 0) -> dict:
    key = jax.random.key(seed)
    k1, k2 = jax.random.split(key)
    x = jax.random.normal(k1, (SEQ_LEN, BATCH, D_MODEL), dtype=jnp.float32)
    pe = jax.random.normal(k2, (MAX_LEN, D_MODEL), dtype=jnp.float32) * 0.02
    return {"x": x, "pe": pe}

def reference(x, pe):
    # forward of AbsPositionalEncoding (dropout in eval mode = identity)
    seq_len = x.shape[0]
    position = jnp.arange(seq_len)  # [seq_len]
    # torch: position.unsqueeze(1) -> [seq_len, 1]; Embedding -> [seq_len, 1, d_model]
    pos_emb = jnp.take(pe, position, axis=0)[:, None, :]  # [seq_len, 1, d_model]
    out = x + pos_emb  # broadcast over batch dim
    return out

if __name__ == "__main__":
    import jax
    _d = setup_inputs()
    print(jax.jit(kernel)(*tuple(_d.values())))

</pallas_src>

<mosaic_0001>
#map = affine_map<(d0, d1) -> (0, 0, 0)>
#map1 = affine_map<(d0, d1) -> (0, 0)>
module attributes {stable_mosaic.version = 14 : i64} {
  func.func @_pe_add(%arg0: i32, %arg1: i32, %arg2: memref<8192x4x1024xf32, #tpu.memory_space<hbm>>, %arg3: memref<8192x1024xf32, #tpu.memory_space<hbm>>, %arg4: memref<8192x4x1024xf32, #tpu.memory_space<hbm>>, %arg5: memref<4x4x1024xf32, #tpu.memory_space<vmem>>, %arg6: memref<4x4x1024xf32, #tpu.memory_space<vmem>>, %arg7: memref<4x4x1024xf32, #tpu.memory_space<vmem>>, %arg8: memref<4x4x1024xf32, #tpu.memory_space<vmem>>, %arg9: memref<4x1024xf32, #tpu.memory_space<vmem>>, %arg10: memref<4x1024xf32, #tpu.memory_space<vmem>>, %arg11: memref<4x1024xf32, #tpu.memory_space<vmem>>, %arg12: memref<4x1024xf32, #tpu.memory_space<vmem>>, %arg13: memref<!tpu.dma_semaphore, #tpu.memory_space<semaphore_mem>>, %arg14: memref<!tpu.dma_semaphore, #tpu.memory_space<semaphore_mem>>, %arg15: memref<!tpu.dma_semaphore, #tpu.memory_space<semaphore_mem>>, %arg16: memref<!tpu.dma_semaphore, #tpu.memory_space<semaphore_mem>>, %arg17: memref<!tpu.dma_semaphore, #tpu.memory_space<semaphore_mem>>, %arg18: memref<!tpu.dma_semaphore, #tpu.memory_space<semaphore_mem>>, %arg19: memref<!tpu.dma_semaphore, #tpu.memory_space<semaphore_mem>>, %arg20: memref<!tpu.dma_semaphore, #tpu.memory_space<semaphore_mem>>, %arg21: memref<!tpu.dma_semaphore, #tpu.memory_space<semaphore_mem>>, %arg22: memref<!tpu.dma_semaphore, #tpu.memory_space<semaphore_mem>>, %arg23: memref<!tpu.dma_semaphore, #tpu.memory_space<semaphore_mem>>, %arg24: memref<!tpu.dma_semaphore, #tpu.memory_space<semaphore_mem>>) attributes {dimension_semantics = [#tpu.dimension_semantics<core_parallel>, #tpu.dimension_semantics<subcore_parallel>], iteration_bounds = array<i64: 2, 16>, scalar_prefetch = 0 : i64, scratch_operands = 20 : i64, tpu.core_type = #tpu.core_type<sc_vector_subcore>, window_params = [{transform_indices = #map}, {transform_indices = #map1}, {transform_indices = #map}]} {
    %mul3A = arith.constant 2 : i32
    %mul3A_0 = arith.muli %arg1, %mul3A : i32
    %add3A = arith.addi %mul3A_0, %arg0 : i32
    %mul3A_1 = arith.constant 256 : i32
    %mul3A_2 = arith.muli %add3A, %mul3A_1 : i32
    %add3A_3 = arith.constant 0 : i32
    %add3A_4 = arith.addi %mul3A_2, %add3A_3 : i32
    %dma_start3A = arith.constant 0 : i32
    %dma_start3A_5 = arith.constant 0 : i32
    %dma_start3A_6 = arith.constant 0 : i32
    %dma_start3A_7 = tpu.memref_slice %arg5[%dma_start3A, %dma_start3A_5, %dma_start3A_6] : memref<4x4x1024xf32, #tpu.memory_space<vmem>> -> memref<2x4x1024xf32, #tpu.memory_space<vmem>>
    %dma_start3A_8 = arith.constant 0 : i32
    %dma_start3A_9 = arith.constant 0 : i32
    %dma_start3A_10 = tpu.memref_slice %arg2[%add3A_4, %dma_start3A_8, %dma_start3A_9] : memref<8192x4x1024xf32, #tpu.memory_space<hbm>> -> memref<2x4x1024xf32, #tpu.memory_space<hbm>>
    %dma_start3A_11 = arith.constant 0 : i32
    %dma_start3A_12 = arith.constant 0 : i32
    %dma_start3A_13 = arith.constant 0 : i32
    %dma_start3A_14 = tpu.memref_slice %arg5[%dma_start3A_11, %dma_start3A_12, %dma_start3A_13] : memref<4x4x1024xf32, #tpu.memory_space<vmem>> -> memref<2x4x1024xf32, #tpu.memory_space<vmem>>
    %dma_start3A_15 = arith.constant 0 : i32
    %dma_start3A_16 = arith.constant 0 : i32
    %dma_start3A_17 = tpu.memref_slice %arg2[%add3A_4, %dma_start3A_15, %dma_start3A_16] : memref<8192x4x1024xf32, #tpu.memory_space<hbm>> -> memref<2x4x1024xf32, #tpu.memory_space<hbm>>
    tpu.enqueue_dma source(%dma_start3A_17 : memref<2x4x1024xf32, #tpu.memory_space<hbm>>) target(%dma_start3A_14 : memref<2x4x1024xf32, #tpu.memory_space<vmem>>) target_semaphore(%arg13 : memref<!tpu.dma_semaphore, #tpu.memory_space<semaphore_mem>>)
    %add3A_18 = arith.constant 2 : i32
    %add3A_19 = arith.addi %add3A_4, %add3A_18 : i32
    %dma_start3A_20 = arith.constant 2 : i32
    %dma_start3A_21 = arith.constant 0 : i32
    %dma_start3A_22 = arith.constant 0 : i32
    %dma_start3A_23 = tpu.memref_slice %arg5[%dma_start3A_20, %dma_start3A_21, %dma_start3A_22] : memref<4x4x1024xf32, #tpu.memory_space<vmem>> -> memref<2x4x1024xf32, #tpu.memory_space<vmem>>
    %dma_start3A_24 = arith.constant 0 : i32
    %dma_start3A_25 = arith.constant 0 : i32
    %dma_start3A_26 = tpu.memref_slice %arg2[%add3A_19, %dma_start3A_24, %dma_start3A_25] : memref<8192x4x1024xf32, #tpu.memory_space<hbm>> -> memref<2x4x1024xf32, #tpu.memory_space<hbm>>
    %dma_start3A_27 = arith.constant 2 : i32
    %dma_start3A_28 = arith.constant 0 : i32
    %dma_start3A_29 = arith.constant 0 : i32
    %dma_start3A_30 = tpu.memref_slice %arg5[%dma_start3A_27, %dma_start3A_28, %dma_start3A_29] : memref<4x4x1024xf32, #tpu.memory_space<vmem>> -> memref<2x4x1024xf32, #tpu.memory_space<vmem>>
    %dma_start3A_31 = arith.constant 0 : i32
    %dma_start3A_32 = arith.constant 0 : i32
    %dma_start3A_33 = tpu.memref_slice %arg2[%add3A_19, %dma_start3A_31, %dma_start3A_32] : memref<8192x4x1024xf32, #tpu.memory_space<hbm>> -> memref<2x4x1024xf32, #tpu.memory_space<hbm>>
    tpu.enqueue_dma source(%dma_start3A_33 : memref<2x4x1024xf32, #tpu.memory_space<hbm>>) target(%dma_start3A_30 : memref<2x4x1024xf32, #tpu.memory_space<vmem>>) target_semaphore(%arg13 : memref<!tpu.dma_semaphore, #tpu.memory_space<semaphore_mem>>)
    %dma_start3A_34 = arith.constant 0 : i32
    %dma_start3A_35 = tpu.memref_slice %arg3[%add3A_4, %dma_start3A_34] : memref<8192x1024xf32, #tpu.memory_space<hbm>> -> memref<4x1024xf32, #tpu.memory_space<hbm>>
    %dma_start3A_36 = arith.constant 0 : i32
    %dma_start3A_37 = tpu.memref_slice %arg3[%add3A_4, %dma_start3A_36] : memref<8192x1024xf32, #tpu.memory_space<hbm>> -> memref<4x1024xf32, #tpu.memory_space<hbm>>
    tpu.enqueue_dma source(%dma_start3A_37 : memref<4x1024xf32, #tpu.memory_space<hbm>>) target(%arg9 : memref<4x1024xf32, #tpu.memory_space<vmem>>) target_semaphore(%arg17 : memref<!tpu.dma_semaphore, #tpu.memory_space<semaphore_mem>>)
    %add3A_38 = arith.constant 4 : i32
    %add3A_39 = arith.addi %mul3A_2, %add3A_38 : i32
    %dma_start3A_40 = arith.constant 0 : i32
    %dma_start3A_41 = arith.constant 0 : i32
    %dma_start3A_42 = arith.constant 0 : i32
    %dma_start3A_43 = tpu.memref_slice %arg6[%dma_start3A_40, %dma_start3A_41, %dma_start3A_42] : memref<4x4x1024xf32, #tpu.memory_space<vmem>> -> memref<2x4x1024xf32, #tpu.memory_space<vmem>>
    %dma_start3A_44 = arith.constant 0 : i32
    %dma_start3A_45 = arith.constant 0 : i32
    %dma_start3A_46 = tpu.memref_slice %arg2[%add3A_39, %dma_start3A_44, %dma_start3A_45] : memref<8192x4x1024xf32, #tpu.memory_space<hbm>> -> memref<2x4x1024xf32, #tpu.memory_space<hbm>>
    %dma_start3A_47 = arith.constant 0 : i32
    %dma_start3A_48 = arith.constant 0 : i32
    %dma_start3A_49 = arith.constant 0 : i32
    %dma_start3A_50 = tpu.memref_slice %arg6[%dma_start3A_47, %dma_start3A_48, %dma_start3A_49] : memref<4x4x1024xf32, #tpu.memory_space<vmem>> -> memref<2x4x1024xf32, #tpu.memory_space<vmem>>
    %dma_start3A_51 = arith.constant 0 : i32
    %dma_start3A_52 = arith.constant 0 : i32
    %dma_start3A_53 = tpu.memref_slice %arg2[%add3A_39, %dma_start3A_51, %dma_start3A_52] : memref<8192x4x1024xf32, #tpu.memory_space<hbm>> -> memref<2x4x1024xf32, #tpu.memory_space<hbm>>
    tpu.enqueue_dma source(%dma_start3A_53 : memref<2x4x1024xf32, #tpu.memory_space<hbm>>) target(%dma_start3A_50 : memref<2x4x1024xf32, #tpu.memory_space<vmem>>) target_semaphore(%arg14 : memref<!tpu.dma_semaphore, #tpu.memory_space<semaphore_mem>>)
    %add3A_54 = arith.constant 2 : i32
    %add3A_55 = arith.addi %add3A_39, %add3A_54 : i32
    %dma_start3A_56 = arith.constant 2 : i32
    %dma_start3A_57 = arith.constant 0 : i32
    %dma_start3A_58 = arith.constant 0 : i32
    %dma_start3A_59 = tpu.memref_slice %arg6[%dma_start3A_56, %dma_start3A_57, %dma_start3A_58] : memref<4x4x1024xf32, #tpu.memory_space<vmem>> -> memref<2x4x1024xf32, #tpu.memory_space<vmem>>
    %dma_start3A_60 = arith.constant 0 : i32
    %dma_start3A_61 = arith.constant 0 : i32
    %dma_start3A_62 = tpu.memref_slice %arg2[%add3A_55, %dma_start3A_60, %dma_start3A_61] : memref<8192x4x1024xf32, #tpu.memory_space<hbm>> -> memref<2x4x1024xf32, #tpu.memory_space<hbm>>
    %dma_start3A_63 = arith.constant 2 : i32
    %dma_start3A_64 = arith.constant 0 : i32
    %dma_start3A_65 = arith.constant 0 : i32
    %dma_start3A_66 = tpu.memref_slice %arg6[%dma_start3A_63, %dma_start3A_64, %dma_start3A_65] : memref<4x4x1024xf32, #tpu.memory_space<vmem>> -> memref<2x4x1024xf32, #tpu.memory_space<vmem>>
    %dma_start3A_67 = arith.constant 0 : i32
    %dma_start3A_68 = arith.constant 0 : i32
    %dma_start3A_69 = tpu.memref_slice %arg2[%add3A_55, %dma_start3A_67, %dma_start3A_68] : memref<8192x4x1024xf32, #tpu.memory_space<hbm>> -> memref<2x4x1024xf32, #tpu.memory_space<hbm>>
    tpu.enqueue_dma source(%dma_start3A_69 : memref<2x4x1024xf32, #tpu.memory_space<hbm>>) target(%dma_start3A_66 : memref<2x4x1024xf32, #tpu.memory_space<vmem>>) target_semaphore(%arg14 : memref<!tpu.dma_semaphore, #tpu.memory_space<semaphore_mem>>)
    %dma_start3A_70 = arith.constant 0 : i32
    %dma_start3A_71 = tpu.memref_slice %arg3[%add3A_39, %dma_start3A_70] : memref<8192x1024xf32, #tpu.memory_space<hbm>> -> memref<4x1024xf32, #tpu.memory_space<hbm>>
    %dma_start3A_72 = arith.constant 0 : i32
    %dma_start3A_73 = tpu.memref_slice %arg3[%add3A_39, %dma_start3A_72] : memref<8192x1024xf32, #tpu.memory_space<hbm>> -> memref<4x1024xf32, #tpu.memory_space<hbm>>
    tpu.enqueue_dma source(%dma_start3A_73 : memref<4x1024xf32, #tpu.memory_space<hbm>>) target(%arg10 : memref<4x1024xf32, #tpu.memory_space<vmem>>) target_semaphore(%arg18 : memref<!tpu.dma_semaphore, #tpu.memory_space<semaphore_mem>>)
    %add3A_74 = arith.constant 8 : i32
    %add3A_75 = arith.addi %mul3A_2, %add3A_74 : i32
    %dma_start3A_76 = arith.constant 0 : i32
    %dma_start3A_77 = arith.constant 0 : i32
    %dma_start3A_78 = arith.constant 0 : i32
    %dma_start3A_79 = tpu.memref_slice %arg7[%dma_start3A_76, %dma_start3A_77, %dma_start3A_78] : memref<4x4x1024xf32, #tpu.memory_space<vmem>> -> memref<2x4x1024xf32, #tpu.memory_space<vmem>>
    %dma_start3A_80 = arith.constant 0 : i32
    %dma_start3A_81 = arith.constant 0 : i32
    %dma_start3A_82 = tpu.memref_slice %arg2[%add3A_75, %dma_start3A_80, %dma_start3A_81] : memref<8192x4x1024xf32, #tpu.memory_space<hbm>> -> memref<2x4x1024xf32, #tpu.memory_space<hbm>>
    %dma_start3A_83 = arith.constant 0 : i32
    %dma_start3A_84 = arith.constant 0 : i32
    %dma_start3A_85 = arith.constant 0 : i32
    %dma_start3A_86 = tpu.memref_slice %arg7[%dma_start3A_83, %dma_start3A_84, %dma_start3A_85] : memref<4x4x1024xf32, #tpu.memory_space<vmem>> -> memref<2x4x1024xf32, #tpu.memory_space<vmem>>
    %dma_start3A_87 = arith.constant 0 : i32
    %dma_start3A_88 = arith.constant 0 : i32
    %dma_start3A_89 = tpu.memref_slice %arg2[%add3A_75, %dma_start3A_87, %dma_start3A_88] : memref<8192x4x1024xf32, #tpu.memory_space<hbm>> -> memref<2x4x1024xf32, #tpu.memory_space<hbm>>
    tpu.enqueue_dma source(%dma_start3A_89 : memref<2x4x1024xf32, #tpu.memory_space<hbm>>) target(%dma_start3A_86 : memref<2x4x1024xf32, #tpu.memory_space<vmem>>) target_semaphore(%arg15 : memref<!tpu.dma_semaphore, #tpu.memory_space<semaphore_mem>>)
    %add3A_90 = arith.constant 2 : i32
    %add3A_91 = arith.addi %add3A_75, %add3A_90 : i32
    %dma_start3A_92 = arith.constant 2 : i32
    %dma_start3A_93 = arith.constant 0 : i32
    %dma_start3A_94 = arith.constant 0 : i32
    %dma_start3A_95 = tpu.memref_slice %arg7[%dma_start3A_92, %dma_start3A_93, %dma_start3A_94] : memref<4x4x1024xf32, #tpu.memory_space<vmem>> -> memref<2x4x1024xf32, #tpu.memory_space<vmem>>
    %dma_start3A_96 = arith.constant 0 : i32
    %dma_start3A_97 = arith.constant 0 : i32
    %dma_start3A_98 = tpu.memref_slice %arg2[%add3A_91, %dma_start3A_96, %dma_start3A_97] : memref<8192x4x1024xf32, #tpu.memory_space<hbm>> -> memref<2x4x1024xf32, #tpu.memory_space<hbm>>
    %dma_start3A_99 = arith.constant 2 : i32
    %dma_start3A_100 = arith.constant 0 : i32
    %dma_start3A_101 = arith.constant 0 : i32
    %dma_start3A_102 = tpu.memref_slice %arg7[%dma_start3A_99, %dma_start3A_100, %dma_start3A_101] : memref<4x4x1024xf32, #tpu.memory_space<vmem>> -> memref<2x4x1024xf32, #tpu.memory_space<vmem>>
    %dma_start3A_103 = arith.constant 0 : i32
    %dma_start3A_104 = arith.constant 0 : i32
    %dma_start3A_105 = tpu.memref_slice %arg2[%add3A_91, %dma_start3A_103, %dma_start3A_104] : memref<8192x4x1024xf32, #tpu.memory_space<hbm>> -> memref<2x4x1024xf32, #tpu.memory_space<hbm>>
    tpu.enqueue_dma source(%dma_start3A_105 : memref<2x4x1024xf32, #tpu.memory_space<hbm>>) target(%dma_start3A_102 : memref<2x4x1024xf32, #tpu.memory_space<vmem>>) target_semaphore(%arg15 : memref<!tpu.dma_semaphore, #tpu.memory_space<semaphore_mem>>)
    %dma_start3A_106 = arith.constant 0 : i32
    %dma_start3A_107 = tpu.memref_slice %arg3[%add3A_75, %dma_start3A_106] : memref<8192x1024xf32, #tpu.memory_space<hbm>> -> memref<4x1024xf32, #tpu.memory_space<hbm>>
    %dma_start3A_108 = arith.constant 0 : i32
    %dma_start3A_109 = tpu.memref_slice %arg3[%add3A_75, %dma_start3A_108] : memref<8192x1024xf32, #tpu.memory_space<hbm>> -> memref<4x1024xf32, #tpu.memory_space<hbm>>
    tpu.enqueue_dma source(%dma_start3A_109 : memref<4x1024xf32, #tpu.memory_space<hbm>>) target(%arg11 : memref<4x1024xf32, #tpu.memory_space<vmem>>) target_semaphore(%arg19 : memref<!tpu.dma_semaphore, #tpu.memory_space<semaphore_mem>>)
    %dma_wait3A = arith.constant 0 : i32
    %dma_wait3A_110 = arith.constant 0 : i32
    %dma_wait3A_111 = arith.constant 0 : i32
    %dma_wait3A_112 = tpu.memref_slice %arg5[%dma_wait3A, %dma_wait3A_110, %dma_wait3A_111] : memref<4x4x1024xf32, #tpu.memory_space<vmem>> -> memref<2x4x1024xf32, #tpu.memory_space<vmem>>
    %dma_wait3A_113 = arith.constant 0 : i32
    %dma_wait3A_114 = arith.constant 0 : i32
    %dma_wait3A_115 = arith.constant 0 : i32
    %dma_wait3A_116 = tpu.memref_slice %arg2[%dma_wait3A_113, %dma_wait3A_114, %dma_wait3A_115] : memref<8192x4x1024xf32, #tpu.memory_space<hbm>> -> memref<2x4x1024xf32, #tpu.memory_space<hbm>>
    %dma_wait3A_117 = arith.constant 0 : i32
    %dma_wait3A_118 = arith.constant 0 : i32
    %dma_wait3A_119 = arith.constant 0 : i32
    %dma_wait3A_120 = tpu.memref_slice %arg5[%dma_wait3A_117, %dma_wait3A_118, %dma_wait3A_119] : memref<4x4x1024xf32, #tpu.memory_space<vmem>> -> memref<2x4x1024xf32, #tpu.memory_space<vmem>>
    %dma_wait3A_121 = arith.constant 0 : i32
    %dma_wait3A_122 = arith.constant 0 : i32
    %dma_wait3A_123 = arith.constant 0 : i32
    %dma_wait3A_124 = tpu.memref_slice %arg2[%dma_wait3A_121, %dma_wait3A_122, %dma_wait3A_123] : memref<8192x4x1024xf32, #tpu.memory_space<hbm>> -> memref<2x4x1024xf32, #tpu.memory_space<hbm>>
    tpu.wait_dma2 semaphore(%arg13 : memref<!tpu.dma_semaphore, #tpu.memory_space<semaphore_mem>>) src(%dma_wait3A_124 : memref<2x4x1024xf32, #tpu.memory_space<hbm>>) dst(%dma_wait3A_120 : memref<2x4x1024xf32, #tpu.memory_space<vmem>>)
    %dma_wait3A_125 = arith.constant 2 : i32
    %dma_wait3A_126 = arith.constant 0 : i32
    %dma_wait3A_127 = arith.constant 0 : i32
    %dma_wait3A_128 = tpu.memref_slice %arg5[%dma_wait3A_125, %dma_wait3A_126, %dma_wait3A_127] : memref<4x4x1024xf32, #tpu.memory_space<vmem>> -> memref<2x4x1024xf32, #tpu.memory_space<vmem>>
    %dma_wait3A_129 = arith.constant 0 : i32
    %dma_wait3A_130 = arith.constant 0 : i32
    %dma_wait3A_131 = arith.constant 0 : i32
    %dma_wait3A_132 = tpu.memref_slice %arg2[%dma_wait3A_129, %dma_wait3A_130, %dma_wait3A_131] : memref<8192x4x1024xf32, #tpu.memory_space<hbm>> -> memref<2x4x1024xf32, #tpu.memory_space<hbm>>
    %dma_wait3A_133 = arith.constant 2 : i32
    %dma_wait3A_134 = arith.constant 0 : i32
    %dma_wait3A_135 = arith.constant 0 : i32
    %dma_wait3A_136 = tpu.memref_slice %arg5[%dma_wait3A_133, %dma_wait3A_134, %dma_wait3A_135] : memref<4x4x1024xf32, #tpu.memory_space<vmem>> -> memref<2x4x1024xf32, #tpu.memory_space<vmem>>
    %dma_wait3A_137 = arith.constant 0 : i32
    %dma_wait3A_138 = arith.constant 0 : i32
    %dma_wait3A_139 = arith.constant 0 : i32
    %dma_wait3A_140 = tpu.memref_slice %arg2[%dma_wait3A_137, %dma_wait3A_138, %dma_wait3A_139] : memref<8192x4x1024xf32, #tpu.memory_space<hbm>> -> memref<2x4x1024xf32, #tpu.memory_space<hbm>>
    tpu.wait_dma2 semaphore(%arg13 : memref<!tpu.dma_semaphore, #tpu.memory_space<semaphore_mem>>) src(%dma_wait3A_140 : memref<2x4x1024xf32, #tpu.memory_space<hbm>>) dst(%dma_wait3A_136 : memref<2x4x1024xf32, #tpu.memory_space<vmem>>)
    %dma_wait3A_141 = arith.constant 0 : i32
    %dma_wait3A_142 = arith.constant 0 : i32
    %dma_wait3A_143 = tpu.memref_slice %arg3[%dma_wait3A_141, %dma_wait3A_142] : memref<8192x1024xf32, #tpu.memory_space<hbm>> -> memref<4x1024xf32, #tpu.memory_space<hbm>>
    %dma_wait3A_144 = arith.constant 0 : i32
    %dma_wait3A_145 = arith.constant 0 : i32
    %dma_wait3A_146 = tpu.memref_slice %arg3[%dma_wait3A_144, %dma_wait3A_145] : memref<8192x1024xf32, #tpu.memory_space<hbm>> -> memref<4x1024xf32, #tpu.memory_space<hbm>>
    tpu.wait_dma2 semaphore(%arg17 : memref<!tpu.dma_semaphore, #tpu.memory_space<semaphore_mem>>) src(%dma_wait3A_146 : memref<4x1024xf32, #tpu.memory_space<hbm>>) dst(%arg9 : memref<4x1024xf32, #tpu.memory_space<vmem>>)
    %scan3A = arith.constant 0 : i32
    %scan3A_147 = arith.constant 0 : i32
    %scan3A_148 = arith.constant 64 : i32
    %scan3A_149 = arith.addi %scan3A_147, %scan3A_148 : i32
    %scan3A_150 = arith.constant 1 : i32
    scf.for %scan3A_478 = %scan3A_147 to %scan3A_149 step %scan3A_150  : i32 {
      %mul3A_479 = arith.constant 16 : i32
      %mul3A_480 = arith.muli %scan3A_478, %mul3A_479 : i32
      %get3A = arith.constant 0 : i32
      %get3A_481 = arith.index_cast %get3A : i32 to index
      %get3A_482 = arith.index_cast %mul3A_480 : i32 to index
      %get3A_483 = tpu.vector_load %arg9[%get3A_481, %get3A_482] {strides = array<i32>} : memref<4x1024xf32, #tpu.memory_space<vmem>>, vector<1x16xf32>,
      %get3A_484 = vector.shape_cast %get3A_483 : vector<1x16xf32> to vector<16xf32>
      %get3A_485 = arith.constant 0 : i32
      %get3A_486 = arith.constant 0 : i32
      %get3A_487 = arith.index_cast %get3A_485 : i32 to index
      %get3A_488 = arith.index_cast %get3A_486 : i32 to index
      %get3A_489 = arith.index_cast %mul3A_480 : i32 to index
      %get3A_490 = tpu.vector_load %arg5[%get3A_487, %get3A_488, %get3A_489] {strides = array<i32>} : memref<4x4x1024xf32, #tpu.memory_space<vmem>>, vector<1x1x16xf32>,
      %get3A_491 = vector.shape_cast %get3A_490 : vector<1x1x16xf32> to vector<16xf32>
      %add3A_492 = arith.addf %get3A_491, %get3A_484 : vector<16xf32>
      %swap3A = arith.constant 0 : i32
      %swap3A_493 = arith.constant 0 : i32
      %swap3A_494 = arith.index_cast %swap3A : i32 to index
      %swap3A_495 = arith.index_cast %swap3A_493 : i32 to index
      %swap3A_496 = arith.index_cast %mul3A_480 : i32 to index
      %swap3A_497 = tpu.vector_load %arg5[%swap3A_494, %swap3A_495, %swap3A_496] {strides = array<i32>} : memref<4x4x1024xf32, #tpu.memory_space<vmem>>, vector<1x1x16xf32>,
      %swap3A_498 = vector.shape_cast %swap3A_497 : vector<1x1x16xf32> to vector<16xf32>
      %swap3A_499 = vector.shape_cast %add3A_492 : vector<16xf32> to vector<1x1x16xf32>
      tpu.vector_store %arg5[%swap3A_494, %swap3A_495, %swap3A_496], %swap3A_499 {strides = array<i32>} : memref<4x4x1024xf32, #tpu.memory_space<vmem>>, vector<1x1x16xf32>,
      %get3A_500 = arith.constant 0 : i32
      %get3A_501 = arith.constant 1 : i32
      %get3A_502 = arith.index_cast %get3A_500 : i32 to index
      %get3A_503 = arith.index_cast %get3A_501 : i32 to index
      %get3A_504 = arith.index_cast %mul3A_480 : i32 to index
      %get3A_505 = tpu.vector_load %arg5[%get3A_502, %get3A_503, %get3A_504] {strides = array<i32>} : memref<4x4x1024xf32, #tpu.memory_space<vmem>>, vector<1x1x16xf32>,
      %get3A_506 = vector.shape_cast %get3A_505 : vector<1x1x16xf32> to vector<16xf32>
      %add3A_507 = arith.addf %get3A_506, %get3A_484 : vector<16xf32>
      %swap3A_508 = arith.constant 0 : i32
      %swap3A_509 = arith.constant 1 : i32
      %swap3A_510 = arith.index_cast %swap3A_508 : i32 to index
      %swap3A_511 = arith.index_cast %swap3A_509 : i32 to index
      %swap3A_512 = arith.index_cast %mul3A_480 : i32 to index
      %swap3A_513 = tpu.vector_load %arg5[%swap3A_510, %swap3A_511, %swap3A_512] {strides = array<i32>} : memref<4x4x1024xf32, #tpu.memory_space<vmem>>, vector<1x1x16xf32>,
      %swap3A_514 = vector.shape_cast %swap3A_513 : vector<1x1x16xf32> to vector<16xf32>
      %swap3A_515 = vector.shape_cast %add3A_507 : vector<16xf32> to vector<1x1x16xf32>
      tpu.vector_store %arg5[%swap3A_510, %swap3A_511, %swap3A_512], %swap3A_515 {strides = array<i32>} : memref<4x4x1024xf32, #tpu.memory_space<vmem>>, vector<1x1x16xf32>,
      %get3A_516 = arith.constant 0 : i32
      %get3A_517 = arith.constant 2 : i32
      %get3A_518 = arith.index_cast %get3A_516 : i32 to index
      %get3A_519 = arith.index_cast %get3A_517 : i32 to index
      %get3A_520 = arith.index_cast %mul3A_480 : i32 to index
      %get3A_521 = tpu.vector_load %arg5[%get3A_518, %get3A_519, %get3A_520] {strides = array<i32>} : memref<4x4x1024xf32, #tpu.memory_space<vmem>>, vector<1x1x16xf32>,
      %get3A_522 = vector.shape_cast %get3A_521 : vector<1x1x16xf32> to vector<16xf32>
      %add3A_523 = arith.addf %get3A_522, %get3A_484 : vector<16xf32>
      %swap3A_524 = arith.constant 0 : i32
      %swap3A_525 = arith.constant 2 : i32
      %swap3A_526 = arith.index_cast %swap3A_524 : i32 to index
      %swap3A_527 = arith.index_cast %swap3A_525 : i32 to index
      %swap3A_528 = arith.index_cast %mul3A_480 : i32 to index
      %swap3A_529 = tpu.vector_load %arg5[%swap3A_526, %swap3A_527, %swap3A_528] {strides = array<i32>} : memref<4x4x1024xf32, #tpu.memory_space<vmem>>, vector<1x1x16xf32>,
      %swap3A_530 = vector.shape_cast %swap3A_529 : vector<1x1x16xf32> to vector<16xf32>
      %swap3A_531 = vector.shape_cast %add3A_523 : vector<16xf32> to vector<1x1x16xf32>
      tpu.vector_store %arg5[%swap3A_526, %swap3A_527, %swap3A_528], %swap3A_531 {strides = array<i32>} : memref<4x4x1024xf32, #tpu.memory_space<vmem>>, vector<1x1x16xf32>,
      %get3A_532 = arith.constant 0 : i32
      %get3A_533 = arith.constant 3 : i32
      %get3A_534 = arith.index_cast %get3A_532 : i32 to index
      %get3A_535 = arith.index_cast %get3A_533 : i32 to index
      %get3A_536 = arith.index_cast %mul3A_480 : i32 to index
      %get3A_537 = tpu.vector_load %arg5[%get3A_534, %get3A_535, %get3A_536] {strides = array<i32>} : memref<4x4x1024xf32, #tpu.memory_space<vmem>>, vector<1x1x16xf32>,
      %get3A_538 = vector.shape_cast %get3A_537 : vector<1x1x16xf32> to vector<16xf32>
      %add3A_539 = arith.addf %get3A_538, %get3A_484 : vector<16xf32>
      %swap3A_540 = arith.constant 0 : i32
      %swap3A_541 = arith.constant 3 : i32
      %swap3A_542 = arith.index_cast %swap3A_540 : i32 to index
      %swap3A_543 = arith.index_cast %swap3A_541 : i32 to index
      %swap3A_544 = arith.index_cast %mul3A_480 : i32 to index
      %swap3A_545 = tpu.vector_load %arg5[%swap3A_542, %swap3A_543, %swap3A_544] {strides = array<i32>} : memref<4x4x1024xf32, #tpu.memory_space<vmem>>, vector<1x1x16xf32>,
      %swap3A_546 = vector.shape_cast %swap3A_545 : vector<1x1x16xf32> to vector<16xf32>
      %swap3A_547 = vector.shape_cast %add3A_539 : vector<16xf32> to vector<1x1x16xf32>
      tpu.vector_store %arg5[%swap3A_542, %swap3A_543, %swap3A_544], %swap3A_547 {strides = array<i32>} : memref<4x4x1024xf32, #tpu.memory_space<vmem>>, vector<1x1x16xf32>,
      %get3A_548 = arith.constant 1 : i32
      %get3A_549 = arith.index_cast %get3A_548 : i32 to index
      %get3A_550 = arith.index_cast %mul3A_480 : i32 to index
      %get3A_551 = tpu.vector_load %arg9[%get3A_549, %get3A_550] {strides = array<i32>} : memref<4x1024xf32, #tpu.memory_space<vmem>>, vector<1x16xf32>,
      %get3A_552 = vector.shape_cast %get3A_551 : vector<1x16xf32> to vector<16xf32>
      %get3A_553 = arith.constant 1 : i32
      %get3A_554 = arith.constant 0 : i32
      %get3A_555 = arith.index_cast %get3A_553 : i32 to index
      %get3A_556 = arith.index_cast %get3A_554 : i32 to index
      %get3A_557 = arith.index_cast %mul3A_480 : i32 to index
      %get3A_558 = tpu.vector_load %arg5[%get3A_555, %get3A_556, %get3A_557] {strides = array<i32>} : memref<4x4x1024xf32, #tpu.memory_space<vmem>>, vector<1x1x16xf32>,
      %get3A_559 = vector.shape_cast %get3A_558 : vector<1x1x16xf32> to vector<16xf32>
      %add3A_560 = arith.addf %get3A_559, %get3A_552 : vector<16xf32>
      %swap3A_561 = arith.constant 1 : i32
      %swap3A_562 = arith.constant 0 : i32
      %swap3A_563 = arith.index_cast %swap3A_561 : i32 to index
      %swap3A_564 = arith.index_cast %swap3A_562 : i32 to index
      %swap3A_565 = arith.index_cast %mul3A_480 : i32 to index
      %swap3A_566 = tpu.vector_load %arg5[%swap3A_563, %swap3A_564, %swap3A_565] {strides = array<i32>} : memref<4x4x1024xf32, #tpu.memory_space<vmem>>, vector<1x1x16xf32>,
      %swap3A_567 = vector.shape_cast %swap3A_566 : vector<1x1x16xf32> to vector<16xf32>
      %swap3A_568 = vector.shape_cast %add3A_560 : vector<16xf32> to vector<1x1x16xf32>
      tpu.vector_store %arg5[%swap3A_563, %swap3A_564, %swap3A_565], %swap3A_568 {strides = array<i32>} : memref<4x4x1024xf32, #tpu.memory_space<vmem>>, vector<1x1x16xf32>,
      %get3A_569 = arith.constant 1 : i32
      %get3A_570 = arith.constant 1 : i32
      %get3A_571 = arith.index_cast %get3A_569 : i32 to index
      %get3A_572 = arith.index_cast %get3A_570 : i32 to index
      %get3A_573 = arith.index_cast %mul3A_480 : i32 to index
      %get3A_574 = tpu.vector_load %arg5[%get3A_571, %get3A_572, %get3A_573] {strides = array<i32>} : memref<4x4x1024xf32, #tpu.memory_space<vmem>>, vector<1x1x16xf32>,
      %get3A_575 = vector.shape_cast %get3A_574 : vector<1x1x16xf32> to vector<16xf32>
      %add3A_576 = arith.addf %get3A_575, %get3A_552 : vector<16xf32>
      %swap3A_577 = arith.constant 1 : i32
      %swap3A_578 = arith.constant 1 : i32
      %swap3A_579 = arith.index_cast %swap3A_577 : i32 to index
      %swap3A_580 = arith.index_cast %swap3A_578 : i32 to index
      %swap3A_581 = arith.index_cast %mul3A_480 : i32 to index
      %swap3A_582 = tpu.vector_load %arg5[%swap3A_579, %swap3A_580, %swap3A_581] {strides = array<i32>} : memref<4x4x1024xf32, #tpu.memory_space<vmem>>, vector<1x1x16xf32>,
      %swap3A_583 = vector.shape_cast %swap3A_582 : vector<1x1x16xf32> to vector<16xf32>
      %swap3A_584 = vector.shape_cast %add3A_576 : vector<16xf32> to vector<1x1x16xf32>
      tpu.vector_store %arg5[%swap3A_579, %swap3A_580, %swap3A_581], %swap3A_584 {strides = array<i32>} : memref<4x4x1024xf32, #tpu.memory_space<vmem>>, vector<1x1x16xf32>,
      %get3A_585 = arith.constant 1 : i32
      %get3A_586 = arith.constant 2 : i32
      %get3A_587 = arith.index_cast %get3A_585 : i32 to index
      %get3A_588 = arith.index_cast %get3A_586 : i32 to index
      %get3A_589 = arith.index_cast %mul3A_480 : i32 to index
      %get3A_590 = tpu.vector_load %arg5[%get3A_587, %get3A_588, %get3A_589] {strides = array<i32>} : memref<4x4x1024xf32, #tpu.memory_space<vmem>>, vector<1x1x16xf32>,
      %get3A_591 = vector.shape_cast %get3A_590 : vector<1x1x16xf32> to vector<16xf32>
      %add3A_592 = arith.addf %get3A_591, %get3A_552 : vector<16xf32>
      %swap3A_593 = arith.constant 1 : i32
      %swap3A_594 = arith.constant 2 : i32
      %swap3A_595 = arith.index_cast %swap3A_593 : i32 to index
      %swap3A_596 = arith.index_cast %swap3A_594 : i32 to index
      %swap3A_597 = arith.index_cast %mul3A_480 : i32 to index
      %swap3A_598 = tpu.vector_load %arg5[%swap3A_595, %swap3A_596, %swap3A_597] {strides = array<i32>} : memref<4x4x1024xf32, #tpu.memory_space<vmem>>, vector<1x1x16xf32>,
      %swap3A_599 = vector.shape_cast %swap3A_598 : vector<1x1x16xf32> to vector<16xf32>
      %swap3A_600 = vector.shape_cast %add3A_592 : vector<16xf32> to vector<1x1x16xf32>
      tpu.vector_store %arg5[%swap3A_595, %swap3A_596, %swap3A_597], %swap3A_600 {strides = array<i32>} : memref<4x4x1024xf32, #tpu.memory_space<vmem>>, vector<1x1x16xf32>,
      %get3A_601 = arith.constant 1 : i32
      %get3A_602 = arith.constant 3 : i32
      %get3A_603 = arith.index_cast %get3A_601 : i32 to index
      %get3A_604 = arith.index_cast %get3A_602 : i32 to index
      %get3A_605 = arith.index_cast %mul3A_480 : i32 to index
      %get3A_606 = tpu.vector_load %arg5[%get3A_603, %get3A_604, %get3A_605] {strides = array<i32>} : memref<4x4x1024xf32, #tpu.memory_space<vmem>>, vector<1x1x16xf32>,
      %get3A_607 = vector.shape_cast %get3A_606 : vector<1x1x16xf32> to vector<16xf32>
      %add3A_608 = arith.addf %get3A_607, %get3A_552 : vector<16xf32>
      %swap3A_609 = arith.constant 1 : i32
      %swap3A_610 = arith.constant 3 : i32
      %swap3A_611 = arith.index_cast %swap3A_609 : i32 to index
      %swap3A_612 = arith.index_cast %swap3A_610 : i32 to index
      %swap3A_613 = arith.index_cast %mul3A_480 : i32 to index
      %swap3A_614 = tpu.vector_load %arg5[%swap3A_611, %swap3A_612, %swap3A_613] {strides = array<i32>} : memref<4x4x1024xf32, #tpu.memory_space<vmem>>, vector<1x1x16xf32>,
      %swap3A_615 = vector.shape_cast %swap3A_614 : vector<1x1x16xf32> to vector<16xf32>
      %swap3A_616 = vector.shape_cast %add3A_608 : vector<16xf32> to vector<1x1x16xf32>
      tpu.vector_store %arg5[%swap3A_611, %swap3A_612, %swap3A_613], %swap3A_616 {strides = array<i32>} : memref<4x4x1024xf32, #tpu.memory_space<vmem>>, vector<1x1x16xf32>,
      %get3A_617 = arith.constant 2 : i32
      %get3A_618 = arith.index_cast %get3A_617 : i32 to index
      %get3A_619 = arith.index_cast %mul3A_480 : i32 to index
      %get3A_620 = tpu.vector_load %arg9[%get3A_618, %get3A_619] {strides = array<i32>} : memref<4x1024xf32, #tpu.memory_space<vmem>>, vector<1x16xf32>,
      %get3A_621 = vector.shape_cast %get3A_620 : vector<1x16xf32> to vector<16xf32>
      %get3A_622 = arith.constant 2 : i32
      %get3A_623 = arith.constant 0 : i32
      %get3A_624 = arith.index_cast %get3A_622 : i32 to index
      %get3A_625 = arith.index_cast %get3A_623 : i32 to index
      %get3A_626 = arith.index_cast %mul3A_480 : i32 to index
      %get3A_627 = tpu.vector_load %arg5[%get3A_624, %get3A_625, %get3A_626] {strides = array<i32>} : memref<4x4x1024xf32, #tpu.memory_space<vmem>>, vector<1x1x16xf32>,
      %get3A_628 = vector.shape_cast %get3A_627 : vector<1x1x16xf32> to vector<16xf32>
      %add3A_629 = arith.addf %get3A_628, %get3A_621 : vector<16xf32>
      %swap3A_630 = arith.constant 2 : i32
      %swap3A_631 = arith.constant 0 : i32
      %swap3A_632 = arith.index_cast %swap3A_630 : i32 to index
      %swap3A_633 = arith.index_cast %swap3A_631 : i32 to index
      %swap3A_634 = arith.index_cast %mul3A_480 : i32 to index
      %swap3A_635 = tpu.vector_load %arg5[%swap3A_632, %swap3A_633, %swap3A_634] {strides = array<i32>} : memref<4x4x1024xf32, #tpu.memory_space<vmem>>, vector<1x1x16xf32>,
      %swap3A_636 = vector.shape_cast %swap3A_635 : vector<1x1x16xf32> to vector<16xf32>
      %swap3A_637 = vector.shape_cast %add3A_629 : vector<16xf32> to vector<1x1x16xf32>
      tpu.vector_store %arg5[%swap3A_632, %swap3A_633, %swap3A_634], %swap3A_637 {strides = array<i32>} : memref<4x4x1024xf32, #tpu.memory_space<vmem>>, vector<1x1x16xf32>,
      %get3A_638 = arith.constant 2 : i32
      %get3A_639 = arith.constant 1 : i32
      %get3A_640 = arith.index_cast %get3A_638 : i32 to index
      %get3A_641 = arith.index_cast %get3A_639 : i32 to index
      %get3A_642 = arith.index_cast %mul3A_480 : i32 to index
      %get3A_643 = tpu.vector_load %arg5[%get3A_640, %get3A_641, %get3A_642] {strides = array<i32>} : memref<4x4x1024xf32, #tpu.memory_space<vmem>>, vector<1x1x16xf32>,
      %get3A_644 = vector.shape_cast %get3A_643 : vector<1x1x16xf32> to vector<16xf32>
      %add3A_645 = arith.addf %get3A_644, %get3A_621 : vector<16xf32>
      %swap3A_646 = arith.constant 2 : i32
      %swap3A_647 = arith.constant 1 : i32
      %swap3A_648 = arith.index_cast %swap3A_646 : i32 to index
      %swap3A_649 = arith.index_cast %swap3A_647 : i32 to index
      %swap3A_650 = arith.index_cast %mul3A_480 : i32 to index
      %swap3A_651 = tpu.vector_load %arg5[%swap3A_648, %swap3A_649, %swap3A_650] {strides = array<i32>} : memref<4x4x1024xf32, #tpu.memory_space<vmem>>, vector<1x1x16xf32>,
      %swap3A_652 = vector.shape_cast %swap3A_651 : vector<1x1x16xf32> to vector<16xf32>
      %swap3A_653 = vector.shape_cast %add3A_645 : vector<16xf32> to vector<1x1x16xf32>
      tpu.vector_store %arg5[%swap3A_648, %swap3A_649, %swap3A_650], %swap3A_653 {strides = array<i32>} : memref<4x4x1024xf32, #tpu.memory_space<vmem>>, vector<1x1x16xf32>,
      %get3A_654 = arith.constant 2 : i32
      %get3A_655 = arith.constant 2 : i32
      %get3A_656 = arith.index_cast %get3A_654 : i32 to index
      %get3A_657 = arith.index_cast %get3A_655 : i32 to index
      %get3A_658 = arith.index_cast %mul3A_480 : i32 to index
      %get3A_659 = tpu.vector_load %arg5[%get3A_656, %get3A_657, %get3A_658] {strides = array<i32>} : memref<4x4x1024xf32, #tpu.memory_space<vmem>>, vector<1x1x16xf32>,
      %get3A_660 = vector.shape_cast %get3A_659 : vector<1x1x16xf32> to vector<16xf32>
      %add3A_661 = arith.addf %get3A_660, %get3A_621 : vector<16xf32>
      %swap3A_662 = arith.constant 2 : i32
      %swap3A_663 = arith.constant 2 : i32
      %swap3A_664 = arith.index_cast %swap3A_662 : i32 to index
      %swap3A_665 = arith.index_cast %swap3A_663 : i32 to index
      %swap3A_666 = arith.index_cast %mul3A_480 : i32 to index
      %swap3A_667 = tpu.vector_load %arg5[%swap3A_664, %swap3A_665, %swap3A_666] {strides = array<i32>} : memref<4x4x1024xf32, #tpu.memory_space<vmem>>, vector<1x1x16xf32>,
      %swap3A_668 = vector.shape_cast %swap3A_667 : vector<1x1x16xf32> to vector<16xf32>
      %swap3A_669 = vector.shape_cast %add3A_661 : vector<16xf32> to vector<1x1x16xf32>
      tpu.vector_store %arg5[%swap3A_664, %swap3A_665, %swap3A_666], %swap3A_669 {strides = array<i32>} : memref<4x4x1024xf32, #tpu.memory_space<vmem>>, vector<1x1x16xf32>,
      %get3A_670 = arith.constant 2 : i32
      %get3A_671 = arith.constant 3 : i32
      %get3A_672 = arith.index_cast %get3A_670 : i32 to index
      %get3A_673 = arith.index_cast %get3A_671 : i32 to index
      %get3A_674 = arith.index_cast %mul3A_480 : i32 to index
      %get3A_675 = tpu.vector_load %arg5[%get3A_672, %get3A_673, %get3A_674] {strides = array<i32>} : memref<4x4x1024xf32, #tpu.memory_space<vmem>>, vector<1x1x16xf32>,
      %get3A_676 = vector.shape_cast %get3A_675 : vector<1x1x16xf32> to vector<16xf32>
      %add3A_677 = arith.addf %get3A_676, %get3A_621 : vector<16xf32>
      %swap3A_678 = arith.constant 2 : i32
      %swap3A_679 = arith.constant 3 : i32
      %swap3A_680 = arith.index_cast %swap3A_678 : i32 to index
      %swap3A_681 = arith.index_cast %swap3A_679 : i32 to index
      %swap3A_682 = arith.index_cast %mul3A_480 : i32 to index
      %swap3A_683 = tpu.vector_load %arg5[%swap3A_680, %swap3A_681, %swap3A_682] {strides = array<i32>} : memref<4x4x1024xf32, #tpu.memory_space<vmem>>, vector<1x1x16xf32>,
      %swap3A_684 = vector.shape_cast %swap3A_683 : vector<1x1x16xf32> to vector<16xf32>
      %swap3A_685 = vector.shape_cast %add3A_677 : vector<16xf32> to vector<1x1x16xf32>
      tpu.vector_store %arg5[%swap3A_680, %swap3A_681, %swap3A_682], %swap3A_685 {strides = array<i32>} : memref<4x4x1024xf32, #tpu.memory_space<vmem>>, vector<1x1x16xf32>,
      %get3A_686 = arith.constant 3 : i32
      %get3A_687 = arith.index_cast %get3A_686 : i32 to index
      %get3A_688 = arith.index_cast %mul3A_480 : i32 to index
      %get3A_689 = tpu.vector_load %arg9[%get3A_687, %get3A_688] {strides = array<i32>} : memref<4x1024xf32, #tpu.memory_space<vmem>>, vector<1x16xf32>,
      %get3A_690 = vector.shape_cast %get3A_689 : vector<1x16xf32> to vector<16xf32>
      %get3A_691 = arith.constant 3 : i32
      %get3A_692 = arith.constant 0 : i32
      %get3A_693 = arith.index_cast %get3A_691 : i32 to index
      %get3A_694 = arith.index_cast %get3A_692 : i32 to index
      %get3A_695 = arith.index_cast %mul3A_480 : i32 to index
      %get3A_696 = tpu.vector_load %arg5[%get3A_693, %get3A_694, %get3A_695] {strides = array<i32>} : memref<4x4x1024xf32, #tpu.memory_space<vmem>>, vector<1x1x16xf32>,
      %get3A_697 = vector.shape_cast %get3A_696 : vector<1x1x16xf32> to vector<16xf32>
      %add3A_698 = arith.addf %get3A_697, %get3A_690 : vector<16xf32>
      %swap3A_699 = arith.constant 3 : i32
      %swap3A_700 = arith.constant 0 : i32
      %swap3A_701 = arith.index_cast %swap3A_699 : i32 to index
      %swap3A_702 = arith.index_cast %swap3A_700 : i32 to index
      %swap3A_703 = arith.index_cast %mul3A_480 : i32 to index
      %swap3A_704 = tpu.vector_load %arg5[%swap3A_701, %swap3A_702, %swap3A_703] {strides = array<i32>} : memref<4x4x1024xf32, #tpu.memory_space<vmem>>, vector<1x1x16xf32>,
      %swap3A_705 = vector.shape_cast %swap3A_704 : vector<1x1x16xf32> to vector<16xf32>
      %swap3A_706 = vector.shape_cast %add3A_698 : vector<16xf32> to vector<1x1x16xf32>
      tpu.vector_store %arg5[%swap3A_701, %swap3A_702, %swap3A_703], %swap3A_706 {strides = array<i32>} : memref<4x4x1024xf32, #tpu.memory_space<vmem>>, vector<1x1x16xf32>,
      %get3A_707 = arith.constant 3 : i32
      %get3A_708 = arith.constant 1 : i32
      %get3A_709 = arith.index_cast %get3A_707 : i32 to index
      %get3A_710 = arith.index_cast %get3A_708 : i32 to index
      %get3A_711 = arith.index_cast %mul3A_480 : i32 to index
      %get3A_712 = tpu.vector_load %arg5[%get3A_709, %get3A_710, %get3A_711] {strides = array<i32>} : memref<4x4x1024xf32, #tpu.memory_space<vmem>>, vector<1x1x16xf32>,
      %get3A_713 = vector.shape_cast %get3A_712 : vector<1x1x16xf32> to vector<16xf32>
      %add3A_714 = arith.addf %get3A_713, %get3A_690 : vector<16xf32>
      %swap3A_715 = arith.constant 3 : i32
      %swap3A_716 = arith.constant 1 : i32
      %swap3A_717 = arith.index_cast %swap3A_715 : i32 to index
      %swap3A_718 = arith.index_cast %swap3A_716 : i32 to index
      %swap3A_719 = arith.index_cast %mul3A_480 : i32 to index
      %swap3A_720 = tpu.vector_load %arg5[%swap3A_717, %swap3A_718, %swap3A_719] {strides = array<i32>} : memref<4x4x1024xf32, #tpu.memory_space<vmem>>, vector<1x1x16xf32>,
      %swap3A_721 = vector.shape_cast %swap3A_720 : vector<1x1x16xf32> to vector<16xf32>
      %swap3A_722 = vector.shape_cast %add3A_714 : vector<16xf32> to vector<1x1x16xf32>
      tpu.vector_store %arg5[%swap3A_717, %swap3A_718, %swap3A_719], %swap3A_722 {strides = array<i32>} : memref<4x4x1024xf32, #tpu.memory_space<vmem>>, vector<1x1x16xf32>,
      %get3A_723 = arith.constant 3 : i32
      %get3A_724 = arith.constant 2 : i32
      %get3A_725 = arith.index_cast %get3A_723 : i32 to index
      %get3A_726 = arith.index_cast %get3A_724 : i32 to index
      %get3A_727 = arith.index_cast %mul3A_480 : i32 to index
      %get3A_728 = tpu.vector_load %arg5[%get3A_725, %get3A_726, %get3A_727] {strides = array<i32>} : memref<4x4x1024xf32, #tpu.memory_space<vmem>>, vector<1x1x16xf32>,
      %get3A_729 = vector.shape_cast %get3A_728 : vector<1x1x16xf32> to vector<16xf32>
      %add3A_730 = arith.addf %get3A_729, %get3A_690 : vector<16xf32>
      %swap3A_731 = arith.constant 3 : i32
      %swap3A_732 = arith.constant 2 : i32
      %swap3A_733 = arith.index_cast %swap3A_731 : i32 to index
      %swap3A_734 = arith.index_cast %swap3A_732 : i32 to index
      %swap3A_735 = arith.index_cast %mul3A_480 : i32 to index
      %swap3A_736 = tpu.vector_load %arg5[%swap3A_733, %swap3A_734, %swap3A_735] {strides = array<i32>} : memref<4x4x1024xf32, #tpu.memory_space<vmem>>, vector<1x1x16xf32>,
      %swap3A_737 = vector.shape_cast %swap3A_736 : vector<1x1x16xf32> to vector<16xf32>
      %swap3A_738 = vector.shape_cast %add3A_730 : vector<16xf32> to vector<1x1x16xf32>
      tpu.vector_store %arg5[%swap3A_733, %swap3A_734, %swap3A_735], %swap3A_738 {strides = array<i32>} : memref<4x4x1024xf32, #tpu.memory_space<vmem>>, vector<1x1x16xf32>,
      %get3A_739 = arith.constant 3 : i32
      %get3A_740 = arith.constant 3 : i32
      %get3A_741 = arith.index_cast %get3A_739 : i32 to index
      %get3A_742 = arith.index_cast %get3A_740 : i32 to index
      %get3A_743 = arith.index_cast %mul3A_480 : i32 to index
      %get3A_744 = tpu.vector_load %arg5[%get3A_741, %get3A_742, %get3A_743] {strides = array<i32>} : memref<4x4x1024xf32, #tpu.memory_space<vmem>>, vector<1x1x16xf32>,
      %get3A_745 = vector.shape_cast %get3A_744 : vector<1x1x16xf32> to vector<16xf32>
      %add3A_746 = arith.addf %get3A_745, %get3A_690 : vector<16xf32>
      %swap3A_747 = arith.constant 3 : i32
      %swap3A_748 = arith.constant 3 : i32
      %swap3A_749 = arith.index_cast %swap3A_747 : i32 to index
      %swap3A_750 = arith.index_cast %swap3A_748 : i32 to index
      %swap3A_751 = arith.index_cast %mul3A_480 : i32 to index
      %swap3A_752 = tpu.vector_load %arg5[%swap3A_749, %swap3A_750, %swap3A_751] {strides = array<i32>} : memref<4x4x1024xf32, #tpu.memory_space<vmem>>, vector<1x1x16xf32>,
      %swap3A_753 = vector.shape_cast %swap3A_752 : vector<1x1x16xf32> to vector<16xf32>
      %swap3A_754 = vector.shape_cast %add3A_746 : vector<16xf32> to vector<1x1x16xf32>
      tpu.vector_store %arg5[%swap3A_749, %swap3A_750, %swap3A_751], %swap3A_754 {strides = array<i32>} : memref<4x4x1024xf32, #tpu.memory_space<vmem>>, vector<1x1x16xf32>,
    }
    %scan3A_151 = arith.constant 64 : i32
    %add3A_152 = arith.constant 0 : i32
    %add3A_153 = arith.addi %mul3A_2, %add3A_152 : i32
    %dma_start3A_154 = arith.constant 0 : i32
    %dma_start3A_155 = arith.constant 0 : i32
    %dma_start3A_156 = tpu.memref_slice %arg4[%add3A_153, %dma_start3A_154, %dma_start3A_155] : memref<8192x4x1024xf32, #tpu.memory_space<hbm>> -> memref<4x4x1024xf32, #tpu.memory_space<hbm>>
    %dma_start3A_157 = arith.constant 0 : i32
    %dma_start3A_158 = arith.constant 0 : i32
    %dma_start3A_159 = tpu.memref_slice %arg4[%add3A_153, %dma_start3A_157, %dma_start3A_158] : memref<8192x4x1024xf32, #tpu.memory_space<hbm>> -> memref<4x4x1024xf32, #tpu.memory_space<hbm>>
    tpu.enqueue_dma source(%arg5 : memref<4x4x1024xf32, #tpu.memory_space<vmem>>) target(%dma_start3A_159 : memref<4x4x1024xf32, #tpu.memory_space<hbm>>) target_semaphore(%arg21 : memref<!tpu.dma_semaphore, #tpu.memory_space<semaphore_mem>>)
    %add3A_160 = arith.constant 12 : i32
    %add3A_161 = arith.addi %mul3A_2, %add3A_160 : i32
    %dma_start3A_162 = arith.constant 0 : i32
    %dma_start3A_163 = arith.constant 0 : i32
    %dma_start3A_164 = arith.constant 0 : i32
    %dma_start3A_165 = tpu.memref_slice %arg8[%dma_start3A_162, %dma_start3A_163, %dma_start3A_164] : memref<4x4x1024xf32, #tpu.memory_space<vmem>> -> memref<2x4x1024xf32, #tpu.memory_space<vmem>>
    %dma_start3A_166 = arith.constant 0 : i32
    %dma_start3A_167 = arith.constant 0 : i32
    %dma_start3A_168 = tpu.memref_slice %arg2[%add3A_161, %dma_start3A_166, %dma_start3A_167] : memref<8192x4x1024xf32, #tpu.memory_space<hbm>> -> memref<2x4x1024xf32, #tpu.memory_space<hbm>>
    %dma_start3A_169 = arith.constant 0 : i32
    %dma_start3A_170 = arith.constant 0 : i32
    %dma_start3A_171 = arith.constant 0 : i32
    %dma_start3A_172 = tpu.memref_slice %arg8[%dma_start3A_169, %dma_start3A_170, %dma_start3A_171] : memref<4x4x1024xf32, #tpu.memory_space<vmem>> -> memref<2x4x1024xf32, #tpu.memory_space<vmem>>
    %dma_start3A_173 = arith.constant 0 : i32
    %dma_start3A_174 = arith.constant 0 : i32
    %dma_start3A_175 = tpu.memref_slice %arg2[%add3A_161, %dma_start3A_173, %dma_start3A_174] : memref<8192x4x1024xf32, #tpu.memory_space<hbm>> -> memref<2x4x1024xf32, #tpu.memory_space<hbm>>
    tpu.enqueue_dma source(%dma_start3A_175 : memref<2x4x1024xf32, #tpu.memory_space<hbm>>) target(%dma_start3A_172 : memref<2x4x1024xf32, #tpu.memory_space<vmem>>) target_semaphore(%arg16 : memref<!tpu.dma_semaphore, #tpu.memory_space<semaphore_mem>>)
    %add3A_176 = arith.constant 2 : i32
    %add3A_177 = arith.addi %add3A_161, %add3A_176 : i32
    %dma_start3A_178 = arith.constant 2 : i32
    %dma_start3A_179 = arith.constant 0 : i32
    %dma_start3A_180 = arith.constant 0 : i32
    %dma_start3A_181 = tpu.memref_slice %arg8[%dma_start3A_178, %dma_start3A_179, %dma_start3A_180] : memref<4x4x1024xf32, #tpu.memory_space<vmem>> -> memref<2x4x1024xf32, #tpu.memory_space<vmem>>
    %dma_start3A_182 = arith.constant 0 : i32
    %dma_start3A_183 = arith.constant 0 : i32
    %dma_start3A_184 = tpu.memref_slice %arg2[%add3A_177, %dma_start3A_182, %dma_start3A_183] : memref<8192x4x1024xf32, #tpu.memory_space<hbm>> -> memref<2x4x1024xf32, #tpu.memory_space<hbm>>
    %dma_start3A_185 = arith.constant 2 : i32
    %dma_start3A_186 = arith.constant 0 : i32
    %dma_start3A_187 = arith.constant 0 : i32
    %dma_start3A_188 = tpu.memref_slice %arg8[%dma_start3A_185, %dma_start3A_186, %dma_start3A_187] : memref<4x4x1024xf32, #tpu.memory_space<vmem>> -> memref<2x4x1024xf32, #tpu.memory_space<vmem>>
    %dma_start3A_189 = arith.constant 0 : i32
    %dma_start3A_190 = arith.constant 0 : i32
    %dma_start3A_191 = tpu.memref_slice %arg2[%add3A_177, %dma_start3A_189, %dma_start3A_190] : memref<8192x4x1024xf32, #tpu.memory_space<hbm>> -> memref<2x4x1024xf32, #tpu.memory_space<hbm>>
    tpu.enqueue_dma source(%dma_start3A_191 : memref<2x4x1024xf32, #tpu.memory_space<hbm>>) target(%dma_start3A_188 : memref<2x4x1024xf32, #tpu.memory_space<vmem>>) target_semaphore(%arg16 : memref<!tpu.dma_semaphore, #tpu.memory_space<semaphore_mem>>)
    %dma_start3A_192 = arith.constant 0 : i32
    %dma_start3A_193 = tpu.memref_slice %arg3[%add3A_161, %dma_start3A_192] : memref<8192x1024xf32, #tpu.memory_space<hbm>> -> memref<4x1024xf32, #tpu.memory_space<hbm>>
    %dma_start3A_194 = arith.constant 0 : i32
    %dma_start3A_195 = tpu.memref_slice %arg3[%add3A_161, %dma_start3A_194] : memref<8192x1024xf32, #tpu.memory_space<hbm>> -> memref<4x1024xf32, #tpu.memory_space<hbm>>
    tpu.enqueue_dma source(%dma_start3A_195 : memref<4x1024xf32, #tpu.memory_space<hbm>>) target(%arg12 : memref<4x1024xf32, #tpu.memory_space<vmem>>) target_semaphore(%arg20 : memref<!tpu.dma_semaphore, #tpu.memory_space<semaphore_mem>>)
    %dma_wait3A_196 = arith.constant 0 : i32
    %dma_wait3A_197 = arith.constant 0 : i32
    %dma_wait3A_198 = arith.constant 0 : i32
    %dma_wait3A_199 = tpu.memref_slice %arg6[%dma_wait3A_196, %dma_wait3A_197, %dma_wait3A_198] : memref<4x4x1024xf32, #tpu.memory_space<vmem>> -> memref<2x4x1024xf32, #tpu.memory_space<vmem>>
    %dma_wait3A_200 = arith.constant 0 : i32
    %dma_wait3A_201 = arith.constant 0 : i32
    %dma_wait3A_202 = arith.constant 0 : i32
    %dma_wait3A_203 = tpu.memref_slice %arg2[%dma_wait3A_200, %dma_wait3A_201, %dma_wait3A_202] : memref<8192x4x1024xf32, #tpu.memory_space<hbm>> -> memref<2x4x1024xf32, #tpu.memory_space<hbm>>
    %dma_wait3A_204 = arith.constant 0 : i32
    %dma_wait3A_205 = arith.constant 0 : i32
    %dma_wait3A_206 = arith.constant 0 : i32
    %dma_wait3A_207 = tpu.memref_slice %arg6[%dma_wait3A_204, %dma_wait3A_205, %dma_wait3A_206] : memref<4x4x1024xf32, #tpu.memory_space<vmem>> -> memref<2x4x1024xf32, #tpu.memory_space<vmem>>
    %dma_wait3A_208 = arith.constant 0 : i32
    %dma_wait3A_209 = arith.constant 0 : i32
    %dma_wait3A_210 = arith.constant 0 : i32
    %dma_wait3A_211 = tpu.memref_slice %arg2[%dma_wait3A_208, %dma_wait3A_209, %dma_wait3A_210] : memref<8192x4x1024xf32, #tpu.memory_space<hbm>> -> memref<2x4x1024xf32, #tpu.memory_space<hbm>>
    tpu.wait_dma2 semaphore(%arg14 : memref<!tpu.dma_semaphore, #tpu.memory_space<semaphore_mem>>) src(%dma_wait3A_211 : memref<2x4x1024xf32, #tpu.memory_space<hbm>>) dst(%dma_wait3A_207 : memref<2x4x1024xf32, #tpu.memory_space<vmem>>)
    %dma_wait3A_212 = arith.constant 2 : i32
    %dma_wait3A_213 = arith.constant 0 : i32
    %dma_wait3A_214 = arith.constant 0 : i32
    %dma_wait3A_215 = tpu.memref_slice %arg6[%dma_wait3A_212, %dma_wait3A_213, %dma_wait3A_214] : memref<4x4x1024xf32, #tpu.memory_space<vmem>> -> memref<2x4x1024xf32, #tpu.memory_space<vmem>>
    %dma_wait3A_216 = arith.constant 0 : i32
    %dma_wait3A_217 = arith.constant 0 : i32
    %dma_wait3A_218 = arith.constant 0 : i32
    %dma_wait3A_219 = tpu.memref_slice %arg2[%dma_wait3A_216, %dma_wait3A_217, %dma_wait3A_218] : memref<8192x4x1024xf32, #tpu.memory_space<hbm>> -> memref<2x4x1024xf32, #tpu.memory_space<hbm>>
    %dma_wait3A_220 = arith.constant 2 : i32
    %dma_wait3A_221 = arith.constant 0 : i32
    %dma_wait3A_222 = arith.constant 0 : i32
    %dma_wait3A_223 = tpu.memref_slice %arg6[%dma_wait3A_220, %dma_wait3A_221, %dma_wait3A_222] : memref<4x4x1024xf32, #tpu.memory_space<vmem>> -> memref<2x4x1024xf32, #tpu.memory_space<vmem>>
    %dma_wait3A_224 = arith.constant 0 : i32
    %dma_wait3A_225 = arith.constant 0 : i32
    %dma_wait3A_226 = arith.constant 0 : i32
    %dma_wait3A_227 = tpu.memref_slice %arg2[%dma_wait3A_224, %dma_wait3A_225, %dma_wait3A_226] : memref<8192x4x1024xf32, #tpu.memory_space<hbm>> -> memref<2x4x1024xf32, #tpu.memory_space<hbm>>
    tpu.wait_dma2 semaphore(%arg14 : memref<!tpu.dma_semaphore, #tpu.memory_space<semaphore_mem>>) src(%dma_wait3A_227 : memref<2x4x1024xf32, #tpu.memory_space<hbm>>) dst(%dma_wait3A_223 : memref<2x4x1024xf32, #tpu.memory_space<vmem>>)
    %dma_wait3A_228 = arith.constant 0 : i32
    %dma_wait3A_229 = arith.constant 0 : i32
    %dma_wait3A_230 = tpu.memref_slice %arg3[%dma_wait3A_228, %dma_wait3A_229] : memref<8192x1024xf32, #tpu.memory_space<hbm>> -> memref<4x1024xf32, #tpu.memory_space<hbm>>
    %dma_wait3A_231 = arith.constant 0 : i32
    %dma_wait3A_232 = arith.constant 0 : i32
    %dma_wait3A_233 = tpu.memref_slice %arg3[%dma_wait3A_231, %dma_wait3A_232] : memref<8192x1024xf32, #tpu.memory_space<hbm>> -> memref<4x1024xf32, #tpu.memory_space<hbm>>
    tpu.wait_dma2 semaphore(%arg18 : memref<!tpu.dma_semaphore, #tpu.memory_space<semaphore_mem>>) src(%dma_wait3A_233 : memref<4x1024xf32, #tpu.memory_space<hbm>>) dst(%arg10 : memref<4x1024xf32, #tpu.memory_space<vmem>>)
    %scan3A_234 = arith.constant 0 : i32
    %scan3A_235 = arith.constant 0 : i32
    %scan3A_236 = arith.constant 64 : i32
    %scan3A_237 = arith.addi %scan3A_235, %scan3A_236 : i32
    %scan3A_238 = arith.constant 1 : i32
    scf.for %scan3A_478 = %scan3A_235 to %scan3A_237 step %scan3A_238  : i32 {
      %mul3A_479 = arith.constant 16 : i32
      %mul3A_480 = arith.muli %scan3A_478, %mul3A_479 : i32
      %get3A = arith.constant 0 : i32
      %get3A_481 = arith.index_cast %get3A : i32 to index
      %get3A_482 = arith.index_cast %mul3A_480 : i32 to index
      %get3A_483 = tpu.vector_load %arg10[%get3A_481, %get3A_482] {strides = array<i32>} : memref<4x1024xf32, #tpu.memory_space<vmem>>, vector<1x16xf32>,
      %get3A_484 = vector.shape_cast %get3A_483 : vector<1x16xf32> to vector<16xf32>
      %get3A_485 = arith.constant 0 : i32
      %get3A_486 = arith.constant 0 : i32
      %get3A_487 = arith.index_cast %get3A_485 : i32 to index
      %get3A_488 = arith.index_cast %get3A_486 : i32 to index
      %get3A_489 = arith.index_cast %mul3A_480 : i32 to index
      %get3A_490 = tpu.vector_load %arg6[%get3A_487, %get3A_488, %get3A_489] {strides = array<i32>} : memref<4x4x1024xf32, #tpu.memory_space<vmem>>, vector<1x1x16xf32>,
      %get3A_491 = vector.shape_cast %get3A_490 : vector<1x1x16xf32> to vector<16xf32>
      %add3A_492 = arith.addf %get3A_491, %get3A_484 : vector<16xf32>
      %swap3A = arith.constant 0 : i32
      %swap3A_493 = arith.constant 0 : i32
      %swap3A_494 = arith.index_cast %swap3A : i32 to index
      %swap3A_495 = arith.index_cast %swap3A_493 : i32 to index
      %swap3A_496 = arith.index_cast %mul3A_480 : i32 to index
      %swap3A_497 = tpu.vector_load %arg6[%swap3A_494, %swap3A_495, %swap3A_496] {strides = array<i32>} : memref<4x4x1024xf32, #tpu.memory_space<vmem>>, vector<1x1x16xf32>,
      %swap3A_498 = vector.shape_cast %swap3A_497 : vector<1x1x16xf32> to vector<16xf32>
      %swap3A_499 = vector.shape_cast %add3A_492 : vector<16xf32> to vector<1x1x16xf32>
      tpu.vector_store %arg6[%swap3A_494, %swap3A_495, %swap3A_496], %swap3A_499 {strides = array<i32>} : memref<4x4x1024xf32, #tpu.memory_space<vmem>>, vector<1x1x16xf32>,
      %get3A_500 = arith.constant 0 : i32
      %get3A_501 = arith.constant 1 : i32
      %get3A_502 = arith.index_cast %get3A_500 : i32 to index
      %get3A_503 = arith.index_cast %get3A_501 : i32 to index
      %get3A_504 = arith.index_cast %mul3A_480 : i32 to index
      %get3A_505 = tpu.vector_load %arg6[%get3A_502, %get3A_503, %get3A_504] {strides = array<i32>} : memref<4x4x1024xf32, #tpu.memory_space<vmem>>, vector<1x1x16xf32>,
      %get3A_506 = vector.shape_cast %get3A_505 : vector<1x1x16xf32> to vector<16xf32>
      %add3A_507 = arith.addf %get3A_506, %get3A_484 : vector<16xf32>
      %swap3A_508 = arith.constant 0 : i32
      %swap3A_509 = arith.constant 1 : i32
      %swap3A_510 = arith.index_cast %swap3A_508 : i32 to index
      %swap3A_511 = arith.index_cast %swap3A_509 : i32 to index
      %swap3A_512 = arith.index_cast %mul3A_480 : i32 to index
      %swap3A_513 = tpu.vector_load %arg6[%swap3A_510, %swap3A_511, %swap3A_512] {strides = array<i32>} : memref<4x4x1024xf32, #tpu.memory_space<vmem>>, vector<1x1x16xf32>,
      %swap3A_514 = vector.shape_cast %swap3A_513 : vector<1x1x16xf32> to vector<16xf32>
      %swap3A_515 = vector.shape_cast %add3A_507 : vector<16xf32> to vector<1x1x16xf32>
      tpu.vector_store %arg6[%swap3A_510, %swap3A_511, %swap3A_512], %swap3A_515 {strides = array<i32>} : memref<4x4x1024xf32, #tpu.memory_space<vmem>>, vector<1x1x16xf32>,
      %get3A_516 = arith.constant 0 : i32
      %get3A_517 = arith.constant 2 : i32
      %get3A_518 = arith.index_cast %get3A_516 : i32 to index
      %get3A_519 = arith.index_cast %get3A_517 : i32 to index
      %get3A_520 = arith.index_cast %mul3A_480 : i32 to index
      %get3A_521 = tpu.vector_load %arg6[%get3A_518, %get3A_519, %get3A_520] {strides = array<i32>} : memref<4x4x1024xf32, #tpu.memory_space<vmem>>, vector<1x1x16xf32>,
      %get3A_522 = vector.shape_cast %get3A_521 : vector<1x1x16xf32> to vector<16xf32>
      %add3A_523 = arith.addf %get3A_522, %get3A_484 : vector<16xf32>
      %swap3A_524 = arith.constant 0 : i32
      %swap3A_525 = arith.constant 2 : i32
      %swap3A_526 = arith.index_cast %swap3A_524 : i32 to index
      %swap3A_527 = arith.index_cast %swap3A_525 : i32 to index
      %swap3A_528 = arith.index_cast %mul3A_480 : i32 to index
      %swap3A_529 = tpu.vector_load %arg6[%swap3A_526, %swap3A_527, %swap3A_528] {strides = array<i32>} : memref<4x4x1024xf32, #tpu.memory_space<vmem>>, vector<1x1x16xf32>,
      %swap3A_530 = vector.shape_cast %swap3A_529 : vector<1x1x16xf32> to vector<16xf32>
      %swap3A_531 = vector.shape_cast %add3A_523 : vector<16xf32> to vector<1x1x16xf32>
      tpu.vector_store %arg6[%swap3A_526, %swap3A_527, %swap3A_528], %swap3A_531 {strides = array<i32>} : memref<4x4x1024xf32, #tpu.memory_space<vmem>>, vector<1x1x16xf32>,
      %get3A_532 = arith.constant 0 : i32
      %get3A_533 = arith.constant 3 : i32
      %get3A_534 = arith.index_cast %get3A_532 : i32 to index
      %get3A_535 = arith.index_cast %get3A_533 : i32 to index
      %get3A_536 = arith.index_cast %mul3A_480 : i32 to index
      %get3A_537 = tpu.vector_load %arg6[%get3A_534, %get3A_535, %get3A_536] {strides = array<i32>} : memref<4x4x1024xf32, #tpu.memory_space<vmem>>, vector<1x1x16xf32>,
      %get3A_538 = vector.shape_cast %get3A_537 : vector<1x1x16xf32> to vector<16xf32>
      %add3A_539 = arith.addf %get3A_538, %get3A_484 : vector<16xf32>
      %swap3A_540 = arith.constant 0 : i32
      %swap3A_541 = arith.constant 3 : i32
      %swap3A_542 = arith.index_cast %swap3A_540 : i32 to index
      %swap3A_543 = arith.index_cast %swap3A_541 : i32 to index
      %swap3A_544 = arith.index_cast %mul3A_480 : i32 to index
      %swap3A_545 = tpu.vector_load %arg6[%swap3A_542, %swap3A_543, %swap3A_544] {strides = array<i32>} : memref<4x4x1024xf32, #tpu.memory_space<vmem>>, vector<1x1x16xf32>,
      %swap3A_546 = vector.shape_cast %swap3A_545 : vector<1x1x16xf32> to vector<16xf32>
      %swap3A_547 = vector.shape_cast %add3A_539 : vector<16xf32> to vector<1x1x16xf32>
      tpu.vector_store %arg6[%swap3A_542, %swap3A_543, %swap3A_544], %swap3A_547 {strides = array<i32>} : memref<4x4x1024xf32, #tpu.memory_space<vmem>>, vector<1x1x16xf32>,
      %get3A_548 = arith.constant 1 : i32
      %get3A_549 = arith.index_cast %get3A_548 : i32 to index
      %get3A_550 = arith.index_cast %mul3A_480 : i32 to index
      %get3A_551 = tpu.vector_load %arg10[%get3A_549, %get3A_550] {strides = array<i32>} : memref<4x1024xf32, #tpu.memory_space<vmem>>, vector<1x16xf32>,
      %get3A_552 = vector.shape_cast %get3A_551 : vector<1x16xf32> to vector<16xf32>
      %get3A_553 = arith.constant 1 : i32
      %get3A_554 = arith.constant 0 : i32
      %get3A_555 = arith.index_cast %get3A_553 : i32 to index
      %get3A_556 = arith.index_cast %get3A_554 : i32 to index
      %get3A_557 = arith.index_cast %mul3A_480 : i32 to index
      %get3A_558 = tpu.vector_load %arg6[%get3A_555, %get3A_556, %get3A_557] {strides = array<i32>} : memref<4x4x1024xf32, #tpu.memory_space<vmem>>, vector<1x1x16xf32>,
      %get3A_559 = vector.shape_cast %get3A_558 : vector<1x1x16xf32> to vector<16xf32>
      %add3A_560 = arith.addf %get3A_559, %get3A_552 : vector<16xf32>
      %swap3A_561 = arith.constant 1 : i32
      %swap3A_562 = arith.constant 0 : i32
      %swap3A_563 = arith.index_cast %swap3A_561 : i32 to index
      %swap3A_564 = arith.index_cast %swap3A_562 : i32 to index
      %swap3A_565 = arith.index_cast %mul3A_480 : i32 to index
      %swap3A_566 = tpu.vector_load %arg6[%swap3A_563, %swap3A_564, %swap3A_565] {strides = array<i32>} : memref<4x4x1024xf32, #tpu.memory_space<vmem>>, vector<1x1x16xf32>,
      %swap3A_567 = vector.shape_cast %swap3A_566 : vector<1x1x16xf32> to vector<16xf32>
      %swap3A_568 = vector.shape_cast %add3A_560 : vector<16xf32> to vector<1x1x16xf32>
      tpu.vector_store %arg6[%swap3A_563, %swap3A_564, %swap3A_565], %swap3A_568 {strides = array<i32>} : memref<4x4x1024xf32, #tpu.memory_space<vmem>>, vector<1x1x16xf32>,
      %get3A_569 = arith.constant 1 : i32
      %get3A_570 = arith.constant 1 : i32
      %get3A_571 = arith.index_cast %get3A_569 : i32 to index
      %get3A_572 = arith.index_cast %get3A_570 : i32 to index
      %get3A_573 = arith.index_cast %mul3A_480 : i32 to index
      %get3A_574 = tpu.vector_load %arg6[%get3A_571, %get3A_572, %get3A_573] {strides = array<i32>} : memref<4x4x1024xf32, #tpu.memory_space<vmem>>, vector<1x1x16xf32>,
      %get3A_575 = vector.shape_cast %get3A_574 : vector<1x1x16xf32> to vector<16xf32>
      %add3A_576 = arith.addf %get3A_575, %get3A_552 : vector<16xf32>
      %swap3A_577 = arith.constant 1 : i32
      %swap3A_578 = arith.constant 1 : i32
      %swap3A_579 = arith.index_cast %swap3A_577 : i32 to index
      %swap3A_580 = arith.index_cast %swap3A_578 : i32 to index
      %swap3A_581 = arith.index_cast %mul3A_480 : i32 to index
      %swap3A_582 = tpu.vector_load %arg6[%swap3A_579, %swap3A_580, %swap3A_581] {strides = array<i32>} : memref<4x4x1024xf32, #tpu.memory_space<vmem>>, vector<1x1x16xf32>,
      %swap3A_583 = vector.shape_cast %swap3A_582 : vector<1x1x16xf32> to vector<16xf32>
      %swap3A_584 = vector.shape_cast %add3A_576 : vector<16xf32> to vector<1x1x16xf32>
      tpu.vector_store %arg6[%swap3A_579, %swap3A_580, %swap3A_581], %swap3A_584 {strides = array<i32>} : memref<4x4x1024xf32, #tpu.memory_space<vmem>>, vector<1x1x16xf32>,
      %get3A_585 = arith.constant 1 : i32
      %get3A_586 = arith.constant 2 : i32
      %get3A_587 = arith.index_cast %get3A_585 : i32 to index
      %get3A_588 = arith.index_cast %get3A_586 : i32 to index
      %get3A_589 = arith.index_cast %mul3A_480 : i32 to index
      %get3A_590 = tpu.vector_load %arg6[%get3A_587, %get3A_588, %get3A_589] {strides = array<i32>} : memref<4x4x1024xf32, #tpu.memory_space<vmem>>, vector<1x1x16xf32>,
      %get3A_591 = vector.shape_cast %get3A_590 : vector<1x1x16xf32> to vector<16xf32>
      %add3A_592 = arith.addf %get3A_591, %get3A_552 : vector<16xf32>
      %swap3A_593 = arith.constant 1 : i32
      %swap3A_594 = arith.constant 2 : i32
      %swap3A_595 = arith.index_cast %swap3A_593 : i32 to index
      %swap3A_596 = arith.index_cast %swap3A_594 : i32 to index
      %swap3A_597 = arith.index_cast %mul3A_480 : i32 to index
      %swap3A_598 = tpu.vector_load %arg6[%swap3A_595, %swap3A_596, %swap3A_597] {strides = array<i32>} : memref<4x4x1024xf32, #tpu.memory_space<vmem>>, vector<1x1x16xf32>,
      %swap3A_599 = vector.shape_cast %swap3A_598 : vector<1x1x16xf32> to vector<16xf32>
      %swap3A_600 = vector.shape_cast %add3A_592 : vector<16xf32> to vector<1x1x16xf32>
      tpu.vector_store %arg6[%swap3A_595, %swap3A_596, %swap3A_597], %swap3A_600 {strides = array<i32>} : memref<4x4x1024xf32, #tpu.memory_space<vmem>>, vector<1x1x16xf32>,
      %get3A_601 = arith.constant 1 : i32
      %get3A_602 = arith.constant 3 : i32
      %get3A_603 = arith.index_cast %get3A_601 : i32 to index
      %get3A_604 = arith.index_cast %get3A_602 : i32 to index
      %get3A_605 = arith.index_cast %mul3A_480 : i32 to index
      %get3A_606 = tpu.vector_load %arg6[%get3A_603, %get3A_604, %get3A_605] {strides = array<i32>} : memref<4x4x1024xf32, #tpu.memory_space<vmem>>, vector<1x1x16xf32>,
      %get3A_607 = vector.shape_cast %get3A_606 : vector<1x1x16xf32> to vector<16xf32>
      %add3A_608 = arith.addf %get3A_607, %get3A_552 : vector<16xf32>
      %swap3A_609 = arith.constant 1 : i32
      %swap3A_610 = arith.constant 3 : i32
      %swap3A_611 = arith.index_cast %swap3A_609 : i32 to index
      %swap3A_612 = arith.index_cast %swap3A_610 : i32 to index
      %swap3A_613 = arith.index_cast %mul3A_480 : i32 to index
      %swap3A_614 = tpu.vector_load %arg6[%swap3A_611, %swap3A_612, %swap3A_613] {strides = array<i32>} : memref<4x4x1024xf32, #tpu.memory_space<vmem>>, vector<1x1x16xf32>,
      %swap3A_615 = vector.shape_cast %swap3A_614 : vector<1x1x16xf32> to vector<16xf32>
      %swap3A_616 = vector.shape_cast %add3A_608 : vector<16xf32> to vector<1x1x16xf32>
      tpu.vector_store %arg6[%swap3A_611, %swap3A_612, %swap3A_613], %swap3A_616 {strides = array<i32>} : memref<4x4x1024xf32, #tpu.memory_space<vmem>>, vector<1x1x16xf32>,
      %get3A_617 = arith.constant 2 : i32
      %get3A_618 = arith.index_cast %get3A_617 : i32 to index
      %get3A_619 = arith.index_cast %mul3A_480 : i32 to index
      %get3A_620 = tpu.vector_load %arg10[%get3A_618, %get3A_619] {strides = array<i32>} : memref<4x1024xf32, #tpu.memory_space<vmem>>, vector<1x16xf32>,
      %get3A_621 = vector.shape_cast %get3A_620 : vector<1x16xf32> to vector<16xf32>
      %get3A_622 = arith.constant 2 : i32
      %get3A_623 = arith.constant 0 : i32
      %get3A_624 = arith.index_cast %get3A_622 : i32 to index
      %get3A_625 = arith.index_cast %get3A_623 : i32 to index
      %get3A_626 = arith.index_cast %mul3A_480 : i32 to index
      %get3A_627 = tpu.vector_load %arg6[%get3A_624, %get3A_625, %get3A_626] {strides = array<i32>} : memref<4x4x1024xf32, #tpu.memory_space<vmem>>, vector<1x1x16xf32>,
      %get3A_628 = vector.shape_cast %get3A_627 : vector<1x1x16xf32> to vector<16xf32>
      %add3A_629 = arith.addf %get3A_628, %get3A_621 : vector<16xf32>
      %swap3A_630 = arith.constant 2 : i32
      %swap3A_631 = arith.constant 0 : i32
      %swap3A_632 = arith.index_cast %swap3A_630 : i32 to index
      %swap3A_633 = arith.index_cast %swap3A_631 : i32 to index
      %swap3A_634 = arith.index_cast %mul3A_480 : i32 to index
      %swap3A_635 = tpu.vector_load %arg6[%swap3A_632, %swap3A_633, %swap3A_634] {strides = array<i32>} : memref<4x4x1024xf32, #tpu.memory_space<vmem>>, vector<1x1x16xf32>,
      %swap3A_636 = vector.shape_cast %swap3A_635 : vector<1x1x16xf32> to vector<16xf32>
      %swap3A_637 = vector.shape_cast %add3A_629 : vector<16xf32> to vector<1x1x16xf32>
      tpu.vector_store %arg6[%swap3A_632, %swap3A_633, %swap3A_634], %swap3A_637 {strides = array<i32>} : memref<4x4x1024xf32, #tpu.memory_space<vmem>>, vector<1x1x16xf32>,
      %get3A_638 = arith.constant 2 : i32
      %get3A_639 = arith.constant 1 : i32
      %get3A_640 = arith.index_cast %get3A_638 : i32 to index
      %get3A_641 = arith.index_cast %get3A_639 : i32 to index
      %get3A_642 = arith.index_cast %mul3A_480 : i32 to index
      %get3A_643 = tpu.vector_load %arg6[%get3A_640, %get3A_641, %get3A_642] {strides = array<i32>} : memref<4x4x1024xf32, #tpu.memory_space<vmem>>, vector<1x1x16xf32>,
      %get3A_644 = vector.shape_cast %get3A_643 : vector<1x1x16xf32> to vector<16xf32>
      %add3A_645 = arith.addf %get3A_644, %get3A_621 : vector<16xf32>
      %swap3A_646 = arith.constant 2 : i32
      %swap3A_647 = arith.constant 1 : i32
      %swap3A_648 = arith.index_cast %swap3A_646 : i32 to index
      %swap3A_649 = arith.index_cast %swap3A_647 : i32 to index
      %swap3A_650 = arith.index_cast %mul3A_480 : i32 to index
      %swap3A_651 = tpu.vector_load %arg6[%swap3A_648, %swap3A_649, %swap3A_650] {strides = array<i32>} : memref<4x4x1024xf32, #tpu.memory_space<vmem>>, vector<1x1x16xf32>,
      %swap3A_652 = vector.shape_cast %swap3A_651 : vector<1x1x16xf32> to vector<16xf32>
      %swap3A_653 = vector.shape_cast %add3A_645 : vector<16xf32> to vector<1x1x16xf32>
      tpu.vector_store %arg6[%swap3A_648, %swap3A_649, %swap3A_650], %swap3A_653 {strides = array<i32>} : memref<4x4x1024xf32, #tpu.memory_space<vmem>>, vector<1x1x16xf32>,
      %get3A_654 = arith.constant 2 : i32
      %get3A_655 = arith.constant 2 : i32
      %get3A_656 = arith.index_cast %get3A_654 : i32 to index
      %get3A_657 = arith.index_cast %get3A_655 : i32 to index
      %get3A_658 = arith.index_cast %mul3A_480 : i32 to index
      %get3A_659 = tpu.vector_load %arg6[%get3A_656, %get3A_657, %get3A_658] {strides = array<i32>} : memref<4x4x1024xf32, #tpu.memory_space<vmem>>, vector<1x1x16xf32>,
      %get3A_660 = vector.shape_cast %get3A_659 : vector<1x1x16xf32> to vector<16xf32>
      %add3A_661 = arith.addf %get3A_660, %get3A_621 : vector<16xf32>
      %swap3A_662 = arith.constant 2 : i32
      %swap3A_663 = arith.constant 2 : i32
      %swap3A_664 = arith.index_cast %swap3A_662 : i32 to index
      %swap3A_665 = arith.index_cast %swap3A_663 : i32 to index
      %swap3A_666 = arith.index_cast %mul3A_480 : i32 to index
      %swap3A_667 = tpu.vector_load %arg6[%swap3A_664, %swap3A_665, %swap3A_666] {strides = array<i32>} : memref<4x4x1024xf32, #tpu.memory_space<vmem>>, vector<1x1x16xf32>,
      %swap3A_668 = vector.shape_cast %swap3A_667 : vector<1x1x16xf32> to vector<16xf32>
      %swap3A_669 = vector.shape_cast %add3A_661 : vector<16xf32> to vector<1x1x16xf32>
      tpu.vector_store %arg6[%swap3A_664, %swap3A_665, %swap3A_666], %swap3A_669 {strides = array<i32>} : memref<4x4x1024xf32, #tpu.memory_space<vmem>>, vector<1x1x16xf32>,
      %get3A_670 = arith.constant 2 : i32
      %get3A_671 = arith.constant 3 : i32
      %get3A_672 = arith.index_cast %get3A_670 : i32 to index
      %get3A_673 = arith.index_cast %get3A_671 : i32 to index
      %get3A_674 = arith.index_cast %mul3A_480 : i32 to index
      %get3A_675 = tpu.vector_load %arg6[%get3A_672, %get3A_673, %get3A_674] {strides = array<i32>} : memref<4x4x1024xf32, #tpu.memory_space<vmem>>, vector<1x1x16xf32>,
      %get3A_676 = vector.shape_cast %get3A_675 : vector<1x1x16xf32> to vector<16xf32>
      %add3A_677 = arith.addf %get3A_676, %get3A_621 : vector<16xf32>
      %swap3A_678 = arith.constant 2 : i32
      %swap3A_679 = arith.constant 3 : i32
      %swap3A_680 = arith.index_cast %swap3A_678 : i32 to index
      %swap3A_681 = arith.index_cast %swap3A_679 : i32 to index
      %swap3A_682 = arith.index_cast %mul3A_480 : i32 to index
      %swap3A_683 = tpu.vector_load %arg6[%swap3A_680, %swap3A_681, %swap3A_682] {strides = array<i32>} : memref<4x4x1024xf32, #tpu.memory_space<vmem>>, vector<1x1x16xf32>,
      %swap3A_684 = vector.shape_cast %swap3A_683 : vector<1x1x16xf32> to vector<16xf32>
      %swap3A_685 = vector.shape_cast %add3A_677 : vector<16xf32> to vector<1x1x16xf32>
      tpu.vector_store %arg6[%swap3A_680, %swap3A_681, %swap3A_682], %swap3A_685 {strides = array<i32>} : memref<4x4x1024xf32, #tpu.memory_space<vmem>>, vector<1x1x16xf32>,
      %get3A_686 = arith.constant 3 : i32
      %get3A_687 = arith.index_cast %get3A_686 : i32 to index
      %get3A_688 = arith.index_cast %mul3A_480 : i32 to index
      %get3A_689 = tpu.vector_load %arg10[%get3A_687, %get3A_688] {strides = array<i32>} : memref<4x1024xf32, #tpu.memory_space<vmem>>, vector<1x16xf32>,
      %get3A_690 = vector.shape_cast %get3A_689 : vector<1x16xf32> to vector<16xf32>
      %get3A_691 = arith.constant 3 : i32
      %get3A_692 = arith.constant 0 : i32
      %get3A_693 = arith.index_cast %get3A_691 : i32 to index
      %get3A_694 = arith.index_cast %get3A_692 : i32 to index
      %get3A_695 = arith.index_cast %mul3A_480 : i32 to index
      %get3A_696 = tpu.vector_load %arg6[%get3A_693, %get3A_694, %get3A_695] {strides = array<i32>} : memref<4x4x1024xf32, #tpu.memory_space<vmem>>, vector<1x1x16xf32>,
      %get3A_697 = vector.shape_cast %get3A_696 : vector<1x1x16xf32> to vector<16xf32>
      %add3A_698 = arith.addf %get3A_697, %get3A_690 : vector<16xf32>
      %swap3A_699 = arith.constant 3 : i32
      %swap3A_700 = arith.constant 0 : i32
      %swap3A_701 = arith.index_cast %swap3A_699 : i32 to index
      %swap3A_702 = arith.index_cast %swap3A_700 : i32 to index
      %swap3A_703 = arith.index_cast %mul3A_480 : i32 to index
      %swap3A_704 = tpu.vector_load %arg6[%swap3A_701, %swap3A_702, %swap3A_703] {strides = array<i32>} : memref<4x4x1024xf32, #tpu.memory_space<vmem>>, vector<1x1x16xf32>,
      %swap3A_705 = vector.shape_cast %swap3A_704 : vector<1x1x16xf32> to vector<16xf32>
      %swap3A_706 = vector.shape_cast %add3A_698 : vector<16xf32> to vector<1x1x16xf32>
      tpu.vector_store %arg6[%swap3A_701, %swap3A_702, %swap3A_703], %swap3A_706 {strides = array<i32>} : memref<4x4x1024xf32, #tpu.memory_space<vmem>>, vector<1x1x16xf32>,
      %get3A_707 = arith.constant 3 : i32
      %get3A_708 = arith.constant 1 : i32
      %get3A_709 = arith.index_cast %get3A_707 : i32 to index
      %get3A_710 = arith.index_cast %get3A_708 : i32 to index
      %get3A_711 = arith.index_cast %mul3A_480 : i32 to index
      %get3A_712 = tpu.vector_load %arg6[%get3A_709, %get3A_710, %get3A_711] {strides = array<i32>} : memref<4x4x1024xf32, #tpu.memory_space<vmem>>, vector<1x1x16xf32>,
      %get3A_713 = vector.shape_cast %get3A_712 : vector<1x1x16xf32> to vector<16xf32>
      %add3A_714 = arith.addf %get3A_713, %get3A_690 : vector<16xf32>
      %swap3A_715 = arith.constant 3 : i32
      %swap3A_716 = arith.constant 1 : i32
      %swap3A_717 = arith.index_cast %swap3A_715 : i32 to index
      %swap3A_718 = arith.index_cast %swap3A_716 : i32 to index
      %swap3A_719 = arith.index_cast %mul3A_480 : i32 to index
      %swap3A_720 = tpu.vector_load %arg6[%swap3A_717, %swap3A_718, %swap3A_719] {strides = array<i32>} : memref<4x4x1024xf32, #tpu.memory_space<vmem>>, vector<1x1x16xf32>,
      %swap3A_721 = vector.shape_cast %swap3A_720 : vector<1x1x16xf32> to vector<16xf32>
      %swap3A_722 = vector.shape_cast %add3A_714 : vector<16xf32> to vector<1x1x16xf32>
      tpu.vector_store %arg6[%swap3A_717, %swap3A_718, %swap3A_719], %swap3A_722 {strides = array<i32>} : memref<4x4x1024xf32, #tpu.memory_space<vmem>>, vector<1x1x16xf32>,
      %get3A_723 = arith.constant 3 : i32
      %get3A_724 = arith.constant 2 : i32
      %get3A_725 = arith.index_cast %get3A_723 : i32 to index
      %get3A_726 = arith.index_cast %get3A_724 : i32 to index
      %get3A_727 = arith.index_cast %mul3A_480 : i32 to index
      %get3A_728 = tpu.vector_load %arg6[%get3A_725, %get3A_726, %get3A_727] {strides = array<i32>} : memref<4x4x1024xf32, #tpu.memory_space<vmem>>, vector<1x1x16xf32>,
      %get3A_729 = vector.shape_cast %get3A_728 : vector<1x1x16xf32> to vector<16xf32>
      %add3A_730 = arith.addf %get3A_729, %get3A_690 : vector<16xf32>
      %swap3A_731 = arith.constant 3 : i32
      %swap3A_732 = arith.constant 2 : i32
      %swap3A_733 = arith.index_cast %swap3A_731 : i32 to index
      %swap3A_734 = arith.index_cast %swap3A_732 : i32 to index
      %swap3A_735 = arith.index_cast %mul3A_480 : i32 to index
      %swap3A_736 = tpu.vector_load %arg6[%swap3A_733, %swap3A_734, %swap3A_735] {strides = array<i32>} : memref<4x4x1024xf32, #tpu.memory_space<vmem>>, vector<1x1x16xf32>,
      %swap3A_737 = vector.shape_cast %swap3A_736 : vector<1x1x16xf32> to vector<16xf32>
      %swap3A_738 = vector.shape_cast %add3A_730 : vector<16xf32> to vector<1x1x16xf32>
      tpu.vector_store %arg6[%swap3A_733, %swap3A_734, %swap3A_735], %swap3A_738 {strides = array<i32>} : memref<4x4x1024xf32, #tpu.memory_space<vmem>>, vector<1x1x16xf32>,
      %get3A_739 = arith.constant 3 : i32
      %get3A_740 = arith.constant 3 : i32
      %get3A_741 = arith.index_cast %get3A_739 : i32 to index
      %get3A_742 = arith.index_cast %get3A_740 : i32 to index
      %get3A_743 = arith.index_cast %mul3A_480 : i32 to index
      %get3A_744 = tpu.vector_load %arg6[%get3A_741, %get3A_742, %get3A_743] {strides = array<i32>} : memref<4x4x1024xf32, #tpu.memory_space<vmem>>, vector<1x1x16xf32>,
      %get3A_745 = vector.shape_cast %get3A_744 : vector<1x1x16xf32> to vector<16xf32>
      %add3A_746 = arith.addf %get3A_745, %get3A_690 : vector<16xf32>
      %swap3A_747 = arith.constant 3 : i32
      %swap3A_748 = arith.constant 3 : i32
      %swap3A_749 = arith.index_cast %swap3A_747 : i32 to index
      %swap3A_750 = arith.index_cast %swap3A_748 : i32 to index
      %swap3A_751 = arith.index_cast %mul3A_480 : i32 to index
      %swap3A_752 = tpu.vector_load %arg6[%swap3A_749, %swap3A_750, %swap3A_751] {strides = array<i32>} : memref<4x4x1024xf32, #tpu.memory_space<vmem>>, vector<1x1x16xf32>,
      %swap3A_753 = vector.shape_cast %swap3A_752 : vector<1x1x16xf32> to vector<16xf32>
      %swap3A_754 = vector.shape_cast %add3A_746 : vector<16xf32> to vector<1x1x16xf32>
      tpu.vector_store %arg6[%swap3A_749, %swap3A_750, %swap3A_751], %swap3A_754 {strides = array<i32>} : memref<4x4x1024xf32, #tpu.memory_space<vmem>>, vector<1x1x16xf32>,
    }
    %scan3A_239 = arith.constant 64 : i32
    %add3A_240 = arith.constant 4 : i32
    %add3A_241 = arith.addi %mul3A_2, %add3A_240 : i32
    %dma_start3A_242 = arith.constant 0 : i32
    %dma_start3A_243 = arith.constant 0 : i32
    %dma_start3A_244 = tpu.memref_slice %arg4[%add3A_241, %dma_start3A_242, %dma_start3A_243] : memref<8192x4x1024xf32, #tpu.memory_space<hbm>> -> memref<4x4x1024xf32, #tpu.memory_space<hbm>>
    %dma_start3A_245 = arith.constant 0 : i32
    %dma_start3A_246 = arith.constant 0 : i32
    %dma_start3A_247 = tpu.memref_slice %arg4[%add3A_241, %dma_start3A_245, %dma_start3A_246] : memref<8192x4x1024xf32, #tpu.memory_space<hbm>> -> memref<4x4x1024xf32, #tpu.memory_space<hbm>>
    tpu.enqueue_dma source(%arg6 : memref<4x4x1024xf32, #tpu.memory_space<vmem>>) target(%dma_start3A_247 : memref<4x4x1024xf32, #tpu.memory_space<hbm>>) target_semaphore(%arg22 : memref<!tpu.dma_semaphore, #tpu.memory_space<semaphore_mem>>)
    %dma_wait3A_248 = arith.constant 0 : i32
    %dma_wait3A_249 = arith.constant 0 : i32
    %dma_wait3A_250 = arith.constant 0 : i32
    %dma_wait3A_251 = tpu.memref_slice %arg4[%dma_wait3A_248, %dma_wait3A_249, %dma_wait3A_250] : memref<8192x4x1024xf32, #tpu.memory_space<hbm>> -> memref<4x4x1024xf32, #tpu.memory_space<hbm>>
    %dma_wait3A_252 = arith.constant 0 : i32
    %dma_wait3A_253 = arith.constant 0 : i32
    %dma_wait3A_254 = arith.constant 0 : i32
    %dma_wait3A_255 = tpu.memref_slice %arg4[%dma_wait3A_252, %dma_wait3A_253, %dma_wait3A_254] : memref<8192x4x1024xf32, #tpu.memory_space<hbm>> -> memref<4x4x1024xf32, #tpu.memory_space<hbm>>
    tpu.wait_dma2 semaphore(%arg21 : memref<!tpu.dma_semaphore, #tpu.memory_space<semaphore_mem>>) src(%arg5 : memref<4x4x1024xf32, #tpu.memory_space<vmem>>) dst(%dma_wait3A_255 : memref<4x4x1024xf32, #tpu.memory_space<hbm>>)
    %add3A_256 = arith.constant 16 : i32
    %add3A_257 = arith.addi %mul3A_2, %add3A_256 : i32
    %dma_start3A_258 = arith.constant 0 : i32
    %dma_start3A_259 = arith.constant 0 : i32
    %dma_start3A_260 = arith.constant 0 : i32
    %dma_start3A_261 = tpu.memref_slice %arg5[%dma_start3A_258, %dma_start3A_259, %dma_start3A_260] : memref<4x4x1024xf32, #tpu.memory_space<vmem>> -> memref<2x4x1024xf32, #tpu.memory_space<vmem>>
    %dma_start3A_262 = arith.constant 0 : i32
    %dma_start3A_263 = arith.constant 0 : i32
    %dma_start3A_264 = tpu.memref_slice %arg2[%add3A_257, %dma_start3A_262, %dma_start3A_263] : memref<8192x4x1024xf32, #tpu.memory_space<hbm>> -> memref<2x4x1024xf32, #tpu.memory_space<hbm>>
    %dma_start3A_265 = arith.constant 0 : i32
    %dma_start3A_266 = arith.constant 0 : i32
    %dma_start3A_267 = arith.constant 0 : i32
    %dma_start3A_268 = tpu.memref_slice %arg5[%dma_start3A_265, %dma_start3A_266, %dma_start3A_267] : memref<4x4x1024xf32, #tpu.memory_space<vmem>> -> memref<2x4x1024xf32, #tpu.memory_space<vmem>>
    %dma_start3A_269 = arith.constant 0 : i32
    %dma_start3A_270 = arith.constant 0 : i32
    %dma_start3A_271 = tpu.memref_slice %arg2[%add3A_257, %dma_start3A_269, %dma_start3A_270] : memref<8192x4x1024xf32, #tpu.memory_space<hbm>> -> memref<2x4x1024xf32, #tpu.memory_space<hbm>>
    tpu.enqueue_dma source(%dma_start3A_271 : memref<2x4x1024xf32, #tpu.memory_space<hbm>>) target(%dma_start3A_268 : memref<2x4x1024xf32, #tpu.memory_space<vmem>>) target_semaphore(%arg13 : memref<!tpu.dma_semaphore, #tpu.memory_space<semaphore_mem>>)
    %add3A_272 = arith.constant 2 : i32
    %add3A_273 = arith.addi %add3A_257, %add3A_272 : i32
    %dma_start3A_274 = arith.constant 2 : i32
    %dma_start3A_275 = arith.constant 0 : i32
    %dma_start3A_276 = arith.constant 0 : i32
    %dma_start3A_277 = tpu.memref_slice %arg5[%dma_start3A_274, %dma_start3A_275, %dma_start3A_276] : memref<4x4x1024xf32, #tpu.memory_space<vmem>> -> memref<2x4x1024xf32, #tpu.memory_space<vmem>>
    %dma_start3A_278 = arith.constant 0 : i32
    %dma_start3A_279 = arith.constant 0 : i32
    %dma_start3A_280 = tpu.memref_slice %arg2[%add3A_273, %dma_start3A_278, %dma_start3A_279] : memref<8192x4x1024xf32, #tpu.memory_space<hbm>> -> memref<2x4x1024xf32, #tpu.memory_space<hbm>>
    %dma_start3A_281 = arith.constant 2 : i32
    %dma_start3A_282 = arith.constant 0 : i32
    %dma_start3A_283 = arith.constant 0 : i32
    %dma_start3A_284 = tpu.memref_slice %arg5[%dma_start3A_281, %dma_start3A_282, %dma_start3A_283] : memref<4x4x1024xf32, #tpu.memory_space<vmem>> -> memref<2x4x1024xf32, #tpu.memory_space<vmem>>
    %dma_start3A_285 = arith.constant 0 : i32
    %dma_start3A_286 = arith.constant 0 : i32
    %dma_start3A_287 = tpu.memref_slice %arg2[%add3A_273, %dma_start3A_285, %dma_start3A_286] : memref<8192x4x1024xf32, #tpu.memory_space<hbm>> -> memref<2x4x1024xf32, #tpu.memory_space<hbm>>
    tpu.enqueue_dma source(%dma_start3A_287 : memref<2x4x1024xf32, #tpu.memory_space<hbm>>) target(%dma_start3A_284 : memref<2x4x1024xf32, #tpu.memory_space<vmem>>) target_semaphore(%arg13 : memref<!tpu.dma_semaphore, #tpu.memory_space<semaphore_mem>>)
    %dma_start3A_288 = arith.constant 0 : i32
    %dma_start3A_289 = tpu.memref_slice %arg3[%add3A_257, %dma_start3A_288] : memref<8192x1024xf32, #tpu.memory_space<hbm>> -> memref<4x1024xf32, #tpu.memory_space<hbm>>
    %dma_start3A_290 = arith.constant 0 : i32
    %dma_start3A_291 = tpu.memref_slice %arg3[%add3A_257, %dma_start3A_290] : memref<8192x1024xf32, #tpu.memory_space<hbm>> -> memref<4x1024xf32, #tpu.memory_space<hbm>>
    tpu.enqueue_dma source(%dma_start3A_291 : memref<4x1024xf32, #tpu.memory_space<hbm>>) target(%arg9 : memref<4x1024xf32, #tpu.memory_space<vmem>>) target_semaphore(%arg17 : memref<!tpu.dma_semaphore, #tpu.memory_space<semaphore_mem>>)
    %dma_wait3A_292 = arith.constant 0 : i32
    %dma_wait3A_293 = arith.constant 0 : i32
    %dma_wait3A_294 = arith.constant 0 : i32
    %dma_wait3A_295 = tpu.memref_slice %arg7[%dma_wait3A_292, %dma_wait3A_293, %dma_wait3A_294] : memref<4x4x1024xf32, #tpu.memory_space<vmem>> -> memref<2x4x1024xf32, #tpu.memory_space<vmem>>
    %dma_wait3A_296 = arith.constant 0 : i32
    %dma_wait3A_297 = arith.constant 0 : i32
    %dma_wait3A_298 = arith.constant 0 : i32
    %dma_wait3A_299 = tpu.memref_slice %arg2[%dma_wait3A_296, %dma_wait3A_297, %dma_wait3A_298] : memref<8192x4x1024xf32, #tpu.memory_space<hbm>> -> memref<2x4x1024xf32, #tpu.memory_space<hbm>>
    %dma_wait3A_300 = arith.constant 0 : i32
    %dma_wait3A_301 = arith.constant 0 : i32
    %dma_wait3A_302 = arith.constant 0 : i32
    %dma_wait3A_303 = tpu.memref_slice %arg7[%dma_wait3A_300, %dma_wait3A_301, %dma_wait3A_302] : memref<4x4x1024xf32, #tpu.memory_space<vmem>> -> memref<2x4x1024xf32, #tpu.memory_space<vmem>>
    %dma_wait3A_304 = arith.constant 0 : i32
    %dma_wait3A_305 = arith.constant 0 : i32
    %dma_wait3A_306 = arith.constant 0 : i32
    %dma_wait3A_307 = tpu.memref_slice %arg2[%dma_wait3A_304, %dma_wait3A_305, %dma_wait3A_306] : memref<8192x4x1024xf32, #tpu.memory_space<hbm>> -> memref<2x4x1024xf32, #tpu.memory_space<hbm>>
    tpu.wait_dma2 semaphore(%arg15 : memref<!tpu.dma_semaphore, #tpu.memory_space<semaphore_mem>>) src(%dma_wait3A_307 : memref<2x4x1024xf32, #tpu.memory_space<hbm>>) dst(%dma_wait3A_303 : memref<2x4x1024xf32, #tpu.memory_space<vmem>>)
    %dma_wait3A_308 = arith.constant 2 : i32
    %dma_wait3A_309 = arith.constant 0 : i32
    %dma_wait3A_310 = arith.constant 0 : i32
    %dma_wait3A_311 = tpu.memref_slice %arg7[%dma_wait3A_308, %dma_wait3A_309, %dma_wait3A_310] : memref<4x4x1024xf32, #tpu.memory_space<vmem>> -> memref<2x4x1024xf32, #tpu.memory_space<vmem>>
    %dma_wait3A_312 = arith.constant 0 : i32
    %dma_wait3A_313 = arith.constant 0 : i32
    %dma_wait3A_314 = arith.constant 0 : i32
    %dma_wait3A_315 = tpu.memref_slice %arg2[%dma_wait3A_312, %dma_wait3A_313, %dma_wait3A_314] : memref<8192x4x1024xf32, #tpu.memory_space<hbm>> -> memref<2x4x1024xf32, #tpu.memory_space<hbm>>
    %dma_wait3A_316 = arith.constant 2 : i32
    %dma_wait3A_317 = arith.constant 0 : i32
    %dma_wait3A_318 = arith.constant 0 : i32
    %dma_wait3A_319 = tpu.memref_slice %arg7[%dma_wait3A_316, %dma_wait3A_317, %dma_wait3A_318] : memref<4x4x1024xf32, #tpu.memory_space<vmem>> -> memref<2x4x1024xf32, #tpu.memory_space<vmem>>
    %dma_wait3A_320 = arith.constant 0 : i32
    %dma_wait3A_321 = arith.constant 0 : i32
    %dma_wait3A_322 = arith.constant 0 : i32
    %dma_wait3A_323 = tpu.memref_slice %arg2[%dma_wait3A_320, %dma_wait3A_321, %dma_wait3A_322] : memref<8192x4x1024xf32, #tpu.memory_space<hbm>> -> memref<2x4x1024xf32, #tpu.memory_space<hbm>>
    tpu.wait_dma2 semaphore(%arg15 : memref<!tpu.dma_semaphore, #tpu.memory_space<semaphore_mem>>) src(%dma_wait3A_323 : memref<2x4x1024xf32, #tpu.memory_space<hbm>>) dst(%dma_wait3A_319 : memref<2x4x1024xf32, #tpu.memory_space<vmem>>)
    %dma_wait3A_324 = arith.constant 0 : i32
    %dma_wait3A_325 = arith.constant 0 : i32
    %dma_wait3A_326 = tpu.memref_slice %arg3[%dma_wait3A_324, %dma_wait3A_325] : memref<8192x1024xf32, #tpu.memory_space<hbm>> -> memref<4x1024xf32, #tpu.memory_space<hbm>>
    %dma_wait3A_327 = arith.constant 0 : i32
    %dma_wait3A_328 = arith.constant 0 : i32
    %dma_wait3A_329 = tpu.memref_slice %arg3[%dma_wait3A_327, %dma_wait3A_328] : memref<8192x1024xf32, #tpu.memory_space<hbm>> -> memref<4x1024xf32, #tpu.memory_space<hbm>>
    tpu.wait_dma2 semaphore(%arg19 : memref<!tpu.dma_semaphore, #tpu.memory_space<semaphore_mem>>) src(%dma_wait3A_329 : memref<4x1024xf32, #tpu.memory_space<hbm>>) dst(%arg11 : memref<4x1024xf32, #tpu.memory_space<vmem>>)
    %scan3A_330 = arith.constant 0 : i32
    %scan3A_331 = arith.constant 0 : i32
    %scan3A_332 = arith.constant 64 : i32
    %scan3A_333 = arith.addi %scan3A_331, %scan3A_332 : i32
    %scan3A_334 = arith.constant 1 : i32
    scf.for %scan3A_478 = %scan3A_331 to %scan3A_333 step %scan3A_334  : i32 {
      %mul3A_479 = arith.constant 16 : i32
      %mul3A_480 = arith.muli %scan3A_478, %mul3A_479 : i32
      %get3A = arith.constant 0 : i32
      %get3A_481 = arith.index_cast %get3A : i32 to index
      %get3A_482 = arith.index_cast %mul3A_480 : i32 to index
      %get3A_483 = tpu.vector_load %arg11[%get3A_481, %get3A_482] {strides = array<i32>} : memref<4x1024xf32, #tpu.memory_space<vmem>>, vector<1x16xf32>,
      %get3A_484 = vector.shape_cast %get3A_483 : vector<1x16xf32> to vector<16xf32>
      %get3A_485 = arith.constant 0 : i32
      %get3A_486 = arith.constant 0 : i32
      %get3A_487 = arith.index_cast %get3A_485 : i32 to index
      %get3A_488 = arith.index_cast %get3A_486 : i32 to index
      %get3A_489 = arith.index_cast %mul3A_480 : i32 to index
      %get3A_490 = tpu.vector_load %arg7[%get3A_487, %get3A_488, %get3A_489] {strides = array<i32>} : memref<4x4x1024xf32, #tpu.memory_space<vmem>>, vector<1x1x16xf32>,
      %get3A_491 = vector.shape_cast %get3A_490 : vector<1x1x16xf32> to vector<16xf32>
      %add3A_492 = arith.addf %get3A_491, %get3A_484 : vector<16xf32>
      %swap3A = arith.constant 0 : i32
      %swap3A_493 = arith.constant 0 : i32
      %swap3A_494 = arith.index_cast %swap3A : i32 to index
      %swap3A_495 = arith.index_cast %swap3A_493 : i32 to index
      %swap3A_496 = arith.index_cast %mul3A_480 : i32 to index
      %swap3A_497 = tpu.vector_load %arg7[%swap3A_494, %swap3A_495, %swap3A_496] {strides = array<i32>} : memref<4x4x1024xf32, #tpu.memory_space<vmem>>, vector<1x1x16xf32>,
      %swap3A_498 = vector.shape_cast %swap3A_497 : vector<1x1x16xf32> to vector<16xf32>
      %swap3A_499 = vector.shape_cast %add3A_492 : vector<16xf32> to vector<1x1x16xf32>
      tpu.vector_store %arg7[%swap3A_494, %swap3A_495, %swap3A_496], %swap3A_499 {strides = array<i32>} : memref<4x4x1024xf32, #tpu.memory_space<vmem>>, vector<1x1x16xf32>,
      %get3A_500 = arith.constant 0 : i32
      %get3A_501 = arith.constant 1 : i32
      %get3A_502 = arith.index_cast %get3A_500 : i32 to index
      %get3A_503 = arith.index_cast %get3A_501 : i32 to index
      %get3A_504 = arith.index_cast %mul3A_480 : i32 to index
      %get3A_505 = tpu.vector_load %arg7[%get3A_502, %get3A_503, %get3A_504] {strides = array<i32>} : memref<4x4x1024xf32, #tpu.memory_space<vmem>>, vector<1x1x16xf32>,
      %get3A_506 = vector.shape_cast %get3A_505 : vector<1x1x16xf32> to vector<16xf32>
      %add3A_507 = arith.addf %get3A_506, %get3A_484 : vector<16xf32>
      %swap3A_508 = arith.constant 0 : i32
      %swap3A_509 = arith.constant 1 : i32
      %swap3A_510 = arith.index_cast %swap3A_508 : i32 to index
      %swap3A_511 = arith.index_cast %swap3A_509 : i32 to index
      %swap3A_512 = arith.index_cast %mul3A_480 : i32 to index
      %swap3A_513 = tpu.vector_load %arg7[%swap3A_510, %swap3A_511, %swap3A_512] {strides = array<i32>} : memref<4x4x1024xf32, #tpu.memory_space<vmem>>, vector<1x1x16xf32>,
      %swap3A_514 = vector.shape_cast %swap3A_513 : vector<1x1x16xf32> to vector<16xf32>
      %swap3A_515 = vector.shape_cast %add3A_507 : vector<16xf32> to vector<1x1x16xf32>
      tpu.vector_store %arg7[%swap3A_510, %swap3A_511, %swap3A_512], %swap3A_515 {strides = array<i32>} : memref<4x4x1024xf32, #tpu.memory_space<vmem>>, vector<1x1x16xf32>,
      %get3A_516 = arith.constant 0 : i32
      %get3A_517 = arith.constant 2 : i32
      %get3A_518 = arith.index_cast %get3A_516 : i32 to index
      %get3A_519 = arith.index_cast %get3A_517 : i32 to index
      %get3A_520 = arith.index_cast %mul3A_480 : i32 to index
      %get3A_521 = tpu.vector_load %arg7[%get3A_518, %get3A_519, %get3A_520] {strides = array<i32>} : memref<4x4x1024xf32, #tpu.memory_space<vmem>>, vector<1x1x16xf32>,
      %get3A_522 = vector.shape_cast %get3A_521 : vector<1x1x16xf32> to vector<16xf32>
      %add3A_523 = arith.addf %get3A_522, %get3A_484 : vector<16xf32>
      %swap3A_524 = arith.constant 0 : i32
      %swap3A_525 = arith.constant 2 : i32
      %swap3A_526 = arith.index_cast %swap3A_524 : i32 to index
      %swap3A_527 = arith.index_cast %swap3A_525 : i32 to index
      %swap3A_528 = arith.index_cast %mul3A_480 : i32 to index
      %swap3A_529 = tpu.vector_load %arg7[%swap3A_526, %swap3A_527, %swap3A_528] {strides = array<i32>} : memref<4x4x1024xf32, #tpu.memory_space<vmem>>, vector<1x1x16xf32>,
      %swap3A_530 = vector.shape_cast %swap3A_529 : vector<1x1x16xf32> to vector<16xf32>
      %swap3A_531 = vector.shape_cast %add3A_523 : vector<16xf32> to vector<1x1x16xf32>
      tpu.vector_store %arg7[%swap3A_526, %swap3A_527, %swap3A_528], %swap3A_531 {strides = array<i32>} : memref<4x4x1024xf32, #tpu.memory_space<vmem>>, vector<1x1x16xf32>,
      %get3A_532 = arith.constant 0 : i32
      %get3A_533 = arith.constant 3 : i32
      %get3A_534 = arith.index_cast %get3A_532 : i32 to index
      %get3A_535 = arith.index_cast %get3A_533 : i32 to index
      %get3A_536 = arith.index_cast %mul3A_480 : i32 to index
      %get3A_537 = tpu.vector_load %arg7[%get3A_534, %get3A_535, %get3A_536] {strides = array<i32>} : memref<4x4x1024xf32, #tpu.memory_space<vmem>>, vector<1x1x16xf32>,
      %get3A_538 = vector.shape_cast %get3A_537 : vector<1x1x16xf32> to vector<16xf32>
      %add3A_539 = arith.addf %get3A_538, %get3A_484 : vector<16xf32>
      %swap3A_540 = arith.constant 0 : i32
      %swap3A_541 = arith.constant 3 : i32
      %swap3A_542 = arith.index_cast %swap3A_540 : i32 to index
      %swap3A_543 = arith.index_cast %swap3A_541 : i32 to index
      %swap3A_544 = arith.index_cast %mul3A_480 : i32 to index
      %swap3A_545 = tpu.vector_load %arg7[%swap3A_542, %swap3A_543, %swap3A_544] {strides = array<i32>} : memref<4x4x1024xf32, #tpu.memory_space<vmem>>, vector<1x1x16xf32>,
      %swap3A_546 = vector.shape_cast %swap3A_545 : vector<1x1x16xf32> to vector<16xf32>
      %swap3A_547 = vector.shape_cast %add3A_539 : vector<16xf32> to vector<1x1x16xf32>
      tpu.vector_store %arg7[%swap3A_542, %swap3A_543, %swap3A_544], %swap3A_547 {strides = array<i32>} : memref<4x4x1024xf32, #tpu.memory_space<vmem>>, vector<1x1x16xf32>,
      %get3A_548 = arith.constant 1 : i32
      %get3A_549 = arith.index_cast %get3A_548 : i32 to index
      %get3A_550 = arith.index_cast %mul3A_480 : i32 to index
      %get3A_551 = tpu.vector_load %arg11[%get3A_549, %get3A_550] {strides = array<i32>} : memref<4x1024xf32, #tpu.memory_space<vmem>>, vector<1x16xf32>,
      %get3A_552 = vector.shape_cast %get3A_551 : vector<1x16xf32> to vector<16xf32>
      %get3A_553 = arith.constant 1 : i32
      %get3A_554 = arith.constant 0 : i32
      %get3A_555 = arith.index_cast %get3A_553 : i32 to index
      %get3A_556 = arith.index_cast %get3A_554 : i32 to index
      %get3A_557 = arith.index_cast %mul3A_480 : i32 to index
      %get3A_558 = tpu.vector_load %arg7[%get3A_555, %get3A_556, %get3A_557] {strides = array<i32>} : memref<4x4x1024xf32, #tpu.memory_space<vmem>>, vector<1x1x16xf32>,
      %get3A_559 = vector.shape_cast %get3A_558 : vector<1x1x16xf32> to vector<16xf32>
      %add3A_560 = arith.addf %get3A_559, %get3A_552 : vector<16xf32>
      %swap3A_561 = arith.constant 1 : i32
      %swap3A_562 = arith.constant 0 : i32
      %swap3A_563 = arith.index_cast %swap3A_561 : i32 to index
      %swap3A_564 = arith.index_cast %swap3A_562 : i32 to index
      %swap3A_565 = arith.index_cast %mul3A_480 : i32 to index
      %swap3A_566 = tpu.vector_load %arg7[%swap3A_563, %swap3A_564, %swap3A_565] {strides = array<i32>} : memref<4x4x1024xf32, #tpu.memory_space<vmem>>, vector<1x1x16xf32>,
      %swap3A_567 = vector.shape_cast %swap3A_566 : vector<1x1x16xf32> to vector<16xf32>
      %swap3A_568 = vector.shape_cast %add3A_560 : vector<16xf32> to vector<1x1x16xf32>
      tpu.vector_store %arg7[%swap3A_563, %swap3A_564, %swap3A_565], %swap3A_568 {strides = array<i32>} : memref<4x4x1024xf32, #tpu.memory_space<vmem>>, vector<1x1x16xf32>,
      %get3A_569 = arith.constant 1 : i32
      %get3A_570 = arith.constant 1 : i32
      %get3A_571 = arith.index_cast %get3A_569 : i32 to index
      %get3A_572 = arith.index_cast %get3A_570 : i32 to index
      %get3A_573 = arith.index_cast %mul3A_480 : i32 to index
      %get3A_574 = tpu.vector_load %arg7[%get3A_571, %get3A_572, %get3A_573] {strides = array<i32>} : memref<4x4x1024xf32, #tpu.memory_space<vmem>>, vector<1x1x16xf32>,
      %get3A_575 = vector.shape_cast %get3A_574 : vector<1x1x16xf32> to vector<16xf32>
      %add3A_576 = arith.addf %get3A_575, %get3A_552 : vector<16xf32>
      %swap3A_577 = arith.constant 1 : i32
      %swap3A_578 = arith.constant 1 : i32
      %swap3A_579 = arith.index_cast %swap3A_577 : i32 to index
      %swap3A_580 = arith.index_cast %swap3A_578 : i32 to index
      %swap3A_581 = arith.index_cast %mul3A_480 : i32 to index
      %swap3A_582 = tpu.vector_load %arg7[%swap3A_579, %swap3A_580, %swap3A_581] {strides = array<i32>} : memref<4x4x1024xf32, #tpu.memory_space<vmem>>, vector<1x1x16xf32>,
      %swap3A_583 = vector.shape_cast %swap3A_582 : vector<1x1x16xf32> to vector<16xf32>
      %swap3A_584 = vector.shape_cast %add3A_576 : vector<16xf32> to vector<1x1x16xf32>
      tpu.vector_store %arg7[%swap3A_579, %swap3A_580, %swap3A_581], %swap3A_584 {strides = array<i32>} : memref<4x4x1024xf32, #tpu.memory_space<vmem>>, vector<1x1x16xf32>,
      %get3A_585 = arith.constant 1 : i32
      %get3A_586 = arith.constant 2 : i32
      %get3A_587 = arith.index_cast %get3A_585 : i32 to index
      %get3A_588 = arith.index_cast %get3A_586 : i32 to index
      %get3A_589 = arith.index_cast %mul3A_480 : i32 to index
      %get3A_590 = tpu.vector_load %arg7[%get3A_587, %get3A_588, %get3A_589] {strides = array<i32>} : memref<4x4x1024xf32, #tpu.memory_space<vmem>>, vector<1x1x16xf32>,
      %get3A_591 = vector.shape_cast %get3A_590 : vector<1x1x16xf32> to vector<16xf32>
      %add3A_592 = arith.addf %get3A_591, %get3A_552 : vector<16xf32>
      %swap3A_593 = arith.constant 1 : i32
      %swap3A_594 = arith.constant 2 : i32
      %swap3A_595 = arith.index_cast %swap3A_593 : i32 to index
      %swap3A_596 = arith.index_cast %swap3A_594 : i32 to index
      %swap3A_597 = arith.index_cast %mul3A_480 : i32 to index
      %swap3A_598 = tpu.vector_load %arg7[%swap3A_595, %swap3A_596, %swap3A_597] {strides = array<i32>} : memref<4x4x1024xf32, #tpu.memory_space<vmem>>, vector<1x1x16xf32>,
      %swap3A_599 = vector.shape_cast %swap3A_598 : vector<1x1x16xf32> to vector<16xf32>
      %swap3A_600 = vector.shape_cast %add3A_592 : vector<16xf32> to vector<1x1x16xf32>
      tpu.vector_store %arg7[%swap3A_595, %swap3A_596, %swap3A_597], %swap3A_600 {strides = array<i32>} : memref<4x4x1024xf32, #tpu.memory_space<vmem>>, vector<1x1x16xf32>,
      %get3A_601 = arith.constant 1 : i32
      %get3A_602 = arith.constant 3 : i32
      %get3A_603 = arith.index_cast %get3A_601 : i32 to index
      %get3A_604 = arith.index_cast %get3A_602 : i32 to index
      %get3A_605 = arith.index_cast %mul3A_480 : i32 to index
      %get3A_606 = tpu.vector_load %arg7[%get3A_603, %get3A_604, %get3A_605] {strides = array<i32>} : memref<4x4x1024xf32, #tpu.memory_space<vmem>>, vector<1x1x16xf32>,
      %get3A_607 = vector.shape_cast %get3A_606 : vector<1x1x16xf32> to vector<16xf32>
      %add3A_608 = arith.addf %get3A_607, %get3A_552 : vector<16xf32>
      %swap3A_609 = arith.constant 1 : i32
      %swap3A_610 = arith.constant 3 : i32
      %swap3A_611 = arith.index_cast %swap3A_609 : i32 to index
      %swap3A_612 = arith.index_cast %swap3A_610 : i32 to index
      %swap3A_613 = arith.index_cast %mul3A_480 : i32 to index
      %swap3A_614 = tpu.vector_load %arg7[%swap3A_611, %swap3A_612, %swap3A_613] {strides = array<i32>} : memref<4x4x1024xf32, #tpu.memory_space<vmem>>, vector<1x1x16xf32>,
      %swap3A_615 = vector.shape_cast %swap3A_614 : vector<1x1x16xf32> to vector<16xf32>
      %swap3A_616 = vector.shape_cast %add3A_608 : vector<16xf32> to vector<1x1x16xf32>
      tpu.vector_store %arg7[%swap3A_611, %swap3A_612, %swap3A_613], %swap3A_616 {strides = array<i32>} : memref<4x4x1024xf32, #tpu.memory_space<vmem>>, vector<1x1x16xf32>,
      %get3A_617 = arith.constant 2 : i32
      %get3A_618 = arith.index_cast %get3A_617 : i32 to index
      %get3A_619 = arith.index_cast %mul3A_480 : i32 to index
      %get3A_620 = tpu.vector_load %arg11[%get3A_618, %get3A_619] {strides = array<i32>} : memref<4x1024xf32, #tpu.memory_space<vmem>>, vector<1x16xf32>,
      %get3A_621 = vector.shape_cast %get3A_620 : vector<1x16xf32> to vector<16xf32>
      %get3A_622 = arith.constant 2 : i32
      %get3A_623 = arith.constant 0 : i32
      %get3A_624 = arith.index_cast %get3A_622 : i32 to index
      %get3A_625 = arith.index_cast %get3A_623 : i32 to index
      %get3A_626 = arith.index_cast %mul3A_480 : i32 to index
      %get3A_627 = tpu.vector_load %arg7[%get3A_624, %get3A_625, %get3A_626] {strides = array<i32>} : memref<4x4x1024xf32, #tpu.memory_space<vmem>>, vector<1x1x16xf32>,
      %get3A_628 = vector.shape_cast %get3A_627 : vector<1x1x16xf32> to vector<16xf32>
      %add3A_629 = arith.addf %get3A_628, %get3A_621 : vector<16xf32>
      %swap3A_630 = arith.constant 2 : i32
      %swap3A_631 = arith.constant 0 : i32
      %swap3A_632 = arith.index_cast %swap3A_630 : i32 to index
      %swap3A_633 = arith.index_cast %swap3A_631 : i32 to index
      %swap3A_634 = arith.index_cast %mul3A_480 : i32 to index
      %swap3A_635 = tpu.vector_load %arg7[%swap3A_632, %swap3A_633, %swap3A_634] {strides = array<i32>} : memref<4x4x1024xf32, #tpu.memory_space<vmem>>, vector<1x1x16xf32>,
      %swap3A_636 = vector.shape_cast %swap3A_635 : vector<1x1x16xf32> to vector<16xf32>
      %swap3A_637 = vector.shape_cast %add3A_629 : vector<16xf32> to vector<1x1x16xf32>
      tpu.vector_store %arg7[%swap3A_632, %swap3A_633, %swap3A_634], %swap3A_637 {strides = array<i32>} : memref<4x4x1024xf32, #tpu.memory_space<vmem>>, vector<1x1x16xf32>,
      %get3A_638 = arith.constant 2 : i32
      %get3A_639 = arith.constant 1 : i32
      %get3A_640 = arith.index_cast %get3A_638 : i32 to index
      %get3A_641 = arith.index_cast %get3A_639 : i32 to index
      %get3A_642 = arith.index_cast %mul3A_480 : i32 to index
      %get3A_643 = tpu.vector_load %arg7[%get3A_640, %get3A_641, %get3A_642] {strides = array<i32>} : memref<4x4x1024xf32, #tpu.memory_space<vmem>>, vector<1x1x16xf32>,
      %get3A_644 = vector.shape_cast %get3A_643 : vector<1x1x16xf32> to vector<16xf32>
      %add3A_645 = arith.addf %get3A_644, %get3A_621 : vector<16xf32>
      %swap3A_646 = arith.constant 2 : i32
      %swap3A_647 = arith.constant 1 : i32
      %swap3A_648 = arith.index_cast %swap3A_646 : i32 to index
      %swap3A_649 = arith.index_cast %swap3A_647 : i32 to index
      %swap3A_650 = arith.index_cast %mul3A_480 : i32 to index
      %swap3A_651 = tpu.vector_load %arg7[%swap3A_648, %swap3A_649, %swap3A_650] {strides = array<i32>} : memref<4x4x1024xf32, #tpu.memory_space<vmem>>, vector<1x1x16xf32>,
      %swap3A_652 = vector.shape_cast %swap3A_651 : vector<1x1x16xf32> to vector<16xf32>
      %swap3A_653 = vector.shape_cast %add3A_645 : vector<16xf32> to vector<1x1x16xf32>
      tpu.vector_store %arg7[%swap3A_648, %swap3A_649, %swap3A_650], %swap3A_653 {strides = array<i32>} : memref<4x4x1024xf32, #tpu.memory_space<vmem>>, vector<1x1x16xf32>,
      %get3A_654 = arith.constant 2 : i32
      %get3A_655 = arith.constant 2 : i32
      %get3A_656 = arith.index_cast %get3A_654 : i32 to index
      %get3A_657 = arith.index_cast %get3A_655 : i32 to index
      %get3A_658 = arith.index_cast %mul3A_480 : i32 to index
      %get3A_659 = tpu.vector_load %arg7[%get3A_656, %get3A_657, %get3A_658] {strides = array<i32>} : memref<4x4x1024xf32, #tpu.memory_space<vmem>>, vector<1x1x16xf32>,
      %get3A_660 = vector.shape_cast %get3A_659 : vector<1x1x16xf32> to vector<16xf32>
      %add3A_661 = arith.addf %get3A_660, %get3A_621 : vector<16xf32>
      %swap3A_662 = arith.constant 2 : i32
      %swap3A_663 = arith.constant 2 : i32
      %swap3A_664 = arith.index_cast %swap3A_662 : i32 to index
      %swap3A_665 = arith.index_cast %swap3A_663 : i32 to index
      %swap3A_666 = arith.index_cast %mul3A_480 : i32 to index
      %swap3A_667 = tpu.vector_load %arg7[%swap3A_664, %swap3A_665, %swap3A_666] {strides = array<i32>} : memref<4x4x1024xf32, #tpu.memory_space<vmem>>, vector<1x1x16xf32>,
      %swap3A_668 = vector.shape_cast %swap3A_667 : vector<1x1x16xf32> to vector<16xf32>
      %swap3A_669 = vector.shape_cast %add3A_661 : vector<16xf32> to vector<1x1x16xf32>
      tpu.vector_store %arg7[%swap3A_664, %swap3A_665, %swap3A_666], %swap3A_669 {strides = array<i32>} : memref<4x4x1024xf32, #tpu.memory_space<vmem>>, vector<1x1x16xf32>,
      %get3A_670 = arith.constant 2 : i32
      %get3A_671 = arith.constant 3 : i32
      %get3A_672 = arith.index_cast %get3A_670 : i32 to index
      %get3A_673 = arith.index_cast %get3A_671 : i32 to index
      %get3A_674 = arith.index_cast %mul3A_480 : i32 to index
      %get3A_675 = tpu.vector_load %arg7[%get3A_672, %get3A_673, %get3A_674] {strides = array<i32>} : memref<4x4x1024xf32, #tpu.memory_space<vmem>>, vector<1x1x16xf32>,
      %get3A_676 = vector.shape_cast %get3A_675 : vector<1x1x16xf32> to vector<16xf32>
      %add3A_677 = arith.addf %get3A_676, %get3A_621 : vector<16xf32>
      %swap3A_678 = arith.constant 2 : i32
      %swap3A_679 = arith.constant 3 : i32
      %swap3A_680 = arith.index_cast %swap3A_678 : i32 to index
      %swap3A_681 = arith.index_cast %swap3A_679 : i32 to index
      %swap3A_682 = arith.index_cast %mul3A_480 : i32 to index
      %swap3A_683 = tpu.vector_load %arg7[%swap3A_680, %swap3A_681, %swap3A_682] {strides = array<i32>} : memref<4x4x1024xf32, #tpu.memory_space<vmem>>, vector<1x1x16xf32>,
      %swap3A_684 = vector.shape_cast %swap3A_683 : vector<1x1x16xf32> to vector<16xf32>
      %swap3A_685 = vector.shape_cast %add3A_677 : vector<16xf32> to vector<1x1x16xf32>
      tpu.vector_store %arg7[%swap3A_680, %swap3A_681, %swap3A_682], %swap3A_685 {strides = array<i32>} : memref<4x4x1024xf32, #tpu.memory_space<vmem>>, vector<1x1x16xf32>,
      %get3A_686 = arith.constant 3 : i32
      %get3A_687 = arith.index_cast %get3A_686 : i32 to index
      %get3A_688 = arith.index_cast %mul3A_480 : i32 to index
      %get3A_689 = tpu.vector_load %arg11[%get3A_687, %get3A_688] {strides = array<i32>} : memref<4x1024xf32, #tpu.memory_space<vmem>>, vector<1x16xf32>,
      %get3A_690 = vector.shape_cast %get3A_689 : vector<1x16xf32> to vector<16xf32>
      %get3A_691 = arith.constant 3 : i32
      %get3A_692 = arith.constant 0 : i32
      %get3A_693 = arith.index_cast %get3A_691 : i32 to index
      %get3A_694 = arith.index_cast %get3A_692 : i32 to index
      %get3A_695 = arith.index_cast %mul3A_480 : i32 to index
      %get3A_696 = tpu.vector_load %arg7[%get3A_693, %get3A_694, %get3A_695] {strides = array<i32>} : memref<4x4x1024xf32, #tpu.memory_space<vmem>>, vector<1x1x16xf32>,
      %get3A_697 = vector.shape_cast %get3A_696 : vector<1x1x16xf32> to vector<16xf32>
      %add3A_698 = arith.addf %get3A_697, %get3A_690 : vector<16xf32>
      %swap3A_699 = arith.constant 3 : i32
      %swap3A_700 = arith.constant 0 : i32
      %swap3A_701 = arith.index_cast %swap3A_699 : i32 to index
      %swap3A_702 = arith.index_cast %swap3A_700 : i32 to index
      %swap3A_703 = arith.index_cast %mul3A_480 : i32 to index
      %swap3A_704 = tpu.vector_load %arg7[%swap3A_701, %swap3A_702, %swap3A_703] {strides = array<i32>} : memref<4x4x1024xf32, #tpu.memory_space<vmem>>, vector<1x1x16xf32>,
      %swap3A_705 = vector.shape_cast %swap3A_704 : vector<1x1x16xf32> to vector<16xf32>
      %swap3A_706 = vector.shape_cast %add3A_698 : vector<16xf32> to vector<1x1x16xf32>
      tpu.vector_store %arg7[%swap3A_701, %swap3A_702, %swap3A_703], %swap3A_706 {strides = array<i32>} : memref<4x4x1024xf32, #tpu.memory_space<vmem>>, vector<1x1x16xf32>,
      %get3A_707 = arith.constant 3 : i32
      %get3A_708 = arith.constant 1 : i32
      %get3A_709 = arith.index_cast %get3A_707 : i32 to index
      %get3A_710 = arith.index_cast %get3A_708 : i32 to index
      %get3A_711 = arith.index_cast %mul3A_480 : i32 to index
      %get3A_712 = tpu.vector_load %arg7[%get3A_709, %get3A_710, %get3A_711] {strides = array<i32>} : memref<4x4x1024xf32, #tpu.memory_space<vmem>>, vector<1x1x16xf32>,
      %get3A_713 = vector.shape_cast %get3A_712 : vector<1x1x16xf32> to vector<16xf32>
      %add3A_714 = arith.addf %get3A_713, %get3A_690 : vector<16xf32>
      %swap3A_715 = arith.constant 3 : i32
      %swap3A_716 = arith.constant 1 : i32
      %swap3A_717 = arith.index_cast %swap3A_715 : i32 to index
      %swap3A_718 = arith.index_cast %swap3A_716 : i32 to index
      %swap3A_719 = arith.index_cast %mul3A_480 : i32 to index
      %swap3A_720 = tpu.vector_load %arg7[%swap3A_717, %swap3A_718, %swap3A_719] {strides = array<i32>} : memref<4x4x1024xf32, #tpu.memory_space<vmem>>, vector<1x1x16xf32>,
      %swap3A_721 = vector.shape_cast %swap3A_720 : vector<1x1x16xf32> to vector<16xf32>
      %swap3A_722 = vector.shape_cast %add3A_714 : vector<16xf32> to vector<1x1x16xf32>
      tpu.vector_store %arg7[%swap3A_717, %swap3A_718, %swap3A_719], %swap3A_722 {strides = array<i32>} : memref<4x4x1024xf32, #tpu.memory_space<vmem>>, vector<1x1x16xf32>,
      %get3A_723 = arith.constant 3 : i32
      %get3A_724 = arith.constant 2 : i32
      %get3A_725 = arith.index_cast %get3A_723 : i32 to index
      %get3A_726 = arith.index_cast %get3A_724 : i32 to index
      %get3A_727 = arith.index_cast %mul3A_480 : i32 to index
      %get3A_728 = tpu.vector_load %arg7[%get3A_725, %get3A_726, %get3A_727] {strides = array<i32>} : memref<4x4x1024xf32, #tpu.memory_space<vmem>>, vector<1x1x16xf32>,
      %get3A_729 = vector.shape_cast %get3A_728 : vector<1x1x16xf32> to vector<16xf32>
      %add3A_730 = arith.addf %get3A_729, %get3A_690 : vector<16xf32>
      %swap3A_731 = arith.constant 3 : i32
      %swap3A_732 = arith.constant 2 : i32
      %swap3A_733 = arith.index_cast %swap3A_731 : i32 to index
      %swap3A_734 = arith.index_cast %swap3A_732 : i32 to index
      %swap3A_735 = arith.index_cast %mul3A_480 : i32 to index
      %swap3A_736 = tpu.vector_load %arg7[%swap3A_733, %swap3A_734, %swap3A_735] {strides = array<i32>} : memref<4x4x1024xf32, #tpu.memory_space<vmem>>, vector<1x1x16xf32>,
      %swap3A_737 = vector.shape_cast %swap3A_736 : vector<1x1x16xf32> to vector<16xf32>
      %swap3A_738 = vector.shape_cast %add3A_730 : vector<16xf32> to vector<1x1x16xf32>
      tpu.vector_store %arg7[%swap3A_733, %swap3A_734, %swap3A_735], %swap3A_738 {strides = array<i32>} : memref<4x4x1024xf32, #tpu.memory_space<vmem>>, vector<1x1x16xf32>,
      %get3A_739 = arith.constant 3 : i32
      %get3A_740 = arith.constant 3 : i32
      %get3A_741 = arith.index_cast %get3A_739 : i32 to index
      %get3A_742 = arith.index_cast %get3A_740 : i32 to index
      %get3A_743 = arith.index_cast %mul3A_480 : i32 to index
      %get3A_744 = tpu.vector_load %arg7[%get3A_741, %get3A_742, %get3A_743] {strides = array<i32>} : memref<4x4x1024xf32, #tpu.memory_space<vmem>>, vector<1x1x16xf32>,
      %get3A_745 = vector.shape_cast %get3A_744 : vector<1x1x16xf32> to vector<16xf32>
      %add3A_746 = arith.addf %get3A_745, %get3A_690 : vector<16xf32>
      %swap3A_747 = arith.constant 3 : i32
      %swap3A_748 = arith.constant 3 : i32
      %swap3A_749 = arith.index_cast %swap3A_747 : i32 to index
      %swap3A_750 = arith.index_cast %swap3A_748 : i32 to index
      %swap3A_751 = arith.index_cast %mul3A_480 : i32 to index
      %swap3A_752 = tpu.vector_load %arg7[%swap3A_749, %swap3A_750, %swap3A_751] {strides = array<i32>} : memref<4x4x1024xf32, #tpu.memory_space<vmem>>, vector<1x1x16xf32>,
      %swap3A_753 = vector.shape_cast %swap3A_752 : vector<1x1x16xf32> to vector<16xf32>
      %swap3A_754 = vector.shape_cast %add3A_746 : vector<16xf32> to vector<1x1x16xf32>
      tpu.vector_store %arg7[%swap3A_749, %swap3A_750, %swap3A_751], %swap3A_754 {strides = array<i32>} : memref<4x4x1024xf32, #tpu.memory_space<vmem>>, vector<1x1x16xf32>,
    }
    %scan3A_335 = arith.constant 64 : i32
    %add3A_336 = arith.constant 8 : i32
    %add3A_337 = arith.addi %mul3A_2, %add3A_336 : i32
    %dma_start3A_338 = arith.constant 0 : i32
    %dma_start3A_339 = arith.constant 0 : i32
    %dma_start3A_340 = tpu.memref_slice %arg4[%add3A_337, %dma_start3A_338, %dma_start3A_339] : memref<8192x4x1024xf32, #tpu.memory_space<hbm>> -> memref<4x4x1024xf32, #tpu.memory_space<hbm>>
    %dma_start3A_341 = arith.constant 0 : i32
    %dma_start3A_342 = arith.constant 0 : i32
    %dma_start3A_343 = tpu.memref_slice %arg4[%add3A_337, %dma_start3A_341, %dma_start3A_342] : memref<8192x4x1024xf32, #tpu.memory_space<hbm>> -> memref<4x4x1024xf32, #tpu.memory_space<hbm>>
    tpu.enqueue_dma source(%arg7 : memref<4x4x1024xf32, #tpu.memory_space<vmem>>) target(%dma_start3A_343 : memref<4x4x1024xf32, #tpu.memory_space<hbm>>) target_semaphore(%arg23 : memref<!tpu.dma_semaphore, #tpu.memory_space<semaphore_mem>>)
    %dma_wait3A_344 = arith.constant 0 : i32
    %dma_wait3A_345 = arith.constant 0 : i32
    %dma_wait3A_346 = arith.constant 0 : i32
    %dma_wait3A_347 = tpu.memref_slice %arg4[%dma_wait3A_344, %dma_wait3A_345, %dma_wait3A_346] : memref<8192x4x1024xf32, #tpu.memory_space<hbm>> -> memref<4x4x1024xf32, #tpu.memory_space<hbm>>
    %dma_wait3A_348 = arith.constant 0 : i32
    %dma_wait3A_349 = arith.constant 0 : i32
    %dma_wait3A_350 = arith.constant 0 : i32
    %dma_wait3A_351 = tpu.memref_slice %arg4[%dma_wait3A_348, %dma_wait3A_349, %dma_wait3A_350] : memref<8192x4x1024xf32, #tpu.memory_space<hbm>> -> memref<4x4x1024xf32, #tpu.memory_space<hbm>>
    tpu.wait_dma2 semaphore(%arg22 : memref<!tpu.dma_semaphore, #tpu.memory_space<semaphore_mem>>) src(%arg6 : memref<4x4x1024xf32, #tpu.memory_space<vmem>>) dst(%dma_wait3A_351 : memref<4x4x1024xf32, #tpu.memory_space<hbm>>)
    %add3A_352 = arith.constant 20 : i32
    %add3A_353 = arith.addi %mul3A_2, %add3A_352 : i32
    %dma_start3A_354 = arith.constant 0 : i32
    %dma_start3A_355 = arith.constant 0 : i32
    %dma_start3A_356 = arith.constant 0 : i32
    %dma_start3A_357 = tpu.memref_slice %arg6[%dma_start3A_354, %dma_start3A_355, %dma_start3A_356] : memref<4x4x1024xf32, #tpu.memory_space<vmem>> -> memref<2x4x1024xf32, #tpu.memory_space<vmem>>
    %dma_start3A_358 = arith.constant 0 : i32
    %dma_start3A_359 = arith.constant 0 : i32
    %dma_start3A_360 = tpu.memref_slice %arg2[%add3A_353, %dma_start3A_358, %dma_start3A_359] : memref<8192x4x1024xf32, #tpu.memory_space<hbm>> -> memref<2x4x1024xf32, #tpu.memory_space<hbm>>
    %dma_start3A_361 = arith.constant 0 : i32
    %dma_start3A_362 = arith.constant 0 : i32
    %dma_start3A_363 = arith.constant 0 : i32
    %dma_start3A_364 = tpu.memref_slice %arg6[%dma_start3A_361, %dma_start3A_362, %dma_start3A_363] : memref<4x4x1024xf32, #tpu.memory_space<vmem>> -> memref<2x4x1024xf32, #tpu.memory_space<vmem>>
    %dma_start3A_365 = arith.constant 0 : i32
    %dma_start3A_366 = arith.constant 0 : i32
    %dma_start3A_367 = tpu.memref_slice %arg2[%add3A_353, %dma_start3A_365, %dma_start3A_366] : memref<8192x4x1024xf32, #tpu.memory_space<hbm>> -> memref<2x4x1024xf32, #tpu.memory_space<hbm>>
    tpu.enqueue_dma source(%dma_start3A_367 : memref<2x4x1024xf32, #tpu.memory_space<hbm>>) target(%dma_start3A_364 : memref<2x4x1024xf32, #tpu.memory_space<vmem>>) target_semaphore(%arg14 : memref<!tpu.dma_semaphore, #tpu.memory_space<semaphore_mem>>)
    %add3A_368 = arith.constant 2 : i32
    %add3A_369 = arith.addi %add3A_353, %add3A_368 : i32
    %dma_start3A_370 = arith.constant 2 : i32
    %dma_start3A_371 = arith.constant 0 : i32
    %dma_start3A_372 = arith.constant 0 : i32
    %dma_start3A_373 = tpu.memref_slice %arg6[%dma_start3A_370, %dma_start3A_371, %dma_start3A_372] : memref<4x4x1024xf32, #tpu.memory_space<vmem>> -> memref<2x4x1024xf32, #tpu.memory_space<vmem>>
    %dma_start3A_374 = arith.constant 0 : i32
    %dma_start3A_375 = arith.constant 0 : i32
    %dma_start3A_376 = tpu.memref_slice %arg2[%add3A_369, %dma_start3A_374, %dma_start3A_375] : memref<8192x4x1024xf32, #tpu.memory_space<hbm>> -> memref<2x4x1024xf32, #tpu.memory_space<hbm>>
    %dma_start3A_377 = arith.constant 2 : i32
    %dma_start3A_378 = arith.constant 0 : i32
    %dma_start3A_379 = arith.constant 0 : i32
    %dma_start3A_380 = tpu.memref_slice %arg6[%dma_start3A_377, %dma_start3A_378, %dma_start3A_379] : memref<4x4x1024xf32, #tpu.memory_space<vmem>> -> memref<2x4x1024xf32, #tpu.memory_space<vmem>>
    %dma_start3A_381 = arith.constant 0 : i32
    %dma_start3A_382 = arith.constant 0 : i32
    %dma_start3A_383 = tpu.memref_slice %arg2[%add3A_369, %dma_start3A_381, %dma_start3A_382] : memref<8192x4x1024xf32, #tpu.memory_space<hbm>> -> memref<2x4x1024xf32, #tpu.memory_space<hbm>>
    tpu.enqueue_dma source(%dma_start3A_383 : memref<2x4x1024xf32, #tpu.memory_space<hbm>>) target(%dma_start3A_380 : memref<2x4x1024xf32, #tpu.memory_space<vmem>>) target_semaphore(%arg14 : memref<!tpu.dma_semaphore, #tpu.memory_space<semaphore_mem>>)
    %dma_start3A_384 = arith.constant 0 : i32
    %dma_start3A_385 = tpu.memref_slice %arg3[%add3A_353, %dma_start3A_384] : memref<8192x1024xf32, #tpu.memory_space<hbm>> -> memref<4x1024xf32, #tpu.memory_space<hbm>>
    %dma_start3A_386 = arith.constant 0 : i32
    %dma_start3A_387 = tpu.memref_slice %arg3[%add3A_353, %dma_start3A_386] : memref<8192x1024xf32, #tpu.memory_space<hbm>> -> memref<4x1024xf32, #tpu.memory_space<hbm>>
    tpu.enqueue_dma source(%dma_start3A_387 : memref<4x1024xf32, #tpu.memory_space<hbm>>) target(%arg10 : memref<4x1024xf32, #tpu.memory_space<vmem>>) target_semaphore(%arg18 : memref<!tpu.dma_semaphore, #tpu.memory_space<semaphore_mem>>)
    %dma_wait3A_388 = arith.constant 0 : i32
    %dma_wait3A_389 = arith.constant 0 : i32
    %dma_wait3A_390 = arith.constant 0 : i32
    %dma_wait3A_391 = tpu.memref_slice %arg8[%dma_wait3A_388, %dma_wait3A_389, %dma_wait3A_390] : memref<4x4x1024xf32, #tpu.memory_space<vmem>> -> memref<2x4x1024xf32, #tpu.memory_space<vmem>>
    %dma_wait3A_392 = arith.constant 0 : i32
    %dma_wait3A_393 = arith.constant 0 : i32
    %dma_wait3A_394 = arith.constant 0 : i32
    %dma_wait3A_395 = tpu.memref_slice %arg2[%dma_wait3A_392, %dma_wait3A_393, %dma_wait3A_394] : memref<8192x4x1024xf32, #tpu.memory_space<hbm>> -> memref<2x4x1024xf32, #tpu.memory_space<hbm>>
    %dma_wait3A_396 = arith.constant 0 : i32
    %dma_wait3A_397 = arith.constant 0 : i32
    %dma_wait3A_398 = arith.constant 0 : i32
    %dma_wait3A_399 = tpu.memref_slice %arg8[%dma_wait3A_396, %dma_wait3A_397, %dma_wait3A_398] : memref<4x4x1024xf32, #tpu.memory_space<vmem>> -> memref<2x4x1024xf32, #tpu.memory_space<vmem>>
    %dma_wait3A_400 = arith.constant 0 : i32
    %dma_wait3A_401 = arith.constant 0 : i32
    %dma_wait3A_402 = arith.constant 0 : i32
    %dma_wait3A_403 = tpu.memref_slice %arg2[%dma_wait3A_400, %dma_wait3A_401, %dma_wait3A_402] : memref<8192x4x1024xf32, #tpu.memory_space<hbm>> -> memref<2x4x1024xf32, #tpu.memory_space<hbm>>
    tpu.wait_dma2 semaphore(%arg16 : memref<!tpu.dma_semaphore, #tpu.memory_space<semaphore_mem>>) src(%dma_wait3A_403 : memref<2x4x1024xf32, #tpu.memory_space<hbm>>) dst(%dma_wait3A_399 : memref<2x4x1024xf32, #tpu.memory_space<vmem>>)
    %dma_wait3A_404 = arith.constant 2 : i32
    %dma_wait3A_405 = arith.constant 0 : i32
    %dma_wait3A_406 = arith.constant 0 : i32
    %dma_wait3A_407 = tpu.memref_slice %arg8[%dma_wait3A_404, %dma_wait3A_405, %dma_wait3A_406] : memref<4x4x1024xf32, #tpu.memory_space<vmem>> -> memref<2x4x1024xf32, #tpu.memory_space<vmem>>
    %dma_wait3A_408 = arith.constant 0 : i32
    %dma_wait3A_409 = arith.constant 0 : i32
    %dma_wait3A_410 = arith.constant 0 : i32
    %dma_wait3A_411 = tpu.memref_slice %arg2[%dma_wait3A_408, %dma_wait3A_409, %dma_wait3A_410] : memref<8192x4x1024xf32, #tpu.memory_space<hbm>> -> memref<2x4x1024xf32, #tpu.memory_space<hbm>>
    %dma_wait3A_412 = arith.constant 2 : i32
    %dma_wait3A_413 = arith.constant 0 : i32
    %dma_wait3A_414 = arith.constant 0 : i32
    %dma_wait3A_415 = tpu.memref_slice %arg8[%dma_wait3A_412, %dma_wait3A_413, %dma_wait3A_414] : memref<4x4x1024xf32, #tpu.memory_space<vmem>> -> memref<2x4x1024xf32, #tpu.memory_space<vmem>>
    %dma_wait3A_416 = arith.constant 0 : i32
    %dma_wait3A_417 = arith.constant 0 : i32
    %dma_wait3A_418 = arith.constant 0 : i32
    %dma_wait3A_419 = tpu.memref_slice %arg2[%dma_wait3A_416, %dma_wait3A_417, %dma_wait3A_418] : memref<8192x4x1024xf32, #tpu.memory_space<hbm>> -> memref<2x4x1024xf32, #tpu.memory_space<hbm>>
    tpu.wait_dma2 semaphore(%arg16 : memref<!tpu.dma_semaphore, #tpu.memory_space<semaphore_mem>>) src(%dma_wait3A_419 : memref<2x4x1024xf32, #tpu.memory_space<hbm>>) dst(%dma_wait3A_415 : memref<2x4x1024xf32, #tpu.memory_space<vmem>>)
    %dma_wait3A_420 = arith.constant 0 : i32
    %dma_wait3A_421 = arith.constant 0 : i32
    %dma_wait3A_422 = tpu.memref_slice %arg3[%dma_wait3A_420, %dma_wait3A_421] : memref<8192x1024xf32, #tpu.memory_space<hbm>> -> memref<4x1024xf32, #tpu.memory_space<hbm>>
    %dma_wait3A_423 = arith.constant 0 : i32
    %dma_wait3A_424 = arith.constant 0 : i32
    %dma_wait3A_425 = tpu.memref_slice %arg3[%dma_wait3A_423, %dma_wait3A_424] : memref<8192x1024xf32, #tpu.memory_space<hbm>> -> memref<4x1024xf32, #tpu.memory_space<hbm>>
    tpu.wait_dma2 semaphore(%arg20 : memref<!tpu.dma_semaphore, #tpu.memory_space<semaphore_mem>>) src(%dma_wait3A_425 : memref<4x1024xf32, #tpu.memory_space<hbm>>) dst(%arg12 : memref<4x1024xf32, #tpu.memory_space<vmem>>)
    %scan3A_426 = arith.constant 0 : i32
    %scan3A_427 = arith.constant 0 : i32
    %scan3A_428 = arith.constant 64 : i32
    %scan3A_429 = arith.addi %scan3A_427, %scan3A_428 : i32
    %scan3A_430 = arith.constant 1 : i32
    scf.for %scan3A_478 = %scan3A_427 to %scan3A_429 step %scan3A_430  : i32 {
      %mul3A_479 = arith.constant 16 : i32
      %mul3A_480 = arith.muli %scan3A_478, %mul3A_479 : i32
      %get3A = arith.constant 0 : i32
      %get3A_481 = arith.index_cast %get3A : i32 to index
      %get3A_482 = arith.index_cast %mul3A_480 : i32 to index
      %get3A_483 = tpu.vector_load %arg12[%get3A_481, %get3A_482] {strides = array<i32>} : memref<4x1024xf32, #tpu.memory_space<vmem>>, vector<1x16xf32>,
      %get3A_484 = vector.shape_cast %get3A_483 : vector<1x16xf32> to vector<16xf32>
      %get3A_485 = arith.constant 0 : i32
      %get3A_486 = arith.constant 0 : i32
      %get3A_487 = arith.index_cast %get3A_485 : i32 to index
      %get3A_488 = arith.index_cast %get3A_486 : i32 to index
      %get3A_489 = arith.index_cast %mul3A_480 : i32 to index
      %get3A_490 = tpu.vector_load %arg8[%get3A_487, %get3A_488, %get3A_489] {strides = array<i32>} : memref<4x4x1024xf32, #tpu.memory_space<vmem>>, vector<1x1x16xf32>,
      %get3A_491 = vector.shape_cast %get3A_490 : vector<1x1x16xf32> to vector<16xf32>
      %add3A_492 = arith.addf %get3A_491, %get3A_484 : vector<16xf32>
      %swap3A = arith.constant 0 : i32
      %swap3A_493 = arith.constant 0 : i32
      %swap3A_494 = arith.index_cast %swap3A : i32 to index
      %swap3A_495 = arith.index_cast %swap3A_493 : i32 to index
      %swap3A_496 = arith.index_cast %mul3A_480 : i32 to index
      %swap3A_497 = tpu.vector_load %arg8[%swap3A_494, %swap3A_495, %swap3A_496] {strides = array<i32>} : memref<4x4x1024xf32, #tpu.memory_space<vmem>>, vector<1x1x16xf32>,
      %swap3A_498 = vector.shape_cast %swap3A_497 : vector<1x1x16xf32> to vector<16xf32>
      %swap3A_499 = vector.shape_cast %add3A_492 : vector<16xf32> to vector<1x1x16xf32>
      tpu.vector_store %arg8[%swap3A_494, %swap3A_495, %swap3A_496], %swap3A_499 {strides = array<i32>} : memref<4x4x1024xf32, #tpu.memory_space<vmem>>, vector<1x1x16xf32>,
      %get3A_500 = arith.constant 0 : i32
      %get3A_501 = arith.constant 1 : i32
      %get3A_502 = arith.index_cast %get3A_500 : i32 to index
      %get3A_503 = arith.index_cast %get3A_501 : i32 to index
      %get3A_504 = arith.index_cast %mul3A_480 : i32 to index
      %get3A_505 = tpu.vector_load %arg8[%get3A_502, %get3A_503, %get3A_504] {strides = array<i32>} : memref<4x4x1024xf32, #tpu.memory_space<vmem>>, vector<1x1x16xf32>,
      %get3A_506 = vector.shape_cast %get3A_505 : vector<1x1x16xf32> to vector<16xf32>
      %add3A_507 = arith.addf %get3A_506, %get3A_484 : vector<16xf32>
      %swap3A_508 = arith.constant 0 : i32
      %swap3A_509 = arith.constant 1 : i32
      %swap3A_510 = arith.index_cast %swap3A_508 : i32 to index
      %swap3A_511 = arith.index_cast %swap3A_509 : i32 to index
      %swap3A_512 = arith.index_cast %mul3A_480 : i32 to index
      %swap3A_513 = tpu.vector_load %arg8[%swap3A_510, %swap3A_511, %swap3A_512] {strides = array<i32>} : memref<4x4x1024xf32, #tpu.memory_space<vmem>>, vector<1x1x16xf32>,
      %swap3A_514 = vector.shape_cast %swap3A_513 : vector<1x1x16xf32> to vector<16xf32>
      %swap3A_515 = vector.shape_cast %add3A_507 : vector<16xf32> to vector<1x1x16xf32>
      tpu.vector_store %arg8[%swap3A_510, %swap3A_511, %swap3A_512], %swap3A_515 {strides = array<i32>} : memref<4x4x1024xf32, #tpu.memory_space<vmem>>, vector<1x1x16xf32>,
      %get3A_516 = arith.constant 0 : i32
      %get3A_517 = arith.constant 2 : i32
      %get3A_518 = arith.index_cast %get3A_516 : i32 to index
      %get3A_519 = arith.index_cast %get3A_517 : i32 to index
      %get3A_520 = arith.index_cast %mul3A_480 : i32 to index
      %get3A_521 = tpu.vector_load %arg8[%get3A_518, %get3A_519, %get3A_520] {strides = array<i32>} : memref<4x4x1024xf32, #tpu.memory_space<vmem>>, vector<1x1x16xf32>,
      %get3A_522 = vector.shape_cast %get3A_521 : vector<1x1x16xf32> to vector<16xf32>
      %add3A_523 = arith.addf %get3A_522, %get3A_484 : vector<16xf32>
      %swap3A_524 = arith.constant 0 : i32
      %swap3A_525 = arith.constant 2 : i32
      %swap3A_526 = arith.index_cast %swap3A_524 : i32 to index
      %swap3A_527 = arith.index_cast %swap3A_525 : i32 to index
      %swap3A_528 = arith.index_cast %mul3A_480 : i32 to index
      %swap3A_529 = tpu.vector_load %arg8[%swap3A_526, %swap3A_527, %swap3A_528] {strides = array<i32>} : memref<4x4x1024xf32, #tpu.memory_space<vmem>>, vector<1x1x16xf32>,
      %swap3A_530 = vector.shape_cast %swap3A_529 : vector<1x1x16xf32> to vector<16xf32>
      %swap3A_531 = vector.shape_cast %add3A_523 : vector<16xf32> to vector<1x1x16xf32>
      tpu.vector_store %arg8[%swap3A_526, %swap3A_527, %swap3A_528], %swap3A_531 {strides = array<i32>} : memref<4x4x1024xf32, #tpu.memory_space<vmem>>, vector<1x1x16xf32>,
      %get3A_532 = arith.constant 0 : i32
      %get3A_533 = arith.constant 3 : i32
      %get3A_534 = arith.index_cast %get3A_532 : i32 to index
      %get3A_535 = arith.index_cast %get3A_533 : i32 to index
      %get3A_536 = arith.index_cast %mul3A_480 : i32 to index
      %get3A_537 = tpu.vector_load %arg8[%get3A_534, %get3A_535, %get3A_536] {strides = array<i32>} : memref<4x4x1024xf32, #tpu.memory_space<vmem>>, vector<1x1x16xf32>,
      %get3A_538 = vector.shape_cast %get3A_537 : vector<1x1x16xf32> to vector<16xf32>
      %add3A_539 = arith.addf %get3A_538, %get3A_484 : vector<16xf32>
      %swap3A_540 = arith.constant 0 : i32
      %swap3A_541 = arith.constant 3 : i32
      %swap3A_542 = arith.index_cast %swap3A_540 : i32 to index
      %swap3A_543 = arith.index_cast %swap3A_541 : i32 to index
      %swap3A_544 = arith.index_cast %mul3A_480 : i32 to index
      %swap3A_545 = tpu.vector_load %arg8[%swap3A_542, %swap3A_543, %swap3A_544] {strides = array<i32>} : memref<4x4x1024xf32, #tpu.memory_space<vmem>>, vector<1x1x16xf32>,
      %swap3A_546 = vector.shape_cast %swap3A_545 : vector<1x1x16xf32> to vector<16xf32>
      %swap3A_547 = vector.shape_cast %add3A_539 : vector<16xf32> to vector<1x1x16xf32>
      tpu.vector_store %arg8[%swap3A_542, %swap3A_543, %swap3A_544], %swap3A_547 {strides = array<i32>} : memref<4x4x1024xf32, #tpu.memory_space<vmem>>, vector<1x1x16xf32>,
      %get3A_548 = arith.constant 1 : i32
      %get3A_549 = arith.index_cast %get3A_548 : i32 to index
      %get3A_550 = arith.index_cast %mul3A_480 : i32 to index
      %get3A_551 = tpu.vector_load %arg12[%get3A_549, %get3A_550] {strides = array<i32>} : memref<4x1024xf32, #tpu.memory_space<vmem>>, vector<1x16xf32>,
      %get3A_552 = vector.shape_cast %get3A_551 : vector<1x16xf32> to vector<16xf32>
      %get3A_553 = arith.constant 1 : i32
      %get3A_554 = arith.constant 0 : i32
      %get3A_555 = arith.index_cast %get3A_553 : i32 to index
      %get3A_556 = arith.index_cast %get3A_554 : i32 to index
      %get3A_557 = arith.index_cast %mul3A_480 : i32 to index
      %get3A_558 = tpu.vector_load %arg8[%get3A_555, %get3A_556, %get3A_557] {strides = array<i32>} : memref<4x4x1024xf32, #tpu.memory_space<vmem>>, vector<1x1x16xf32>,
      %get3A_559 = vector.shape_cast %get3A_558 : vector<1x1x16xf32> to vector<16xf32>
      %add3A_560 = arith.addf %get3A_559, %get3A_552 : vector<16xf32>
      %swap3A_561 = arith.constant 1 : i32
      %swap3A_562 = arith.constant 0 : i32
      %swap3A_563 = arith.index_cast %swap3A_561 : i32 to index
      %swap3A_564 = arith.index_cast %swap3A_562 : i32 to index
      %swap3A_565 = arith.index_cast %mul3A_480 : i32 to index
      %swap3A_566 = tpu.vector_load %arg8[%swap3A_563, %swap3A_564, %swap3A_565] {strides = array<i32>} : memref<4x4x1024xf32, #tpu.memory_space<vmem>>, vector<1x1x16xf32>,
      %swap3A_567 = vector.shape_cast %swap3A_566 : vector<1x1x16xf32> to vector<16xf32>
      %swap3A_568 = vector.shape_cast %add3A_560 : vector<16xf32> to vector<1x1x16xf32>
      tpu.vector_store %arg8[%swap3A_563, %swap3A_564, %swap3A_565], %swap3A_568 {strides = array<i32>} : memref<4x4x1024xf32, #tpu.memory_space<vmem>>, vector<1x1x16xf32>,
      %get3A_569 = arith.constant 1 : i32
      %get3A_570 = arith.constant 1 : i32
      %get3A_571 = arith.index_cast %get3A_569 : i32 to index
      %get3A_572 = arith.index_cast %get3A_570 : i32 to index
      %get3A_573 = arith.index_cast %mul3A_480 : i32 to index
      %get3A_574 = tpu.vector_load %arg8[%get3A_571, %get3A_572, %get3A_573] {strides = array<i32>} : memref<4x4x1024xf32, #tpu.memory_space<vmem>>, vector<1x1x16xf32>,
      %get3A_575 = vector.shape_cast %get3A_574 : vector<1x1x16xf32> to vector<16xf32>
      %add3A_576 = arith.addf %get3A_575, %get3A_552 : vector<16xf32>
      %swap3A_577 = arith.constant 1 : i32
      %swap3A_578 = arith.constant 1 : i32
      %swap3A_579 = arith.index_cast %swap3A_577 : i32 to index
      %swap3A_580 = arith.index_cast %swap3A_578 : i32 to index
      %swap3A_581 = arith.index_cast %mul3A_480 : i32 to index
      %swap3A_582 = tpu.vector_load %arg8[%swap3A_579, %swap3A_580, %swap3A_581] {strides = array<i32>} : memref<4x4x1024xf32, #tpu.memory_space<vmem>>, vector<1x1x16xf32>,
      %swap3A_583 = vector.shape_cast %swap3A_582 : vector<1x1x16xf32> to vector<16xf32>
      %swap3A_584 = vector.shape_cast %add3A_576 : vector<16xf32> to vector<1x1x16xf32>
      tpu.vector_store %arg8[%swap3A_579, %swap3A_580, %swap3A_581], %swap3A_584 {strides = array<i32>} : memref<4x4x1024xf32, #tpu.memory_space<vmem>>, vector<1x1x16xf32>,
      %get3A_585 = arith.constant 1 : i32
      %get3A_586 = arith.constant 2 : i32
      %get3A_587 = arith.index_cast %get3A_585 : i32 to index
      %get3A_588 = arith.index_cast %get3A_586 : i32 to index
      %get3A_589 = arith.index_cast %mul3A_480 : i32 to index
      %get3A_590 = tpu.vector_load %arg8[%get3A_587, %get3A_588, %get3A_589] {strides = array<i32>} : memref<4x4x1024xf32, #tpu.memory_space<vmem>>, vector<1x1x16xf32>,
      %get3A_591 = vector.shape_cast %get3A_590 : vector<1x1x16xf32> to vector<16xf32>
      %add3A_592 = arith.addf %get3A_591, %get3A_552 : vector<16xf32>
      %swap3A_593 = arith.constant 1 : i32
      %swap3A_594 = arith.constant 2 : i32
      %swap3A_595 = arith.index_cast %swap3A_593 : i32 to index
      %swap3A_596 = arith.index_cast %swap3A_594 : i32 to index
      %swap3A_597 = arith.index_cast %mul3A_480 : i32 to index
      %swap3A_598 = tpu.vector_load %arg8[%swap3A_595, %swap3A_596, %swap3A_597] {strides = array<i32>} : memref<4x4x1024xf32, #tpu.memory_space<vmem>>, vector<1x1x16xf32>,
      %swap3A_599 = vector.shape_cast %swap3A_598 : vector<1x1x16xf32> to vector<16xf32>
      %swap3A_600 = vector.shape_cast %add3A_592 : vector<16xf32> to vector<1x1x16xf32>
      tpu.vector_store %arg8[%swap3A_595, %swap3A_596, %swap3A_597], %swap3A_600 {strides = array<i32>} : memref<4x4x1024xf32, #tpu.memory_space<vmem>>, vector<1x1x16xf32>,
      %get3A_601 = arith.constant 1 : i32
      %get3A_602 = arith.constant 3 : i32
      %get3A_603 = arith.index_cast %get3A_601 : i32 to index
      %get3A_604 = arith.index_cast %get3A_602 : i32 to index
      %get3A_605 = arith.index_cast %mul3A_480 : i32 to index
      %get3A_606 = tpu.vector_load %arg8[%get3A_603, %get3A_604, %get3A_605] {strides = array<i32>} : memref<4x4x1024xf32, #tpu.memory_space<vmem>>, vector<1x1x16xf32>,
      %get3A_607 = vector.shape_cast %get3A_606 : vector<1x1x16xf32> to vector<16xf32>
      %add3A_608 = arith.addf %get3A_607, %get3A_552 : vector<16xf32>
      %swap3A_609 = arith.constant 1 : i32
      %swap3A_610 = arith.constant 3 : i32
      %swap3A_611 = arith.index_cast %swap3A_609 : i32 to index
      %swap3A_612 = arith.index_cast %swap3A_610 : i32 to index
      %swap3A_613 = arith.index_cast %mul3A_480 : i32 to index
      %swap3A_614 = tpu.vector_load %arg8[%swap3A_611, %swap3A_612, %swap3A_613] {strides = array<i32>} : memref<4x4x1024xf32, #tpu.memory_space<vmem>>, vector<1x1x16xf32>,
      %swap3A_615 = vector.shape_cast %swap3A_614 : vector<1x1x16xf32> to vector<16xf32>
      %swap3A_616 = vector.shape_cast %add3A_608 : vector<16xf32> to vector<1x1x16xf32>
      tpu.vector_store %arg8[%swap3A_611, %swap3A_612, %swap3A_613], %swap3A_616 {strides = array<i32>} : memref<4x4x1024xf32, #tpu.memory_space<vmem>>, vector<1x1x16xf32>,
      %get3A_617 = arith.constant 2 : i32
      %get3A_618 = arith.index_cast %get3A_617 : i32 to index
      %get3A_619 = arith.index_cast %mul3A_480 : i32 to index
      %get3A_620 = tpu.vector_load %arg12[%get3A_618, %get3A_619] {strides = array<i32>} : memref<4x1024xf32, #tpu.memory_space<vmem>>, vector<1x16xf32>,
      %get3A_621 = vector.shape_cast %get3A_620 : vector<1x16xf32> to vector<16xf32>
      %get3A_622 = arith.constant 2 : i32
      %get3A_623 = arith.constant 0 : i32
      %get3A_624 = arith.index_cast %get3A_622 : i32 to index
      %get3A_625 = arith.index_cast %get3A_623 : i32 to index
      %get3A_626 = arith.index_cast %mul3A_480 : i32 to index
      %get3A_627 = tpu.vector_load %arg8[%get3A_624, %get3A_625, %get3A_626] {strides = array<i32>} : memref<4x4x1024xf32, #tpu.memory_space<vmem>>, vector<1x1x16xf32>,
      %get3A_628 = vector.shape_cast %get3A_627 : vector<1x1x16xf32> to vector<16xf32>
      %add3A_629 = arith.addf %get3A_628, %get3A_621 : vector<16xf32>
      %swap3A_630 = arith.constant 2 : i32
      %swap3A_631 = arith.constant 0 : i32
      %swap3A_632 = arith.index_cast %swap3A_630 : i32 to index
      %swap3A_633 = arith.index_cast %swap3A_631 : i32 to index
      %swap3A_634 = arith.index_cast %mul3A_480 : i32 to index
      %swap3A_635 = tpu.vector_load %arg8[%swap3A_632, %swap3A_633, %swap3A_634] {strides = array<i32>} : memref<4x4x1024xf32, #tpu.memory_space<vmem>>, vector<1x1x16xf32>,
      %swap3A_636 = vector.shape_cast %swap3A_635 : vector<1x1x16xf32> to vector<16xf32>
      %swap3A_637 = vector.shape_cast %add3A_629 : vector<16xf32> to vector<1x1x16xf32>
      tpu.vector_store %arg8[%swap3A_632, %swap3A_633, %swap3A_634], %swap3A_637 {strides = array<i32>} : memref<4x4x1024xf32, #tpu.memory_space<vmem>>, vector<1x1x16xf32>,
      %get3A_638 = arith.constant 2 : i32
      %get3A_639 = arith.constant 1 : i32
      %get3A_640 = arith.index_cast %get3A_638 : i32 to index
      %get3A_641 = arith.index_cast %get3A_639 : i32 to index
      %get3A_642 = arith.index_cast %mul3A_480 : i32 to index
      %get3A_643 = tpu.vector_load %arg8[%get3A_640, %get3A_641, %get3A_642] {strides = array<i32>} : memref<4x4x1024xf32, #tpu.memory_space<vmem>>, vector<1x1x16xf32>,
      %get3A_644 = vector.shape_cast %get3A_643 : vector<1x1x16xf32> to vector<16xf32>
      %add3A_645 = arith.addf %get3A_644, %get3A_621 : vector<16xf32>
      %swap3A_646 = arith.constant 2 : i32
      %swap3A_647 = arith.constant 1 : i32
      %swap3A_648 = arith.index_cast %swap3A_646 : i32 to index
      %swap3A_649 = arith.index_cast %swap3A_647 : i32 to index
      %swap3A_650 = arith.index_cast %mul3A_480 : i32 to index
      %swap3A_651 = tpu.vector_load %arg8[%swap3A_648, %swap3A_649, %swap3A_650] {strides = array<i32>} : memref<4x4x1024xf32, #tpu.memory_space<vmem>>, vector<1x1x16xf32>,
      %swap3A_652 = vector.shape_cast %swap3A_651 : vector<1x1x16xf32> to vector<16xf32>
      %swap3A_653 = vector.shape_cast %add3A_645 : vector<16xf32> to vector<1x1x16xf32>
      tpu.vector_store %arg8[%swap3A_648, %swap3A_649, %swap3A_650], %swap3A_653 {strides = array<i32>} : memref<4x4x1024xf32, #tpu.memory_space<vmem>>, vector<1x1x16xf32>,
      %get3A_654 = arith.constant 2 : i32
      %get3A_655 = arith.constant 2 : i32
      %get3A_656 = arith.index_cast %get3A_654 : i32 to index
      %get3A_657 = arith.index_cast %get3A_655 : i32 to index
      %get3A_658 = arith.index_cast %mul3A_480 : i32 to index
      %get3A_659 = tpu.vector_load %arg8[%get3A_656, %get3A_657, %get3A_658] {strides = array<i32>} : memref<4x4x1024xf32, #tpu.memory_space<vmem>>, vector<1x1x16xf32>,
      %get3A_660 = vector.shape_cast %get3A_659 : vector<1x1x16xf32> to vector<16xf32>
      %add3A_661 = arith.addf %get3A_660, %get3A_621 : vector<16xf32>
      %swap3A_662 = arith.constant 2 : i32
      %swap3A_663 = arith.constant 2 : i32
      %swap3A_664 = arith.index_cast %swap3A_662 : i32 to index
      %swap3A_665 = arith.index_cast %swap3A_663 : i32 to index
      %swap3A_666 = arith.index_cast %mul3A_480 : i32 to index
      %swap3A_667 = tpu.vector_load %arg8[%swap3A_664, %swap3A_665, %swap3A_666] {strides = array<i32>} : memref<4x4x1024xf32, #tpu.memory_space<vmem>>, vector<1x1x16xf32>,
      %swap3A_668 = vector.shape_cast %swap3A_667 : vector<1x1x16xf32> to vector<16xf32>
      %swap3A_669 = vector.shape_cast %add3A_661 : vector<16xf32> to vector<1x1x16xf32>
      tpu.vector_store %arg8[%swap3A_664, %swap3A_665, %swap3A_666], %swap3A_669 {strides = array<i32>} : memref<4x4x1024xf32, #tpu.memory_space<vmem>>, vector<1x1x16xf32>,
      %get3A_670 = arith.constant 2 : i32
      %get3A_671 = arith.constant 3 : i32
      %get3A_672 = arith.index_cast %get3A_670 : i32 to index
      %get3A_673 = arith.index_cast %get3A_671 : i32 to index
      %get3A_674 = arith.index_cast %mul3A_480 : i32 to index
      %get3A_675 = tpu.vector_load %arg8[%get3A_672, %get3A_673, %get3A_674] {strides = array<i32>} : memref<4x4x1024xf32, #tpu.memory_space<vmem>>, vector<1x1x16xf32>,
      %get3A_676 = vector.shape_cast %get3A_675 : vector<1x1x16xf32> to vector<16xf32>
      %add3A_677 = arith.addf %get3A_676, %get3A_621 : vector<16xf32>
      %swap3A_678 = arith.constant 2 : i32
      %swap3A_679 = arith.constant 3 : i32
      %swap3A_680 = arith.index_cast %swap3A_678 : i32 to index
      %swap3A_681 = arith.index_cast %swap3A_679 : i32 to index
      %swap3A_682 = arith.index_cast %mul3A_480 : i32 to index
      %swap3A_683 = tpu.vector_load %arg8[%swap3A_680, %swap3A_681, %swap3A_682] {strides = array<i32>} : memref<4x4x1024xf32, #tpu.memory_space<vmem>>, vector<1x1x16xf32>,
      %swap3A_684 = vector.shape_cast %swap3A_683 : vector<1x1x16xf32> to vector<16xf32>
      %swap3A_685 = vector.shape_cast %add3A_677 : vector<16xf32> to vector<1x1x16xf32>
      tpu.vector_store %arg8[%swap3A_680, %swap3A_681, %swap3A_682], %swap3A_685 {strides = array<i32>} : memref<4x4x1024xf32, #tpu.memory_space<vmem>>, vector<1x1x16xf32>,
      %get3A_686 = arith.constant 3 : i32
      %get3A_687 = arith.index_cast %get3A_686 : i32 to index
      %get3A_688 = arith.index_cast %mul3A_480 : i32 to index
      %get3A_689 = tpu.vector_load %arg12[%get3A_687, %get3A_688] {strides = array<i32>} : memref<4x1024xf32, #tpu.memory_space<vmem>>, vector<1x16xf32>,
      %get3A_690 = vector.shape_cast %get3A_689 : vector<1x16xf32> to vector<16xf32>
      %get3A_691 = arith.constant 3 : i32
      %get3A_692 = arith.constant 0 : i32
      %get3A_693 = arith.index_cast %get3A_691 : i32 to index
      %get3A_694 = arith.index_cast %get3A_692 : i32 to index
      %get3A_695 = arith.index_cast %mul3A_480 : i32 to index
      %get3A_696 = tpu.vector_load %arg8[%get3A_693, %get3A_694, %get3A_695] {strides = array<i32>} : memref<4x4x1024xf32, #tpu.memory_space<vmem>>, vector<1x1x16xf32>,
      %get3A_697 = vector.shape_cast %get3A_696 : vector<1x1x16xf32> to vector<16xf32>
      %add3A_698 = arith.addf %get3A_697, %get3A_690 : vector<16xf32>
      %swap3A_699 = arith.constant 3 : i32
      %swap3A_700 = arith.constant 0 : i32
      %swap3A_701 = arith.index_cast %swap3A_699 : i32 to index
      %swap3A_702 = arith.index_cast %swap3A_700 : i32 to index
      %swap3A_703 = arith.index_cast %mul3A_480 : i32 to index
      %swap3A_704 = tpu.vector_load %arg8[%swap3A_701, %swap3A_702, %swap3A_703] {strides = array<i32>} : memref<4x4x1024xf32, #tpu.memory_space<vmem>>, vector<1x1x16xf32>,
      %swap3A_705 = vector.shape_cast %swap3A_704 : vector<1x1x16xf32> to vector<16xf32>
      %swap3A_706 = vector.shape_cast %add3A_698 : vector<16xf32> to vector<1x1x16xf32>
      tpu.vector_store %arg8[%swap3A_701, %swap3A_702, %swap3A_703], %swap3A_706 {strides = array<i32>} : memref<4x4x1024xf32, #tpu.memory_space<vmem>>, vector<1x1x16xf32>,
      %get3A_707 = arith.constant 3 : i32
      %get3A_708 = arith.constant 1 : i32
      %get3A_709 = arith.index_cast %get3A_707 : i32 to index
      %get3A_710 = arith.index_cast %get3A_708 : i32 to index
      %get3A_711 = arith.index_cast %mul3A_480 : i32 to index
      %get3A_712 = tpu.vector_load %arg8[%get3A_709, %get3A_710, %get3A_711] {strides = array<i32>} : memref<4x4x1024xf32, #tpu.memory_space<vmem>>, vector<1x1x16xf32>,
      %get3A_713 = vector.shape_cast %get3A_712 : vector<1x1x16xf32> to vector<16xf32>
      %add3A_714 = arith.addf %get3A_713, %get3A_690 : vector<16xf32>
      %swap3A_715 = arith.constant 3 : i32
      %swap3A_716 = arith.constant 1 : i32
      %swap3A_717 = arith.index_cast %swap3A_715 : i32 to index
      %swap3A_718 = arith.index_cast %swap3A_716 : i32 to index
      %swap3A_719 = arith.index_cast %mul3A_480 : i32 to index
      %swap3A_720 = tpu.vector_load %arg8[%swap3A_717, %swap3A_718, %swap3A_719] {strides = array<i32>} : memref<4x4x1024xf32, #tpu.memory_space<vmem>>, vector<1x1x16xf32>,
      %swap3A_721 = vector.shape_cast %swap3A_720 : vector<1x1x16xf32> to vector<16xf32>
      %swap3A_722 = vector.shape_cast %add3A_714 : vector<16xf32> to vector<1x1x16xf32>
      tpu.vector_store %arg8[%swap3A_717, %swap3A_718, %swap3A_719], %swap3A_722 {strides = array<i32>} : memref<4x4x1024xf32, #tpu.memory_space<vmem>>, vector<1x1x16xf32>,
      %get3A_723 = arith.constant 3 : i32
      %get3A_724 = arith.constant 2 : i32
      %get3A_725 = arith.index_cast %get3A_723 : i32 to index
      %get3A_726 = arith.index_cast %get3A_724 : i32 to index
      %get3A_727 = arith.index_cast %mul3A_480 : i32 to index
      %get3A_728 = tpu.vector_load %arg8[%get3A_725, %get3A_726, %get3A_727] {strides = array<i32>} : memref<4x4x1024xf32, #tpu.memory_space<vmem>>, vector<1x1x16xf32>,
      %get3A_729 = vector.shape_cast %get3A_728 : vector<1x1x16xf32> to vector<16xf32>
      %add3A_730 = arith.addf %get3A_729, %get3A_690 : vector<16xf32>
      %swap3A_731 = arith.constant 3 : i32
      %swap3A_732 = arith.constant 2 : i32
      %swap3A_733 = arith.index_cast %swap3A_731 : i32 to index
      %swap3A_734 = arith.index_cast %swap3A_732 : i32 to index
      %swap3A_735 = arith.index_cast %mul3A_480 : i32 to index
      %swap3A_736 = tpu.vector_load %arg8[%swap3A_733, %swap3A_734, %swap3A_735] {strides = array<i32>} : memref<4x4x1024xf32, #tpu.memory_space<vmem>>, vector<1x1x16xf32>,
      %swap3A_737 = vector.shape_cast %swap3A_736 : vector<1x1x16xf32> to vector<16xf32>
      %swap3A_738 = vector.shape_cast %add3A_730 : vector<16xf32> to vector<1x1x16xf32>
      tpu.vector_store %arg8[%swap3A_733, %swap3A_734, %swap3A_735], %swap3A_738 {strides = array<i32>} : memref<4x4x1024xf32, #tpu.memory_space<vmem>>, vector<1x1x16xf32>,
      %get3A_739 = arith.constant 3 : i32
      %get3A_740 = arith.constant 3 : i32
      %get3A_741 = arith.index_cast %get3A_739 : i32 to index
      %get3A_742 = arith.index_cast %get3A_740 : i32 to index
      %get3A_743 = arith.index_cast %mul3A_480 : i32 to index
      %get3A_744 = tpu.vector_load %arg8[%get3A_741, %get3A_742, %get3A_743] {strides = array<i32>} : memref<4x4x1024xf32, #tpu.memory_space<vmem>>, vector<1x1x16xf32>,
      %get3A_745 = vector.shape_cast %get3A_744 : vector<1x1x16xf32> to vector<16xf32>
      %add3A_746 = arith.addf %get3A_745, %get3A_690 : vector<16xf32>
      %swap3A_747 = arith.constant 3 : i32
      %swap3A_748 = arith.constant 3 : i32
      %swap3A_749 = arith.index_cast %swap3A_747 : i32 to index
      %swap3A_750 = arith.index_cast %swap3A_748 : i32 to index
      %swap3A_751 = arith.index_cast %mul3A_480 : i32 to index
      %swap3A_752 = tpu.vector_load %arg8[%swap3A_749, %swap3A_750, %swap3A_751] {strides = array<i32>} : memref<4x4x1024xf32, #tpu.memory_space<vmem>>, vector<1x1x16xf32>,
      %swap3A_753 = vector.shape_cast %swap3A_752 : vector<1x1x16xf32> to vector<16xf32>
      %swap3A_754 = vector.shape_cast %add3A_746 : vector<16xf32> to vector<1x1x16xf32>
      tpu.vector_store %arg8[%swap3A_749, %swap3A_750, %swap3A_751], %swap3A_754 {strides = array<i32>} : memref<4x4x1024xf32, #tpu.memory_space<vmem>>, vector<1x1x16xf32>,
    }
    %scan3A_431 = arith.constant 64 : i32
    %add3A_432 = arith.constant 12 : i32
    %add3A_433 = arith.addi %mul3A_2, %add3A_432 : i32
    %dma_start3A_434 = arith.constant 0 : i32
    %dma_start3A_435 = arith.constant 0 : i32
    %dma_start3A_436 = tpu.memref_slice %arg4[%add3A_433, %dma_start3A_434, %dma_start3A_435] : memref<8192x4x1024xf32, #tpu.memory_space<hbm>> -> memref<4x4x1024xf32, #tpu.memory_space<hbm>>
    %dma_start3A_437 = arith.constant 0 : i32
    %dma_start3A_438 = arith.constant 0 : i32
    %dma_start3A_439 = tpu.memref_slice %arg4[%add3A_433, %dma_start3A_437, %dma_start3A_438] : memref<8192x4x1024xf32, #tpu.memory_space<hbm>> -> memref<4x4x1024xf32, #tpu.memory_space<hbm>>
    tpu.enqueue_dma source(%arg8 : memref<4x4x1024xf32, #tpu.memory_space<vmem>>) target(%dma_start3A_439 : memref<4x4x1024xf32, #tpu.memory_space<hbm>>) target_semaphore(%arg24 : memref<!tpu.dma_semaphore, #tpu.memory_space<semaphore_mem>>)
    %scan3A_440 = arith.constant 0 : i32
    %scan3A_441 = arith.constant 1 : i32
    %scan3A_442 = arith.constant 15 : i32
    %scan3A_443 = arith.addi %scan3A_441, %scan3A_442 : i32
    %scan3A_444 = arith.constant 1 : i32
    scf.for %scan3A_478 = %scan3A_441 to %scan3A_443 step %scan3A_444  : i32 {
      %mul3A_479 = arith.constant 4 : i32
      %mul3A_480 = arith.muli %scan3A_478, %mul3A_479 : i32
      %add3A_481 = arith.constant 0 : i32
      %add3A_482 = arith.addi %mul3A_480, %add3A_481 : i32
      %add3A_483 = arith.constant 2 : i32
      %add3A_484 = arith.addi %add3A_482, %add3A_483 : i32
      %lt3A = arith.constant 64 : i32
      %lt3A_485 = arith.cmpi slt, %add3A_484, %lt3A : i32
      %convert_element_type3A = arith.extui %lt3A_485 : i1 to i32
      %cond3A = arith.constant 0 : i32
      %cond3A_486 = arith.cmpi ne, %convert_element_type3A, %cond3A : i32
      scf.if %cond3A_486 {
        %dma_wait3A_732 = arith.constant 0 : i32
        %dma_wait3A_733 = arith.constant 0 : i32
        %dma_wait3A_734 = arith.constant 0 : i32
        %dma_wait3A_735 = tpu.memref_slice %arg4[%dma_wait3A_732, %dma_wait3A_733, %dma_wait3A_734] : memref<8192x4x1024xf32, #tpu.memory_space<hbm>> -> memref<4x4x1024xf32, #tpu.memory_space<hbm>>
        %dma_wait3A_736 = arith.constant 0 : i32
        %dma_wait3A_737 = arith.constant 0 : i32
        %dma_wait3A_738 = arith.constant 0 : i32
        %dma_wait3A_739 = tpu.memref_slice %arg4[%dma_wait3A_736, %dma_wait3A_737, %dma_wait3A_738] : memref<8192x4x1024xf32, #tpu.memory_space<hbm>> -> memref<4x4x1024xf32, #tpu.memory_space<hbm>>
        tpu.wait_dma2 semaphore(%arg23 : memref<!tpu.dma_semaphore, #tpu.memory_space<semaphore_mem>>) src(%arg7 : memref<4x4x1024xf32, #tpu.memory_space<vmem>>) dst(%dma_wait3A_739 : memref<4x4x1024xf32, #tpu.memory_space<hbm>>)
        %add3A_740 = arith.constant 2 : i32
        %add3A_741 = arith.addi %add3A_482, %add3A_740 : i32
        %mul3A_742 = arith.constant 4 : i32
        %mul3A_743 = arith.muli %add3A_741, %mul3A_742 : i32
        %add3A_744 = arith.addi %mul3A_2, %mul3A_743 : i32
        %dma_start3A_745 = arith.constant 0 : i32
        %dma_start3A_746 = arith.constant 0 : i32
        %dma_start3A_747 = arith.constant 0 : i32
        %dma_start3A_748 = tpu.memref_slice %arg7[%dma_start3A_745, %dma_start3A_746, %dma_start3A_747] : memref<4x4x1024xf32, #tpu.memory_space<vmem>> -> memref<2x4x1024xf32, #tpu.memory_space<vmem>>
        %dma_start3A_749 = arith.constant 0 : i32
        %dma_start3A_750 = arith.constant 0 : i32
        %dma_start3A_751 = tpu.memref_slice %arg2[%add3A_744, %dma_start3A_749, %dma_start3A_750] : memref<8192x4x1024xf32, #tpu.memory_space<hbm>> -> memref<2x4x1024xf32, #tpu.memory_space<hbm>>
        %dma_start3A_752 = arith.constant 0 : i32
        %dma_start3A_753 = arith.constant 0 : i32
        %dma_start3A_754 = arith.constant 0 : i32
        %dma_start3A_755 = tpu.memref_slice %arg7[%dma_start3A_752, %dma_start3A_753, %dma_start3A_754] : memref<4x4x1024xf32, #tpu.memory_space<vmem>> -> memref<2x4x1024xf32, #tpu.memory_space<vmem>>
        %dma_start3A_756 = arith.constant 0 : i32
        %dma_start3A_757 = arith.constant 0 : i32
        %dma_start3A_758 = tpu.memref_slice %arg2[%add3A_744, %dma_start3A_756, %dma_start3A_757] : memref<8192x4x1024xf32, #tpu.memory_space<hbm>> -> memref<2x4x1024xf32, #tpu.memory_space<hbm>>
        tpu.enqueue_dma source(%dma_start3A_758 : memref<2x4x1024xf32, #tpu.memory_space<hbm>>) target(%dma_start3A_755 : memref<2x4x1024xf32, #tpu.memory_space<vmem>>) target_semaphore(%arg15 : memref<!tpu.dma_semaphore, #tpu.memory_space<semaphore_mem>>)
        %add3A_759 = arith.constant 2 : i32
        %add3A_760 = arith.addi %add3A_744, %add3A_759 : i32
        %dma_start3A_761 = arith.constant 2 : i32
        %dma_start3A_762 = arith.constant 0 : i32
        %dma_start3A_763 = arith.constant 0 : i32
        %dma_start3A_764 = tpu.memref_slice %arg7[%dma_start3A_761, %dma_start3A_762, %dma_start3A_763] : memref<4x4x1024xf32, #tpu.memory_space<vmem>> -> memref<2x4x1024xf32, #tpu.memory_space<vmem>>
        %dma_start3A_765 = arith.constant 0 : i32
        %dma_start3A_766 = arith.constant 0 : i32
        %dma_start3A_767 = tpu.memref_slice %arg2[%add3A_760, %dma_start3A_765, %dma_start3A_766] : memref<8192x4x1024xf32, #tpu.memory_space<hbm>> -> memref<2x4x1024xf32, #tpu.memory_space<hbm>>
        %dma_start3A_768 = arith.constant 2 : i32
        %dma_start3A_769 = arith.constant 0 : i32
        %dma_start3A_770 = arith.constant 0 : i32
        %dma_start3A_771 = tpu.memref_slice %arg7[%dma_start3A_768, %dma_start3A_769, %dma_start3A_770] : memref<4x4x1024xf32, #tpu.memory_space<vmem>> -> memref<2x4x1024xf32, #tpu.memory_space<vmem>>
        %dma_start3A_772 = arith.constant 0 : i32
        %dma_start3A_773 = arith.constant 0 : i32
        %dma_start3A_774 = tpu.memref_slice %arg2[%add3A_760, %dma_start3A_772, %dma_start3A_773] : memref<8192x4x1024xf32, #tpu.memory_space<hbm>> -> memref<2x4x1024xf32, #tpu.memory_space<hbm>>
        tpu.enqueue_dma source(%dma_start3A_774 : memref<2x4x1024xf32, #tpu.memory_space<hbm>>) target(%dma_start3A_771 : memref<2x4x1024xf32, #tpu.memory_space<vmem>>) target_semaphore(%arg15 : memref<!tpu.dma_semaphore, #tpu.memory_space<semaphore_mem>>)
        %dma_start3A_775 = arith.constant 0 : i32
        %dma_start3A_776 = tpu.memref_slice %arg3[%add3A_744, %dma_start3A_775] : memref<8192x1024xf32, #tpu.memory_space<hbm>> -> memref<4x1024xf32, #tpu.memory_space<hbm>>
        %dma_start3A_777 = arith.constant 0 : i32
        %dma_start3A_778 = tpu.memref_slice %arg3[%add3A_744, %dma_start3A_777] : memref<8192x1024xf32, #tpu.memory_space<hbm>> -> memref<4x1024xf32, #tpu.memory_space<hbm>>
        tpu.enqueue_dma source(%dma_start3A_778 : memref<4x1024xf32, #tpu.memory_space<hbm>>) target(%arg11 : memref<4x1024xf32, #tpu.memory_space<vmem>>) target_semaphore(%arg19 : memref<!tpu.dma_semaphore, #tpu.memory_space<semaphore_mem>>)
      } else {
      }
      %dma_wait3A_487 = arith.constant 0 : i32
      %dma_wait3A_488 = arith.constant 0 : i32
      %dma_wait3A_489 = arith.constant 0 : i32
      %dma_wait3A_490 = tpu.memref_slice %arg5[%dma_wait3A_487, %dma_wait3A_488, %dma_wait3A_489] : memref<4x4x1024xf32, #tpu.memory_space<vmem>> -> memref<2x4x1024xf32, #tpu.memory_space<vmem>>
      %dma_wait3A_491 = arith.constant 0 : i32
      %dma_wait3A_492 = arith.constant 0 : i32
      %dma_wait3A_493 = arith.constant 0 : i32
      %dma_wait3A_494 = tpu.memref_slice %arg2[%dma_wait3A_491, %dma_wait3A_492, %dma_wait3A_493] : memref<8192x4x1024xf32, #tpu.memory_space<hbm>> -> memref<2x4x1024xf32, #tpu.memory_space<hbm>>
      %dma_wait3A_495 = arith.constant 0 : i32
      %dma_wait3A_496 = arith.constant 0 : i32
      %dma_wait3A_497 = arith.constant 0 : i32
      %dma_wait3A_498 = tpu.memref_slice %arg5[%dma_wait3A_495, %dma_wait3A_496, %dma_wait3A_497] : memref<4x4x1024xf32, #tpu.memory_space<vmem>> -> memref<2x4x1024xf32, #tpu.memory_space<vmem>>
      %dma_wait3A_499 = arith.constant 0 : i32
      %dma_wait3A_500 = arith.constant 0 : i32
      %dma_wait3A_501 = arith.constant 0 : i32
      %dma_wait3A_502 = tpu.memref_slice %arg2[%dma_wait3A_499, %dma_wait3A_500, %dma_wait3A_501] : memref<8192x4x1024xf32, #tpu.memory_space<hbm>> -> memref<2x4x1024xf32, #tpu.memory_space<hbm>>
      tpu.wait_dma2 semaphore(%arg13 : memref<!tpu.dma_semaphore, #tpu.memory_space<semaphore_mem>>) src(%dma_wait3A_502 : memref<2x4x1024xf32, #tpu.memory_space<hbm>>) dst(%dma_wait3A_498 : memref<2x4x1024xf32, #tpu.memory_space<vmem>>)
      %dma_wait3A_503 = arith.constant 2 : i32
      %dma_wait3A_504 = arith.constant 0 : i32
      %dma_wait3A_505 = arith.constant 0 : i32
      %dma_wait3A_506 = tpu.memref_slice %arg5[%dma_wait3A_503, %dma_wait3A_504, %dma_wait3A_505] : memref<4x4x1024xf32, #tpu.memory_space<vmem>> -> memref<2x4x1024xf32, #tpu.memory_space<vmem>>
      %dma_wait3A_507 = arith.constant 0 : i32
      %dma_wait3A_508 = arith.constant 0 : i32
      %dma_wait3A_509 = arith.constant 0 : i32
      %dma_wait3A_510 = tpu.memref_slice %arg2[%dma_wait3A_507, %dma_wait3A_508, %dma_wait3A_509] : memref<8192x4x1024xf32, #tpu.memory_space<hbm>> -> memref<2x4x1024xf32, #tpu.memory_space<hbm>>
      %dma_wait3A_511 = arith.constant 2 : i32
      %dma_wait3A_512 = arith.constant 0 : i32
      %dma_wait3A_513 = arith.constant 0 : i32
      %dma_wait3A_514 = tpu.memref_slice %arg5[%dma_wait3A_511, %dma_wait3A_512, %dma_wait3A_513] : memref<4x4x1024xf32, #tpu.memory_space<vmem>> -> memref<2x4x1024xf32, #tpu.memory_space<vmem>>
      %dma_wait3A_515 = arith.constant 0 : i32
      %dma_wait3A_516 = arith.constant 0 : i32
      %dma_wait3A_517 = arith.constant 0 : i32
      %dma_wait3A_518 = tpu.memref_slice %arg2[%dma_wait3A_515, %dma_wait3A_516, %dma_wait3A_517] : memref<8192x4x1024xf32, #tpu.memory_space<hbm>> -> memref<2x4x1024xf32, #tpu.memory_space<hbm>>
      tpu.wait_dma2 semaphore(%arg13 : memref<!tpu.dma_semaphore, #tpu.memory_space<semaphore_mem>>) src(%dma_wait3A_518 : memref<2x4x1024xf32, #tpu.memory_space<hbm>>) dst(%dma_wait3A_514 : memref<2x4x1024xf32, #tpu.memory_space<vmem>>)
      %dma_wait3A_519 = arith.constant 0 : i32
      %dma_wait3A_520 = arith.constant 0 : i32
      %dma_wait3A_521 = tpu.memref_slice %arg3[%dma_wait3A_519, %dma_wait3A_520] : memref<8192x1024xf32, #tpu.memory_space<hbm>> -> memref<4x1024xf32, #tpu.memory_space<hbm>>
      %dma_wait3A_522 = arith.constant 0 : i32
      %dma_wait3A_523 = arith.constant 0 : i32
      %dma_wait3A_524 = tpu.memref_slice %arg3[%dma_wait3A_522, %dma_wait3A_523] : memref<8192x1024xf32, #tpu.memory_space<hbm>> -> memref<4x1024xf32, #tpu.memory_space<hbm>>
      tpu.wait_dma2 semaphore(%arg17 : memref<!tpu.dma_semaphore, #tpu.memory_space<semaphore_mem>>) src(%dma_wait3A_524 : memref<4x1024xf32, #tpu.memory_space<hbm>>) dst(%arg9 : memref<4x1024xf32, #tpu.memory_space<vmem>>)
      %scan3A_525 = arith.constant 0 : i32
      %scan3A_526 = arith.constant 0 : i32
      %scan3A_527 = arith.constant 64 : i32
      %scan3A_528 = arith.addi %scan3A_526, %scan3A_527 : i32
      %scan3A_529 = arith.constant 1 : i32
      scf.for %scan3A_732 = %scan3A_526 to %scan3A_528 step %scan3A_529  : i32 {
        %mul3A_733 = arith.constant 16 : i32
        %mul3A_734 = arith.muli %scan3A_732, %mul3A_733 : i32
        %get3A = arith.constant 0 : i32
        %get3A_735 = arith.index_cast %get3A : i32 to index
        %get3A_736 = arith.index_cast %mul3A_734 : i32 to index
        %get3A_737 = tpu.vector_load %arg9[%get3A_735, %get3A_736] {strides = array<i32>} : memref<4x1024xf32, #tpu.memory_space<vmem>>, vector<1x16xf32>,
        %get3A_738 = vector.shape_cast %get3A_737 : vector<1x16xf32> to vector<16xf32>
        %get3A_739 = arith.constant 0 : i32
        %get3A_740 = arith.constant 0 : i32
        %get3A_741 = arith.index_cast %get3A_739 : i32 to index
        %get3A_742 = arith.index_cast %get3A_740 : i32 to index
        %get3A_743 = arith.index_cast %mul3A_734 : i32 to index
        %get3A_744 = tpu.vector_load %arg5[%get3A_741, %get3A_742, %get3A_743] {strides = array<i32>} : memref<4x4x1024xf32, #tpu.memory_space<vmem>>, vector<1x1x16xf32>,
        %get3A_745 = vector.shape_cast %get3A_744 : vector<1x1x16xf32> to vector<16xf32>
        %add3A_746 = arith.addf %get3A_745, %get3A_738 : vector<16xf32>
        %swap3A = arith.constant 0 : i32
        %swap3A_747 = arith.constant 0 : i32
        %swap3A_748 = arith.index_cast %swap3A : i32 to index
        %swap3A_749 = arith.index_cast %swap3A_747 : i32 to index
        %swap3A_750 = arith.index_cast %mul3A_734 : i32 to index
        %swap3A_751 = tpu.vector_load %arg5[%swap3A_748, %swap3A_749, %swap3A_750] {strides = array<i32>} : memref<4x4x1024xf32, #tpu.memory_space<vmem>>, vector<1x1x16xf32>,
        %swap3A_752 = vector.shape_cast %swap3A_751 : vector<1x1x16xf32> to vector<16xf32>
        %swap3A_753 = vector.shape_cast %add3A_746 : vector<16xf32> to vector<1x1x16xf32>
        tpu.vector_store %arg5[%swap3A_748, %swap3A_749, %swap3A_750], %swap3A_753 {strides = array<i32>} : memref<4x4x1024xf32, #tpu.memory_space<vmem>>, vector<1x1x16xf32>,
        %get3A_754 = arith.constant 0 : i32
        %get3A_755 = arith.constant 1 : i32
        %get3A_756 = arith.index_cast %get3A_754 : i32 to index
        %get3A_757 = arith.index_cast %get3A_755 : i32 to index
        %get3A_758 = arith.index_cast %mul3A_734 : i32 to index
        %get3A_759 = tpu.vector_load %arg5[%get3A_756, %get3A_757, %get3A_758] {strides = array<i32>} : memref<4x4x1024xf32, #tpu.memory_space<vmem>>, vector<1x1x16xf32>,
        %get3A_760 = vector.shape_cast %get3A_759 : vector<1x1x16xf32> to vector<16xf32>
        %add3A_761 = arith.addf %get3A_760, %get3A_738 : vector<16xf32>
        %swap3A_762 = arith.constant 0 : i32
        %swap3A_763 = arith.constant 1 : i32
        %swap3A_764 = arith.index_cast %swap3A_762 : i32 to index
        %swap3A_765 = arith.index_cast %swap3A_763 : i32 to index
        %swap3A_766 = arith.index_cast %mul3A_734 : i32 to index
        %swap3A_767 = tpu.vector_load %arg5[%swap3A_764, %swap3A_765, %swap3A_766] {strides = array<i32>} : memref<4x4x1024xf32, #tpu.memory_space<vmem>>, vector<1x1x16xf32>,
        %swap3A_768 = vector.shape_cast %swap3A_767 : vector<1x1x16xf32> to vector<16xf32>
        %swap3A_769 = vector.shape_cast %add3A_761 : vector<16xf32> to vector<1x1x16xf32>
        tpu.vector_store %arg5[%swap3A_764, %swap3A_765, %swap3A_766], %swap3A_769 {strides = array<i32>} : memref<4x4x1024xf32, #tpu.memory_space<vmem>>, vector<1x1x16xf32>,
        %get3A_770 = arith.constant 0 : i32
        %get3A_771 = arith.constant 2 : i32
        %get3A_772 = arith.index_cast %get3A_770 : i32 to index
        %get3A_773 = arith.index_cast %get3A_771 : i32 to index
        %get3A_774 = arith.index_cast %mul3A_734 : i32 to index
        %get3A_775 = tpu.vector_load %arg5[%get3A_772, %get3A_773, %get3A_774] {strides = array<i32>} : memref<4x4x1024xf32, #tpu.memory_space<vmem>>, vector<1x1x16xf32>,
        %get3A_776 = vector.shape_cast %get3A_775 : vector<1x1x16xf32> to vector<16xf32>
        %add3A_777 = arith.addf %get3A_776, %get3A_738 : vector<16xf32>
        %swap3A_778 = arith.constant 0 : i32
        %swap3A_779 = arith.constant 2 : i32
        %swap3A_780 = arith.index_cast %swap3A_778 : i32 to index
        %swap3A_781 = arith.index_cast %swap3A_779 : i32 to index
        %swap3A_782 = arith.index_cast %mul3A_734 : i32 to index
        %swap3A_783 = tpu.vector_load %arg5[%swap3A_780, %swap3A_781, %swap3A_782] {strides = array<i32>} : memref<4x4x1024xf32, #tpu.memory_space<vmem>>, vector<1x1x16xf32>,
        %swap3A_784 = vector.shape_cast %swap3A_783 : vector<1x1x16xf32> to vector<16xf32>
        %swap3A_785 = vector.shape_cast %add3A_777 : vector<16xf32> to vector<1x1x16xf32>
        tpu.vector_store %arg5[%swap3A_780, %swap3A_781, %swap3A_782], %swap3A_785 {strides = array<i32>} : memref<4x4x1024xf32, #tpu.memory_space<vmem>>, vector<1x1x16xf32>,
        %get3A_786 = arith.constant 0 : i32
        %get3A_787 = arith.constant 3 : i32
        %get3A_788 = arith.index_cast %get3A_786 : i32 to index
        %get3A_789 = arith.index_cast %get3A_787 : i32 to index
        %get3A_790 = arith.index_cast %mul3A_734 : i32 to index
        %get3A_791 = tpu.vector_load %arg5[%get3A_788, %get3A_789, %get3A_790] {strides = array<i32>} : memref<4x4x1024xf32, #tpu.memory_space<vmem>>, vector<1x1x16xf32>,
        %get3A_792 = vector.shape_cast %get3A_791 : vector<1x1x16xf32> to vector<16xf32>
        %add3A_793 = arith.addf %get3A_792, %get3A_738 : vector<16xf32>
        %swap3A_794 = arith.constant 0 : i32
        %swap3A_795 = arith.constant 3 : i32
        %swap3A_796 = arith.index_cast %swap3A_794 : i32 to index
        %swap3A_797 = arith.index_cast %swap3A_795 : i32 to index
        %swap3A_798 = arith.index_cast %mul3A_734 : i32 to index
        %swap3A_799 = tpu.vector_load %arg5[%swap3A_796, %swap3A_797, %swap3A_798] {strides = array<i32>} : memref<4x4x1024xf32, #tpu.memory_space<vmem>>, vector<1x1x16xf32>,
        %swap3A_800 = vector.shape_cast %swap3A_799 : vector<1x1x16xf32> to vector<16xf32>
        %swap3A_801 = vector.shape_cast %add3A_793 : vector<16xf32> to vector<1x1x16xf32>
        tpu.vector_store %arg5[%swap3A_796, %swap3A_797, %swap3A_798], %swap3A_801 {strides = array<i32>} : memref<4x4x1024xf32, #tpu.memory_space<vmem>>, vector<1x1x16xf32>,
        %get3A_802 = arith.constant 1 : i32
        %get3A_803 = arith.index_cast %get3A_802 : i32 to index
        %get3A_804 = arith.index_cast %mul3A_734 : i32 to index
        %get3A_805 = tpu.vector_load %arg9[%get3A_803, %get3A_804] {strides = array<i32>} : memref<4x1024xf32, #tpu.memory_space<vmem>>, vector<1x16xf32>,
        %get3A_806 = vector.shape_cast %get3A_805 : vector<1x16xf32> to vector<16xf32>
        %get3A_807 = arith.constant 1 : i32
        %get3A_808 = arith.constant 0 : i32
        %get3A_809 = arith.index_cast %get3A_807 : i32 to index
        %get3A_810 = arith.index_cast %get3A_808 : i32 to index
        %get3A_811 = arith.index_cast %mul3A_734 : i32 to index
        %get3A_812 = tpu.vector_load %arg5[%get3A_809, %get3A_810, %get3A_811] {strides = array<i32>} : memref<4x4x1024xf32, #tpu.memory_space<vmem>>, vector<1x1x16xf32>,
        %get3A_813 = vector.shape_cast %get3A_812 : vector<1x1x16xf32> to vector<16xf32>
        %add3A_814 = arith.addf %get3A_813, %get3A_806 : vector<16xf32>
        %swap3A_815 = arith.constant 1 : i32
        %swap3A_816 = arith.constant 0 : i32
        %swap3A_817 = arith.index_cast %swap3A_815 : i32 to index
        %swap3A_818 = arith.index_cast %swap3A_816 : i32 to index
        %swap3A_819 = arith.index_cast %mul3A_734 : i32 to index
        %swap3A_820 = tpu.vector_load %arg5[%swap3A_817, %swap3A_818, %swap3A_819] {strides = array<i32>} : memref<4x4x1024xf32, #tpu.memory_space<vmem>>, vector<1x1x16xf32>,
        %swap3A_821 = vector.shape_cast %swap3A_820 : vector<1x1x16xf32> to vector<16xf32>
        %swap3A_822 = vector.shape_cast %add3A_814 : vector<16xf32> to vector<1x1x16xf32>
        tpu.vector_store %arg5[%swap3A_817, %swap3A_818, %swap3A_819], %swap3A_822 {strides = array<i32>} : memref<4x4x1024xf32, #tpu.memory_space<vmem>>, vector<1x1x16xf32>,
        %get3A_823 = arith.constant 1 : i32
        %get3A_824 = arith.constant 1 : i32
        %get3A_825 = arith.index_cast %get3A_823 : i32 to index
        %get3A_826 = arith.index_cast %get3A_824 : i32 to index
        %get3A_827 = arith.index_cast %mul3A_734 : i32 to index
        %get3A_828 = tpu.vector_load %arg5[%get3A_825, %get3A_826, %get3A_827] {strides = array<i32>} : memref<4x4x1024xf32, #tpu.memory_space<vmem>>, vector<1x1x16xf32>,
        %get3A_829 = vector.shape_cast %get3A_828 : vector<1x1x16xf32> to vector<16xf32>
        %add3A_830 = arith.addf %get3A_829, %get3A_806 : vector<16xf32>
        %swap3A_831 = arith.constant 1 : i32
        %swap3A_832 = arith.constant 1 : i32
        %swap3A_833 = arith.index_cast %swap3A_831 : i32 to index
        %swap3A_834 = arith.index_cast %swap3A_832 : i32 to index
        %swap3A_835 = arith.index_cast %mul3A_734 : i32 to index
        %swap3A_836 = tpu.vector_load %arg5[%swap3A_833, %swap3A_834, %swap3A_835] {strides = array<i32>} : memref<4x4x1024xf32, #tpu.memory_space<vmem>>, vector<1x1x16xf32>,
        %swap3A_837 = vector.shape_cast %swap3A_836 : vector<1x1x16xf32> to vector<16xf32>
        %swap3A_838 = vector.shape_cast %add3A_830 : vector<16xf32> to vector<1x1x16xf32>
        tpu.vector_store %arg5[%swap3A_833, %swap3A_834, %swap3A_835], %swap3A_838 {strides = array<i32>} : memref<4x4x1024xf32, #tpu.memory_space<vmem>>, vector<1x1x16xf32>,
        %get3A_839 = arith.constant 1 : i32
        %get3A_840 = arith.constant 2 : i32
        %get3A_841 = arith.index_cast %get3A_839 : i32 to index
        %get3A_842 = arith.index_cast %get3A_840 : i32 to index
        %get3A_843 = arith.index_cast %mul3A_734 : i32 to index
        %get3A_844 = tpu.vector_load %arg5[%get3A_841, %get3A_842, %get3A_843] {strides = array<i32>} : memref<4x4x1024xf32, #tpu.memory_space<vmem>>, vector<1x1x16xf32>,
        %get3A_845 = vector.shape_cast %get3A_844 : vector<1x1x16xf32> to vector<16xf32>
        %add3A_846 = arith.addf %get3A_845, %get3A_806 : vector<16xf32>
        %swap3A_847 = arith.constant 1 : i32
        %swap3A_848 = arith.constant 2 : i32
        %swap3A_849 = arith.index_cast %swap3A_847 : i32 to index
        %swap3A_850 = arith.index_cast %swap3A_848 : i32 to index
        %swap3A_851 = arith.index_cast %mul3A_734 : i32 to index
        %swap3A_852 = tpu.vector_load %arg5[%swap3A_849, %swap3A_850, %swap3A_851] {strides = array<i32>} : memref<4x4x1024xf32, #tpu.memory_space<vmem>>, vector<1x1x16xf32>,
        %swap3A_853 = vector.shape_cast %swap3A_852 : vector<1x1x16xf32> to vector<16xf32>
        %swap3A_854 = vector.shape_cast %add3A_846 : vector<16xf32> to vector<1x1x16xf32>
        tpu.vector_store %arg5[%swap3A_849, %swap3A_850, %swap3A_851], %swap3A_854 {strides = array<i32>} : memref<4x4x1024xf32, #tpu.memory_space<vmem>>, vector<1x1x16xf32>,
        %get3A_855 = arith.constant 1 : i32
        %get3A_856 = arith.constant 3 : i32
        %get3A_857 = arith.index_cast %get3A_855 : i32 to index
        %get3A_858 = arith.index_cast %get3A_856 : i32 to index
        %get3A_859 = arith.index_cast %mul3A_734 : i32 to index
        %get3A_860 = tpu.vector_load %arg5[%get3A_857, %get3A_858, %get3A_859] {strides = array<i32>} : memref<4x4x1024xf32, #tpu.memory_space<vmem>>, vector<1x1x16xf32>,
        %get3A_861 = vector.shape_cast %get3A_860 : vector<1x1x16xf32> to vector<16xf32>
        %add3A_862 = arith.addf %get3A_861, %get3A_806 : vector<16xf32>
        %swap3A_863 = arith.constant 1 : i32
        %swap3A_864 = arith.constant 3 : i32
        %swap3A_865 = arith.index_cast %swap3A_863 : i32 to index
        %swap3A_866 = arith.index_cast %swap3A_864 : i32 to index
        %swap3A_867 = arith.index_cast %mul3A_734 : i32 to index
        %swap3A_868 = tpu.vector_load %arg5[%swap3A_865, %swap3A_866, %swap3A_867] {strides = array<i32>} : memref<4x4x1024xf32, #tpu.memory_space<vmem>>, vector<1x1x16xf32>,
        %swap3A_869 = vector.shape_cast %swap3A_868 : vector<1x1x16xf32> to vector<16xf32>
        %swap3A_870 = vector.shape_cast %add3A_862 : vector<16xf32> to vector<1x1x16xf32>
        tpu.vector_store %arg5[%swap3A_865, %swap3A_866, %swap3A_867], %swap3A_870 {strides = array<i32>} : memref<4x4x1024xf32, #tpu.memory_space<vmem>>, vector<1x1x16xf32>,
        %get3A_871 = arith.constant 2 : i32
        %get3A_872 = arith.index_cast %get3A_871 : i32 to index
        %get3A_873 = arith.index_cast %mul3A_734 : i32 to index
        %get3A_874 = tpu.vector_load %arg9[%get3A_872, %get3A_873] {strides = array<i32>} : memref<4x1024xf32, #tpu.memory_space<vmem>>, vector<1x16xf32>,
        %get3A_875 = vector.shape_cast %get3A_874 : vector<1x16xf32> to vector<16xf32>
        %get3A_876 = arith.constant 2 : i32
        %get3A_877 = arith.constant 0 : i32
        %get3A_878 = arith.index_cast %get3A_876 : i32 to index
        %get3A_879 = arith.index_cast %get3A_877 : i32 to index
        %get3A_880 = arith.index_cast %mul3A_734 : i32 to index
        %get3A_881 = tpu.vector_load %arg5[%get3A_878, %get3A_879, %get3A_880] {strides = array<i32>} : memref<4x4x1024xf32, #tpu.memory_space<vmem>>, vector<1x1x16xf32>,
        %get3A_882 = vector.shape_cast %get3A_881 : vector<1x1x16xf32> to vector<16xf32>
        %add3A_883 = arith.addf %get3A_882, %get3A_875 : vector<16xf32>
        %swap3A_884 = arith.constant 2 : i32
        %swap3A_885 = arith.constant 0 : i32
        %swap3A_886 = arith.index_cast %swap3A_884 : i32 to index
        %swap3A_887 = arith.index_cast %swap3A_885 : i32 to index
        %swap3A_888 = arith.index_cast %mul3A_734 : i32 to index
        %swap3A_889 = tpu.vector_load %arg5[%swap3A_886, %swap3A_887, %swap3A_888] {strides = array<i32>} : memref<4x4x1024xf32, #tpu.memory_space<vmem>>, vector<1x1x16xf32>,
        %swap3A_890 = vector.shape_cast %swap3A_889 : vector<1x1x16xf32> to vector<16xf32>
        %swap3A_891 = vector.shape_cast %add3A_883 : vector<16xf32> to vector<1x1x16xf32>
        tpu.vector_store %arg5[%swap3A_886, %swap3A_887, %swap3A_888], %swap3A_891 {strides = array<i32>} : memref<4x4x1024xf32, #tpu.memory_space<vmem>>, vector<1x1x16xf32>,
        %get3A_892 = arith.constant 2 : i32
        %get3A_893 = arith.constant 1 : i32
        %get3A_894 = arith.index_cast %get3A_892 : i32 to index
        %get3A_895 = arith.index_cast %get3A_893 : i32 to index
        %get3A_896 = arith.index_cast %mul3A_734 : i32 to index
        %get3A_897 = tpu.vector_load %arg5[%get3A_894, %get3A_895, %get3A_896] {strides = array<i32>} : memref<4x4x1024xf32, #tpu.memory_space<vmem>>, vector<1x1x16xf32>,
        %get3A_898 = vector.shape_cast %get3A_897 : vector<1x1x16xf32> to vector<16xf32>
        %add3A_899 = arith.addf %get3A_898, %get3A_875 : vector<16xf32>
        %swap3A_900 = arith.constant 2 : i32
        %swap3A_901 = arith.constant 1 : i32
        %swap3A_902 = arith.index_cast %swap3A_900 : i32 to index
        %swap3A_903 = arith.index_cast %swap3A_901 : i32 to index
        %swap3A_904 = arith.index_cast %mul3A_734 : i32 to index
        %swap3A_905 = tpu.vector_load %arg5[%swap3A_902, %swap3A_903, %swap3A_904] {strides = array<i32>} : memref<4x4x1024xf32, #tpu.memory_space<vmem>>, vector<1x1x16xf32>,
        %swap3A_906 = vector.shape_cast %swap3A_905 : vector<1x1x16xf32> to vector<16xf32>
        %swap3A_907 = vector.shape_cast %add3A_899 : vector<16xf32> to vector<1x1x16xf32>
        tpu.vector_store %arg5[%swap3A_902, %swap3A_903, %swap3A_904], %swap3A_907 {strides = array<i32>} : memref<4x4x1024xf32, #tpu.memory_space<vmem>>, vector<1x1x16xf32>,
        %get3A_908 = arith.constant 2 : i32
        %get3A_909 = arith.constant 2 : i32
        %get3A_910 = arith.index_cast %get3A_908 : i32 to index
        %get3A_911 = arith.index_cast %get3A_909 : i32 to index
        %get3A_912 = arith.index_cast %mul3A_734 : i32 to index
        %get3A_913 = tpu.vector_load %arg5[%get3A_910, %get3A_911, %get3A_912] {strides = array<i32>} : memref<4x4x1024xf32, #tpu.memory_space<vmem>>, vector<1x1x16xf32>,
        %get3A_914 = vector.shape_cast %get3A_913 : vector<1x1x16xf32> to vector<16xf32>
        %add3A_915 = arith.addf %get3A_914, %get3A_875 : vector<16xf32>
        %swap3A_916 = arith.constant 2 : i32
        %swap3A_917 = arith.constant 2 : i32
        %swap3A_918 = arith.index_cast %swap3A_916 : i32 to index
        %swap3A_919 = arith.index_cast %swap3A_917 : i32 to index
        %swap3A_920 = arith.index_cast %mul3A_734 : i32 to index
        %swap3A_921 = tpu.vector_load %arg5[%swap3A_918, %swap3A_919, %swap3A_920] {strides = array<i32>} : memref<4x4x1024xf32, #tpu.memory_space<vmem>>, vector<1x1x16xf32>,
        %swap3A_922 = vector.shape_cast %swap3A_921 : vector<1x1x16xf32> to vector<16xf32>
        %swap3A_923 = vector.shape_cast %add3A_915 : vector<16xf32> to vector<1x1x16xf32>
        tpu.vector_store %arg5[%swap3A_918, %swap3A_919, %swap3A_920], %swap3A_923 {strides = array<i32>} : memref<4x4x1024xf32, #tpu.memory_space<vmem>>, vector<1x1x16xf32>,
        %get3A_924 = arith.constant 2 : i32
        %get3A_925 = arith.constant 3 : i32
        %get3A_926 = arith.index_cast %get3A_924 : i32 to index
        %get3A_927 = arith.index_cast %get3A_925 : i32 to index
        %get3A_928 = arith.index_cast %mul3A_734 : i32 to index
        %get3A_929 = tpu.vector_load %arg5[%get3A_926, %get3A_927, %get3A_928] {strides = array<i32>} : memref<4x4x1024xf32, #tpu.memory_space<vmem>>, vector<1x1x16xf32>,
        %get3A_930 = vector.shape_cast %get3A_929 : vector<1x1x16xf32> to vector<16xf32>
        %add3A_931 = arith.addf %get3A_930, %get3A_875 : vector<16xf32>
        %swap3A_932 = arith.constant 2 : i32
        %swap3A_933 = arith.constant 3 : i32
        %swap3A_934 = arith.index_cast %swap3A_932 : i32 to index
        %swap3A_935 = arith.index_cast %swap3A_933 : i32 to index
        %swap3A_936 = arith.index_cast %mul3A_734 : i32 to index
        %swap3A_937 = tpu.vector_load %arg5[%swap3A_934, %swap3A_935, %swap3A_936] {strides = array<i32>} : memref<4x4x1024xf32, #tpu.memory_space<vmem>>, vector<1x1x16xf32>,
        %swap3A_938 = vector.shape_cast %swap3A_937 : vector<1x1x16xf32> to vector<16xf32>
        %swap3A_939 = vector.shape_cast %add3A_931 : vector<16xf32> to vector<1x1x16xf32>
        tpu.vector_store %arg5[%swap3A_934, %swap3A_935, %swap3A_936], %swap3A_939 {strides = array<i32>} : memref<4x4x1024xf32, #tpu.memory_space<vmem>>, vector<1x1x16xf32>,
        %get3A_940 = arith.constant 3 : i32
        %get3A_941 = arith.index_cast %get3A_940 : i32 to index
        %get3A_942 = arith.index_cast %mul3A_734 : i32 to index
        %get3A_943 = tpu.vector_load %arg9[%get3A_941, %get3A_942] {strides = array<i32>} : memref<4x1024xf32, #tpu.memory_space<vmem>>, vector<1x16xf32>,
        %get3A_944 = vector.shape_cast %get3A_943 : vector<1x16xf32> to vector<16xf32>
        %get3A_945 = arith.constant 3 : i32
        %get3A_946 = arith.constant 0 : i32
        %get3A_947 = arith.index_cast %get3A_945 : i32 to index
        %get3A_948 = arith.index_cast %get3A_946 : i32 to index
        %get3A_949 = arith.index_cast %mul3A_734 : i32 to index
        %get3A_950 = tpu.vector_load %arg5[%get3A_947, %get3A_948, %get3A_949] {strides = array<i32>} : memref<4x4x1024xf32, #tpu.memory_space<vmem>>, vector<1x1x16xf32>,
        %get3A_951 = vector.shape_cast %get3A_950 : vector<1x1x16xf32> to vector<16xf32>
        %add3A_952 = arith.addf %get3A_951, %get3A_944 : vector<16xf32>
        %swap3A_953 = arith.constant 3 : i32
        %swap3A_954 = arith.constant 0 : i32
        %swap3A_955 = arith.index_cast %swap3A_953 : i32 to index
        %swap3A_956 = arith.index_cast %swap3A_954 : i32 to index
        %swap3A_957 = arith.index_cast %mul3A_734 : i32 to index
        %swap3A_958 = tpu.vector_load %arg5[%swap3A_955, %swap3A_956, %swap3A_957] {strides = array<i32>} : memref<4x4x1024xf32, #tpu.memory_space<vmem>>, vector<1x1x16xf32>,
        %swap3A_959 = vector.shape_cast %swap3A_958 : vector<1x1x16xf32> to vector<16xf32>
        %swap3A_960 = vector.shape_cast %add3A_952 : vector<16xf32> to vector<1x1x16xf32>
        tpu.vector_store %arg5[%swap3A_955, %swap3A_956, %swap3A_957], %swap3A_960 {strides = array<i32>} : memref<4x4x1024xf32, #tpu.memory_space<vmem>>, vector<1x1x16xf32>,
        %get3A_961 = arith.constant 3 : i32
        %get3A_962 = arith.constant 1 : i32
        %get3A_963 = arith.index_cast %get3A_961 : i32 to index
        %get3A_964 = arith.index_cast %get3A_962 : i32 to index
        %get3A_965 = arith.index_cast %mul3A_734 : i32 to index
        %get3A_966 = tpu.vector_load %arg5[%get3A_963, %get3A_964, %get3A_965] {strides = array<i32>} : memref<4x4x1024xf32, #tpu.memory_space<vmem>>, vector<1x1x16xf32>,
        %get3A_967 = vector.shape_cast %get3A_966 : vector<1x1x16xf32> to vector<16xf32>
        %add3A_968 = arith.addf %get3A_967, %get3A_944 : vector<16xf32>
        %swap3A_969 = arith.constant 3 : i32
        %swap3A_970 = arith.constant 1 : i32
        %swap3A_971 = arith.index_cast %swap3A_969 : i32 to index
        %swap3A_972 = arith.index_cast %swap3A_970 : i32 to index
        %swap3A_973 = arith.index_cast %mul3A_734 : i32 to index
        %swap3A_974 = tpu.vector_load %arg5[%swap3A_971, %swap3A_972, %swap3A_973] {strides = array<i32>} : memref<4x4x1024xf32, #tpu.memory_space<vmem>>, vector<1x1x16xf32>,
        %swap3A_975 = vector.shape_cast %swap3A_974 : vector<1x1x16xf32> to vector<16xf32>
        %swap3A_976 = vector.shape_cast %add3A_968 : vector<16xf32> to vector<1x1x16xf32>
        tpu.vector_store %arg5[%swap3A_971, %swap3A_972, %swap3A_973], %swap3A_976 {strides = array<i32>} : memref<4x4x1024xf32, #tpu.memory_space<vmem>>, vector<1x1x16xf32>,
        %get3A_977 = arith.constant 3 : i32
        %get3A_978 = arith.constant 2 : i32
        %get3A_979 = arith.index_cast %get3A_977 : i32 to index
        %get3A_980 = arith.index_cast %get3A_978 : i32 to index
        %get3A_981 = arith.index_cast %mul3A_734 : i32 to index
        %get3A_982 = tpu.vector_load %arg5[%get3A_979, %get3A_980, %get3A_981] {strides = array<i32>} : memref<4x4x1024xf32, #tpu.memory_space<vmem>>, vector<1x1x16xf32>,
        %get3A_983 = vector.shape_cast %get3A_982 : vector<1x1x16xf32> to vector<16xf32>
        %add3A_984 = arith.addf %get3A_983, %get3A_944 : vector<16xf32>
        %swap3A_985 = arith.constant 3 : i32
        %swap3A_986 = arith.constant 2 : i32
        %swap3A_987 = arith.index_cast %swap3A_985 : i32 to index
        %swap3A_988 = arith.index_cast %swap3A_986 : i32 to index
        %swap3A_989 = arith.index_cast %mul3A_734 : i32 to index
        %swap3A_990 = tpu.vector_load %arg5[%swap3A_987, %swap3A_988, %swap3A_989] {strides = array<i32>} : memref<4x4x1024xf32, #tpu.memory_space<vmem>>, vector<1x1x16xf32>,
        %swap3A_991 = vector.shape_cast %swap3A_990 : vector<1x1x16xf32> to vector<16xf32>
        %swap3A_992 = vector.shape_cast %add3A_984 : vector<16xf32> to vector<1x1x16xf32>
        tpu.vector_store %arg5[%swap3A_987, %swap3A_988, %swap3A_989], %swap3A_992 {strides = array<i32>} : memref<4x4x1024xf32, #tpu.memory_space<vmem>>, vector<1x1x16xf32>,
        %get3A_993 = arith.constant 3 : i32
        %get3A_994 = arith.constant 3 : i32
        %get3A_995 = arith.index_cast %get3A_993 : i32 to index
        %get3A_996 = arith.index_cast %get3A_994 : i32 to index
        %get3A_997 = arith.index_cast %mul3A_734 : i32 to index
        %get3A_998 = tpu.vector_load %arg5[%get3A_995, %get3A_996, %get3A_997] {strides = array<i32>} : memref<4x4x1024xf32, #tpu.memory_space<vmem>>, vector<1x1x16xf32>,
        %get3A_999 = vector.shape_cast %get3A_998 : vector<1x1x16xf32> to vector<16xf32>
        %add3A_1000 = arith.addf %get3A_999, %get3A_944 : vector<16xf32>
        %swap3A_1001 = arith.constant 3 : i32
        %swap3A_1002 = arith.constant 3 : i32
        %swap3A_1003 = arith.index_cast %swap3A_1001 : i32 to index
        %swap3A_1004 = arith.index_cast %swap3A_1002 : i32 to index
        %swap3A_1005 = arith.index_cast %mul3A_734 : i32 to index
        %swap3A_1006 = tpu.vector_load %arg5[%swap3A_1003, %swap3A_1004, %swap3A_1005] {strides = array<i32>} : memref<4x4x1024xf32, #tpu.memory_space<vmem>>, vector<1x1x16xf32>,
        %swap3A_1007 = vector.shape_cast %swap3A_1006 : vector<1x1x16xf32> to vector<16xf32>
        %swap3A_1008 = vector.shape_cast %add3A_1000 : vector<16xf32> to vector<1x1x16xf32>
        tpu.vector_store %arg5[%swap3A_1003, %swap3A_1004, %swap3A_1005], %swap3A_1008 {strides = array<i32>} : memref<4x4x1024xf32, #tpu.memory_space<vmem>>, vector<1x1x16xf32>,
      }
      %scan3A_530 = arith.constant 64 : i32
      %mul3A_531 = arith.constant 4 : i32
      %mul3A_532 = arith.muli %add3A_482, %mul3A_531 : i32
      %add3A_533 = arith.addi %mul3A_2, %mul3A_532 : i32
      %dma_start3A_534 = arith.constant 0 : i32
      %dma_start3A_535 = arith.constant 0 : i32
      %dma_start3A_536 = tpu.memref_slice %arg4[%add3A_533, %dma_start3A_534, %dma_start3A_535] : memref<8192x4x1024xf32, #tpu.memory_space<hbm>> -> memref<4x4x1024xf32, #tpu.memory_space<hbm>>
      %dma_start3A_537 = arith.constant 0 : i32
      %dma_start3A_538 = arith.constant 0 : i32
      %dma_start3A_539 = tpu.memref_slice %arg4[%add3A_533, %dma_start3A_537, %dma_start3A_538] : memref<8192x4x1024xf32, #tpu.memory_space<hbm>> -> memref<4x4x1024xf32, #tpu.memory_space<hbm>>
      tpu.enqueue_dma source(%arg5 : memref<4x4x1024xf32, #tpu.memory_space<vmem>>) target(%dma_start3A_539 : memref<4x4x1024xf32, #tpu.memory_space<hbm>>) target_semaphore(%arg21 : memref<!tpu.dma_semaphore, #tpu.memory_space<semaphore_mem>>)
      %mul3A_540 = arith.constant 4 : i32
      %mul3A_541 = arith.muli %scan3A_478, %mul3A_540 : i32
      %add3A_542 = arith.constant 1 : i32
      %add3A_543 = arith.addi %mul3A_541, %add3A_542 : i32
      %add3A_544 = arith.constant 2 : i32
      %add3A_545 = arith.addi %add3A_543, %add3A_544 : i32
      %lt3A_546 = arith.constant 64 : i32
      %lt3A_547 = arith.cmpi slt, %add3A_545, %lt3A_546 : i32
      %convert_element_type3A_548 = arith.extui %lt3A_547 : i1 to i32
      %cond3A_549 = arith.constant 0 : i32
      %cond3A_550 = arith.cmpi ne, %convert_element_type3A_548, %cond3A_549 : i32
      scf.if %cond3A_550 {
        %dma_wait3A_732 = arith.constant 0 : i32
        %dma_wait3A_733 = arith.constant 0 : i32
        %dma_wait3A_734 = arith.constant 0 : i32
        %dma_wait3A_735 = tpu.memref_slice %arg4[%dma_wait3A_732, %dma_wait3A_733, %dma_wait3A_734] : memref<8192x4x1024xf32, #tpu.memory_space<hbm>> -> memref<4x4x1024xf32, #tpu.memory_space<hbm>>
        %dma_wait3A_736 = arith.constant 0 : i32
        %dma_wait3A_737 = arith.constant 0 : i32
        %dma_wait3A_738 = arith.constant 0 : i32
        %dma_wait3A_739 = tpu.memref_slice %arg4[%dma_wait3A_736, %dma_wait3A_737, %dma_wait3A_738] : memref<8192x4x1024xf32, #tpu.memory_space<hbm>> -> memref<4x4x1024xf32, #tpu.memory_space<hbm>>
        tpu.wait_dma2 semaphore(%arg24 : memref<!tpu.dma_semaphore, #tpu.memory_space<semaphore_mem>>) src(%arg8 : memref<4x4x1024xf32, #tpu.memory_space<vmem>>) dst(%dma_wait3A_739 : memref<4x4x1024xf32, #tpu.memory_space<hbm>>)
        %add3A_740 = arith.constant 2 : i32
        %add3A_741 = arith.addi %add3A_543, %add3A_740 : i32
        %mul3A_742 = arith.constant 4 : i32
        %mul3A_743 = arith.muli %add3A_741, %mul3A_742 : i32
        %add3A_744 = arith.addi %mul3A_2, %mul3A_743 : i32
        %dma_start3A_745 = arith.constant 0 : i32
        %dma_start3A_746 = arith.constant 0 : i32
        %dma_start3A_747 = arith.constant 0 : i32
        %dma_start3A_748 = tpu.memref_slice %arg8[%dma_start3A_745, %dma_start3A_746, %dma_start3A_747] : memref<4x4x1024xf32, #tpu.memory_space<vmem>> -> memref<2x4x1024xf32, #tpu.memory_space<vmem>>
        %dma_start3A_749 = arith.constant 0 : i32
        %dma_start3A_750 = arith.constant 0 : i32
        %dma_start3A_751 = tpu.memref_slice %arg2[%add3A_744, %dma_start3A_749, %dma_start3A_750] : memref<8192x4x1024xf32, #tpu.memory_space<hbm>> -> memref<2x4x1024xf32, #tpu.memory_space<hbm>>
        %dma_start3A_752 = arith.constant 0 : i32
        %dma_start3A_753 = arith.constant 0 : i32
        %dma_start3A_754 = arith.constant 0 : i32
        %dma_start3A_755 = tpu.memref_slice %arg8[%dma_start3A_752, %dma_start3A_753, %dma_start3A_754] : memref<4x4x1024xf32, #tpu.memory_space<vmem>> -> memref<2x4x1024xf32, #tpu.memory_space<vmem>>
        %dma_start3A_756 = arith.constant 0 : i32
        %dma_start3A_757 = arith.constant 0 : i32
        %dma_start3A_758 = tpu.memref_slice %arg2[%add3A_744, %dma_start3A_756, %dma_start3A_757] : memref<8192x4x1024xf32, #tpu.memory_space<hbm>> -> memref<2x4x1024xf32, #tpu.memory_space<hbm>>
        tpu.enqueue_dma source(%dma_start3A_758 : memref<2x4x1024xf32, #tpu.memory_space<hbm>>) target(%dma_start3A_755 : memref<2x4x1024xf32, #tpu.memory_space<vmem>>) target_semaphore(%arg16 : memref<!tpu.dma_semaphore, #tpu.memory_space<semaphore_mem>>)
        %add3A_759 = arith.constant 2 : i32
        %add3A_760 = arith.addi %add3A_744, %add3A_759 : i32
        %dma_start3A_761 = arith.constant 2 : i32
        %dma_start3A_762 = arith.constant 0 : i32
        %dma_start3A_763 = arith.constant 0 : i32
        %dma_start3A_764 = tpu.memref_slice %arg8[%dma_start3A_761, %dma_start3A_762, %dma_start3A_763] : memref<4x4x1024xf32, #tpu.memory_space<vmem>> -> memref<2x4x1024xf32, #tpu.memory_space<vmem>>
        %dma_start3A_765 = arith.constant 0 : i32
        %dma_start3A_766 = arith.constant 0 : i32
        %dma_start3A_767 = tpu.memref_slice %arg2[%add3A_760, %dma_start3A_765, %dma_start3A_766] : memref<8192x4x1024xf32, #tpu.memory_space<hbm>> -> memref<2x4x1024xf32, #tpu.memory_space<hbm>>
        %dma_start3A_768 = arith.constant 2 : i32
        %dma_start3A_769 = arith.constant 0 : i32
        %dma_start3A_770 = arith.constant 0 : i32
        %dma_start3A_771 = tpu.memref_slice %arg8[%dma_start3A_768, %dma_start3A_769, %dma_start3A_770] : memref<4x4x1024xf32, #tpu.memory_space<vmem>> -> memref<2x4x1024xf32, #tpu.memory_space<vmem>>
        %dma_start3A_772 = arith.constant 0 : i32
        %dma_start3A_773 = arith.constant 0 : i32
        %dma_start3A_774 = tpu.memref_slice %arg2[%add3A_760, %dma_start3A_772, %dma_start3A_773] : memref<8192x4x1024xf32, #tpu.memory_space<hbm>> -> memref<2x4x1024xf32, #tpu.memory_space<hbm>>
        tpu.enqueue_dma source(%dma_start3A_774 : memref<2x4x1024xf32, #tpu.memory_space<hbm>>) target(%dma_start3A_771 : memref<2x4x1024xf32, #tpu.memory_space<vmem>>) target_semaphore(%arg16 : memref<!tpu.dma_semaphore, #tpu.memory_space<semaphore_mem>>)
        %dma_start3A_775 = arith.constant 0 : i32
        %dma_start3A_776 = tpu.memref_slice %arg3[%add3A_744, %dma_start3A_775] : memref<8192x1024xf32, #tpu.memory_space<hbm>> -> memref<4x1024xf32, #tpu.memory_space<hbm>>
        %dma_start3A_777 = arith.constant 0 : i32
        %dma_start3A_778 = tpu.memref_slice %arg3[%add3A_744, %dma_start3A_777] : memref<8192x1024xf32, #tpu.memory_space<hbm>> -> memref<4x1024xf32, #tpu.memory_space<hbm>>
        tpu.enqueue_dma source(%dma_start3A_778 : memref<4x1024xf32, #tpu.memory_space<hbm>>) target(%arg12 : memref<4x1024xf32, #tpu.memory_space<vmem>>) target_semaphore(%arg20 : memref<!tpu.dma_semaphore, #tpu.memory_space<semaphore_mem>>)
      } else {
      }
      %dma_wait3A_551 = arith.constant 0 : i32
      %dma_wait3A_552 = arith.constant 0 : i32
      %dma_wait3A_553 = arith.constant 0 : i32
      %dma_wait3A_554 = tpu.memref_slice %arg6[%dma_wait3A_551, %dma_wait3A_552, %dma_wait3A_553] : memref<4x4x1024xf32, #tpu.memory_space<vmem>> -> memref<2x4x1024xf32, #tpu.memory_space<vmem>>
      %dma_wait3A_555 = arith.constant 0 : i32
      %dma_wait3A_556 = arith.constant 0 : i32
      %dma_wait3A_557 = arith.constant 0 : i32
      %dma_wait3A_558 = tpu.memref_slice %arg2[%dma_wait3A_555, %dma_wait3A_556, %dma_wait3A_557] : memref<8192x4x1024xf32, #tpu.memory_space<hbm>> -> memref<2x4x1024xf32, #tpu.memory_space<hbm>>
      %dma_wait3A_559 = arith.constant 0 : i32
      %dma_wait3A_560 = arith.constant 0 : i32
      %dma_wait3A_561 = arith.constant 0 : i32
      %dma_wait3A_562 = tpu.memref_slice %arg6[%dma_wait3A_559, %dma_wait3A_560, %dma_wait3A_561] : memref<4x4x1024xf32, #tpu.memory_space<vmem>> -> memref<2x4x1024xf32, #tpu.memory_space<vmem>>
      %dma_wait3A_563 = arith.constant 0 : i32
      %dma_wait3A_564 = arith.constant 0 : i32
      %dma_wait3A_565 = arith.constant 0 : i32
      %dma_wait3A_566 = tpu.memref_slice %arg2[%dma_wait3A_563, %dma_wait3A_564, %dma_wait3A_565] : memref<8192x4x1024xf32, #tpu.memory_space<hbm>> -> memref<2x4x1024xf32, #tpu.memory_space<hbm>>
      tpu.wait_dma2 semaphore(%arg14 : memref<!tpu.dma_semaphore, #tpu.memory_space<semaphore_mem>>) src(%dma_wait3A_566 : memref<2x4x1024xf32, #tpu.memory_space<hbm>>) dst(%dma_wait3A_562 : memref<2x4x1024xf32, #tpu.memory_space<vmem>>)
      %dma_wait3A_567 = arith.constant 2 : i32
      %dma_wait3A_568 = arith.constant 0 : i32
      %dma_wait3A_569 = arith.constant 0 : i32
      %dma_wait3A_570 = tpu.memref_slice %arg6[%dma_wait3A_567, %dma_wait3A_568, %dma_wait3A_569] : memref<4x4x1024xf32, #tpu.memory_space<vmem>> -> memref<2x4x1024xf32, #tpu.memory_space<vmem>>
      %dma_wait3A_571 = arith.constant 0 : i32
      %dma_wait3A_572 = arith.constant 0 : i32
      %dma_wait3A_573 = arith.constant 0 : i32
      %dma_wait3A_574 = tpu.memref_slice %arg2[%dma_wait3A_571, %dma_wait3A_572, %dma_wait3A_573] : memref<8192x4x1024xf32, #tpu.memory_space<hbm>> -> memref<2x4x1024xf32, #tpu.memory_space<hbm>>
      %dma_wait3A_575 = arith.constant 2 : i32
      %dma_wait3A_576 = arith.constant 0 : i32
      %dma_wait3A_577 = arith.constant 0 : i32
      %dma_wait3A_578 = tpu.memref_slice %arg6[%dma_wait3A_575, %dma_wait3A_576, %dma_wait3A_577] : memref<4x4x1024xf32, #tpu.memory_space<vmem>> -> memref<2x4x1024xf32, #tpu.memory_space<vmem>>
      %dma_wait3A_579 = arith.constant 0 : i32
      %dma_wait3A_580 = arith.constant 0 : i32
      %dma_wait3A_581 = arith.constant 0 : i32
      %dma_wait3A_582 = tpu.memref_slice %arg2[%dma_wait3A_579, %dma_wait3A_580, %dma_wait3A_581] : memref<8192x4x1024xf32, #tpu.memory_space<hbm>> -> memref<2x4x1024xf32, #tpu.memory_space<hbm>>
      tpu.wait_dma2 semaphore(%arg14 : memref<!tpu.dma_semaphore, #tpu.memory_space<semaphore_mem>>) src(%dma_wait3A_582 : memref<2x4x1024xf32, #tpu.memory_space<hbm>>) dst(%dma_wait3A_578 : memref<2x4x1024xf32, #tpu.memory_space<vmem>>)
      %dma_wait3A_583 = arith.constant 0 : i32
      %dma_wait3A_584 = arith.constant 0 : i32
      %dma_wait3A_585 = tpu.memref_slice %arg3[%dma_wait3A_583, %dma_wait3A_584] : memref<8192x1024xf32, #tpu.memory_space<hbm>> -> memref<4x1024xf32, #tpu.memory_space<hbm>>
      %dma_wait3A_586 = arith.constant 0 : i32
      %dma_wait3A_587 = arith.constant 0 : i32
      %dma_wait3A_588 = tpu.memref_slice %arg3[%dma_wait3A_586, %dma_wait3A_587] : memref<8192x1024xf32, #tpu.memory_space<hbm>> -> memref<4x1024xf32, #tpu.memory_space<hbm>>
      tpu.wait_dma2 semaphore(%arg18 : memref<!tpu.dma_semaphore, #tpu.memory_space<semaphore_mem>>) src(%dma_wait3A_588 : memref<4x1024xf32, #tpu.memory_space<hbm>>) dst(%arg10 : memref<4x1024xf32, #tpu.memory_space<vmem>>)
      %scan3A_589 = arith.constant 0 : i32
      %scan3A_590 = arith.constant 0 : i32
      %scan3A_591 = arith.constant 64 : i32
      %scan3A_592 = arith.addi %scan3A_590, %scan3A_591 : i32
      %scan3A_593 = arith.constant 1 : i32
      scf.for %scan3A_732 = %scan3A_590 to %scan3A_592 step %scan3A_593  : i32 {
        %mul3A_733 = arith.constant 16 : i32
        %mul3A_734 = arith.muli %scan3A_732, %mul3A_733 : i32
        %get3A = arith.constant 0 : i32
        %get3A_735 = arith.index_cast %get3A : i32 to index
        %get3A_736 = arith.index_cast %mul3A_734 : i32 to index
        %get3A_737 = tpu.vector_load %arg10[%get3A_735, %get3A_736] {strides = array<i32>} : memref<4x1024xf32, #tpu.memory_space<vmem>>, vector<1x16xf32>,
        %get3A_738 = vector.shape_cast %get3A_737 : vector<1x16xf32> to vector<16xf32>
        %get3A_739 = arith.constant 0 : i32
        %get3A_740 = arith.constant 0 : i32
        %get3A_741 = arith.index_cast %get3A_739 : i32 to index
        %get3A_742 = arith.index_cast %get3A_740 : i32 to index
        %get3A_743 = arith.index_cast %mul3A_734 : i32 to index
        %get3A_744 = tpu.vector_load %arg6[%get3A_741, %get3A_742, %get3A_743] {strides = array<i32>} : memref<4x4x1024xf32, #tpu.memory_space<vmem>>, vector<1x1x16xf32>,
        %get3A_745 = vector.shape_cast %get3A_744 : vector<1x1x16xf32> to vector<16xf32>
        %add3A_746 = arith.addf %get3A_745, %get3A_738 : vector<16xf32>
        %swap3A = arith.constant 0 : i32
        %swap3A_747 = arith.constant 0 : i32
        %swap3A_748 = arith.index_cast %swap3A : i32 to index
        %swap3A_749 = arith.index_cast %swap3A_747 : i32 to index
        %swap3A_750 = arith.index_cast %mul3A_734 : i32 to index
        %swap3A_751 = tpu.vector_load %arg6[%swap3A_748, %swap3A_749, %swap3A_750] {strides = array<i32>} : memref<4x4x1024xf32, #tpu.memory_space<vmem>>, vector<1x1x16xf32>,
        %swap3A_752 = vector.shape_cast %swap3A_751 : vector<1x1x16xf32> to vector<16xf32>
        %swap3A_753 = vector.shape_cast %add3A_746 : vector<16xf32> to vector<1x1x16xf32>
        tpu.vector_store %arg6[%swap3A_748, %swap3A_749, %swap3A_750], %swap3A_753 {strides = array<i32>} : memref<4x4x1024xf32, #tpu.memory_space<vmem>>, vector<1x1x16xf32>,
        %get3A_754 = arith.constant 0 : i32
        %get3A_755 = arith.constant 1 : i32
        %get3A_756 = arith.index_cast %get3A_754 : i32 to index
        %get3A_757 = arith.index_cast %get3A_755 : i32 to index
        %get3A_758 = arith.index_cast %mul3A_734 : i32 to index
        %get3A_759 = tpu.vector_load %arg6[%get3A_756, %get3A_757, %get3A_758] {strides = array<i32>} : memref<4x4x1024xf32, #tpu.memory_space<vmem>>, vector<1x1x16xf32>,
        %get3A_760 = vector.shape_cast %get3A_759 : vector<1x1x16xf32> to vector<16xf32>
        %add3A_761 = arith.addf %get3A_760, %get3A_738 : vector<16xf32>
        %swap3A_762 = arith.constant 0 : i32
        %swap3A_763 = arith.constant 1 : i32
        %swap3A_764 = arith.index_cast %swap3A_762 : i32 to index
        %swap3A_765 = arith.index_cast %swap3A_763 : i32 to index
        %swap3A_766 = arith.index_cast %mul3A_734 : i32 to index
        %swap3A_767 = tpu.vector_load %arg6[%swap3A_764, %swap3A_765, %swap3A_766] {strides = array<i32>} : memref<4x4x1024xf32, #tpu.memory_space<vmem>>, vector<1x1x16xf32>,
        %swap3A_768 = vector.shape_cast %swap3A_767 : vector<1x1x16xf32> to vector<16xf32>
        %swap3A_769 = vector.shape_cast %add3A_761 : vector<16xf32> to vector<1x1x16xf32>
        tpu.vector_store %arg6[%swap3A_764, %swap3A_765, %swap3A_766], %swap3A_769 {strides = array<i32>} : memref<4x4x1024xf32, #tpu.memory_space<vmem>>, vector<1x1x16xf32>,
        %get3A_770 = arith.constant 0 : i32
        %get3A_771 = arith.constant 2 : i32
        %get3A_772 = arith.index_cast %get3A_770 : i32 to index
        %get3A_773 = arith.index_cast %get3A_771 : i32 to index
        %get3A_774 = arith.index_cast %mul3A_734 : i32 to index
        %get3A_775 = tpu.vector_load %arg6[%get3A_772, %get3A_773, %get3A_774] {strides = array<i32>} : memref<4x4x1024xf32, #tpu.memory_space<vmem>>, vector<1x1x16xf32>,
        %get3A_776 = vector.shape_cast %get3A_775 : vector<1x1x16xf32> to vector<16xf32>
        %add3A_777 = arith.addf %get3A_776, %get3A_738 : vector<16xf32>
        %swap3A_778 = arith.constant 0 : i32
        %swap3A_779 = arith.constant 2 : i32
        %swap3A_780 = arith.index_cast %swap3A_778 : i32 to index
        %swap3A_781 = arith.index_cast %swap3A_779 : i32 to index
        %swap3A_782 = arith.index_cast %mul3A_734 : i32 to index
        %swap3A_783 = tpu.vector_load %arg6[%swap3A_780, %swap3A_781, %swap3A_782] {strides = array<i32>} : memref<4x4x1024xf32, #tpu.memory_space<vmem>>, vector<1x1x16xf32>,
        %swap3A_784 = vector.shape_cast %swap3A_783 : vector<1x1x16xf32> to vector<16xf32>
        %swap3A_785 = vector.shape_cast %add3A_777 : vector<16xf32> to vector<1x1x16xf32>
        tpu.vector_store %arg6[%swap3A_780, %swap3A_781, %swap3A_782], %swap3A_785 {strides = array<i32>} : memref<4x4x1024xf32, #tpu.memory_space<vmem>>, vector<1x1x16xf32>,
        %get3A_786 = arith.constant 0 : i32
        %get3A_787 = arith.constant 3 : i32
        %get3A_788 = arith.index_cast %get3A_786 : i32 to index
        %get3A_789 = arith.index_cast %get3A_787 : i32 to index
        %get3A_790 = arith.index_cast %mul3A_734 : i32 to index
        %get3A_791 = tpu.vector_load %arg6[%get3A_788, %get3A_789, %get3A_790] {strides = array<i32>} : memref<4x4x1024xf32, #tpu.memory_space<vmem>>, vector<1x1x16xf32>,
        %get3A_792 = vector.shape_cast %get3A_791 : vector<1x1x16xf32> to vector<16xf32>
        %add3A_793 = arith.addf %get3A_792, %get3A_738 : vector<16xf32>
        %swap3A_794 = arith.constant 0 : i32
        %swap3A_795 = arith.constant 3 : i32
        %swap3A_796 = arith.index_cast %swap3A_794 : i32 to index
        %swap3A_797 = arith.index_cast %swap3A_795 : i32 to index
        %swap3A_798 = arith.index_cast %mul3A_734 : i32 to index
        %swap3A_799 = tpu.vector_load %arg6[%swap3A_796, %swap3A_797, %swap3A_798] {strides = array<i32>} : memref<4x4x1024xf32, #tpu.memory_space<vmem>>, vector<1x1x16xf32>,
        %swap3A_800 = vector.shape_cast %swap3A_799 : vector<1x1x16xf32> to vector<16xf32>
        %swap3A_801 = vector.shape_cast %add3A_793 : vector<16xf32> to vector<1x1x16xf32>
        tpu.vector_store %arg6[%swap3A_796, %swap3A_797, %swap3A_798], %swap3A_801 {strides = array<i32>} : memref<4x4x1024xf32, #tpu.memory_space<vmem>>, vector<1x1x16xf32>,
        %get3A_802 = arith.constant 1 : i32
        %get3A_803 = arith.index_cast %get3A_802 : i32 to index
        %get3A_804 = arith.index_cast %mul3A_734 : i32 to index
        %get3A_805 = tpu.vector_load %arg10[%get3A_803, %get3A_804] {strides = array<i32>} : memref<4x1024xf32, #tpu.memory_space<vmem>>, vector<1x16xf32>,
        %get3A_806 = vector.shape_cast %get3A_805 : vector<1x16xf32> to vector<16xf32>
        %get3A_807 = arith.constant 1 : i32
        %get3A_808 = arith.constant 0 : i32
        %get3A_809 = arith.index_cast %get3A_807 : i32 to index
        %get3A_810 = arith.index_cast %get3A_808 : i32 to index
        %get3A_811 = arith.index_cast %mul3A_734 : i32 to index
        %get3A_812 = tpu.vector_load %arg6[%get3A_809, %get3A_810, %get3A_811] {strides = array<i32>} : memref<4x4x1024xf32, #tpu.memory_space<vmem>>, vector<1x1x16xf32>,
        %get3A_813 = vector.shape_cast %get3A_812 : vector<1x1x16xf32> to vector<16xf32>
        %add3A_814 = arith.addf %get3A_813, %get3A_806 : vector<16xf32>
        %swap3A_815 = arith.constant 1 : i32
        %swap3A_816 = arith.constant 0 : i32
        %swap3A_817 = arith.index_cast %swap3A_815 : i32 to index
        %swap3A_818 = arith.index_cast %swap3A_816 : i32 to index
        %swap3A_819 = arith.index_cast %mul3A_734 : i32 to index
        %swap3A_820 = tpu.vector_load %arg6[%swap3A_817, %swap3A_818, %swap3A_819] {strides = array<i32>} : memref<4x4x1024xf32, #tpu.memory_space<vmem>>, vector<1x1x16xf32>,
        %swap3A_821 = vector.shape_cast %swap3A_820 : vector<1x1x16xf32> to vector<16xf32>
        %swap3A_822 = vector.shape_cast %add3A_814 : vector<16xf32> to vector<1x1x16xf32>
        tpu.vector_store %arg6[%swap3A_817, %swap3A_818, %swap3A_819], %swap3A_822 {strides = array<i32>} : memref<4x4x1024xf32, #tpu.memory_space<vmem>>, vector<1x1x16xf32>,
        %get3A_823 = arith.constant 1 : i32
        %get3A_824 = arith.constant 1 : i32
        %get3A_825 = arith.index_cast %get3A_823 : i32 to index
        %get3A_826 = arith.index_cast %get3A_824 : i32 to index
        %get3A_827 = arith.index_cast %mul3A_734 : i32 to index
        %get3A_828 = tpu.vector_load %arg6[%get3A_825, %get3A_826, %get3A_827] {strides = array<i32>} : memref<4x4x1024xf32, #tpu.memory_space<vmem>>, vector<1x1x16xf32>,
        %get3A_829 = vector.shape_cast %get3A_828 : vector<1x1x16xf32> to vector<16xf32>
        %add3A_830 = arith.addf %get3A_829, %get3A_806 : vector<16xf32>
        %swap3A_831 = arith.constant 1 : i32
        %swap3A_832 = arith.constant 1 : i32
        %swap3A_833 = arith.index_cast %swap3A_831 : i32 to index
        %swap3A_834 = arith.index_cast %swap3A_832 : i32 to index
        %swap3A_835 = arith.index_cast %mul3A_734 : i32 to index
        %swap3A_836 = tpu.vector_load %arg6[%swap3A_833, %swap3A_834, %swap3A_835] {strides = array<i32>} : memref<4x4x1024xf32, #tpu.memory_space<vmem>>, vector<1x1x16xf32>,
        %swap3A_837 = vector.shape_cast %swap3A_836 : vector<1x1x16xf32> to vector<16xf32>
        %swap3A_838 = vector.shape_cast %add3A_830 : vector<16xf32> to vector<1x1x16xf32>
        tpu.vector_store %arg6[%swap3A_833, %swap3A_834, %swap3A_835], %swap3A_838 {strides = array<i32>} : memref<4x4x1024xf32, #tpu.memory_space<vmem>>, vector<1x1x16xf32>,
        %get3A_839 = arith.constant 1 : i32
        %get3A_840 = arith.constant 2 : i32
        %get3A_841 = arith.index_cast %get3A_839 : i32 to index
        %get3A_842 = arith.index_cast %get3A_840 : i32 to index
        %get3A_843 = arith.index_cast %mul3A_734 : i32 to index
        %get3A_844 = tpu.vector_load %arg6[%get3A_841, %get3A_842, %get3A_843] {strides = array<i32>} : memref<4x4x1024xf32, #tpu.memory_space<vmem>>, vector<1x1x16xf32>,
        %get3A_845 = vector.shape_cast %get3A_844 : vector<1x1x16xf32> to vector<16xf32>
        %add3A_846 = arith.addf %get3A_845, %get3A_806 : vector<16xf32>
        %swap3A_847 = arith.constant 1 : i32
        %swap3A_848 = arith.constant 2 : i32
        %swap3A_849 = arith.index_cast %swap3A_847 : i32 to index
        %swap3A_850 = arith.index_cast %swap3A_848 : i32 to index
        %swap3A_851 = arith.index_cast %mul3A_734 : i32 to index
        %swap3A_852 = tpu.vector_load %arg6[%swap3A_849, %swap3A_850, %swap3A_851] {strides = array<i32>} : memref<4x4x1024xf32, #tpu.memory_space<vmem>>, vector<1x1x16xf32>,
        %swap3A_853 = vector.shape_cast %swap3A_852 : vector<1x1x16xf32> to vector<16xf32>
        %swap3A_854 = vector.shape_cast %add3A_846 : vector<16xf32> to vector<1x1x16xf32>
        tpu.vector_store %arg6[%swap3A_849, %swap3A_850, %swap3A_851], %swap3A_854 {strides = array<i32>} : memref<4x4x1024xf32, #tpu.memory_space<vmem>>, vector<1x1x16xf32>,
        %get3A_855 = arith.constant 1 : i32
        %get3A_856 = arith.constant 3 : i32
        %get3A_857 = arith.index_cast %get3A_855 : i32 to index
        %get3A_858 = arith.index_cast %get3A_856 : i32 to index
        %get3A_859 = arith.index_cast %mul3A_734 : i32 to index
        %get3A_860 = tpu.vector_load %arg6[%get3A_857, %get3A_858, %get3A_859] {strides = array<i32>} : memref<4x4x1024xf32, #tpu.memory_space<vmem>>, vector<1x1x16xf32>,
        %get3A_861 = vector.shape_cast %get3A_860 : vector<1x1x16xf32> to vector<16xf32>
        %add3A_862 = arith.addf %get3A_861, %get3A_806 : vector<16xf32>
        %swap3A_863 = arith.constant 1 : i32
        %swap3A_864 = arith.constant 3 : i32
        %swap3A_865 = arith.index_cast %swap3A_863 : i32 to index
        %swap3A_866 = arith.index_cast %swap3A_864 : i32 to index
        %swap3A_867 = arith.index_cast %mul3A_734 : i32 to index
        %swap3A_868 = tpu.vector_load %arg6[%swap3A_865, %swap3A_866, %swap3A_867] {strides = array<i32>} : memref<4x4x1024xf32, #tpu.memory_space<vmem>>, vector<1x1x16xf32>,
        %swap3A_869 = vector.shape_cast %swap3A_868 : vector<1x1x16xf32> to vector<16xf32>
        %swap3A_870 = vector.shape_cast %add3A_862 : vector<16xf32> to vector<1x1x16xf32>
        tpu.vector_store %arg6[%swap3A_865, %swap3A_866, %swap3A_867], %swap3A_870 {strides = array<i32>} : memref<4x4x1024xf32, #tpu.memory_space<vmem>>, vector<1x1x16xf32>,
        %get3A_871 = arith.constant 2 : i32
        %get3A_872 = arith.index_cast %get3A_871 : i32 to index
        %get3A_873 = arith.index_cast %mul3A_734 : i32 to index
        %get3A_874 = tpu.vector_load %arg10[%get3A_872, %get3A_873] {strides = array<i32>} : memref<4x1024xf32, #tpu.memory_space<vmem>>, vector<1x16xf32>,
        %get3A_875 = vector.shape_cast %get3A_874 : vector<1x16xf32> to vector<16xf32>
        %get3A_876 = arith.constant 2 : i32
        %get3A_877 = arith.constant 0 : i32
        %get3A_878 = arith.index_cast %get3A_876 : i32 to index
        %get3A_879 = arith.index_cast %get3A_877 : i32 to index
        %get3A_880 = arith.index_cast %mul3A_734 : i32 to index
        %get3A_881 = tpu.vector_load %arg6[%get3A_878, %get3A_879, %get3A_880] {strides = array<i32>} : memref<4x4x1024xf32, #tpu.memory_space<vmem>>, vector<1x1x16xf32>,
        %get3A_882 = vector.shape_cast %get3A_881 : vector<1x1x16xf32> to vector<16xf32>
        %add3A_883 = arith.addf %get3A_882, %get3A_875 : vector<16xf32>
        %swap3A_884 = arith.constant 2 : i32
        %swap3A_885 = arith.constant 0 : i32
        %swap3A_886 = arith.index_cast %swap3A_884 : i32 to index
        %swap3A_887 = arith.index_cast %swap3A_885 : i32 to index
        %swap3A_888 = arith.index_cast %mul3A_734 : i32 to index
        %swap3A_889 = tpu.vector_load %arg6[%swap3A_886, %swap3A_887, %swap3A_888] {strides = array<i32>} : memref<4x4x1024xf32, #tpu.memory_space<vmem>>, vector<1x1x16xf32>,
        %swap3A_890 = vector.shape_cast %swap3A_889 : vector<1x1x16xf32> to vector<16xf32>
        %swap3A_891 = vector.shape_cast %add3A_883 : vector<16xf32> to vector<1x1x16xf32>
        tpu.vector_store %arg6[%swap3A_886, %swap3A_887, %swap3A_888], %swap3A_891 {strides = array<i32>} : memref<4x4x1024xf32, #tpu.memory_space<vmem>>, vector<1x1x16xf32>,
        %get3A_892 = arith.constant 2 : i32
        %get3A_893 = arith.constant 1 : i32
        %get3A_894 = arith.index_cast %get3A_892 : i32 to index
        %get3A_895 = arith.index_cast %get3A_893 : i32 to index
        %get3A_896 = arith.index_cast %mul3A_734 : i32 to index
        %get3A_897 = tpu.vector_load %arg6[%get3A_894, %get3A_895, %get3A_896] {strides = array<i32>} : memref<4x4x1024xf32, #tpu.memory_space<vmem>>, vector<1x1x16xf32>,
        %get3A_898 = vector.shape_cast %get3A_897 : vector<1x1x16xf32> to vector<16xf32>
        %add3A_899 = arith.addf %get3A_898, %get3A_875 : vector<16xf32>
        %swap3A_900 = arith.constant 2 : i32
        %swap3A_901 = arith.constant 1 : i32
        %swap3A_902 = arith.index_cast %swap3A_900 : i32 to index
        %swap3A_903 = arith.index_cast %swap3A_901 : i32 to index
        %swap3A_904 = arith.index_cast %mul3A_734 : i32 to index
        %swap3A_905 = tpu.vector_load %arg6[%swap3A_902, %swap3A_903, %swap3A_904] {strides = array<i32>} : memref<4x4x1024xf32, #tpu.memory_space<vmem>>, vector<1x1x16xf32>,
        %swap3A_906 = vector.shape_cast %swap3A_905 : vector<1x1x16xf32> to vector<16xf32>
        %swap3A_907 = vector.shape_cast %add3A_899 : vector<16xf32> to vector<1x1x16xf32>
        tpu.vector_store %arg6[%swap3A_902, %swap3A_903, %swap3A_904], %swap3A_907 {strides = array<i32>} : memref<4x4x1024xf32, #tpu.memory_space<vmem>>, vector<1x1x16xf32>,
        %get3A_908 = arith.constant 2 : i32
        %get3A_909 = arith.constant 2 : i32
        %get3A_910 = arith.index_cast %get3A_908 : i32 to index
        %get3A_911 = arith.index_cast %get3A_909 : i32 to index
        %get3A_912 = arith.index_cast %mul3A_734 : i32 to index
        %get3A_913 = tpu.vector_load %arg6[%get3A_910, %get3A_911, %get3A_912] {strides = array<i32>} : memref<4x4x1024xf32, #tpu.memory_space<vmem>>, vector<1x1x16xf32>,
        %get3A_914 = vector.shape_cast %get3A_913 : vector<1x1x16xf32> to vector<16xf32>
        %add3A_915 = arith.addf %get3A_914, %get3A_875 : vector<16xf32>
        %swap3A_916 = arith.constant 2 : i32
        %swap3A_917 = arith.constant 2 : i32
        %swap3A_918 = arith.index_cast %swap3A_916 : i32 to index
        %swap3A_919 = arith.index_cast %swap3A_917 : i32 to index
        %swap3A_920 = arith.index_cast %mul3A_734 : i32 to index
        %swap3A_921 = tpu.vector_load %arg6[%swap3A_918, %swap3A_919, %swap3A_920] {strides = array<i32>} : memref<4x4x1024xf32, #tpu.memory_space<vmem>>, vector<1x1x16xf32>,
        %swap3A_922 = vector.shape_cast %swap3A_921 : vector<1x1x16xf32> to vector<16xf32>
        %swap3A_923 = vector.shape_cast %add3A_915 : vector<16xf32> to vector<1x1x16xf32>
        tpu.vector_store %arg6[%swap3A_918, %swap3A_919, %swap3A_920], %swap3A_923 {strides = array<i32>} : memref<4x4x1024xf32, #tpu.memory_space<vmem>>, vector<1x1x16xf32>,
        %get3A_924 = arith.constant 2 : i32
        %get3A_925 = arith.constant 3 : i32
        %get3A_926 = arith.index_cast %get3A_924 : i32 to index
        %get3A_927 = arith.index_cast %get3A_925 : i32 to index
        %get3A_928 = arith.index_cast %mul3A_734 : i32 to index
        %get3A_929 = tpu.vector_load %arg6[%get3A_926, %get3A_927, %get3A_928] {strides = array<i32>} : memref<4x4x1024xf32, #tpu.memory_space<vmem>>, vector<1x1x16xf32>,
        %get3A_930 = vector.shape_cast %get3A_929 : vector<1x1x16xf32> to vector<16xf32>
        %add3A_931 = arith.addf %get3A_930, %get3A_875 : vector<16xf32>
        %swap3A_932 = arith.constant 2 : i32
        %swap3A_933 = arith.constant 3 : i32
        %swap3A_934 = arith.index_cast %swap3A_932 : i32 to index
        %swap3A_935 = arith.index_cast %swap3A_933 : i32 to index
        %swap3A_936 = arith.index_cast %mul3A_734 : i32 to index
        %swap3A_937 = tpu.vector_load %arg6[%swap3A_934, %swap3A_935, %swap3A_936] {strides = array<i32>} : memref<4x4x1024xf32, #tpu.memory_space<vmem>>, vector<1x1x16xf32>,
        %swap3A_938 = vector.shape_cast %swap3A_937 : vector<1x1x16xf32> to vector<16xf32>
        %swap3A_939 = vector.shape_cast %add3A_931 : vector<16xf32> to vector<1x1x16xf32>
        tpu.vector_store %arg6[%swap3A_934, %swap3A_935, %swap3A_936], %swap3A_939 {strides = array<i32>} : memref<4x4x1024xf32, #tpu.memory_space<vmem>>, vector<1x1x16xf32>,
        %get3A_940 = arith.constant 3 : i32
        %get3A_941 = arith.index_cast %get3A_940 : i32 to index
        %get3A_942 = arith.index_cast %mul3A_734 : i32 to index
        %get3A_943 = tpu.vector_load %arg10[%get3A_941, %get3A_942] {strides = array<i32>} : memref<4x1024xf32, #tpu.memory_space<vmem>>, vector<1x16xf32>,
        %get3A_944 = vector.shape_cast %get3A_943 : vector<1x16xf32> to vector<16xf32>
        %get3A_945 = arith.constant 3 : i32
        %get3A_946 = arith.constant 0 : i32
        %get3A_947 = arith.index_cast %get3A_945 : i32 to index
        %get3A_948 = arith.index_cast %get3A_946 : i32 to index
        %get3A_949 = arith.index_cast %mul3A_734 : i32 to index
        %get3A_950 = tpu.vector_load %arg6[%get3A_947, %get3A_948, %get3A_949] {strides = array<i32>} : memref<4x4x1024xf32, #tpu.memory_space<vmem>>, vector<1x1x16xf32>,
        %get3A_951 = vector.shape_cast %get3A_950 : vector<1x1x16xf32> to vector<16xf32>
        %add3A_952 = arith.addf %get3A_951, %get3A_944 : vector<16xf32>
        %swap3A_953 = arith.constant 3 : i32
        %swap3A_954 = arith.constant 0 : i32
        %swap3A_955 = arith.index_cast %swap3A_953 : i32 to index
        %swap3A_956 = arith.index_cast %swap3A_954 : i32 to index
        %swap3A_957 = arith.index_cast %mul3A_734 : i32 to index
        %swap3A_958 = tpu.vector_load %arg6[%swap3A_955, %swap3A_956, %swap3A_957] {strides = array<i32>} : memref<4x4x1024xf32, #tpu.memory_space<vmem>>, vector<1x1x16xf32>,
        %swap3A_959 = vector.shape_cast %swap3A_958 : vector<1x1x16xf32> to vector<16xf32>
        %swap3A_960 = vector.shape_cast %add3A_952 : vector<16xf32> to vector<1x1x16xf32>
        tpu.vector_store %arg6[%swap3A_955, %swap3A_956, %swap3A_957], %swap3A_960 {strides = array<i32>} : memref<4x4x1024xf32, #tpu.memory_space<vmem>>, vector<1x1x16xf32>,
        %get3A_961 = arith.constant 3 : i32
        %get3A_962 = arith.constant 1 : i32
        %get3A_963 = arith.index_cast %get3A_961 : i32 to index
        %get3A_964 = arith.index_cast %get3A_962 : i32 to index
        %get3A_965 = arith.index_cast %mul3A_734 : i32 to index
        %get3A_966 = tpu.vector_load %arg6[%get3A_963, %get3A_964, %get3A_965] {strides = array<i32>} : memref<4x4x1024xf32, #tpu.memory_space<vmem>>, vector<1x1x16xf32>,
        %get3A_967 = vector.shape_cast %get3A_966 : vector<1x1x16xf32> to vector<16xf32>
        %add3A_968 = arith.addf %get3A_967, %get3A_944 : vector<16xf32>
        %swap3A_969 = arith.constant 3 : i32
        %swap3A_970 = arith.constant 1 : i32
        %swap3A_971 = arith.index_cast %swap3A_969 : i32 to index
        %swap3A_972 = arith.index_cast %swap3A_970 : i32 to index
        %swap3A_973 = arith.index_cast %mul3A_734 : i32 to index
        %swap3A_974 = tpu.vector_load %arg6[%swap3A_971, %swap3A_972, %swap3A_973] {strides = array<i32>} : memref<4x4x1024xf32, #tpu.memory_space<vmem>>, vector<1x1x16xf32>,
        %swap3A_975 = vector.shape_cast %swap3A_974 : vector<1x1x16xf32> to vector<16xf32>
        %swap3A_976 = vector.shape_cast %add3A_968 : vector<16xf32> to vector<1x1x16xf32>
        tpu.vector_store %arg6[%swap3A_971, %swap3A_972, %swap3A_973], %swap3A_976 {strides = array<i32>} : memref<4x4x1024xf32, #tpu.memory_space<vmem>>, vector<1x1x16xf32>,
        %get3A_977 = arith.constant 3 : i32
        %get3A_978 = arith.constant 2 : i32
        %get3A_979 = arith.index_cast %get3A_977 : i32 to index
        %get3A_980 = arith.index_cast %get3A_978 : i32 to index
        %get3A_981 = arith.index_cast %mul3A_734 : i32 to index
        %get3A_982 = tpu.vector_load %arg6[%get3A_979, %get3A_980, %get3A_981] {strides = array<i32>} : memref<4x4x1024xf32, #tpu.memory_space<vmem>>, vector<1x1x16xf32>,
        %get3A_983 = vector.shape_cast %get3A_982 : vector<1x1x16xf32> to vector<16xf32>
        %add3A_984 = arith.addf %get3A_983, %get3A_944 : vector<16xf32>
        %swap3A_985 = arith.constant 3 : i32
        %swap3A_986 = arith.constant 2 : i32
        %swap3A_987 = arith.index_cast %swap3A_985 : i32 to index
        %swap3A_988 = arith.index_cast %swap3A_986 : i32 to index
        %swap3A_989 = arith.index_cast %mul3A_734 : i32 to index
        %swap3A_990 = tpu.vector_load %arg6[%swap3A_987, %swap3A_988, %swap3A_989] {strides = array<i32>} : memref<4x4x1024xf32, #tpu.memory_space<vmem>>, vector<1x1x16xf32>,
        %swap3A_991 = vector.shape_cast %swap3A_990 : vector<1x1x16xf32> to vector<16xf32>
        %swap3A_992 = vector.shape_cast %add3A_984 : vector<16xf32> to vector<1x1x16xf32>
        tpu.vector_store %arg6[%swap3A_987, %swap3A_988, %swap3A_989], %swap3A_992 {strides = array<i32>} : memref<4x4x1024xf32, #tpu.memory_space<vmem>>, vector<1x1x16xf32>,
        %get3A_993 = arith.constant 3 : i32
        %get3A_994 = arith.constant 3 : i32
        %get3A_995 = arith.index_cast %get3A_993 : i32 to index
        %get3A_996 = arith.index_cast %get3A_994 : i32 to index
        %get3A_997 = arith.index_cast %mul3A_734 : i32 to index
        %get3A_998 = tpu.vector_load %arg6[%get3A_995, %get3A_996, %get3A_997] {strides = array<i32>} : memref<4x4x1024xf32, #tpu.memory_space<vmem>>, vector<1x1x16xf32>,
        %get3A_999 = vector.shape_cast %get3A_998 : vector<1x1x16xf32> to vector<16xf32>
        %add3A_1000 = arith.addf %get3A_999, %get3A_944 : vector<16xf32>
        %swap3A_1001 = arith.constant 3 : i32
        %swap3A_1002 = arith.constant 3 : i32
        %swap3A_1003 = arith.index_cast %swap3A_1001 : i32 to index
        %swap3A_1004 = arith.index_cast %swap3A_1002 : i32 to index
        %swap3A_1005 = arith.index_cast %mul3A_734 : i32 to index
        %swap3A_1006 = tpu.vector_load %arg6[%swap3A_1003, %swap3A_1004, %swap3A_1005] {strides = array<i32>} : memref<4x4x1024xf32, #tpu.memory_space<vmem>>, vector<1x1x16xf32>,
        %swap3A_1007 = vector.shape_cast %swap3A_1006 : vector<1x1x16xf32> to vector<16xf32>
        %swap3A_1008 = vector.shape_cast %add3A_1000 : vector<16xf32> to vector<1x1x16xf32>
        tpu.vector_store %arg6[%swap3A_1003, %swap3A_1004, %swap3A_1005], %swap3A_1008 {strides = array<i32>} : memref<4x4x1024xf32, #tpu.memory_space<vmem>>, vector<1x1x16xf32>,
      }
      %scan3A_594 = arith.constant 64 : i32
      %mul3A_595 = arith.constant 4 : i32
      %mul3A_596 = arith.muli %add3A_543, %mul3A_595 : i32
      %add3A_597 = arith.addi %mul3A_2, %mul3A_596 : i32
      %dma_start3A_598 = arith.constant 0 : i32
      %dma_start3A_599 = arith.constant 0 : i32
      %dma_start3A_600 = tpu.memref_slice %arg4[%add3A_597, %dma_start3A_598, %dma_start3A_599] : memref<8192x4x1024xf32, #tpu.memory_space<hbm>> -> memref<4x4x1024xf32, #tpu.memory_space<hbm>>
      %dma_start3A_601 = arith.constant 0 : i32
      %dma_start3A_602 = arith.constant 0 : i32
      %dma_start3A_603 = tpu.memref_slice %arg4[%add3A_597, %dma_start3A_601, %dma_start3A_602] : memref<8192x4x1024xf32, #tpu.memory_space<hbm>> -> memref<4x4x1024xf32, #tpu.memory_space<hbm>>
      tpu.enqueue_dma source(%arg6 : memref<4x4x1024xf32, #tpu.memory_space<vmem>>) target(%dma_start3A_603 : memref<4x4x1024xf32, #tpu.memory_space<hbm>>) target_semaphore(%arg22 : memref<!tpu.dma_semaphore, #tpu.memory_space<semaphore_mem>>)
      %mul3A_604 = arith.constant 4 : i32
      %mul3A_605 = arith.muli %scan3A_478, %mul3A_604 : i32
      %add3A_606 = arith.constant 2 : i32
      %add3A_607 = arith.addi %mul3A_605, %add3A_606 : i32
      %add3A_608 = arith.constant 2 : i32
      %add3A_609 = arith.addi %add3A_607, %add3A_608 : i32
      %lt3A_610 = arith.constant 64 : i32
      %lt3A_611 = arith.cmpi slt, %add3A_609, %lt3A_610 : i32
      %convert_element_type3A_612 = arith.extui %lt3A_611 : i1 to i32
      %cond3A_613 = arith.constant 0 : i32
      %cond3A_614 = arith.cmpi ne, %convert_element_type3A_612, %cond3A_613 : i32
      scf.if %cond3A_614 {
        %dma_wait3A_732 = arith.constant 0 : i32
        %dma_wait3A_733 = arith.constant 0 : i32
        %dma_wait3A_734 = arith.constant 0 : i32
        %dma_wait3A_735 = tpu.memref_slice %arg4[%dma_wait3A_732, %dma_wait3A_733, %dma_wait3A_734] : memref<8192x4x1024xf32, #tpu.memory_space<hbm>> -> memref<4x4x1024xf32, #tpu.memory_space<hbm>>
        %dma_wait3A_736 = arith.constant 0 : i32
        %dma_wait3A_737 = arith.constant 0 : i32
        %dma_wait3A_738 = arith.constant 0 : i32
        %dma_wait3A_739 = tpu.memref_slice %arg4[%dma_wait3A_736, %dma_wait3A_737, %dma_wait3A_738] : memref<8192x4x1024xf32, #tpu.memory_space<hbm>> -> memref<4x4x1024xf32, #tpu.memory_space<hbm>>
        tpu.wait_dma2 semaphore(%arg21 : memref<!tpu.dma_semaphore, #tpu.memory_space<semaphore_mem>>) src(%arg5 : memref<4x4x1024xf32, #tpu.memory_space<vmem>>) dst(%dma_wait3A_739 : memref<4x4x1024xf32, #tpu.memory_space<hbm>>)
        %add3A_740 = arith.constant 2 : i32
        %add3A_741 = arith.addi %add3A_607, %add3A_740 : i32
        %mul3A_742 = arith.constant 4 : i32
        %mul3A_743 = arith.muli %add3A_741, %mul3A_742 : i32
        %add3A_744 = arith.addi %mul3A_2, %mul3A_743 : i32
        %dma_start3A_745 = arith.constant 0 : i32
        %dma_start3A_746 = arith.constant 0 : i32
        %dma_start3A_747 = arith.constant 0 : i32
        %dma_start3A_748 = tpu.memref_slice %arg5[%dma_start3A_745, %dma_start3A_746, %dma_start3A_747] : memref<4x4x1024xf32, #tpu.memory_space<vmem>> -> memref<2x4x1024xf32, #tpu.memory_space<vmem>>
        %dma_start3A_749 = arith.constant 0 : i32
        %dma_start3A_750 = arith.constant 0 : i32
        %dma_start3A_751 = tpu.memref_slice %arg2[%add3A_744, %dma_start3A_749, %dma_start3A_750] : memref<8192x4x1024xf32, #tpu.memory_space<hbm>> -> memref<2x4x1024xf32, #tpu.memory_space<hbm>>
        %dma_start3A_752 = arith.constant 0 : i32
        %dma_start3A_753 = arith.constant 0 : i32
        %dma_start3A_754 = arith.constant 0 : i32
        %dma_start3A_755 = tpu.memref_slice %arg5[%dma_start3A_752, %dma_start3A_753, %dma_start3A_754] : memref<4x4x1024xf32, #tpu.memory_space<vmem>> -> memref<2x4x1024xf32, #tpu.memory_space<vmem>>
        %dma_start3A_756 = arith.constant 0 : i32
        %dma_start3A_757 = arith.constant 0 : i32
        %dma_start3A_758 = tpu.memref_slice %arg2[%add3A_744, %dma_start3A_756, %dma_start3A_757] : memref<8192x4x1024xf32, #tpu.memory_space<hbm>> -> memref<2x4x1024xf32, #tpu.memory_space<hbm>>
        tpu.enqueue_dma source(%dma_start3A_758 : memref<2x4x1024xf32, #tpu.memory_space<hbm>>) target(%dma_start3A_755 : memref<2x4x1024xf32, #tpu.memory_space<vmem>>) target_semaphore(%arg13 : memref<!tpu.dma_semaphore, #tpu.memory_space<semaphore_mem>>)
        %add3A_759 = arith.constant 2 : i32
        %add3A_760 = arith.addi %add3A_744, %add3A_759 : i32
        %dma_start3A_761 = arith.constant 2 : i32
        %dma_start3A_762 = arith.constant 0 : i32
        %dma_start3A_763 = arith.constant 0 : i32
        %dma_start3A_764 = tpu.memref_slice %arg5[%dma_start3A_761, %dma_start3A_762, %dma_start3A_763] : memref<4x4x1024xf32, #tpu.memory_space<vmem>> -> memref<2x4x1024xf32, #tpu.memory_space<vmem>>
        %dma_start3A_765 = arith.constant 0 : i32
        %dma_start3A_766 = arith.constant 0 : i32
        %dma_start3A_767 = tpu.memref_slice %arg2[%add3A_760, %dma_start3A_765, %dma_start3A_766] : memref<8192x4x1024xf32, #tpu.memory_space<hbm>> -> memref<2x4x1024xf32, #tpu.memory_space<hbm>>
        %dma_start3A_768 = arith.constant 2 : i32
        %dma_start3A_769 = arith.constant 0 : i32
        %dma_start3A_770 = arith.constant 0 : i32
        %dma_start3A_771 = tpu.memref_slice %arg5[%dma_start3A_768, %dma_start3A_769, %dma_start3A_770] : memref<4x4x1024xf32, #tpu.memory_space<vmem>> -> memref<2x4x1024xf32, #tpu.memory_space<vmem>>
        %dma_start3A_772 = arith.constant 0 : i32
        %dma_start3A_773 = arith.constant 0 : i32
        %dma_start3A_774 = tpu.memref_slice %arg2[%add3A_760, %dma_start3A_772, %dma_start3A_773] : memref<8192x4x1024xf32, #tpu.memory_space<hbm>> -> memref<2x4x1024xf32, #tpu.memory_space<hbm>>
        tpu.enqueue_dma source(%dma_start3A_774 : memref<2x4x1024xf32, #tpu.memory_space<hbm>>) target(%dma_start3A_771 : memref<2x4x1024xf32, #tpu.memory_space<vmem>>) target_semaphore(%arg13 : memref<!tpu.dma_semaphore, #tpu.memory_space<semaphore_mem>>)
        %dma_start3A_775 = arith.constant 0 : i32
        %dma_start3A_776 = tpu.memref_slice %arg3[%add3A_744, %dma_start3A_775] : memref<8192x1024xf32, #tpu.memory_space<hbm>> -> memref<4x1024xf32, #tpu.memory_space<hbm>>
        %dma_start3A_777 = arith.constant 0 : i32
        %dma_start3A_778 = tpu.memref_slice %arg3[%add3A_744, %dma_start3A_777] : memref<8192x1024xf32, #tpu.memory_space<hbm>> -> memref<4x1024xf32, #tpu.memory_space<hbm>>
        tpu.enqueue_dma source(%dma_start3A_778 : memref<4x1024xf32, #tpu.memory_space<hbm>>) target(%arg9 : memref<4x1024xf32, #tpu.memory_space<vmem>>) target_semaphore(%arg17 : memref<!tpu.dma_semaphore, #tpu.memory_space<semaphore_mem>>)
      } else {
      }
      %dma_wait3A_615 = arith.constant 0 : i32
      %dma_wait3A_616 = arith.constant 0 : i32
      %dma_wait3A_617 = arith.constant 0 : i32
      %dma_wait3A_618 = tpu.memref_slice %arg7[%dma_wait3A_615, %dma_wait3A_616, %dma_wait3A_617] : memref<4x4x1024xf32, #tpu.memory_space<vmem>> -> memref<2x4x1024xf32, #tpu.memory_space<vmem>>
      %dma_wait3A_619 = arith.constant 0 : i32
      %dma_wait3A_620 = arith.constant 0 : i32
      %dma_wait3A_621 = arith.constant 0 : i32
      %dma_wait3A_622 = tpu.memref_slice %arg2[%dma_wait3A_619, %dma_wait3A_620, %dma_wait3A_621] : memref<8192x4x1024xf32, #tpu.memory_space<hbm>> -> memref<2x4x1024xf32, #tpu.memory_space<hbm>>
      %dma_wait3A_623 = arith.constant 0 : i32
      %dma_wait3A_624 = arith.constant 0 : i32
      %dma_wait3A_625 = arith.constant 0 : i32
      %dma_wait3A_626 = tpu.memref_slice %arg7[%dma_wait3A_623, %dma_wait3A_624, %dma_wait3A_625] : memref<4x4x1024xf32, #tpu.memory_space<vmem>> -> memref<2x4x1024xf32, #tpu.memory_space<vmem>>
      %dma_wait3A_627 = arith.constant 0 : i32
      %dma_wait3A_628 = arith.constant 0 : i32
      %dma_wait3A_629 = arith.constant 0 : i32
      %dma_wait3A_630 = tpu.memref_slice %arg2[%dma_wait3A_627, %dma_wait3A_628, %dma_wait3A_629] : memref<8192x4x1024xf32, #tpu.memory_space<hbm>> -> memref<2x4x1024xf32, #tpu.memory_space<hbm>>
      tpu.wait_dma2 semaphore(%arg15 : memref<!tpu.dma_semaphore, #tpu.memory_space<semaphore_mem>>) src(%dma_wait3A_630 : memref<2x4x1024xf32, #tpu.memory_space<hbm>>) dst(%dma_wait3A_626 : memref<2x4x1024xf32, #tpu.memory_space<vmem>>)
      %dma_wait3A_631 = arith.constant 2 : i32
      %dma_wait3A_632 = arith.constant 0 : i32
      %dma_wait3A_633 = arith.constant 0 : i32
      %dma_wait3A_634 = tpu.memref_slice %arg7[%dma_wait3A_631, %dma_wait3A_632, %dma_wait3A_633] : memref<4x4x1024xf32, #tpu.memory_space<vmem>> -> memref<2x4x1024xf32, #tpu.memory_space<vmem>>
      %dma_wait3A_635 = arith.constant 0 : i32
      %dma_wait3A_636 = arith.constant 0 : i32
      %dma_wait3A_637 = arith.constant 0 : i32
      %dma_wait3A_638 = tpu.memref_slice %arg2[%dma_wait3A_635, %dma_wait3A_636, %dma_wait3A_637] : memref<8192x4x1024xf32, #tpu.memory_space<hbm>> -> memref<2x4x1024xf32, #tpu.memory_space<hbm>>
      %dma_wait3A_639 = arith.constant 2 : i32
      %dma_wait3A_640 = arith.constant 0 : i32
      %dma_wait3A_641 = arith.constant 0 : i32
      %dma_wait3A_642 = tpu.memref_slice %arg7[%dma_wait3A_639, %dma_wait3A_640, %dma_wait3A_641] : memref<4x4x1024xf32, #tpu.memory_space<vmem>> -> memref<2x4x1024xf32, #tpu.memory_space<vmem>>
      %dma_wait3A_643 = arith.constant 0 : i32
      %dma_wait3A_644 = arith.constant 0 : i32
      %dma_wait3A_645 = arith.constant 0 : i32
      %dma_wait3A_646 = tpu.memref_slice %arg2[%dma_wait3A_643, %dma_wait3A_644, %dma_wait3A_645] : memref<8192x4x1024xf32, #tpu.memory_space<hbm>> -> memref<2x4x1024xf32, #tpu.memory_space<hbm>>
      tpu.wait_dma2 semaphore(%arg15 : memref<!tpu.dma_semaphore, #tpu.memory_space<semaphore_mem>>) src(%dma_wait3A_646 : memref<2x4x1024xf32, #tpu.memory_space<hbm>>) dst(%dma_wait3A_642 : memref<2x4x1024xf32, #tpu.memory_space<vmem>>)
      %dma_wait3A_647 = arith.constant 0 : i32
      %dma_wait3A_648 = arith.constant 0 : i32
      %dma_wait3A_649 = tpu.memref_slice %arg3[%dma_wait3A_647, %dma_wait3A_648] : memref<8192x1024xf32, #tpu.memory_space<hbm>> -> memref<4x1024xf32, #tpu.memory_space<hbm>>
      %dma_wait3A_650 = arith.constant 0 : i32
      %dma_wait3A_651 = arith.constant 0 : i32
      %dma_wait3A_652 = tpu.memref_slice %arg3[%dma_wait3A_650, %dma_wait3A_651] : memref<8192x1024xf32, #tpu.memory_space<hbm>> -> memref<4x1024xf32, #tpu.memory_space<hbm>>
      tpu.wait_dma2 semaphore(%arg19 : memref<!tpu.dma_semaphore, #tpu.memory_space<semaphore_mem>>) src(%dma_wait3A_652 : memref<4x1024xf32, #tpu.memory_space<hbm>>) dst(%arg11 : memref<4x1024xf32, #tpu.memory_space<vmem>>)
      %scan3A_653 = arith.constant 0 : i32
      %scan3A_654 = arith.constant 0 : i32
      %scan3A_655 = arith.constant 64 : i32
      %scan3A_656 = arith.addi %scan3A_654, %scan3A_655 : i32
      %scan3A_657 = arith.constant 1 : i32
      scf.for %scan3A_732 = %scan3A_654 to %scan3A_656 step %scan3A_657  : i32 {
        %mul3A_733 = arith.constant 16 : i32
        %mul3A_734 = arith.muli %scan3A_732, %mul3A_733 : i32
        %get3A = arith.constant 0 : i32
        %get3A_735 = arith.index_cast %get3A : i32 to index
        %get3A_736 = arith.index_cast %mul3A_734 : i32 to index
        %get3A_737 = tpu.vector_load %arg11[%get3A_735, %get3A_736] {strides = array<i32>} : memref<4x1024xf32, #tpu.memory_space<vmem>>, vector<1x16xf32>,
        %get3A_738 = vector.shape_cast %get3A_737 : vector<1x16xf32> to vector<16xf32>
        %get3A_739 = arith.constant 0 : i32
        %get3A_740 = arith.constant 0 : i32
        %get3A_741 = arith.index_cast %get3A_739 : i32 to index
        %get3A_742 = arith.index_cast %get3A_740 : i32 to index
        %get3A_743 = arith.index_cast %mul3A_734 : i32 to index
        %get3A_744 = tpu.vector_load %arg7[%get3A_741, %get3A_742, %get3A_743] {strides = array<i32>} : memref<4x4x1024xf32, #tpu.memory_space<vmem>>, vector<1x1x16xf32>,
        %get3A_745 = vector.shape_cast %get3A_744 : vector<1x1x16xf32> to vector<16xf32>
        %add3A_746 = arith.addf %get3A_745, %get3A_738 : vector<16xf32>
        %swap3A = arith.constant 0 : i32
        %swap3A_747 = arith.constant 0 : i32
        %swap3A_748 = arith.index_cast %swap3A : i32 to index
        %swap3A_749 = arith.index_cast %swap3A_747 : i32 to index
        %swap3A_750 = arith.index_cast %mul3A_734 : i32 to index
        %swap3A_751 = tpu.vector_load %arg7[%swap3A_748, %swap3A_749, %swap3A_750] {strides = array<i32>} : memref<4x4x1024xf32, #tpu.memory_space<vmem>>, vector<1x1x16xf32>,
        %swap3A_752 = vector.shape_cast %swap3A_751 : vector<1x1x16xf32> to vector<16xf32>
        %swap3A_753 = vector.shape_cast %add3A_746 : vector<16xf32> to vector<1x1x16xf32>
        tpu.vector_store %arg7[%swap3A_748, %swap3A_749, %swap3A_750], %swap3A_753 {strides = array<i32>} : memref<4x4x1024xf32, #tpu.memory_space<vmem>>, vector<1x1x16xf32>,
        %get3A_754 = arith.constant 0 : i32
        %get3A_755 = arith.constant 1 : i32
        %get3A_756 = arith.index_cast %get3A_754 : i32 to index
        %get3A_757 = arith.index_cast %get3A_755 : i32 to index
        %get3A_758 = arith.index_cast %mul3A_734 : i32 to index
        %get3A_759 = tpu.vector_load %arg7[%get3A_756, %get3A_757, %get3A_758] {strides = array<i32>} : memref<4x4x1024xf32, #tpu.memory_space<vmem>>, vector<1x1x16xf32>,
        %get3A_760 = vector.shape_cast %get3A_759 : vector<1x1x16xf32> to vector<16xf32>
        %add3A_761 = arith.addf %get3A_760, %get3A_738 : vector<16xf32>
        %swap3A_762 = arith.constant 0 : i32
        %swap3A_763 = arith.constant 1 : i32
        %swap3A_764 = arith.index_cast %swap3A_762 : i32 to index
        %swap3A_765 = arith.index_cast %swap3A_763 : i32 to index
        %swap3A_766 = arith.index_cast %mul3A_734 : i32 to index
        %swap3A_767 = tpu.vector_load %arg7[%swap3A_764, %swap3A_765, %swap3A_766] {strides = array<i32>} : memref<4x4x1024xf32, #tpu.memory_space<vmem>>, vector<1x1x16xf32>,
        %swap3A_768 = vector.shape_cast %swap3A_767 : vector<1x1x16xf32> to vector<16xf32>
        %swap3A_769 = vector.shape_cast %add3A_761 : vector<16xf32> to vector<1x1x16xf32>
        tpu.vector_store %arg7[%swap3A_764, %swap3A_765, %swap3A_766], %swap3A_769 {strides = array<i32>} : memref<4x4x1024xf32, #tpu.memory_space<vmem>>, vector<1x1x16xf32>,
        %get3A_770 = arith.constant 0 : i32
        %get3A_771 = arith.constant 2 : i32
        %get3A_772 = arith.index_cast %get3A_770 : i32 to index
        %get3A_773 = arith.index_cast %get3A_771 : i32 to index
        %get3A_774 = arith.index_cast %mul3A_734 : i32 to index
        %get3A_775 = tpu.vector_load %arg7[%get3A_772, %get3A_773, %get3A_774] {strides = array<i32>} : memref<4x4x1024xf32, #tpu.memory_space<vmem>>, vector<1x1x16xf32>,
        %get3A_776 = vector.shape_cast %get3A_775 : vector<1x1x16xf32> to vector<16xf32>
        %add3A_777 = arith.addf %get3A_776, %get3A_738 : vector<16xf32>
        %swap3A_778 = arith.constant 0 : i32
        %swap3A_779 = arith.constant 2 : i32
        %swap3A_780 = arith.index_cast %swap3A_778 : i32 to index
        %swap3A_781 = arith.index_cast %swap3A_779 : i32 to index
        %swap3A_782 = arith.index_cast %mul3A_734 : i32 to index
        %swap3A_783 = tpu.vector_load %arg7[%swap3A_780, %swap3A_781, %swap3A_782] {strides = array<i32>} : memref<4x4x1024xf32, #tpu.memory_space<vmem>>, vector<1x1x16xf32>,
        %swap3A_784 = vector.shape_cast %swap3A_783 : vector<1x1x16xf32> to vector<16xf32>
        %swap3A_785 = vector.shape_cast %add3A_777 : vector<16xf32> to vector<1x1x16xf32>
        tpu.vector_store %arg7[%swap3A_780, %swap3A_781, %swap3A_782], %swap3A_785 {strides = array<i32>} : memref<4x4x1024xf32, #tpu.memory_space<vmem>>, vector<1x1x16xf32>,
        %get3A_786 = arith.constant 0 : i32
        %get3A_787 = arith.constant 3 : i32
        %get3A_788 = arith.index_cast %get3A_786 : i32 to index
        %get3A_789 = arith.index_cast %get3A_787 : i32 to index
        %get3A_790 = arith.index_cast %mul3A_734 : i32 to index
        %get3A_791 = tpu.vector_load %arg7[%get3A_788, %get3A_789, %get3A_790] {strides = array<i32>} : memref<4x4x1024xf32, #tpu.memory_space<vmem>>, vector<1x1x16xf32>,
        %get3A_792 = vector.shape_cast %get3A_791 : vector<1x1x16xf32> to vector<16xf32>
        %add3A_793 = arith.addf %get3A_792, %get3A_738 : vector<16xf32>
        %swap3A_794 = arith.constant 0 : i32
        %swap3A_795 = arith.constant 3 : i32
        %swap3A_796 = arith.index_cast %swap3A_794 : i32 to index
        %swap3A_797 = arith.index_cast %swap3A_795 : i32 to index
        %swap3A_798 = arith.index_cast %mul3A_734 : i32 to index
        %swap3A_799 = tpu.vector_load %arg7[%swap3A_796, %swap3A_797, %swap3A_798] {strides = array<i32>} : memref<4x4x1024xf32, #tpu.memory_space<vmem>>, vector<1x1x16xf32>,
        %swap3A_800 = vector.shape_cast %swap3A_799 : vector<1x1x16xf32> to vector<16xf32>
        %swap3A_801 = vector.shape_cast %add3A_793 : vector<16xf32> to vector<1x1x16xf32>
        tpu.vector_store %arg7[%swap3A_796, %swap3A_797, %swap3A_798], %swap3A_801 {strides = array<i32>} : memref<4x4x1024xf32, #tpu.memory_space<vmem>>, vector<1x1x16xf32>,
        %get3A_802 = arith.constant 1 : i32
        %get3A_803 = arith.index_cast %get3A_802 : i32 to index
        %get3A_804 = arith.index_cast %mul3A_734 : i32 to index
        %get3A_805 = tpu.vector_load %arg11[%get3A_803, %get3A_804] {strides = array<i32>} : memref<4x1024xf32, #tpu.memory_space<vmem>>, vector<1x16xf32>,
        %get3A_806 = vector.shape_cast %get3A_805 : vector<1x16xf32> to vector<16xf32>
        %get3A_807 = arith.constant 1 : i32
        %get3A_808 = arith.constant 0 : i32
        %get3A_809 = arith.index_cast %get3A_807 : i32 to index
        %get3A_810 = arith.index_cast %get3A_808 : i32 to index
        %get3A_811 = arith.index_cast %mul3A_734 : i32 to index
        %get3A_812 = tpu.vector_load %arg7[%get3A_809, %get3A_810, %get3A_811] {strides = array<i32>} : memref<4x4x1024xf32, #tpu.memory_space<vmem>>, vector<1x1x16xf32>,
        %get3A_813 = vector.shape_cast %get3A_812 : vector<1x1x16xf32> to vector<16xf32>
        %add3A_814 = arith.addf %get3A_813, %get3A_806 : vector<16xf32>
        %swap3A_815 = arith.constant 1 : i32
        %swap3A_816 = arith.constant 0 : i32
        %swap3A_817 = arith.index_cast %swap3A_815 : i32 to index
        %swap3A_818 = arith.index_cast %swap3A_816 : i32 to index
        %swap3A_819 = arith.index_cast %mul3A_734 : i32 to index
        %swap3A_820 = tpu.vector_load %arg7[%swap3A_817, %swap3A_818, %swap3A_819] {strides = array<i32>} : memref<4x4x1024xf32, #tpu.memory_space<vmem>>, vector<1x1x16xf32>,
        %swap3A_821 = vector.shape_cast %swap3A_820 : vector<1x1x16xf32> to vector<16xf32>
        %swap3A_822 = vector.shape_cast %add3A_814 : vector<16xf32> to vector<1x1x16xf32>
        tpu.vector_store %arg7[%swap3A_817, %swap3A_818, %swap3A_819], %swap3A_822 {strides = array<i32>} : memref<4x4x1024xf32, #tpu.memory_space<vmem>>, vector<1x1x16xf32>,
        %get3A_823 = arith.constant 1 : i32
        %get3A_824 = arith.constant 1 : i32
        %get3A_825 = arith.index_cast %get3A_823 : i32 to index
        %get3A_826 = arith.index_cast %get3A_824 : i32 to index
        %get3A_827 = arith.index_cast %mul3A_734 : i32 to index
        %get3A_828 = tpu.vector_load %arg7[%get3A_825, %get3A_826, %get3A_827] {strides = array<i32>} : memref<4x4x1024xf32, #tpu.memory_space<vmem>>, vector<1x1x16xf32>,
        %get3A_829 = vector.shape_cast %get3A_828 : vector<1x1x16xf32> to vector<16xf32>
        %add3A_830 = arith.addf %get3A_829, %get3A_806 : vector<16xf32>
        %swap3A_831 = arith.constant 1 : i32
        %swap3A_832 = arith.constant 1 : i32
        %swap3A_833 = arith.index_cast %swap3A_831 : i32 to index
        %swap3A_834 = arith.index_cast %swap3A_832 : i32 to index
        %swap3A_835 = arith.index_cast %mul3A_734 : i32 to index
        %swap3A_836 = tpu.vector_load %arg7[%swap3A_833, %swap3A_834, %swap3A_835] {strides = array<i32>} : memref<4x4x1024xf32, #tpu.memory_space<vmem>>, vector<1x1x16xf32>,
        %swap3A_837 = vector.shape_cast %swap3A_836 : vector<1x1x16xf32> to vector<16xf32>
        %swap3A_838 = vector.shape_cast %add3A_830 : vector<16xf32> to vector<1x1x16xf32>
        tpu.vector_store %arg7[%swap3A_833, %swap3A_834, %swap3A_835], %swap3A_838 {strides = array<i32>} : memref<4x4x1024xf32, #tpu.memory_space<vmem>>, vector<1x1x16xf32>,
        %get3A_839 = arith.constant 1 : i32
        %get3A_840 = arith.constant 2 : i32
        %get3A_841 = arith.index_cast %get3A_839 : i32 to index
        %get3A_842 = arith.index_cast %get3A_840 : i32 to index
        %get3A_843 = arith.index_cast %mul3A_734 : i32 to index
        %get3A_844 = tpu.vector_load %arg7[%get3A_841, %get3A_842, %get3A_843] {strides = array<i32>} : memref<4x4x1024xf32, #tpu.memory_space<vmem>>, vector<1x1x16xf32>,
        %get3A_845 = vector.shape_cast %get3A_844 : vector<1x1x16xf32> to vector<16xf32>
        %add3A_846 = arith.addf %get3A_845, %get3A_806 : vector<16xf32>
        %swap3A_847 = arith.constant 1 : i32
        %swap3A_848 = arith.constant 2 : i32
        %swap3A_849 = arith.index_cast %swap3A_847 : i32 to index
        %swap3A_850 = arith.index_cast %swap3A_848 : i32 to index
        %swap3A_851 = arith.index_cast %mul3A_734 : i32 to index
        %swap3A_852 = tpu.vector_load %arg7[%swap3A_849, %swap3A_850, %swap3A_851] {strides = array<i32>} : memref<4x4x1024xf32, #tpu.memory_space<vmem>>, vector<1x1x16xf32>,
        %swap3A_853 = vector.shape_cast %swap3A_852 : vector<1x1x16xf32> to vector<16xf32>
        %swap3A_854 = vector.shape_cast %add3A_846 : vector<16xf32> to vector<1x1x16xf32>
        tpu.vector_store %arg7[%swap3A_849, %swap3A_850, %swap3A_851], %swap3A_854 {strides = array<i32>} : memref<4x4x1024xf32, #tpu.memory_space<vmem>>, vector<1x1x16xf32>,
        %get3A_855 = arith.constant 1 : i32
        %get3A_856 = arith.constant 3 : i32
        %get3A_857 = arith.index_cast %get3A_855 : i32 to index
        %get3A_858 = arith.index_cast %get3A_856 : i32 to index
        %get3A_859 = arith.index_cast %mul3A_734 : i32 to index
        %get3A_860 = tpu.vector_load %arg7[%get3A_857, %get3A_858, %get3A_859] {strides = array<i32>} : memref<4x4x1024xf32, #tpu.memory_space<vmem>>, vector<1x1x16xf32>,
        %get3A_861 = vector.shape_cast %get3A_860 : vector<1x1x16xf32> to vector<16xf32>
        %add3A_862 = arith.addf %get3A_861, %get3A_806 : vector<16xf32>
        %swap3A_863 = arith.constant 1 : i32
        %swap3A_864 = arith.constant 3 : i32
        %swap3A_865 = arith.index_cast %swap3A_863 : i32 to index
        %swap3A_866 = arith.index_cast %swap3A_864 : i32 to index
        %swap3A_867 = arith.index_cast %mul3A_734 : i32 to index
        %swap3A_868 = tpu.vector_load %arg7[%swap3A_865, %swap3A_866, %swap3A_867] {strides = array<i32>} : memref<4x4x1024xf32, #tpu.memory_space<vmem>>, vector<1x1x16xf32>,
        %swap3A_869 = vector.shape_cast %swap3A_868 : vector<1x1x16xf32> to vector<16xf32>
        %swap3A_870 = vector.shape_cast %add3A_862 : vector<16xf32> to vector<1x1x16xf32>
        tpu.vector_store %arg7[%swap3A_865, %swap3A_866, %swap3A_867], %swap3A_870 {strides = array<i32>} : memref<4x4x1024xf32, #tpu.memory_space<vmem>>, vector<1x1x16xf32>,
        %get3A_871 = arith.constant 2 : i32
        %get3A_872 = arith.index_cast %get3A_871 : i32 to index
        %get3A_873 = arith.index_cast %mul3A_734 : i32 to index
        %get3A_874 = tpu.vector_load %arg11[%get3A_872, %get3A_873] {strides = array<i32>} : memref<4x1024xf32, #tpu.memory_space<vmem>>, vector<1x16xf32>,
        %get3A_875 = vector.shape_cast %get3A_874 : vector<1x16xf32> to vector<16xf32>
        %get3A_876 = arith.constant 2 : i32
        %get3A_877 = arith.constant 0 : i32
        %get3A_878 = arith.index_cast %get3A_876 : i32 to index
        %get3A_879 = arith.index_cast %get3A_877 : i32 to index
        %get3A_880 = arith.index_cast %mul3A_734 : i32 to index
        %get3A_881 = tpu.vector_load %arg7[%get3A_878, %get3A_879, %get3A_880] {strides = array<i32>} : memref<4x4x1024xf32, #tpu.memory_space<vmem>>, vector<1x1x16xf32>,
        %get3A_882 = vector.shape_cast %get3A_881 : vector<1x1x16xf32> to vector<16xf32>
        %add3A_883 = arith.addf %get3A_882, %get3A_875 : vector<16xf32>
        %swap3A_884 = arith.constant 2 : i32
        %swap3A_885 = arith.constant 0 : i32
        %swap3A_886 = arith.index_cast %swap3A_884 : i32 to index
        %swap3A_887 = arith.index_cast %swap3A_885 : i32 to index
        %swap3A_888 = arith.index_cast %mul3A_734 : i32 to index
        %swap3A_889 = tpu.vector_load %arg7[%swap3A_886, %swap3A_887, %swap3A_888] {strides = array<i32>} : memref<4x4x1024xf32, #tpu.memory_space<vmem>>, vector<1x1x16xf32>,
        %swap3A_890 = vector.shape_cast %swap3A_889 : vector<1x1x16xf32> to vector<16xf32>
        %swap3A_891 = vector.shape_cast %add3A_883 : vector<16xf32> to vector<1x1x16xf32>
        tpu.vector_store %arg7[%swap3A_886, %swap3A_887, %swap3A_888], %swap3A_891 {strides = array<i32>} : memref<4x4x1024xf32, #tpu.memory_space<vmem>>, vector<1x1x16xf32>,
        %get3A_892 = arith.constant 2 : i32
        %get3A_893 = arith.constant 1 : i32
        %get3A_894 = arith.index_cast %get3A_892 : i32 to index
        %get3A_895 = arith.index_cast %get3A_893 : i32 to index
        %get3A_896 = arith.index_cast %mul3A_734 : i32 to index
        %get3A_897 = tpu.vector_load %arg7[%get3A_894, %get3A_895, %get3A_896] {strides = array<i32>} : memref<4x4x1024xf32, #tpu.memory_space<vmem>>, vector<1x1x16xf32>,
        %get3A_898 = vector.shape_cast %get3A_897 : vector<1x1x16xf32> to vector<16xf32>
        %add3A_899 = arith.addf %get3A_898, %get3A_875 : vector<16xf32>
        %swap3A_900 = arith.constant 2 : i32
        %swap3A_901 = arith.constant 1 : i32
        %swap3A_902 = arith.index_cast %swap3A_900 : i32 to index
        %swap3A_903 = arith.index_cast %swap3A_901 : i32 to index
        %swap3A_904 = arith.index_cast %mul3A_734 : i32 to index
        %swap3A_905 = tpu.vector_load %arg7[%swap3A_902, %swap3A_903, %swap3A_904] {strides = array<i32>} : memref<4x4x1024xf32, #tpu.memory_space<vmem>>, vector<1x1x16xf32>,
        %swap3A_906 = vector.shape_cast %swap3A_905 : vector<1x1x16xf32> to vector<16xf32>
        %swap3A_907 = vector.shape_cast %add3A_899 : vector<16xf32> to vector<1x1x16xf32>
        tpu.vector_store %arg7[%swap3A_902, %swap3A_903, %swap3A_904], %swap3A_907 {strides = array<i32>} : memref<4x4x1024xf32, #tpu.memory_space<vmem>>, vector<1x1x16xf32>,
        %get3A_908 = arith.constant 2 : i32
        %get3A_909 = arith.constant 2 : i32
        %get3A_910 = arith.index_cast %get3A_908 : i32 to index
        %get3A_911 = arith.index_cast %get3A_909 : i32 to index
        %get3A_912 = arith.index_cast %mul3A_734 : i32 to index
        %get3A_913 = tpu.vector_load %arg7[%get3A_910, %get3A_911, %get3A_912] {strides = array<i32>} : memref<4x4x1024xf32, #tpu.memory_space<vmem>>, vector<1x1x16xf32>,
        %get3A_914 = vector.shape_cast %get3A_913 : vector<1x1x16xf32> to vector<16xf32>
        %add3A_915 = arith.addf %get3A_914, %get3A_875 : vector<16xf32>
        %swap3A_916 = arith.constant 2 : i32
        %swap3A_917 = arith.constant 2 : i32
        %swap3A_918 = arith.index_cast %swap3A_916 : i32 to index
        %swap3A_919 = arith.index_cast %swap3A_917 : i32 to index
        %swap3A_920 = arith.index_cast %mul3A_734 : i32 to index
        %swap3A_921 = tpu.vector_load %arg7[%swap3A_918, %swap3A_919, %swap3A_920] {strides = array<i32>} : memref<4x4x1024xf32, #tpu.memory_space<vmem>>, vector<1x1x16xf32>,
        %swap3A_922 = vector.shape_cast %swap3A_921 : vector<1x1x16xf32> to vector<16xf32>
        %swap3A_923 = vector.shape_cast %add3A_915 : vector<16xf32> to vector<1x1x16xf32>
        tpu.vector_store %arg7[%swap3A_918, %swap3A_919, %swap3A_920], %swap3A_923 {strides = array<i32>} : memref<4x4x1024xf32, #tpu.memory_space<vmem>>, vector<1x1x16xf32>,
        %get3A_924 = arith.constant 2 : i32
        %get3A_925 = arith.constant 3 : i32
        %get3A_926 = arith.index_cast %get3A_924 : i32 to index
        %get3A_927 = arith.index_cast %get3A_925 : i32 to index
        %get3A_928 = arith.index_cast %mul3A_734 : i32 to index
        %get3A_929 = tpu.vector_load %arg7[%get3A_926, %get3A_927, %get3A_928] {strides = array<i32>} : memref<4x4x1024xf32, #tpu.memory_space<vmem>>, vector<1x1x16xf32>,
        %get3A_930 = vector.shape_cast %get3A_929 : vector<1x1x16xf32> to vector<16xf32>
        %add3A_931 = arith.addf %get3A_930, %get3A_875 : vector<16xf32>
        %swap3A_932 = arith.constant 2 : i32
        %swap3A_933 = arith.constant 3 : i32
        %swap3A_934 = arith.index_cast %swap3A_932 : i32 to index
        %swap3A_935 = arith.index_cast %swap3A_933 : i32 to index
        %swap3A_936 = arith.index_cast %mul3A_734 : i32 to index
        %swap3A_937 = tpu.vector_load %arg7[%swap3A_934, %swap3A_935, %swap3A_936] {strides = array<i32>} : memref<4x4x1024xf32, #tpu.memory_space<vmem>>, vector<1x1x16xf32>,
        %swap3A_938 = vector.shape_cast %swap3A_937 : vector<1x1x16xf32> to vector<16xf32>
        %swap3A_939 = vector.shape_cast %add3A_931 : vector<16xf32> to vector<1x1x16xf32>
        tpu.vector_store %arg7[%swap3A_934, %swap3A_935, %swap3A_936], %swap3A_939 {strides = array<i32>} : memref<4x4x1024xf32, #tpu.memory_space<vmem>>, vector<1x1x16xf32>,
        %get3A_940 = arith.constant 3 : i32
        %get3A_941 = arith.index_cast %get3A_940 : i32 to index
        %get3A_942 = arith.index_cast %mul3A_734 : i32 to index
        %get3A_943 = tpu.vector_load %arg11[%get3A_941, %get3A_942] {strides = array<i32>} : memref<4x1024xf32, #tpu.memory_space<vmem>>, vector<1x16xf32>,
        %get3A_944 = vector.shape_cast %get3A_943 : vector<1x16xf32> to vector<16xf32>
        %get3A_945 = arith.constant 3 : i32
        %get3A_946 = arith.constant 0 : i32
        %get3A_947 = arith.index_cast %get3A_945 : i32 to index
        %get3A_948 = arith.index_cast %get3A_946 : i32 to index
        %get3A_949 = arith.index_cast %mul3A_734 : i32 to index
        %get3A_950 = tpu.vector_load %arg7[%get3A_947, %get3A_948, %get3A_949] {strides = array<i32>} : memref<4x4x1024xf32, #tpu.memory_space<vmem>>, vector<1x1x16xf32>,
        %get3A_951 = vector.shape_cast %get3A_950 : vector<1x1x16xf32> to vector<16xf32>
        %add3A_952 = arith.addf %get3A_951, %get3A_944 : vector<16xf32>
        %swap3A_953 = arith.constant 3 : i32
        %swap3A_954 = arith.constant 0 : i32
        %swap3A_955 = arith.index_cast %swap3A_953 : i32 to index
        %swap3A_956 = arith.index_cast %swap3A_954 : i32 to index
        %swap3A_957 = arith.index_cast %mul3A_734 : i32 to index
        %swap3A_958 = tpu.vector_load %arg7[%swap3A_955, %swap3A_956, %swap3A_957] {strides = array<i32>} : memref<4x4x1024xf32, #tpu.memory_space<vmem>>, vector<1x1x16xf32>,
        %swap3A_959 = vector.shape_cast %swap3A_958 : vector<1x1x16xf32> to vector<16xf32>
        %swap3A_960 = vector.shape_cast %add3A_952 : vector<16xf32> to vector<1x1x16xf32>
        tpu.vector_store %arg7[%swap3A_955, %swap3A_956, %swap3A_957], %swap3A_960 {strides = array<i32>} : memref<4x4x1024xf32, #tpu.memory_space<vmem>>, vector<1x1x16xf32>,
        %get3A_961 = arith.constant 3 : i32
        %get3A_962 = arith.constant 1 : i32
        %get3A_963 = arith.index_cast %get3A_961 : i32 to index
        %get3A_964 = arith.index_cast %get3A_962 : i32 to index
        %get3A_965 = arith.index_cast %mul3A_734 : i32 to index
        %get3A_966 = tpu.vector_load %arg7[%get3A_963, %get3A_964, %get3A_965] {strides = array<i32>} : memref<4x4x1024xf32, #tpu.memory_space<vmem>>, vector<1x1x16xf32>,
        %get3A_967 = vector.shape_cast %get3A_966 : vector<1x1x16xf32> to vector<16xf32>
        %add3A_968 = arith.addf %get3A_967, %get3A_944 : vector<16xf32>
        %swap3A_969 = arith.constant 3 : i32
        %swap3A_970 = arith.constant 1 : i32
        %swap3A_971 = arith.index_cast %swap3A_969 : i32 to index
        %swap3A_972 = arith.index_cast %swap3A_970 : i32 to index
        %swap3A_973 = arith.index_cast %mul3A_734 : i32 to index
        %swap3A_974 = tpu.vector_load %arg7[%swap3A_971, %swap3A_972, %swap3A_973] {strides = array<i32>} : memref<4x4x1024xf32, #tpu.memory_space<vmem>>, vector<1x1x16xf32>,
        %swap3A_975 = vector.shape_cast %swap3A_974 : vector<1x1x16xf32> to vector<16xf32>
        %swap3A_976 = vector.shape_cast %add3A_968 : vector<16xf32> to vector<1x1x16xf32>
        tpu.vector_store %arg7[%swap3A_971, %swap3A_972, %swap3A_973], %swap3A_976 {strides = array<i32>} : memref<4x4x1024xf32, #tpu.memory_space<vmem>>, vector<1x1x16xf32>,
        %get3A_977 = arith.constant 3 : i32
        %get3A_978 = arith.constant 2 : i32
        %get3A_979 = arith.index_cast %get3A_977 : i32 to index
        %get3A_980 = arith.index_cast %get3A_978 : i32 to index
        %get3A_981 = arith.index_cast %mul3A_734 : i32 to index
        %get3A_982 = tpu.vector_load %arg7[%get3A_979, %get3A_980, %get3A_981] {strides = array<i32>} : memref<4x4x1024xf32, #tpu.memory_space<vmem>>, vector<1x1x16xf32>,
        %get3A_983 = vector.shape_cast %get3A_982 : vector<1x1x16xf32> to vector<16xf32>
        %add3A_984 = arith.addf %get3A_983, %get3A_944 : vector<16xf32>
        %swap3A_985 = arith.constant 3 : i32
        %swap3A_986 = arith.constant 2 : i32
        %swap3A_987 = arith.index_cast %swap3A_985 : i32 to index
        %swap3A_988 = arith.index_cast %swap3A_986 : i32 to index
        %swap3A_989 = arith.index_cast %mul3A_734 : i32 to index
        %swap3A_990 = tpu.vector_load %arg7[%swap3A_987, %swap3A_988, %swap3A_989] {strides = array<i32>} : memref<4x4x1024xf32, #tpu.memory_space<vmem>>, vector<1x1x16xf32>,
        %swap3A_991 = vector.shape_cast %swap3A_990 : vector<1x1x16xf32> to vector<16xf32>
        %swap3A_992 = vector.shape_cast %add3A_984 : vector<16xf32> to vector<1x1x16xf32>
        tpu.vector_store %arg7[%swap3A_987, %swap3A_988, %swap3A_989], %swap3A_992 {strides = array<i32>} : memref<4x4x1024xf32, #tpu.memory_space<vmem>>, vector<1x1x16xf32>,
        %get3A_993 = arith.constant 3 : i32
        %get3A_994 = arith.constant 3 : i32
        %get3A_995 = arith.index_cast %get3A_993 : i32 to index
        %get3A_996 = arith.index_cast %get3A_994 : i32 to index
        %get3A_997 = arith.index_cast %mul3A_734 : i32 to index
        %get3A_998 = tpu.vector_load %arg7[%get3A_995, %get3A_996, %get3A_997] {strides = array<i32>} : memref<4x4x1024xf32, #tpu.memory_space<vmem>>, vector<1x1x16xf32>,
        %get3A_999 = vector.shape_cast %get3A_998 : vector<1x1x16xf32> to vector<16xf32>
        %add3A_1000 = arith.addf %get3A_999, %get3A_944 : vector<16xf32>
        %swap3A_1001 = arith.constant 3 : i32
        %swap3A_1002 = arith.constant 3 : i32
        %swap3A_1003 = arith.index_cast %swap3A_1001 : i32 to index
        %swap3A_1004 = arith.index_cast %swap3A_1002 : i32 to index
        %swap3A_1005 = arith.index_cast %mul3A_734 : i32 to index
        %swap3A_1006 = tpu.vector_load %arg7[%swap3A_1003, %swap3A_1004, %swap3A_1005] {strides = array<i32>} : memref<4x4x1024xf32, #tpu.memory_space<vmem>>, vector<1x1x16xf32>,
        %swap3A_1007 = vector.shape_cast %swap3A_1006 : vector<1x1x16xf32> to vector<16xf32>
        %swap3A_1008 = vector.shape_cast %add3A_1000 : vector<16xf32> to vector<1x1x16xf32>
        tpu.vector_store %arg7[%swap3A_1003, %swap3A_1004, %swap3A_1005], %swap3A_1008 {strides = array<i32>} : memref<4x4x1024xf32, #tpu.memory_space<vmem>>, vector<1x1x16xf32>,
      }
      %scan3A_658 = arith.constant 64 : i32
      %mul3A_659 = arith.constant 4 : i32
      %mul3A_660 = arith.muli %add3A_607, %mul3A_659 : i32
      %add3A_661 = arith.addi %mul3A_2, %mul3A_660 : i32
      %dma_start3A_662 = arith.constant 0 : i32
      %dma_start3A_663 = arith.constant 0 : i32
      %dma_start3A_664 = tpu.memref_slice %arg4[%add3A_661, %dma_start3A_662, %dma_start3A_663] : memref<8192x4x1024xf32, #tpu.memory_space<hbm>> -> memref<4x4x1024xf32, #tpu.memory_space<hbm>>
      %dma_start3A_665 = arith.constant 0 : i32
      %dma_start3A_666 = arith.constant 0 : i32
      %dma_start3A_667 = tpu.memref_slice %arg4[%add3A_661, %dma_start3A_665, %dma_start3A_666] : memref<8192x4x1024xf32, #tpu.memory_space<hbm>> -> memref<4x4x1024xf32, #tpu.memory_space<hbm>>
      tpu.enqueue_dma source(%arg7 : memref<4x4x1024xf32, #tpu.memory_space<vmem>>) target(%dma_start3A_667 : memref<4x4x1024xf32, #tpu.memory_space<hbm>>) target_semaphore(%arg23 : memref<!tpu.dma_semaphore, #tpu.memory_space<semaphore_mem>>)
      %mul3A_668 = arith.constant 4 : i32
      %mul3A_669 = arith.muli %scan3A_478, %mul3A_668 : i32
      %add3A_670 = arith.constant 3 : i32
      %add3A_671 = arith.addi %mul3A_669, %add3A_670 : i32
      %add3A_672 = arith.constant 2 : i32
      %add3A_673 = arith.addi %add3A_671, %add3A_672 : i32
      %lt3A_674 = arith.constant 64 : i32
      %lt3A_675 = arith.cmpi slt, %add3A_673, %lt3A_674 : i32
      %convert_element_type3A_676 = arith.extui %lt3A_675 : i1 to i32
      %cond3A_677 = arith.constant 0 : i32
      %cond3A_678 = arith.cmpi ne, %convert_element_type3A_676, %cond3A_677 : i32
      scf.if %cond3A_678 {
        %dma_wait3A_732 = arith.constant 0 : i32
        %dma_wait3A_733 = arith.constant 0 : i32
        %dma_wait3A_734 = arith.constant 0 : i32
        %dma_wait3A_735 = tpu.memref_slice %arg4[%dma_wait3A_732, %dma_wait3A_733, %dma_wait3A_734] : memref<8192x4x1024xf32, #tpu.memory_space<hbm>> -> memref<4x4x1024xf32, #tpu.memory_space<hbm>>
        %dma_wait3A_736 = arith.constant 0 : i32
        %dma_wait3A_737 = arith.constant 0 : i32
        %dma_wait3A_738 = arith.constant 0 : i32
        %dma_wait3A_739 = tpu.memref_slice %arg4[%dma_wait3A_736, %dma_wait3A_737, %dma_wait3A_738] : memref<8192x4x1024xf32, #tpu.memory_space<hbm>> -> memref<4x4x1024xf32, #tpu.memory_space<hbm>>
        tpu.wait_dma2 semaphore(%arg22 : memref<!tpu.dma_semaphore, #tpu.memory_space<semaphore_mem>>) src(%arg6 : memref<4x4x1024xf32, #tpu.memory_space<vmem>>) dst(%dma_wait3A_739 : memref<4x4x1024xf32, #tpu.memory_space<hbm>>)
        %add3A_740 = arith.constant 2 : i32
        %add3A_741 = arith.addi %add3A_671, %add3A_740 : i32
        %mul3A_742 = arith.constant 4 : i32
        %mul3A_743 = arith.muli %add3A_741, %mul3A_742 : i32
        %add3A_744 = arith.addi %mul3A_2, %mul3A_743 : i32
        %dma_start3A_745 = arith.constant 0 : i32
        %dma_start3A_746 = arith.constant 0 : i32
        %dma_start3A_747 = arith.constant 0 : i32
        %dma_start3A_748 = tpu.memref_slice %arg6[%dma_start3A_745, %dma_start3A_746, %dma_start3A_747] : memref<4x4x1024xf32, #tpu.memory_space<vmem>> -> memref<2x4x1024xf32, #tpu.memory_space<vmem>>
        %dma_start3A_749 = arith.constant 0 : i32
        %dma_start3A_750 = arith.constant 0 : i32
        %dma_start3A_751 = tpu.memref_slice %arg2[%add3A_744, %dma_start3A_749, %dma_start3A_750] : memref<8192x4x1024xf32, #tpu.memory_space<hbm>> -> memref<2x4x1024xf32, #tpu.memory_space<hbm>>
        %dma_start3A_752 = arith.constant 0 : i32
        %dma_start3A_753 = arith.constant 0 : i32
        %dma_start3A_754 = arith.constant 0 : i32
        %dma_start3A_755 = tpu.memref_slice %arg6[%dma_start3A_752, %dma_start3A_753, %dma_start3A_754] : memref<4x4x1024xf32, #tpu.memory_space<vmem>> -> memref<2x4x1024xf32, #tpu.memory_space<vmem>>
        %dma_start3A_756 = arith.constant 0 : i32
        %dma_start3A_757 = arith.constant 0 : i32
        %dma_start3A_758 = tpu.memref_slice %arg2[%add3A_744, %dma_start3A_756, %dma_start3A_757] : memref<8192x4x1024xf32, #tpu.memory_space<hbm>> -> memref<2x4x1024xf32, #tpu.memory_space<hbm>>
        tpu.enqueue_dma source(%dma_start3A_758 : memref<2x4x1024xf32, #tpu.memory_space<hbm>>) target(%dma_start3A_755 : memref<2x4x1024xf32, #tpu.memory_space<vmem>>) target_semaphore(%arg14 : memref<!tpu.dma_semaphore, #tpu.memory_space<semaphore_mem>>)
        %add3A_759 = arith.constant 2 : i32
        %add3A_760 = arith.addi %add3A_744, %add3A_759 : i32
        %dma_start3A_761 = arith.constant 2 : i32
        %dma_start3A_762 = arith.constant 0 : i32
        %dma_start3A_763 = arith.constant 0 : i32
        %dma_start3A_764 = tpu.memref_slice %arg6[%dma_start3A_761, %dma_start3A_762, %dma_start3A_763] : memref<4x4x1024xf32, #tpu.memory_space<vmem>> -> memref<2x4x1024xf32, #tpu.memory_space<vmem>>
        %dma_start3A_765 = arith.constant 0 : i32
        %dma_start3A_766 = arith.constant 0 : i32
        %dma_start3A_767 = tpu.memref_slice %arg2[%add3A_760, %dma_start3A_765, %dma_start3A_766] : memref<8192x4x1024xf32, #tpu.memory_space<hbm>> -> memref<2x4x1024xf32, #tpu.memory_space<hbm>>
        %dma_start3A_768 = arith.constant 2 : i32
        %dma_start3A_769 = arith.constant 0 : i32
        %dma_start3A_770 = arith.constant 0 : i32
        %dma_start3A_771 = tpu.memref_slice %arg6[%dma_start3A_768, %dma_start3A_769, %dma_start3A_770] : memref<4x4x1024xf32, #tpu.memory_space<vmem>> -> memref<2x4x1024xf32, #tpu.memory_space<vmem>>
        %dma_start3A_772 = arith.constant 0 : i32
        %dma_start3A_773 = arith.constant 0 : i32
        %dma_start3A_774 = tpu.memref_slice %arg2[%add3A_760, %dma_start3A_772, %dma_start3A_773] : memref<8192x4x1024xf32, #tpu.memory_space<hbm>> -> memref<2x4x1024xf32, #tpu.memory_space<hbm>>
        tpu.enqueue_dma source(%dma_start3A_774 : memref<2x4x1024xf32, #tpu.memory_space<hbm>>) target(%dma_start3A_771 : memref<2x4x1024xf32, #tpu.memory_space<vmem>>) target_semaphore(%arg14 : memref<!tpu.dma_semaphore, #tpu.memory_space<semaphore_mem>>)
        %dma_start3A_775 = arith.constant 0 : i32
        %dma_start3A_776 = tpu.memref_slice %arg3[%add3A_744, %dma_start3A_775] : memref<8192x1024xf32, #tpu.memory_space<hbm>> -> memref<4x1024xf32, #tpu.memory_space<hbm>>
        %dma_start3A_777 = arith.constant 0 : i32
        %dma_start3A_778 = tpu.memref_slice %arg3[%add3A_744, %dma_start3A_777] : memref<8192x1024xf32, #tpu.memory_space<hbm>> -> memref<4x1024xf32, #tpu.memory_space<hbm>>
        tpu.enqueue_dma source(%dma_start3A_778 : memref<4x1024xf32, #tpu.memory_space<hbm>>) target(%arg10 : memref<4x1024xf32, #tpu.memory_space<vmem>>) target_semaphore(%arg18 : memref<!tpu.dma_semaphore, #tpu.memory_space<semaphore_mem>>)
      } else {
      }
      %dma_wait3A_679 = arith.constant 0 : i32
      %dma_wait3A_680 = arith.constant 0 : i32
      %dma_wait3A_681 = arith.constant 0 : i32
      %dma_wait3A_682 = tpu.memref_slice %arg8[%dma_wait3A_679, %dma_wait3A_680, %dma_wait3A_681] : memref<4x4x1024xf32, #tpu.memory_space<vmem>> -> memref<2x4x1024xf32, #tpu.memory_space<vmem>>
      %dma_wait3A_683 = arith.constant 0 : i32
      %dma_wait3A_684 = arith.constant 0 : i32
      %dma_wait3A_685 = arith.constant 0 : i32
      %dma_wait3A_686 = tpu.memref_slice %arg2[%dma_wait3A_683, %dma_wait3A_684, %dma_wait3A_685] : memref<8192x4x1024xf32, #tpu.memory_space<hbm>> -> memref<2x4x1024xf32, #tpu.memory_space<hbm>>
      %dma_wait3A_687 = arith.constant 0 : i32
      %dma_wait3A_688 = arith.constant 0 : i32
      %dma_wait3A_689 = arith.constant 0 : i32
      %dma_wait3A_690 = tpu.memref_slice %arg8[%dma_wait3A_687, %dma_wait3A_688, %dma_wait3A_689] : memref<4x4x1024xf32, #tpu.memory_space<vmem>> -> memref<2x4x1024xf32, #tpu.memory_space<vmem>>
      %dma_wait3A_691 = arith.constant 0 : i32
      %dma_wait3A_692 = arith.constant 0 : i32
      %dma_wait3A_693 = arith.constant 0 : i32
      %dma_wait3A_694 = tpu.memref_slice %arg2[%dma_wait3A_691, %dma_wait3A_692, %dma_wait3A_693] : memref<8192x4x1024xf32, #tpu.memory_space<hbm>> -> memref<2x4x1024xf32, #tpu.memory_space<hbm>>
      tpu.wait_dma2 semaphore(%arg16 : memref<!tpu.dma_semaphore, #tpu.memory_space<semaphore_mem>>) src(%dma_wait3A_694 : memref<2x4x1024xf32, #tpu.memory_space<hbm>>) dst(%dma_wait3A_690 : memref<2x4x1024xf32, #tpu.memory_space<vmem>>)
      %dma_wait3A_695 = arith.constant 2 : i32
      %dma_wait3A_696 = arith.constant 0 : i32
      %dma_wait3A_697 = arith.constant 0 : i32
      %dma_wait3A_698 = tpu.memref_slice %arg8[%dma_wait3A_695, %dma_wait3A_696, %dma_wait3A_697] : memref<4x4x1024xf32, #tpu.memory_space<vmem>> -> memref<2x4x1024xf32, #tpu.memory_space<vmem>>
      %dma_wait3A_699 = arith.constant 0 : i32
      %dma_wait3A_700 = arith.constant 0 : i32
      %dma_wait3A_701 = arith.constant 0 : i32
      %dma_wait3A_702 = tpu.memref_slice %arg2[%dma_wait3A_699, %dma_wait3A_700, %dma_wait3A_701] : memref<8192x4x1024xf32, #tpu.memory_space<hbm>> -> memref<2x4x1024xf32, #tpu.memory_space<hbm>>
      %dma_wait3A_703 = arith.constant 2 : i32
      %dma_wait3A_704 = arith.constant 0 : i32
      %dma_wait3A_705 = arith.constant 0 : i32
      %dma_wait3A_706 = tpu.memref_slice %arg8[%dma_wait3A_703, %dma_wait3A_704, %dma_wait3A_705] : memref<4x4x1024xf32, #tpu.memory_space<vmem>> -> memref<2x4x1024xf32, #tpu.memory_space<vmem>>
      %dma_wait3A_707 = arith.constant 0 : i32
      %dma_wait3A_708 = arith.constant 0 : i32
      %dma_wait3A_709 = arith.constant 0 : i32
      %dma_wait3A_710 = tpu.memref_slice %arg2[%dma_wait3A_707, %dma_wait3A_708, %dma_wait3A_709] : memref<8192x4x1024xf32, #tpu.memory_space<hbm>> -> memref<2x4x1024xf32, #tpu.memory_space<hbm>>
      tpu.wait_dma2 semaphore(%arg16 : memref<!tpu.dma_semaphore, #tpu.memory_space<semaphore_mem>>) src(%dma_wait3A_710 : memref<2x4x1024xf32, #tpu.memory_space<hbm>>) dst(%dma_wait3A_706 : memref<2x4x1024xf32, #tpu.memory_space<vmem>>)
      %dma_wait3A_711 = arith.constant 0 : i32
      %dma_wait3A_712 = arith.constant 0 : i32
      %dma_wait3A_713 = tpu.memref_slice %arg3[%dma_wait3A_711, %dma_wait3A_712] : memref<8192x1024xf32, #tpu.memory_space<hbm>> -> memref<4x1024xf32, #tpu.memory_space<hbm>>
      %dma_wait3A_714 = arith.constant 0 : i32
      %dma_wait3A_715 = arith.constant 0 : i32
      %dma_wait3A_716 = tpu.memref_slice %arg3[%dma_wait3A_714, %dma_wait3A_715] : memref<8192x1024xf32, #tpu.memory_space<hbm>> -> memref<4x1024xf32, #tpu.memory_space<hbm>>
      tpu.wait_dma2 semaphore(%arg20 : memref<!tpu.dma_semaphore, #tpu.memory_space<semaphore_mem>>) src(%dma_wait3A_716 : memref<4x1024xf32, #tpu.memory_space<hbm>>) dst(%arg12 : memref<4x1024xf32, #tpu.memory_space<vmem>>)
      %scan3A_717 = arith.constant 0 : i32
      %scan3A_718 = arith.constant 0 : i32
      %scan3A_719 = arith.constant 64 : i32
      %scan3A_720 = arith.addi %scan3A_718, %scan3A_719 : i32
      %scan3A_721 = arith.constant 1 : i32
      scf.for %scan3A_732 = %scan3A_718 to %scan3A_720 step %scan3A_721  : i32 {
        %mul3A_733 = arith.constant 16 : i32
        %mul3A_734 = arith.muli %scan3A_732, %mul3A_733 : i32
        %get3A = arith.constant 0 : i32
        %get3A_735 = arith.index_cast %get3A : i32 to index
        %get3A_736 = arith.index_cast %mul3A_734 : i32 to index
        %get3A_737 = tpu.vector_load %arg12[%get3A_735, %get3A_736] {strides = array<i32>} : memref<4x1024xf32, #tpu.memory_space<vmem>>, vector<1x16xf32>,
        %get3A_738 = vector.shape_cast %get3A_737 : vector<1x16xf32> to vector<16xf32>
        %get3A_739 = arith.constant 0 : i32
        %get3A_740 = arith.constant 0 : i32
        %get3A_741 = arith.index_cast %get3A_739 : i32 to index
        %get3A_742 = arith.index_cast %get3A_740 : i32 to index
        %get3A_743 = arith.index_cast %mul3A_734 : i32 to index
        %get3A_744 = tpu.vector_load %arg8[%get3A_741, %get3A_742, %get3A_743] {strides = array<i32>} : memref<4x4x1024xf32, #tpu.memory_space<vmem>>, vector<1x1x16xf32>,
        %get3A_745 = vector.shape_cast %get3A_744 : vector<1x1x16xf32> to vector<16xf32>
        %add3A_746 = arith.addf %get3A_745, %get3A_738 : vector<16xf32>
        %swap3A = arith.constant 0 : i32
        %swap3A_747 = arith.constant 0 : i32
        %swap3A_748 = arith.index_cast %swap3A : i32 to index
        %swap3A_749 = arith.index_cast %swap3A_747 : i32 to index
        %swap3A_750 = arith.index_cast %mul3A_734 : i32 to index
        %swap3A_751 = tpu.vector_load %arg8[%swap3A_748, %swap3A_749, %swap3A_750] {strides = array<i32>} : memref<4x4x1024xf32, #tpu.memory_space<vmem>>, vector<1x1x16xf32>,
        %swap3A_752 = vector.shape_cast %swap3A_751 : vector<1x1x16xf32> to vector<16xf32>
        %swap3A_753 = vector.shape_cast %add3A_746 : vector<16xf32> to vector<1x1x16xf32>
        tpu.vector_store %arg8[%swap3A_748, %swap3A_749, %swap3A_750], %swap3A_753 {strides = array<i32>} : memref<4x4x1024xf32, #tpu.memory_space<vmem>>, vector<1x1x16xf32>,
        %get3A_754 = arith.constant 0 : i32
        %get3A_755 = arith.constant 1 : i32
        %get3A_756 = arith.index_cast %get3A_754 : i32 to index
        %get3A_757 = arith.index_cast %get3A_755 : i32 to index
        %get3A_758 = arith.index_cast %mul3A_734 : i32 to index
        %get3A_759 = tpu.vector_load %arg8[%get3A_756, %get3A_757, %get3A_758] {strides = array<i32>} : memref<4x4x1024xf32, #tpu.memory_space<vmem>>, vector<1x1x16xf32>,
        %get3A_760 = vector.shape_cast %get3A_759 : vector<1x1x16xf32> to vector<16xf32>
        %add3A_761 = arith.addf %get3A_760, %get3A_738 : vector<16xf32>
        %swap3A_762 = arith.constant 0 : i32
        %swap3A_763 = arith.constant 1 : i32
        %swap3A_764 = arith.index_cast %swap3A_762 : i32 to index
        %swap3A_765 = arith.index_cast %swap3A_763 : i32 to index
        %swap3A_766 = arith.index_cast %mul3A_734 : i32 to index
        %swap3A_767 = tpu.vector_load %arg8[%swap3A_764, %swap3A_765, %swap3A_766] {strides = array<i32>} : memref<4x4x1024xf32, #tpu.memory_space<vmem>>, vector<1x1x16xf32>,
        %swap3A_768 = vector.shape_cast %swap3A_767 : vector<1x1x16xf32> to vector<16xf32>
        %swap3A_769 = vector.shape_cast %add3A_761 : vector<16xf32> to vector<1x1x16xf32>
        tpu.vector_store %arg8[%swap3A_764, %swap3A_765, %swap3A_766], %swap3A_769 {strides = array<i32>} : memref<4x4x1024xf32, #tpu.memory_space<vmem>>, vector<1x1x16xf32>,
        %get3A_770 = arith.constant 0 : i32
        %get3A_771 = arith.constant 2 : i32
        %get3A_772 = arith.index_cast %get3A_770 : i32 to index
        %get3A_773 = arith.index_cast %get3A_771 : i32 to index
        %get3A_774 = arith.index_cast %mul3A_734 : i32 to index
        %get3A_775 = tpu.vector_load %arg8[%get3A_772, %get3A_773, %get3A_774] {strides = array<i32>} : memref<4x4x1024xf32, #tpu.memory_space<vmem>>, vector<1x1x16xf32>,
        %get3A_776 = vector.shape_cast %get3A_775 : vector<1x1x16xf32> to vector<16xf32>
        %add3A_777 = arith.addf %get3A_776, %get3A_738 : vector<16xf32>
        %swap3A_778 = arith.constant 0 : i32
        %swap3A_779 = arith.constant 2 : i32
        %swap3A_780 = arith.index_cast %swap3A_778 : i32 to index
        %swap3A_781 = arith.index_cast %swap3A_779 : i32 to index
        %swap3A_782 = arith.index_cast %mul3A_734 : i32 to index
        %swap3A_783 = tpu.vector_load %arg8[%swap3A_780, %swap3A_781, %swap3A_782] {strides = array<i32>} : memref<4x4x1024xf32, #tpu.memory_space<vmem>>, vector<1x1x16xf32>,
        %swap3A_784 = vector.shape_cast %swap3A_783 : vector<1x1x16xf32> to vector<16xf32>
        %swap3A_785 = vector.shape_cast %add3A_777 : vector<16xf32> to vector<1x1x16xf32>
        tpu.vector_store %arg8[%swap3A_780, %swap3A_781, %swap3A_782], %swap3A_785 {strides = array<i32>} : memref<4x4x1024xf32, #tpu.memory_space<vmem>>, vector<1x1x16xf32>,
        %get3A_786 = arith.constant 0 : i32
        %get3A_787 = arith.constant 3 : i32
        %get3A_788 = arith.index_cast %get3A_786 : i32 to index
        %get3A_789 = arith.index_cast %get3A_787 : i32 to index
        %get3A_790 = arith.index_cast %mul3A_734 : i32 to index
        %get3A_791 = tpu.vector_load %arg8[%get3A_788, %get3A_789, %get3A_790] {strides = array<i32>} : memref<4x4x1024xf32, #tpu.memory_space<vmem>>, vector<1x1x16xf32>,
        %get3A_792 = vector.shape_cast %get3A_791 : vector<1x1x16xf32> to vector<16xf32>
        %add3A_793 = arith.addf %get3A_792, %get3A_738 : vector<16xf32>
        %swap3A_794 = arith.constant 0 : i32
        %swap3A_795 = arith.constant 3 : i32
        %swap3A_796 = arith.index_cast %swap3A_794 : i32 to index
        %swap3A_797 = arith.index_cast %swap3A_795 : i32 to index
        %swap3A_798 = arith.index_cast %mul3A_734 : i32 to index
        %swap3A_799 = tpu.vector_load %arg8[%swap3A_796, %swap3A_797, %swap3A_798] {strides = array<i32>} : memref<4x4x1024xf32, #tpu.memory_space<vmem>>, vector<1x1x16xf32>,
        %swap3A_800 = vector.shape_cast %swap3A_799 : vector<1x1x16xf32> to vector<16xf32>
        %swap3A_801 = vector.shape_cast %add3A_793 : vector<16xf32> to vector<1x1x16xf32>
        tpu.vector_store %arg8[%swap3A_796, %swap3A_797, %swap3A_798], %swap3A_801 {strides = array<i32>} : memref<4x4x1024xf32, #tpu.memory_space<vmem>>, vector<1x1x16xf32>,
        %get3A_802 = arith.constant 1 : i32
        %get3A_803 = arith.index_cast %get3A_802 : i32 to index
        %get3A_804 = arith.index_cast %mul3A_734 : i32 to index
        %get3A_805 = tpu.vector_load %arg12[%get3A_803, %get3A_804] {strides = array<i32>} : memref<4x1024xf32, #tpu.memory_space<vmem>>, vector<1x16xf32>,
        %get3A_806 = vector.shape_cast %get3A_805 : vector<1x16xf32> to vector<16xf32>
        %get3A_807 = arith.constant 1 : i32
        %get3A_808 = arith.constant 0 : i32
        %get3A_809 = arith.index_cast %get3A_807 : i32 to index
        %get3A_810 = arith.index_cast %get3A_808 : i32 to index
        %get3A_811 = arith.index_cast %mul3A_734 : i32 to index
        %get3A_812 = tpu.vector_load %arg8[%get3A_809, %get3A_810, %get3A_811] {strides = array<i32>} : memref<4x4x1024xf32, #tpu.memory_space<vmem>>, vector<1x1x16xf32>,
        %get3A_813 = vector.shape_cast %get3A_812 : vector<1x1x16xf32> to vector<16xf32>
        %add3A_814 = arith.addf %get3A_813, %get3A_806 : vector<16xf32>
        %swap3A_815 = arith.constant 1 : i32
        %swap3A_816 = arith.constant 0 : i32
        %swap3A_817 = arith.index_cast %swap3A_815 : i32 to index
        %swap3A_818 = arith.index_cast %swap3A_816 : i32 to index
        %swap3A_819 = arith.index_cast %mul3A_734 : i32 to index
        %swap3A_820 = tpu.vector_load %arg8[%swap3A_817, %swap3A_818, %swap3A_819] {strides = array<i32>} : memref<4x4x1024xf32, #tpu.memory_space<vmem>>, vector<1x1x16xf32>,
        %swap3A_821 = vector.shape_cast %swap3A_820 : vector<1x1x16xf32> to vector<16xf32>
        %swap3A_822 = vector.shape_cast %add3A_814 : vector<16xf32> to vector<1x1x16xf32>
        tpu.vector_store %arg8[%swap3A_817, %swap3A_818, %swap3A_819], %swap3A_822 {strides = array<i32>} : memref<4x4x1024xf32, #tpu.memory_space<vmem>>, vector<1x1x16xf32>,
        %get3A_823 = arith.constant 1 : i32
        %get3A_824 = arith.constant 1 : i32
        %get3A_825 = arith.index_cast %get3A_823 : i32 to index
        %get3A_826 = arith.index_cast %get3A_824 : i32 to index
        %get3A_827 = arith.index_cast %mul3A_734 : i32 to index
        %get3A_828 = tpu.vector_load %arg8[%get3A_825, %get3A_826, %get3A_827] {strides = array<i32>} : memref<4x4x1024xf32, #tpu.memory_space<vmem>>, vector<1x1x16xf32>,
        %get3A_829 = vector.shape_cast %get3A_828 : vector<1x1x16xf32> to vector<16xf32>
        %add3A_830 = arith.addf %get3A_829, %get3A_806 : vector<16xf32>
        %swap3A_831 = arith.constant 1 : i32
        %swap3A_832 = arith.constant 1 : i32
        %swap3A_833 = arith.index_cast %swap3A_831 : i32 to index
        %swap3A_834 = arith.index_cast %swap3A_832 : i32 to index
        %swap3A_835 = arith.index_cast %mul3A_734 : i32 to index
        %swap3A_836 = tpu.vector_load %arg8[%swap3A_833, %swap3A_834, %swap3A_835] {strides = array<i32>} : memref<4x4x1024xf32, #tpu.memory_space<vmem>>, vector<1x1x16xf32>,
        %swap3A_837 = vector.shape_cast %swap3A_836 : vector<1x1x16xf32> to vector<16xf32>
        %swap3A_838 = vector.shape_cast %add3A_830 : vector<16xf32> to vector<1x1x16xf32>
        tpu.vector_store %arg8[%swap3A_833, %swap3A_834, %swap3A_835], %swap3A_838 {strides = array<i32>} : memref<4x4x1024xf32, #tpu.memory_space<vmem>>, vector<1x1x16xf32>,
        %get3A_839 = arith.constant 1 : i32
        %get3A_840 = arith.constant 2 : i32
        %get3A_841 = arith.index_cast %get3A_839 : i32 to index
        %get3A_842 = arith.index_cast %get3A_840 : i32 to index
        %get3A_843 = arith.index_cast %mul3A_734 : i32 to index
        %get3A_844 = tpu.vector_load %arg8[%get3A_841, %get3A_842, %get3A_843] {strides = array<i32>} : memref<4x4x1024xf32, #tpu.memory_space<vmem>>, vector<1x1x16xf32>,
        %get3A_845 = vector.shape_cast %get3A_844 : vector<1x1x16xf32> to vector<16xf32>
        %add3A_846 = arith.addf %get3A_845, %get3A_806 : vector<16xf32>
        %swap3A_847 = arith.constant 1 : i32
        %swap3A_848 = arith.constant 2 : i32
        %swap3A_849 = arith.index_cast %swap3A_847 : i32 to index
        %swap3A_850 = arith.index_cast %swap3A_848 : i32 to index
        %swap3A_851 = arith.index_cast %mul3A_734 : i32 to index
        %swap3A_852 = tpu.vector_load %arg8[%swap3A_849, %swap3A_850, %swap3A_851] {strides = array<i32>} : memref<4x4x1024xf32, #tpu.memory_space<vmem>>, vector<1x1x16xf32>,
        %swap3A_853 = vector.shape_cast %swap3A_852 : vector<1x1x16xf32> to vector<16xf32>
        %swap3A_854 = vector.shape_cast %add3A_846 : vector<16xf32> to vector<1x1x16xf32>
        tpu.vector_store %arg8[%swap3A_849, %swap3A_850, %swap3A_851], %swap3A_854 {strides = array<i32>} : memref<4x4x1024xf32, #tpu.memory_space<vmem>>, vector<1x1x16xf32>,
        %get3A_855 = arith.constant 1 : i32
        %get3A_856 = arith.constant 3 : i32
        %get3A_857 = arith.index_cast %get3A_855 : i32 to index
        %get3A_858 = arith.index_cast %get3A_856 : i32 to index
        %get3A_859 = arith.index_cast %mul3A_734 : i32 to index
        %get3A_860 = tpu.vector_load %arg8[%get3A_857, %get3A_858, %get3A_859] {strides = array<i32>} : memref<4x4x1024xf32, #tpu.memory_space<vmem>>, vector<1x1x16xf32>,
        %get3A_861 = vector.shape_cast %get3A_860 : vector<1x1x16xf32> to vector<16xf32>
        %add3A_862 = arith.addf %get3A_861, %get3A_806 : vector<16xf32>
        %swap3A_863 = arith.constant 1 : i32
        %swap3A_864 = arith.constant 3 : i32
        %swap3A_865 = arith.index_cast %swap3A_863 : i32 to index
        %swap3A_866 = arith.index_cast %swap3A_864 : i32 to index
        %swap3A_867 = arith.index_cast %mul3A_734 : i32 to index
        %swap3A_868 = tpu.vector_load %arg8[%swap3A_865, %swap3A_866, %swap3A_867] {strides = array<i32>} : memref<4x4x1024xf32, #tpu.memory_space<vmem>>, vector<1x1x16xf32>,
        %swap3A_869 = vector.shape_cast %swap3A_868 : vector<1x1x16xf32> to vector<16xf32>
        %swap3A_870 = vector.shape_cast %add3A_862 : vector<16xf32> to vector<1x1x16xf32>
        tpu.vector_store %arg8[%swap3A_865, %swap3A_866, %swap3A_867], %swap3A_870 {strides = array<i32>} : memref<4x4x1024xf32, #tpu.memory_space<vmem>>, vector<1x1x16xf32>,
        %get3A_871 = arith.constant 2 : i32
        %get3A_872 = arith.index_cast %get3A_871 : i32 to index
        %get3A_873 = arith.index_cast %mul3A_734 : i32 to index
        %get3A_874 = tpu.vector_load %arg12[%get3A_872, %get3A_873] {strides = array<i32>} : memref<4x1024xf32, #tpu.memory_space<vmem>>, vector<1x16xf32>,
        %get3A_875 = vector.shape_cast %get3A_874 : vector<1x16xf32> to vector<16xf32>
        %get3A_876 = arith.constant 2 : i32
        %get3A_877 = arith.constant 0 : i32
        %get3A_878 = arith.index_cast %get3A_876 : i32 to index
        %get3A_879 = arith.index_cast %get3A_877 : i32 to index
        %get3A_880 = arith.index_cast %mul3A_734 : i32 to index
        %get3A_881 = tpu.vector_load %arg8[%get3A_878, %get3A_879, %get3A_880] {strides = array<i32>} : memref<4x4x1024xf32, #tpu.memory_space<vmem>>, vector<1x1x16xf32>,
        %get3A_882 = vector.shape_cast %get3A_881 : vector<1x1x16xf32> to vector<16xf32>
        %add3A_883 = arith.addf %get3A_882, %get3A_875 : vector<16xf32>
        %swap3A_884 = arith.constant 2 : i32
        %swap3A_885 = arith.constant 0 : i32
        %swap3A_886 = arith.index_cast %swap3A_884 : i32 to index
        %swap3A_887 = arith.index_cast %swap3A_885 : i32 to index
        %swap3A_888 = arith.index_cast %mul3A_734 : i32 to index
        %swap3A_889 = tpu.vector_load %arg8[%swap3A_886, %swap3A_887, %swap3A_888] {strides = array<i32>} : memref<4x4x1024xf32, #tpu.memory_space<vmem>>, vector<1x1x16xf32>,
        %swap3A_890 = vector.shape_cast %swap3A_889 : vector<1x1x16xf32> to vector<16xf32>
        %swap3A_891 = vector.shape_cast %add3A_883 : vector<16xf32> to vector<1x1x16xf32>
        tpu.vector_store %arg8[%swap3A_886, %swap3A_887, %swap3A_888], %swap3A_891 {strides = array<i32>} : memref<4x4x1024xf32, #tpu.memory_space<vmem>>, vector<1x1x16xf32>,
        %get3A_892 = arith.constant 2 : i32
        %get3A_893 = arith.constant 1 : i32
        %get3A_894 = arith.index_cast %get3A_892 : i32 to index
        %get3A_895 = arith.index_cast %get3A_893 : i32 to index
        %get3A_896 = arith.index_cast %mul3A_734 : i32 to index
        %get3A_897 = tpu.vector_load %arg8[%get3A_894, %get3A_895, %get3A_896] {strides = array<i32>} : memref<4x4x1024xf32, #tpu.memory_space<vmem>>, vector<1x1x16xf32>,
        %get3A_898 = vector.shape_cast %get3A_897 : vector<1x1x16xf32> to vector<16xf32>
        %add3A_899 = arith.addf %get3A_898, %get3A_875 : vector<16xf32>
        %swap3A_900 = arith.constant 2 : i32
        %swap3A_901 = arith.constant 1 : i32
        %swap3A_902 = arith.index_cast %swap3A_900 : i32 to index
        %swap3A_903 = arith.index_cast %swap3A_901 : i32 to index
        %swap3A_904 = arith.index_cast %mul3A_734 : i32 to index
        %swap3A_905 = tpu.vector_load %arg8[%swap3A_902, %swap3A_903, %swap3A_904] {strides = array<i32>} : memref<4x4x1024xf32, #tpu.memory_space<vmem>>, vector<1x1x16xf32>,
        %swap3A_906 = vector.shape_cast %swap3A_905 : vector<1x1x16xf32> to vector<16xf32>
        %swap3A_907 = vector.shape_cast %add3A_899 : vector<16xf32> to vector<1x1x16xf32>
        tpu.vector_store %arg8[%swap3A_902, %swap3A_903, %swap3A_904], %swap3A_907 {strides = array<i32>} : memref<4x4x1024xf32, #tpu.memory_space<vmem>>, vector<1x1x16xf32>,
        %get3A_908 = arith.constant 2 : i32
        %get3A_909 = arith.constant 2 : i32
        %get3A_910 = arith.index_cast %get3A_908 : i32 to index
        %get3A_911 = arith.index_cast %get3A_909 : i32 to index
        %get3A_912 = arith.index_cast %mul3A_734 : i32 to index
        %get3A_913 = tpu.vector_load %arg8[%get3A_910, %get3A_911, %get3A_912] {strides = array<i32>} : memref<4x4x1024xf32, #tpu.memory_space<vmem>>, vector<1x1x16xf32>,
        %get3A_914 = vector.shape_cast %get3A_913 : vector<1x1x16xf32> to vector<16xf32>
        %add3A_915 = arith.addf %get3A_914, %get3A_875 : vector<16xf32>
        %swap3A_916 = arith.constant 2 : i32
        %swap3A_917 = arith.constant 2 : i32
        %swap3A_918 = arith.index_cast %swap3A_916 : i32 to index
        %swap3A_919 = arith.index_cast %swap3A_917 : i32 to index
        %swap3A_920 = arith.index_cast %mul3A_734 : i32 to index
        %swap3A_921 = tpu.vector_load %arg8[%swap3A_918, %swap3A_919, %swap3A_920] {strides = array<i32>} : memref<4x4x1024xf32, #tpu.memory_space<vmem>>, vector<1x1x16xf32>,
        %swap3A_922 = vector.shape_cast %swap3A_921 : vector<1x1x16xf32> to vector<16xf32>
        %swap3A_923 = vector.shape_cast %add3A_915 : vector<16xf32> to vector<1x1x16xf32>
        tpu.vector_store %arg8[%swap3A_918, %swap3A_919, %swap3A_920], %swap3A_923 {strides = array<i32>} : memref<4x4x1024xf32, #tpu.memory_space<vmem>>, vector<1x1x16xf32>,
        %get3A_924 = arith.constant 2 : i32
        %get3A_925 = arith.constant 3 : i32
        %get3A_926 = arith.index_cast %get3A_924 : i32 to index
        %get3A_927 = arith.index_cast %get3A_925 : i32 to index
        %get3A_928 = arith.index_cast %mul3A_734 : i32 to index
        %get3A_929 = tpu.vector_load %arg8[%get3A_926, %get3A_927, %get3A_928] {strides = array<i32>} : memref<4x4x1024xf32, #tpu.memory_space<vmem>>, vector<1x1x16xf32>,
        %get3A_930 = vector.shape_cast %get3A_929 : vector<1x1x16xf32> to vector<16xf32>
        %add3A_931 = arith.addf %get3A_930, %get3A_875 : vector<16xf32>
        %swap3A_932 = arith.constant 2 : i32
        %swap3A_933 = arith.constant 3 : i32
        %swap3A_934 = arith.index_cast %swap3A_932 : i32 to index
        %swap3A_935 = arith.index_cast %swap3A_933 : i32 to index
        %swap3A_936 = arith.index_cast %mul3A_734 : i32 to index
        %swap3A_937 = tpu.vector_load %arg8[%swap3A_934, %swap3A_935, %swap3A_936] {strides = array<i32>} : memref<4x4x1024xf32, #tpu.memory_space<vmem>>, vector<1x1x16xf32>,
        %swap3A_938 = vector.shape_cast %swap3A_937 : vector<1x1x16xf32> to vector<16xf32>
        %swap3A_939 = vector.shape_cast %add3A_931 : vector<16xf32> to vector<1x1x16xf32>
        tpu.vector_store %arg8[%swap3A_934, %swap3A_935, %swap3A_936], %swap3A_939 {strides = array<i32>} : memref<4x4x1024xf32, #tpu.memory_space<vmem>>, vector<1x1x16xf32>,
        %get3A_940 = arith.constant 3 : i32
        %get3A_941 = arith.index_cast %get3A_940 : i32 to index
        %get3A_942 = arith.index_cast %mul3A_734 : i32 to index
        %get3A_943 = tpu.vector_load %arg12[%get3A_941, %get3A_942] {strides = array<i32>} : memref<4x1024xf32, #tpu.memory_space<vmem>>, vector<1x16xf32>,
        %get3A_944 = vector.shape_cast %get3A_943 : vector<1x16xf32> to vector<16xf32>
        %get3A_945 = arith.constant 3 : i32
        %get3A_946 = arith.constant 0 : i32
        %get3A_947 = arith.index_cast %get3A_945 : i32 to index
        %get3A_948 = arith.index_cast %get3A_946 : i32 to index
        %get3A_949 = arith.index_cast %mul3A_734 : i32 to index
        %get3A_950 = tpu.vector_load %arg8[%get3A_947, %get3A_948, %get3A_949] {strides = array<i32>} : memref<4x4x1024xf32, #tpu.memory_space<vmem>>, vector<1x1x16xf32>,
        %get3A_951 = vector.shape_cast %get3A_950 : vector<1x1x16xf32> to vector<16xf32>
        %add3A_952 = arith.addf %get3A_951, %get3A_944 : vector<16xf32>
        %swap3A_953 = arith.constant 3 : i32
        %swap3A_954 = arith.constant 0 : i32
        %swap3A_955 = arith.index_cast %swap3A_953 : i32 to index
        %swap3A_956 = arith.index_cast %swap3A_954 : i32 to index
        %swap3A_957 = arith.index_cast %mul3A_734 : i32 to index
        %swap3A_958 = tpu.vector_load %arg8[%swap3A_955, %swap3A_956, %swap3A_957] {strides = array<i32>} : memref<4x4x1024xf32, #tpu.memory_space<vmem>>, vector<1x1x16xf32>,
        %swap3A_959 = vector.shape_cast %swap3A_958 : vector<1x1x16xf32> to vector<16xf32>
        %swap3A_960 = vector.shape_cast %add3A_952 : vector<16xf32> to vector<1x1x16xf32>
        tpu.vector_store %arg8[%swap3A_955, %swap3A_956, %swap3A_957], %swap3A_960 {strides = array<i32>} : memref<4x4x1024xf32, #tpu.memory_space<vmem>>, vector<1x1x16xf32>,
        %get3A_961 = arith.constant 3 : i32
        %get3A_962 = arith.constant 1 : i32
        %get3A_963 = arith.index_cast %get3A_961 : i32 to index
        %get3A_964 = arith.index_cast %get3A_962 : i32 to index
        %get3A_965 = arith.index_cast %mul3A_734 : i32 to index
        %get3A_966 = tpu.vector_load %arg8[%get3A_963, %get3A_964, %get3A_965] {strides = array<i32>} : memref<4x4x1024xf32, #tpu.memory_space<vmem>>, vector<1x1x16xf32>,
        %get3A_967 = vector.shape_cast %get3A_966 : vector<1x1x16xf32> to vector<16xf32>
        %add3A_968 = arith.addf %get3A_967, %get3A_944 : vector<16xf32>
        %swap3A_969 = arith.constant 3 : i32
        %swap3A_970 = arith.constant 1 : i32
        %swap3A_971 = arith.index_cast %swap3A_969 : i32 to index
        %swap3A_972 = arith.index_cast %swap3A_970 : i32 to index
        %swap3A_973 = arith.index_cast %mul3A_734 : i32 to index
        %swap3A_974 = tpu.vector_load %arg8[%swap3A_971, %swap3A_972, %swap3A_973] {strides = array<i32>} : memref<4x4x1024xf32, #tpu.memory_space<vmem>>, vector<1x1x16xf32>,
        %swap3A_975 = vector.shape_cast %swap3A_974 : vector<1x1x16xf32> to vector<16xf32>
        %swap3A_976 = vector.shape_cast %add3A_968 : vector<16xf32> to vector<1x1x16xf32>
        tpu.vector_store %arg8[%swap3A_971, %swap3A_972, %swap3A_973], %swap3A_976 {strides = array<i32>} : memref<4x4x1024xf32, #tpu.memory_space<vmem>>, vector<1x1x16xf32>,
        %get3A_977 = arith.constant 3 : i32
        %get3A_978 = arith.constant 2 : i32
        %get3A_979 = arith.index_cast %get3A_977 : i32 to index
        %get3A_980 = arith.index_cast %get3A_978 : i32 to index
        %get3A_981 = arith.index_cast %mul3A_734 : i32 to index
        %get3A_982 = tpu.vector_load %arg8[%get3A_979, %get3A_980, %get3A_981] {strides = array<i32>} : memref<4x4x1024xf32, #tpu.memory_space<vmem>>, vector<1x1x16xf32>,
        %get3A_983 = vector.shape_cast %get3A_982 : vector<1x1x16xf32> to vector<16xf32>
        %add3A_984 = arith.addf %get3A_983, %get3A_944 : vector<16xf32>
        %swap3A_985 = arith.constant 3 : i32
        %swap3A_986 = arith.constant 2 : i32
        %swap3A_987 = arith.index_cast %swap3A_985 : i32 to index
        %swap3A_988 = arith.index_cast %swap3A_986 : i32 to index
        %swap3A_989 = arith.index_cast %mul3A_734 : i32 to index
        %swap3A_990 = tpu.vector_load %arg8[%swap3A_987, %swap3A_988, %swap3A_989] {strides = array<i32>} : memref<4x4x1024xf32, #tpu.memory_space<vmem>>, vector<1x1x16xf32>,
        %swap3A_991 = vector.shape_cast %swap3A_990 : vector<1x1x16xf32> to vector<16xf32>
        %swap3A_992 = vector.shape_cast %add3A_984 : vector<16xf32> to vector<1x1x16xf32>
        tpu.vector_store %arg8[%swap3A_987, %swap3A_988, %swap3A_989], %swap3A_992 {strides = array<i32>} : memref<4x4x1024xf32, #tpu.memory_space<vmem>>, vector<1x1x16xf32>,
        %get3A_993 = arith.constant 3 : i32
        %get3A_994 = arith.constant 3 : i32
        %get3A_995 = arith.index_cast %get3A_993 : i32 to index
        %get3A_996 = arith.index_cast %get3A_994 : i32 to index
        %get3A_997 = arith.index_cast %mul3A_734 : i32 to index
        %get3A_998 = tpu.vector_load %arg8[%get3A_995, %get3A_996, %get3A_997] {strides = array<i32>} : memref<4x4x1024xf32, #tpu.memory_space<vmem>>, vector<1x1x16xf32>,
        %get3A_999 = vector.shape_cast %get3A_998 : vector<1x1x16xf32> to vector<16xf32>
        %add3A_1000 = arith.addf %get3A_999, %get3A_944 : vector<16xf32>
        %swap3A_1001 = arith.constant 3 : i32
        %swap3A_1002 = arith.constant 3 : i32
        %swap3A_1003 = arith.index_cast %swap3A_1001 : i32 to index
        %swap3A_1004 = arith.index_cast %swap3A_1002 : i32 to index
        %swap3A_1005 = arith.index_cast %mul3A_734 : i32 to index
        %swap3A_1006 = tpu.vector_load %arg8[%swap3A_1003, %swap3A_1004, %swap3A_1005] {strides = array<i32>} : memref<4x4x1024xf32, #tpu.memory_space<vmem>>, vector<1x1x16xf32>,
        %swap3A_1007 = vector.shape_cast %swap3A_1006 : vector<1x1x16xf32> to vector<16xf32>
        %swap3A_1008 = vector.shape_cast %add3A_1000 : vector<16xf32> to vector<1x1x16xf32>
        tpu.vector_store %arg8[%swap3A_1003, %swap3A_1004, %swap3A_1005], %swap3A_1008 {strides = array<i32>} : memref<4x4x1024xf32, #tpu.memory_space<vmem>>, vector<1x1x16xf32>,
      }
      %scan3A_722 = arith.constant 64 : i32
      %mul3A_723 = arith.constant 4 : i32
      %mul3A_724 = arith.muli %add3A_671, %mul3A_723 : i32
      %add3A_725 = arith.addi %mul3A_2, %mul3A_724 : i32
      %dma_start3A_726 = arith.constant 0 : i32
      %dma_start3A_727 = arith.constant 0 : i32
      %dma_start3A_728 = tpu.memref_slice %arg4[%add3A_725, %dma_start3A_726, %dma_start3A_727] : memref<8192x4x1024xf32, #tpu.memory_space<hbm>> -> memref<4x4x1024xf32, #tpu.memory_space<hbm>>
      %dma_start3A_729 = arith.constant 0 : i32
      %dma_start3A_730 = arith.constant 0 : i32
      %dma_start3A_731 = tpu.memref_slice %arg4[%add3A_725, %dma_start3A_729, %dma_start3A_730] : memref<8192x4x1024xf32, #tpu.memory_space<hbm>> -> memref<4x4x1024xf32, #tpu.memory_space<hbm>>
      tpu.enqueue_dma source(%arg8 : memref<4x4x1024xf32, #tpu.memory_space<vmem>>) target(%dma_start3A_731 : memref<4x4x1024xf32, #tpu.memory_space<hbm>>) target_semaphore(%arg24 : memref<!tpu.dma_semaphore, #tpu.memory_space<semaphore_mem>>)
    }
    %scan3A_445 = arith.constant 15 : i32
    %dma_wait3A_446 = arith.constant 0 : i32
    %dma_wait3A_447 = arith.constant 0 : i32
    %dma_wait3A_448 = arith.constant 0 : i32
    %dma_wait3A_449 = tpu.memref_slice %arg4[%dma_wait3A_446, %dma_wait3A_447, %dma_wait3A_448] : memref<8192x4x1024xf32, #tpu.memory_space<hbm>> -> memref<4x4x1024xf32, #tpu.memory_space<hbm>>
    %dma_wait3A_450 = arith.constant 0 : i32
    %dma_wait3A_451 = arith.constant 0 : i32
    %dma_wait3A_452 = arith.constant 0 : i32
    %dma_wait3A_453 = tpu.memref_slice %arg4[%dma_wait3A_450, %dma_wait3A_451, %dma_wait3A_452] : memref<8192x4x1024xf32, #tpu.memory_space<hbm>> -> memref<4x4x1024xf32, #tpu.memory_space<hbm>>
    tpu.wait_dma2 semaphore(%arg21 : memref<!tpu.dma_semaphore, #tpu.memory_space<semaphore_mem>>) src(%arg5 : memref<4x4x1024xf32, #tpu.memory_space<vmem>>) dst(%dma_wait3A_453 : memref<4x4x1024xf32, #tpu.memory_space<hbm>>)
    %dma_wait3A_454 = arith.constant 0 : i32
    %dma_wait3A_455 = arith.constant 0 : i32
    %dma_wait3A_456 = arith.constant 0 : i32
    %dma_wait3A_457 = tpu.memref_slice %arg4[%dma_wait3A_454, %dma_wait3A_455, %dma_wait3A_456] : memref<8192x4x1024xf32, #tpu.memory_space<hbm>> -> memref<4x4x1024xf32, #tpu.memory_space<hbm>>
    %dma_wait3A_458 = arith.constant 0 : i32
    %dma_wait3A_459 = arith.constant 0 : i32
    %dma_wait3A_460 = arith.constant 0 : i32
    %dma_wait3A_461 = tpu.memref_slice %arg4[%dma_wait3A_458, %dma_wait3A_459, %dma_wait3A_460] : memref<8192x4x1024xf32, #tpu.memory_space<hbm>> -> memref<4x4x1024xf32, #tpu.memory_space<hbm>>
    tpu.wait_dma2 semaphore(%arg22 : memref<!tpu.dma_semaphore, #tpu.memory_space<semaphore_mem>>) src(%arg6 : memref<4x4x1024xf32, #tpu.memory_space<vmem>>) dst(%dma_wait3A_461 : memref<4x4x1024xf32, #tpu.memory_space<hbm>>)
    %dma_wait3A_462 = arith.constant 0 : i32
    %dma_wait3A_463 = arith.constant 0 : i32
    %dma_wait3A_464 = arith.constant 0 : i32
    %dma_wait3A_465 = tpu.memref_slice %arg4[%dma_wait3A_462, %dma_wait3A_463, %dma_wait3A_464] : memref<8192x4x1024xf32, #tpu.memory_space<hbm>> -> memref<4x4x1024xf32, #tpu.memory_space<hbm>>
    %dma_wait3A_466 = arith.constant 0 : i32
    %dma_wait3A_467 = arith.constant 0 : i32
    %dma_wait3A_468 = arith.constant 0 : i32
    %dma_wait3A_469 = tpu.memref_slice %arg4[%dma_wait3A_466, %dma_wait3A_467, %dma_wait3A_468] : memref<8192x4x1024xf32, #tpu.memory_space<hbm>> -> memref<4x4x1024xf32, #tpu.memory_space<hbm>>
    tpu.wait_dma2 semaphore(%arg23 : memref<!tpu.dma_semaphore, #tpu.memory_space<semaphore_mem>>) src(%arg7 : memref<4x4x1024xf32, #tpu.memory_space<vmem>>) dst(%dma_wait3A_469 : memref<4x4x1024xf32, #tpu.memory_space<hbm>>)
    %dma_wait3A_470 = arith.constant 0 : i32
    %dma_wait3A_471 = arith.constant 0 : i32
    %dma_wait3A_472 = arith.constant 0 : i32
    %dma_wait3A_473 = tpu.memref_slice %arg4[%dma_wait3A_470, %dma_wait3A_471, %dma_wait3A_472] : memref<8192x4x1024xf32, #tpu.memory_space<hbm>> -> memref<4x4x1024xf32, #tpu.memory_space<hbm>>
    %dma_wait3A_474 = arith.constant 0 : i32
    %dma_wait3A_475 = arith.constant 0 : i32
    %dma_wait3A_476 = arith.constant 0 : i32
    %dma_wait3A_477 = tpu.memref_slice %arg4[%dma_wait3A_474, %dma_wait3A_475, %dma_wait3A_476] : memref<8192x4x1024xf32, #tpu.memory_space<hbm>> -> memref<4x4x1024xf32, #tpu.memory_space<hbm>>
    tpu.wait_dma2 semaphore(%arg24 : memref<!tpu.dma_semaphore, #tpu.memory_space<semaphore_mem>>) src(%arg8 : memref<4x4x1024xf32, #tpu.memory_space<vmem>>) dst(%dma_wait3A_477 : memref<4x4x1024xf32, #tpu.memory_space<hbm>>)
    return
  }
}

</mosaic_0001>

<sc_bundles>
// kernel: kernel.3.cloned.1.call-start
scs
__scs_entry_jumppad:
0x0: {  	(pc) =	sbr.rel $0x88, $3  }
0x1: {  	(tag) =	ssettag $0x0;
	lr =	simm.s32 $0x1  }
0x2: {  	[smem:$0x3F9F] =	sst lr;
	_ =	strace $0xD0000000  }
0x3: {  	_ = 	snop  }
0x4: {  	_ = 	snop  }
0x5: {  	_ = 	snop  }
0x6: {  	_ = 	snop  }
0x7: {  	_ = 	snop  }
__scs_overlays_trampoline_lowered:
0x8: {  	[smem:$0x3FAE] =	sst s0  }
0x9: {  	[smem:$0x3FAF] =	sst s1  }
0xa: {  	[smem:$0x3FB0] =	sst s2  }
0xb: {  	[smem:$0x3FB1] =	sst s3  }
0xc: {  	[smem:$0x3FB2] =	sst s4  }
0xd: {  	[smem:$0x3FB3] =	sst s5  }
0xe: {  	[smem:$0x3FB4] =	sst s6  }
0xf: {  	[smem:$0x3FB5] =	sst s7  }
0x10: {  	[smem:$0x3FB6] =	sst s8  }
0x11: {  	[smem:$0x3FB7] =	sst s9;
	s0 =	simm.s32 @!p0 $0x0  }
0x12: {  	s1 =	sld [smem:$0x3F9D];
	s0 =	simm.s32 @p0 $0x1  }
0x13: {  	[smem:$0x3FB8] =	sst s0;
	s0 =	simm.s32 @!p1 $0x0  }
0x14: {  	s2 =	sld [smem:$0x3F9C];
	s0 =	simm.s32 @p1 $0x1  }
0x15: {  	[smem:$0x3FB9] =	sst s0;
	s0 =	simm.s32 @!p2 $0x0  }
0x16: {  	s3 =	sld [smem:$0x3FDB];
	s0 =	simm.s32 @p2 $0x1  }
0x17: {  	s4 =	simm.s32 $0x1BF5;
	[smem:$0x3FBB] =	sst s0  }
0x18: {  	s0 =	sld [smem:$0x3F9E];
	_ =	swait.ge [sflag:s4], $0x0  }
0x19: {  	s7 =	sld [smem:$0x3F9F]  }
0x1a: {  	s8 =	sadd.s32 $0xFFFFE003, lr  }
0x1b: {  	s9 =	sadd.s32 $0xFFFFFEF7, lr;
	s5 =	simm.s32 $0xFFFFFFFF;
	p2 =	slt.u32 s8, $0xFFFFF086  }
0x1c: {  	p1 =	slt.u32 s9, $0xF7A;
	s5 =	simm.s32 @!p2 $0x0  }
0x1d: {  	s5 =	simm.s32 @p1 $0x1;
	p0 =	seq.s32 s7, s2  }
0x1e: {  	s7 =	smul.u32 @!p0 $0xF7A, s2;
	p2 =	seq.s32 @!p0 s5, $0x0  }
0x1f: {  	s9 =	smul.u32 $0xF7A, s1;
	s8 =	simm.s32 @!p0 $0x1BF5;
	p2 =	por !p2, p0  }
0x20: {  	[sflag:s8] =	ssyncset.s32 @!p0 $0xFFFFF086;
	s6 =	sadd.s32 @!p0 s3, s7;
	s7 =	simm.s32 @!p0 $0x108  }
0x21: {  	s3 =	sadd.s32 s3, s9;
	s6 =	sadd.s32 @!p0 $0x88, s6;
	s7 =	simm.s32 @p2 $0x1082  }
0x22: {  	[simem:s7], [sflag:s8] =	dma.local @!p0 [hbm:s6], $0xF7A  }
0x23: {  	s9 =	sor.u32 $0xD0000000, s2;
	s6 =	simm.s32 $0x108;
	_ =	swait.ge @!p0 [sflag:s8], $0x0  }
0x24: {  	s3 =	sadd.s32 $0x88, s3;
	s6 =	simm.s32 @!p1 $0x1082;
	[sflag:s4] =	ssyncset.s32 $0xFFFFF086  }
0x25: {  	[simem:s6], [sflag:s4] =	dma.local [hbm:s3], $0xF7A  }
0x26: {  	[smem:$0x3F9F] =	sst s1;
	(tag) =	ssettag s2;
	_ =	strace s9  }
0x27: {  	s1 =	sld [smem:$0x3FAF]  }
0x28: {  	s2 =	sld [smem:$0x3FB0]  }
0x29: {  	s4 =	sld [smem:$0x3FB2]  }
0x2a: {  	p0 =	seq.s32 s5, $0x0;
	s5 =	sld [smem:$0x3FB3]  }
0x2b: {  	s6 =	sld [smem:$0x3FB4]  }
0x2c: {  	s7 =	sld [smem:$0x3FB5]  }
0x2d: {  	s3 =	simm.s32 $0x108;
	s8 =	sld [smem:$0x3FB6]  }
0x2e: {  	s3 =	simm.s32 @!p0 $0x1082;
	s9 =	sld [smem:$0x3FB7]  }
0x2f: {  	lr =	sadd.s32 s0, s3;
	s0 =	sld [smem:$0x3FAE]  }
0x30: {  	s3 =	sld [smem:$0x3FB1]  }
0x31: {  	[smem:$0x3FBA] =	sst s10  }
0x32: {  	s10 =	sld [smem:$0x3FB8];
	_ =	sdelay $0x3  }
0x33: {  	p0 =	seq.s32 s10, $0x1;
	s10 =	sld [smem:$0x3FBA];
	_ =	sdelay $0x3  }
0x34: {  	[smem:$0x3FBA] =	sst s10  }
0x35: {  	s10 =	sld [smem:$0x3FB9];
	_ =	sdelay $0x3  }
0x36: {  	p1 =	seq.s32 s10, $0x1;
	s10 =	sld [smem:$0x3FBA];
	_ =	sdelay $0x3  }
0x37: {  	[smem:$0x3FBA] =	sst s10  }
0x38: {  	s10 =	sld [smem:$0x3FBB]  }
0x39: {  	_ = 	snop;
	(pc) =	sbr.ind lr, $3  }
0x3a: {  	_ = 	snop  }
0x3b: {  	_ = 	snop  }
0x3c: {  	p2 =	seq.s32 s10, $0x1;
	s10 =	sld [smem:$0x3FBA]  }
0x3d: {  	_ =	shalt  }
0x3e: {  	_ =	shalt  }
0x3f: {  	_ =	shalt  }
0x40: {  	_ =	shalt  }
0x41: {  	_ =	shalt  }
0x42: {  	_ =	shalt  }
0x43: {  	_ =	shalt  }
0x44: {  	_ =	shalt  }
0x45: {  	_ =	shalt  }
0x46: {  	_ =	shalt  }
0x47: {  	_ =	shalt  }
0x48: {  	_ =	shalt  }
0x49: {  	_ =	shalt  }
0x4a: {  	_ =	shalt  }
0x4b: {  	_ =	shalt  }
0x4c: {  	_ =	shalt  }
0x4d: {  	_ =	shalt  }
0x4e: {  	_ =	shalt  }
0x4f: {  	_ =	shalt  }
0x50: {  	_ =	shalt  }
0x51: {  	_ =	shalt  }
0x52: {  	_ =	shalt  }
0x53: {  	_ =	shalt  }
0x54: {  	_ =	shalt  }
0x55: {  	_ =	shalt  }
0x56: {  	_ =	shalt  }
0x57: {  	_ =	shalt  }
0x58: {  	_ =	shalt  }
0x59: {  	_ =	shalt  }
0x5a: {  	_ =	shalt  }
0x5b: {  	_ =	shalt  }
0x5c: {  	_ =	shalt  }
0x5d: {  	_ =	shalt  }
0x5e: {  	_ =	shalt  }
0x5f: {  	_ =	shalt  }
0x60: {  	_ =	shalt  }
0x61: {  	_ =	shalt  }
0x62: {  	_ =	shalt  }
0x63: {  	_ =	shalt  }
0x64: {  	_ =	shalt  }
0x65: {  	_ =	shalt  }
0x66: {  	_ =	shalt  }
0x67: {  	_ =	shalt  }
0x68: {  	_ =	shalt  }
0x69: {  	_ =	shalt  }
0x6a: {  	_ =	shalt  }
0x6b: {  	_ =	shalt  }
0x6c: {  	_ =	shalt  }
0x6d: {  	_ =	shalt  }
0x6e: {  	_ =	shalt  }
0x6f: {  	_ =	shalt  }
0x70: {  	_ =	shalt  }
0x71: {  	_ =	shalt  }
0x72: {  	_ =	shalt  }
0x73: {  	_ =	shalt  }
0x74: {  	_ =	shalt  }
0x75: {  	_ =	shalt  }
0x76: {  	_ =	shalt  }
0x77: {  	_ =	shalt  }
0x78: {  	_ =	shalt  }
0x79: {  	_ =	shalt  }
0x7a: {  	_ =	shalt  }
0x7b: {  	_ =	shalt  }
0x7c: {  	_ =	shalt  }
0x7d: {  	_ =	shalt  }
0x7e: {  	_ =	shalt  }
0x7f: {  	_ =	shalt  }
0x80: {  	_ =	shalt  }
0x81: {  	_ =	shalt  }
0x82: {  	_ =	shalt  }
0x83: {  	_ =	shalt  }
0x84: {  	_ =	shalt  }
0x85: {  	_ =	shalt  }
0x86: {  	_ =	shalt  }
0x87: {  	_ =	shalt  }
.Lfunc_end0:
.L_simem_size_0:
called_computation_lowered:
.L_overlay_start_0:
0x88: {  	s2 =	sld [smem:$0x3FD9]  }
0x89: {  	s3 =	sld [smem:$0x3FFE];
	_ =	sdelay $0x1  }
0x8a: {  	s1 =	srdreg.scid  }
0x8b: {  	s0 =	sand.u32 $0x1, s1  }
0x8c: {  	s18 =	sshll.u32 s0, $0xA;
	s2 =	sadd.s32 s3, s2  }
0x8d: {  	s2 =	sadd.s32 s2, s18  }
0x8e: {  	[smem:$0x3FC6] =	sst s2  }
0x8f: {  	_ = 	snop  }
0x90: {  	s2 =	sld [smem:$0x3FC9]  }
0x91: {  	s19 =	sld [smem:$0x3FC8]  }
0x92: {  	s4 =	sld [smem:$0x3FD0];
	(tm) =	ssettm $0x1  }
0x93: {  	s5 =	sld [smem:$0x3FFB];
	_ =	sdelay $0x3  }
0x94: {  	_ =	strace s5  }
0x95: {  	s5 =	sld [smem:$0x3FFC];
	_ =	sdelay $0x3  }
0x96: {  	_ =	strace s5  }
0x97: {  	s5 =	sld [smem:$0x3FFD];
	_ =	sdelay $0x3  }
0x98: {  	_ =	strace s5  }
0x99: {  	_ =	strace $0x8FFFFFFF  }
0x9a: {  	s20 =	sld [smem:$0x3FDB];
	_ =	sdelay $0x1  }
0x9b: {  	s6 =	simm.s32 $_scs_section_size  }
0x9c: {  	s7 =	simm.s32 $_size__tile_overlayer_lowered;
	s8 =	simm.s32 $_tile_overlayer_lowered  }
0x9d: {  	s23 =	simm.s32 $0x1BFF;
	s22 =	sshll.u32 s8, $0x1;
	s5 =	sadd.s32 s6, s20  }
0x9e: {  	s9 =	simm.s32 $0x0;
	s21 =	sshll.u32 s7, $0x1;
	s7 =	sadd.s32 s22, s5  }
0x9f: {  	[timem:s9], [sflag:s23] =	dma.local [hbm:s7], s21  }
0xa0: {  	_ =	swait.ge [sflag:s23], s21  }
0xa1: {  	s6 =	ssub.s32 $0x0, s21;
	[sflag:s23] =	ssyncset.done $0x0  }
0xa2: {  	[sflag:s23] =	ssyncadd.s32 s6;
	_ =	sdelay $0x1  }
0xa3: {  	s24 =	simm.s32 $0x1B8B  }
0xa4: {  	_ =	swait.ge [sflag:s24], $0x1  }
0xa5: {  	[sflag:s24] =	ssyncset.done $0x0  }
0xa6: {  	s25 =	simm.s32 $0x1B8E;
	[sflag:s24] =	ssyncadd.s32 $0xFFFFFFFF  }
0xa7: {  	s26 =	simm.s32 $execute0_lowered;
	[smem:$0x3FD2] =	sst s25  }
0xa8: {  	s6 =	sshll.u32 s26, $0x1;
	_ =	strace $0x80000046;
	[dreg:$0x1] =	wrdreg $0xFFFFFFFF  }
0xa9: {  	s28 =	simm.s32 $_size_execute0_lowered;
	s5 =	sadd.s32 s5, s6;
	[dreg:$0x0] =	wrdreg $0x0  }
0xaa: {  	s6 =	sshll.u32 s28, $0x1;
	[dreg:$0x2] =	wrdreg s5  }
0xab: {  	[dreg:$0x3] =	wrdreg s6  }
0xac: {  	[dreg:$0x4] =	wrdreg $0xC0  }
0xad: {  	_ =	task [dreg:s9], $0x5FFFF  }
0xae: {  	[dreg:$0x1] =	wrdreg $0xFFFFFFFF  }
0xaf: {  	[dreg:$0x0] =	wrdreg $0x60  }
0xb0: {  	[dreg:$0x2] =	wrdreg s2  }
0xb1: {  	[dreg:$0x3] =	wrdreg s19  }
0xb2: {  	[dreg:$0x4] =	wrdreg s4  }
0xb3: {  	[dreg:$0x5] =	wrdreg $0x9  }
0xb4: {  	_ =	task.clear_ibuf [dreg:s9], $0x6FFFF;
	_ =	strace $0x90000046  }
0xb5: {  	s29 =	simm.s32 $0x9;
	_ =	strace $0x80000048  }
0xb6: {  	_ =	swait.ge [sflag:s29], $0x1  }
0xb7: {  	[sflag:s29] =	ssyncadd.s32 $0xFFFFFFFF  }
0xb8: {  	_ =	strace $0x90000048  }
0xb9: {  	_ =	sfence  }
0xba: {  	s30 =	sld [smem:$0x0];
	_ =	sdelay $0x2  }
0xbb: {  	s31 =	sshll.u32 s1, $0xD;
	s1 =	sshrl.u32 s1, $0x2  }
0xbc: {  	s3 =	sand.u32 $0x4000, s31;
	s1 =	sadd.s32 s1, s30  }
0xbd: {  	s0 =	sor.u32 s3, s0;
	s1 =	sshll.u32 s1, $0x11  }
0xbe: {  	s0 =	sor.u32 s1, s0  }
0xbf: {  	s0 =	sadd.s32 $0x8F2B, s0  }
0xc0: {  	[sflag:s0] =	ssyncadd.remote.s32 $0x1  }
0xc1: {  	_ =	sfence.sel $0xFFFF  }
0xc2: {  	[dreg:$0x0] =	wrdreg $0xFFFFFFFF;
	(pc) =	sbr.abs _section_cstart, $3  }
0xc3: {  	[dreg:$0x1] =	wrdreg $0xFFFFFFFF  }
0xc4: {  	_ =	task.clear_ibuf [dreg:s9], $0x2FFFF;
	_ =	strace $0x9FFFFFFF  }
0xc5: {  	(tm) =	ssettm $0x7FFFFFFF  }
tec
execute0_lowered:
.L_overlay_start_1:
0x0: {  	(tag) =	ssettag $0x1  }
0x1: {  	s1 =	rddreg [dreg:$0x0]  }
0x2: {  	s2 =	rddreg [dreg:$0x1]  }
0x3: {  	s12 =	rddreg [dreg:$0x2];
	s5 =	simm.s32 $0x0  }
0x4: {  	s0 =	srdreg.scid;
	s4 =	stileid.u32;
	s28 =	simm.s32 $0x6000  }
0x5: {  	s31 =	simm.s32 $0x11000;
	s29 =	simm.s32 $0x3;
	s0 =	sand.u32 $0x1, s0  }
0x6: {  	s4 =	sshll.u32 s4, $0x9;
	s3 =	ssub.s32 $0x2, s0;
	s0 =	sshll.u32 s0, $0x8  }
0x7: {  	[smem:$0x7FF] =	sst s5;
	s7 =	sshrl.u32 s3, $0x1;
	s6 =	sor.u32 s0, s4  }
0x8: {  	s0 =	ssub.s32 s3, s7;
	s18 =	sshll.u32 s6, $0x9;
	s7 =	sadd.s32 $0x400, s1  }
0x9: {  	s11 =	sadd.s32 $0x40, s2;
	s20 =	sshll.u32 s6, $0x7;
	s19 =	sadd.s32 s18, s7  }
0xa: {  	_ =	strace $0x80000047;
	s8 =	sadd.s32 s2, s20;
	[dreg:$0x5] =	wrdreg s19  }
0xb: {  	s30 =	simm.s32 $0x7;
	s4 =	sadd.s32 s20, s11;
	[dreg:$0x6] =	wrdreg s8  }
0xc: {  	s22 =	sor.u32 $0x8, s6;
	s0 =	smax.u32 s0, $0x1;
	[dreg:$0x8] =	wrdreg s4  }
0xd: {  	s13 =	sadd.s32 s1, s18;
	s21 =	sor.u32 $0x800, s18;
	[dreg:$0x15] =	wrdreg s0  }
0xe: {  	s23 =	sshll.u32 s22, $0x9;
	s9 =	sadd.s32 s1, s21;
	[dreg:$0x4] =	wrdreg s13  }
0xf: {  	s10 =	sor.u32 $0xC, s6;
	s14 =	sadd.s32 s1, s23;
	[dreg:$0x7] =	wrdreg s9  }
0x10: {  	s16 =	sadd.s32 s12, s18;
	s26 =	sadd.s32 s12, s21;
	[dreg:$0x9] =	wrdreg s14  }
0x11: {  	s25 =	sshll.u32 s10, $0x9;
	s18 =	sadd.s32 s12, s23;
	[dreg:$0xc] =	wrdreg s26  }
0x12: {  	s24 =	sshll.u32 s10, $0x7;
	s21 =	sadd.s32 s1, s25;
	[dreg:$0x10] =	wrdreg s18  }
0x13: {  	s4 =	sshll.u32 s22, $0x7;
	s3 =	sadd.s32 s12, s25;
	[dreg:$0x13] =	wrdreg s21  }
0x14: {  	s22 =	sadd.s32 $0xC00, s13;
	s23 =	sadd.s32 $0x1400, s13;
	[dreg:$0x14] =	wrdreg s3  }
0x15: {  	s25 =	sadd.s32 $0x2400, s13;
	s12 =	simm.s32 $0x200;
	[dreg:$0x16] =	wrdreg s22  }
0x16: {  	s0 =	simm.s32 $0x4;
	s4 =	sadd.s32 s2, s4;
	[dreg:$0x17] =	wrdreg s23  }
0x17: {  	s14 =	sor.u32 $0x14, s6;
	[dreg:$0x19] =	wrdreg s25;
	s26 =	sadd.s32 $0x2C00, s13  }
0x18: {  	s18 =	simm.s32 $0x8000;
	s21 =	simm.s32 $0x1;
	s22 =	simm.s32 $0xC000  }
0x19: {  	s25 =	simm.s32 $0x2;
	s9 =	simm.s32 $0xB;
	[dreg:$0xa] =	wrdreg s4  }
0x1a: {  	s4 =	sand.u32 $0xF8400, s24;
	s17 =	sshll.u32 s14, $0x7;
	s20 =	smov.u32 s14  }
0x1b: {  	s19 =	sshll.u32 s14, $0x9;
	s24 =	sadd.s32 $0x1C00, s13;
	[dreg:$0x1a] =	wrdreg s26  }
0x1c: {  	s13 =	simm.s32 $0x400;
	s26 =	simm.s32 $0x6;
	s4 =	sadd.s32 s4, s11  }
0x1d: {  	s14 =	simm.s32 $0x0;
	[dreg:$0xb] =	wrdreg s4;
	s4 =	sor.u32 $0x10, s6  }
0x1e: {  	[dreg:$0x18] =	wrdreg s24;
	s10 =	sshll.u32 s4, $0x9;
	s8 =	sshll.u32 s4, $0x7  }
0x1f: {  	[dreg:$0xd] =	wrdreg s4;
	s4 =	sadd.s32 s1, s10;
	s15 =	sadd.s32 s2, s8  }
0x20: {  	s8 =	sadd.s32 s1, s19;
	s19 =	simm.s32 $0x10000;
	[dreg:$0xe] =	wrdreg s4  }
0x21: {  	s10 =	simm.s32 $0x5;
	[dreg:$0xf] =	wrdreg s15;
	s4 =	sand.u32 $0xF8800, s17  }
0x22: {  	[dreg:$0x11] =	wrdreg s8;
	s15 =	simm.s32 $0x2000;
	s4 =	sadd.s32 s4, s11  }
0x23: {  	s8 =	simm.s32 $0xC;
	[dreg:$0x12] =	wrdreg s4;
	s4 =	simm.s32 $0x8  }
.LBB2_1:
0x24: {  	[dreg:$0x1b] =	wrdreg s14  }
0x25: {  	s3 =	rddreg [dreg:$0x4]  }
0x26: {  	[tilespmem:s5], [sflag:$0x1] =	stream.linear.gather [hbm4b:s3+s5], $0x2000, $0x38;
	[tilespmem:$0x14000] =	vst v63  }
0x27: {  	s24 =	rddreg [dreg:$0x5]  }
0x28: {  	[tilespmem:s15], [sflag:$0x1] =	stream.linear.gather [hbm4b:s24+s5], $0x2000, $0x38;
	[tilespmem:$0x14000] =	vst v63  }
0x29: {  	s14 =	rddreg [dreg:$0x6]  }
0x2a: {  	[tilespmem:s19], [sflag:$0x5] =	stream.strided.gather [hbm4b:s14+s12], $0x1000, s13, s12, $0x38;
	[tilespmem:$0x14000] =	vst v63  }
0x2b: {  	s17 =	rddreg [dreg:$0x7];
	s23 =	simm.s32 $0x4000  }
0x2c: {  	[tilespmem:s23], [sflag:$0x2] =	stream.linear.gather [hbm4b:s17+s5], $0x2000, $0x38;
	[tilespmem:$0x14000] =	vst v63  }
0x2d: {  	s24 =	rddreg [dreg:$0x16]  }
0x2e: {  	[tilespmem:s28], [sflag:$0x2] =	stream.linear.gather [hbm4b:s24+s5], $0x2000, $0x38;
	[tilespmem:$0x14000] =	vst v63  }
0x2f: {  	s14 =	rddreg [dreg:$0x8]  }
0x30: {  	[tilespmem:s31], [sflag:$0x6] =	stream.strided.gather [hbm4b:s14+s12], $0x1000, s13, s12, $0x38;
	[tilespmem:$0x14000] =	vst v63  }
0x31: {  	s17 =	rddreg [dreg:$0x9]  }
0x32: {  	[tilespmem:s18], [sflag:$0x3] =	stream.linear.gather [hbm4b:s17+s5], $0x2000, $0x38;
	[tilespmem:$0x14000] =	vst v63  }
0x33: {  	s23 =	rddreg [dreg:$0x17];
	s24 =	simm.s32 $0xA000  }
0x34: {  	[tilespmem:s24], [sflag:$0x3] =	stream.linear.gather [hbm4b:s23+s5], $0x2000, $0x38;
	[tilespmem:$0x14000] =	vst v63  }
0x35: {  	s14 =	rddreg [dreg:$0xa];
	s17 =	simm.s32 $0x12000  }
0x36: {  	[tilespmem:s17], [sflag:$0x7] =	stream.strided.gather [hbm4b:s14+s12], $0x1000, s13, s12, $0x38;
	[tilespmem:$0x14000] =	vst v63  }
0x37: {  	_ =	swait.ge [sflag:s21], $0x2000  }
0x38: {  	[sflag:s21] =	ssyncset.done $0x0  }
0x39: {  	[sflag:s21] =	ssyncadd.s32 $0xFFFFE000  }
0x3a: {  	_ =	swait.ge [sflag:s21], $0x2000  }
0x3b: {  	[sflag:s21] =	ssyncset.done $0x0  }
0x3c: {  	[sflag:s21] =	ssyncadd.s32 $0xFFFFE000  }
0x3d: {  	_ =	swait.ge [sflag:s10], $0x1000  }
0x3e: {  	s23 =	sand.u32 $0x70, s5;
	s24 =	sand.u32 $0xE00, s5;
	[sflag:s10] =	ssyncset.done $0x0  }
0x3f: {  	s3 =	sor.u32 s23, s24;
	[sflag:s10] =	ssyncadd.s32 $0xFFFFF000  }
0x40: {  	v2 =	vld [tilespmem:s3+$0x10000]  }
0x41: {  	v6 =	vld [tilespmem:s3+$0x10080]  }
0x42: {  	v1 =	vld [tilespmem:s3+$0x10100]  }
0x43: {  	v0 =	vld [tilespmem:s3+$0x10180]  }
0x44: {  	v3 =	vld [tilespmem:s3+$0x0]  }
0x45: {  	v4 =	vld [tilespmem:s3+$0x80]  }
0x46: {  	v5 =	vld [tilespmem:s3+$0x100]  }
0x47: {  	v7 =	vld [tilespmem:s3+$0x180]  }
0x48: {  	v8 =	vld [tilespmem:s3+$0x1000]  }
0x49: {  	v10 =	vld [tilespmem:s3+$0x1100];
	v3 =	vadd.f32 v3, v2  }
0x4a: {  	v9 =	vld [tilespmem:s3+$0x1080];
	v4 =	vadd.f32 v4, v2  }
0x4b: {  	v11 =	vld [tilespmem:s3+$0x1180];
	[tilespmem:s3+$0x0] =	vst v3;
	v3 =	vadd.f32 v5, v2  }
0x4c: {  	v12 =	vld [tilespmem:s3+$0x2000];
	[tilespmem:s3+$0x80] =	vst v4;
	v2 =	vadd.f32 v7, v2  }
0x4d: {  	v5 =	vadd.f32 v8, v6;
	[tilespmem:s3+$0x100] =	vst v3;
	v3 =	vld [tilespmem:s3+$0x2080]  }
0x4e: {  	v4 =	vld [tilespmem:s3+$0x2100];
	v8 =	vadd.f32 v10, v6;
	[tilespmem:s3+$0x180] =	vst v2  }
0x4f: {  	v7 =	vadd.f32 v9, v6;
	[tilespmem:s3+$0x1000] =	vst v5;
	v2 =	vld [tilespmem:s3+$0x2180]  }
0x50: {  	v5 =	vld [tilespmem:s3+$0x3000];
	[tilespmem:s3+$0x1100] =	vst v8;
	v8 =	vadd.f32 v11, v6  }
0x51: {  	s14 =	simm.s32 $0x40;
	s17 =	simm.s32 $0x10;
	[tilespmem:s3+$0x1080] =	vst v7;
	v7 =	vadd.f32 v12, v1;
	v6 =	vld [tilespmem:s3+$0x3080]  }
.LBB2_2:
0x52: {  	s23 =	sand.u32 $0x70, s17;
	s24 =	sand.u32 $0xE00, s14;
	p0 =	sne.s32 s17, $0x3F0;
	[tilespmem:s3+$0x1180] =	vst v8;
	v3 =	vadd.f32 v3, v1;
	v8 =	vld [tilespmem:s3+$0x3100]  }
0x53: {  	s23 =	sor.u32 s23, s24;
	[tilespmem:s3+$0x2000] =	vst v7;
	v4 =	vadd.f32 v4, v1;
	v7 =	vld [tilespmem:s3+$0x3180]  }
0x54: {  	v9 =	vld [tilespmem:s23+$0x10000];
	[tilespmem:s3+$0x2080] =	vst v3;
	v2 =	vadd.f32 v2, v1  }
0x55: {  	v10 =	vld [tilespmem:s23+$0x10080];
	[tilespmem:s3+$0x2100] =	vst v4;
	v3 =	vadd.f32 v5, v0  }
0x56: {  	v1 =	vld [tilespmem:s23+$0x10100];
	[tilespmem:s3+$0x2180] =	vst v2;
	v2 =	vadd.f32 v6, v0  }
0x57: {  	v4 =	vld [tilespmem:s23+$0x10180];
	[tilespmem:s3+$0x3000] =	vst v3;
	v3 =	vadd.f32 v8, v0  }
0x58: {  	v5 =	vld [tilespmem:s23+$0x0];
	[tilespmem:s3+$0x3080] =	vst v2;
	v0 =	vadd.f32 v7, v0  }
0x59: {  	v2 =	vld [tilespmem:s23+$0x80];
	[tilespmem:s3+$0x3100] =	vst v3  }
0x5a: {  	v3 =	vld [tilespmem:s23+$0x100];
	[tilespmem:s3+$0x3180] =	vst v0;
	s3 =	smov.u32 s23  }
0x5b: {  	v6 =	vld [tilespmem:s3+$0x180]  }
0x5c: {  	v7 =	vld [tilespmem:s3+$0x1000];
	v0 =	vmov v4  }
0x5d: {  	v4 =	vadd.f32 v5, v9;
	v5 =	vld [tilespmem:s3+$0x1080]  }
0x5e: {  	v2 =	vadd.f32 v2, v9;
	v8 =	vld [tilespmem:s3+$0x1100]  }
0x5f: {  	[tilespmem:s3+$0x0] =	vst v4;
	v3 =	vadd.f32 v3, v9;
	v11 =	vld [tilespmem:s3+$0x1180]  }
0x60: {  	[tilespmem:s3+$0x80] =	vst v2;
	v2 =	vadd.f32 v6, v9;
	v6 =	vld [tilespmem:s3+$0x2000]  }
.Ltmp0:
0x61: {  	[tilespmem:s3+$0x100] =	vst v3;
	v7 =	vadd.f32 v7, v10;
	v3 =	vld [tilespmem:s3+$0x2080];
	(pc) =	sbr.rel @p0 .LBB2_2-.Ltmp0, $4  }
0x62: {  	[tilespmem:s3+$0x180] =	vst v2;
	v5 =	vadd.f32 v5, v10;
	v4 =	vld [tilespmem:s3+$0x2100]  }
0x63: {  	[tilespmem:s3+$0x1000] =	vst v7;
	v7 =	vadd.f32 v8, v10;
	v2 =	vld [tilespmem:s3+$0x2180]  }
0x64: {  	[tilespmem:s3+$0x1080] =	vst v5;
	v8 =	vadd.f32 v11, v10;
	v5 =	vld [tilespmem:s3+$0x3000]  }
0x65: {  	s14 =	sadd.s32 $0x40, s14;
	s17 =	sadd.s32 $0x10, s17;
	[tilespmem:s3+$0x1100] =	vst v7;
	v7 =	vadd.f32 v6, v1;
	v6 =	vld [tilespmem:s3+$0x3080]  }
0x66: {  	[tilespmem:s3+$0x1180] =	vst v8;
	v8 =	vld [tilespmem:s3+$0x3100];
	v3 =	vadd.f32 v3, v1  }
0x67: {  	[tilespmem:s3+$0x2000] =	vst v7;
	v4 =	vadd.f32 v4, v1;
	v7 =	vld [tilespmem:s3+$0x3180]  }
0x68: {  	[tilespmem:s3+$0x2080] =	vst v3;
	v1 =	vadd.f32 v2, v1  }
0x69: {  	[tilespmem:s3+$0x2100] =	vst v4;
	v2 =	vadd.f32 v5, v0  }
0x6a: {  	[tilespmem:s3+$0x2180] =	vst v1;
	v1 =	vadd.f32 v6, v0  }
0x6b: {  	[tilespmem:s3+$0x3000] =	vst v2;
	v2 =	vadd.f32 v8, v0  }
0x6c: {  	[tilespmem:s3+$0x3080] =	vst v1;
	v0 =	vadd.f32 v7, v0  }
0x6d: {  	[tilespmem:s3+$0x3100] =	vst v2  }
0x6e: {  	[tilespmem:s3+$0x3180] =	vst v0;
	s3 =	simm.s32 $0x0  }
0x6f: {  	[hbm4b:s16+s3] =	stream.linear.scatter [tilespmem:s3], [sflag:$0x9], $0x4000, $0x38;
	[tilespmem:$0x14000] =	vst v63  }
0x70: {  	s14 =	rddreg [dreg:$0x13]  }
0x71: {  	[tilespmem:s22], [sflag:$0x4] =	stream.linear.gather [hbm4b:s14+s3], $0x2000, $0x38;
	[tilespmem:$0x14000] =	vst v63  }
0x72: {  	s24 =	rddreg [dreg:$0x18];
	s17 =	simm.s32 $0xE000  }
0x73: {  	[tilespmem:s17], [sflag:$0x4] =	stream.linear.gather [hbm4b:s24+s3], $0x2000, $0x38;
	[tilespmem:$0x14000] =	vst v63  }
0x74: {  	s23 =	simm.s32 $0x13000;
	s17 =	rddreg [dreg:$0xb]  }
0x75: {  	[tilespmem:s23], [sflag:$0x8] =	stream.strided.gather [hbm4b:s17+s12], $0x1000, s13, s12, $0x38;
	[tilespmem:$0x14000] =	vst v63  }
0x76: {  	_ =	swait.ge [sflag:s25], $0x2000  }
0x77: {  	[sflag:s25] =	ssyncset.done $0x0  }
0x78: {  	[sflag:s25] =	ssyncadd.s32 $0xFFFFE000  }
0x79: {  	_ =	swait.ge [sflag:s25], $0x2000  }
0x7a: {  	[sflag:s25] =	ssyncset.done $0x0  }
0x7b: {  	[sflag:s25] =	ssyncadd.s32 $0xFFFFE000  }
0x7c: {  	_ =	swait.ge [sflag:s26], $0x1000  }
0x7d: {  	s24 =	sand.u32 $0x70, s3;
	s3 =	sand.u32 $0xE00, s3;
	[sflag:s26] =	ssyncset.done $0x0  }
0x7e: {  	s3 =	sor.u32 s24, s3;
	[sflag:s26] =	ssyncadd.s32 $0xFFFFF000  }
0x7f: {  	v2 =	vld [tilespmem:s3+$0x11000]  }
0x80: {  	v6 =	vld [tilespmem:s3+$0x11080]  }
0x81: {  	v1 =	vld [tilespmem:s3+$0x11100]  }
0x82: {  	v0 =	vld [tilespmem:s3+$0x11180]  }
0x83: {  	v3 =	vld [tilespmem:s3+$0x4000]  }
0x84: {  	v4 =	vld [tilespmem:s3+$0x4080]  }
0x85: {  	v5 =	vld [tilespmem:s3+$0x4100]  }
0x86: {  	v7 =	vld [tilespmem:s3+$0x4180]  }
0x87: {  	v8 =	vld [tilespmem:s3+$0x5000]  }
0x88: {  	v10 =	vld [tilespmem:s3+$0x5100];
	v3 =	vadd.f32 v3, v2  }
0x89: {  	v9 =	vld [tilespmem:s3+$0x5080];
	v4 =	vadd.f32 v4, v2  }
0x8a: {  	v11 =	vld [tilespmem:s3+$0x5180];
	[tilespmem:s3+$0x4000] =	vst v3;
	v3 =	vadd.f32 v5, v2  }
0x8b: {  	v12 =	vld [tilespmem:s3+$0x6000];
	[tilespmem:s3+$0x4080] =	vst v4;
	v2 =	vadd.f32 v7, v2  }
0x8c: {  	v5 =	vadd.f32 v8, v6;
	[tilespmem:s3+$0x4100] =	vst v3;
	v3 =	vld [tilespmem:s3+$0x6080]  }
0x8d: {  	v4 =	vld [tilespmem:s3+$0x6100];
	v8 =	vadd.f32 v10, v6;
	[tilespmem:s3+$0x4180] =	vst v2  }
0x8e: {  	v7 =	vadd.f32 v9, v6;
	[tilespmem:s3+$0x5000] =	vst v5;
	v2 =	vld [tilespmem:s3+$0x6180]  }
0x8f: {  	v5 =	vld [tilespmem:s3+$0x7000];
	[tilespmem:s3+$0x5100] =	vst v8;
	v8 =	vadd.f32 v11, v6  }
0x90: {  	s14 =	simm.s32 $0x40;
	s17 =	simm.s32 $0x10;
	[tilespmem:s3+$0x5080] =	vst v7;
	v7 =	vadd.f32 v12, v1;
	v6 =	vld [tilespmem:s3+$0x7080]  }
.LBB2_4:
0x91: {  	s23 =	sand.u32 $0x70, s17;
	s24 =	sand.u32 $0xE00, s14;
	p0 =	sne.s32 s17, $0x3F0;
	[tilespmem:s3+$0x5180] =	vst v8;
	v3 =	vadd.f32 v3, v1;
	v8 =	vld [tilespmem:s3+$0x7100]  }
0x92: {  	s23 =	sor.u32 s23, s24;
	[tilespmem:s3+$0x6000] =	vst v7;
	v4 =	vadd.f32 v4, v1;
	v7 =	vld [tilespmem:s3+$0x7180]  }
0x93: {  	v9 =	vld [tilespmem:s23+$0x11000];
	[tilespmem:s3+$0x6080] =	vst v3;
	v2 =	vadd.f32 v2, v1  }
0x94: {  	v10 =	vld [tilespmem:s23+$0x11080];
	[tilespmem:s3+$0x6100] =	vst v4;
	v3 =	vadd.f32 v5, v0  }
0x95: {  	v1 =	vld [tilespmem:s23+$0x11100];
	[tilespmem:s3+$0x6180] =	vst v2;
	v2 =	vadd.f32 v6, v0  }
0x96: {  	v4 =	vld [tilespmem:s23+$0x11180];
	[tilespmem:s3+$0x7000] =	vst v3;
	v3 =	vadd.f32 v8, v0  }
0x97: {  	v5 =	vld [tilespmem:s23+$0x4000];
	[tilespmem:s3+$0x7080] =	vst v2;
	v0 =	vadd.f32 v7, v0  }
0x98: {  	v2 =	vld [tilespmem:s23+$0x4080];
	[tilespmem:s3+$0x7100] =	vst v3  }
0x99: {  	v3 =	vld [tilespmem:s23+$0x4100];
	[tilespmem:s3+$0x7180] =	vst v0;
	s3 =	smov.u32 s23  }
0x9a: {  	v6 =	vld [tilespmem:s3+$0x4180]  }
0x9b: {  	v7 =	vld [tilespmem:s3+$0x5000];
	v0 =	vmov v4  }
0x9c: {  	v4 =	vadd.f32 v5, v9;
	v5 =	vld [tilespmem:s3+$0x5080]  }
0x9d: {  	v2 =	vadd.f32 v2, v9;
	v8 =	vld [tilespmem:s3+$0x5100]  }
0x9e: {  	[tilespmem:s3+$0x4000] =	vst v4;
	v3 =	vadd.f32 v3, v9;
	v11 =	vld [tilespmem:s3+$0x5180]  }
0x9f: {  	[tilespmem:s3+$0x4080] =	vst v2;
	v2 =	vadd.f32 v6, v9;
	v6 =	vld [tilespmem:s3+$0x6000]  }
.Ltmp1:
0xa0: {  	[tilespmem:s3+$0x4100] =	vst v3;
	v7 =	vadd.f32 v7, v10;
	v3 =	vld [tilespmem:s3+$0x6080];
	(pc) =	sbr.rel @p0 .LBB2_4-.Ltmp1, $4  }
0xa1: {  	[tilespmem:s3+$0x4180] =	vst v2;
	v5 =	vadd.f32 v5, v10;
	v4 =	vld [tilespmem:s3+$0x6100]  }
0xa2: {  	[tilespmem:s3+$0x5000] =	vst v7;
	v7 =	vadd.f32 v8, v10;
	v2 =	vld [tilespmem:s3+$0x6180]  }
0xa3: {  	[tilespmem:s3+$0x5080] =	vst v5;
	v8 =	vadd.f32 v11, v10;
	v5 =	vld [tilespmem:s3+$0x7000]  }
0xa4: {  	s14 =	sadd.s32 $0x40, s14;
	s17 =	sadd.s32 $0x10, s17;
	[tilespmem:s3+$0x5100] =	vst v7;
	v7 =	vadd.f32 v6, v1;
	v6 =	vld [tilespmem:s3+$0x7080]  }
0xa5: {  	[tilespmem:s3+$0x5180] =	vst v8;
	v8 =	vld [tilespmem:s3+$0x7100];
	v3 =	vadd.f32 v3, v1  }
0xa6: {  	[tilespmem:s3+$0x6000] =	vst v7;
	v4 =	vadd.f32 v4, v1;
	v7 =	vld [tilespmem:s3+$0x7180]  }
0xa7: {  	[tilespmem:s3+$0x6080] =	vst v3;
	v1 =	vadd.f32 v2, v1  }
0xa8: {  	[tilespmem:s3+$0x6100] =	vst v4;
	v2 =	vadd.f32 v5, v0  }
0xa9: {  	[tilespmem:s3+$0x6180] =	vst v1;
	v1 =	vadd.f32 v6, v0  }
0xaa: {  	[tilespmem:s3+$0x7000] =	vst v2;
	v2 =	vadd.f32 v8, v0  }
0xab: {  	[tilespmem:s3+$0x7080] =	vst v1;
	v0 =	vadd.f32 v7, v0  }
0xac: {  	s14 =	rddreg [dreg:$0xc];
	[tilespmem:s3+$0x7100] =	vst v2  }
0xad: {  	s17 =	simm.s32 $0x4000;
	s23 =	simm.s32 $0x9;
	[tilespmem:s3+$0x7180] =	vst v0;
	s3 =	simm.s32 $0x0  }
0xae: {  	[hbm4b:s14+s3] =	stream.linear.scatter [tilespmem:s17], [sflag:$0xA], $0x4000, $0x38;
	[tilespmem:$0x14000] =	vst v63  }
0xaf: {  	_ =	swait.ge [sflag:s23], $0x4000  }
0xb0: {  	[sflag:s23] =	ssyncset.done $0x0  }
0xb1: {  	s24 =	rddreg [dreg:$0xe];
	[sflag:s23] =	ssyncadd.s32 $0xFFFFC000  }
0xb2: {  	[tilespmem:s3], [sflag:$0x1] =	stream.linear.gather [hbm4b:s24+s3], $0x2000, $0x38;
	[tilespmem:$0x14000] =	vst v63  }
0xb3: {  	s17 =	rddreg [dreg:$0x19]  }
0xb4: {  	[tilespmem:s15], [sflag:$0x1] =	stream.linear.gather [hbm4b:s17+s3], $0x2000, $0x38;
	[tilespmem:$0x14000] =	vst v63  }
0xb5: {  	s23 =	rddreg [dreg:$0xf]  }
0xb6: {  	[tilespmem:s19], [sflag:$0x5] =	stream.strided.gather [hbm4b:s23+s12], $0x1000, s13, s12, $0x38;
	[tilespmem:$0x14000] =	vst v63  }
0xb7: {  	_ =	swait.ge [sflag:s29], $0x2000  }
0xb8: {  	[sflag:s29] =	ssyncset.done $0x0  }
0xb9: {  	[sflag:s29] =	ssyncadd.s32 $0xFFFFE000  }
0xba: {  	_ =	swait.ge [sflag:s29], $0x2000  }
0xbb: {  	[sflag:s29] =	ssyncset.done $0x0  }
0xbc: {  	[sflag:s29] =	ssyncadd.s32 $0xFFFFE000  }
0xbd: {  	_ =	swait.ge [sflag:s30], $0x1000  }
0xbe: {  	s24 =	sand.u32 $0x70, s3;
	s3 =	sand.u32 $0xE00, s3;
	[sflag:s30] =	ssyncset.done $0x0  }
0xbf: {  	s3 =	sor.u32 s24, s3;
	[sflag:s30] =	ssyncadd.s32 $0xFFFFF000  }
0xc0: {  	v2 =	vld [tilespmem:s3+$0x12000]  }
0xc1: {  	v6 =	vld [tilespmem:s3+$0x12080]  }
0xc2: {  	v1 =	vld [tilespmem:s3+$0x12100]  }
0xc3: {  	v0 =	vld [tilespmem:s3+$0x12180]  }
0xc4: {  	v3 =	vld [tilespmem:s3+$0x8000]  }
0xc5: {  	v4 =	vld [tilespmem:s3+$0x8080]  }
0xc6: {  	v5 =	vld [tilespmem:s3+$0x8100]  }
0xc7: {  	v7 =	vld [tilespmem:s3+$0x8180]  }
0xc8: {  	v8 =	vld [tilespmem:s3+$0x9000]  }
0xc9: {  	v10 =	vld [tilespmem:s3+$0x9100];
	v3 =	vadd.f32 v3, v2  }
0xca: {  	v9 =	vld [tilespmem:s3+$0x9080];
	v4 =	vadd.f32 v4, v2  }
0xcb: {  	v11 =	vld [tilespmem:s3+$0x9180];
	[tilespmem:s3+$0x8000] =	vst v3;
	v3 =	vadd.f32 v5, v2  }
0xcc: {  	v12 =	vld [tilespmem:s3+$0xA000];
	[tilespmem:s3+$0x8080] =	vst v4;
	v2 =	vadd.f32 v7, v2  }
0xcd: {  	v5 =	vadd.f32 v8, v6;
	[tilespmem:s3+$0x8100] =	vst v3;
	v3 =	vld [tilespmem:s3+$0xA080]  }
0xce: {  	v4 =	vld [tilespmem:s3+$0xA100];
	v8 =	vadd.f32 v10, v6;
	[tilespmem:s3+$0x8180] =	vst v2  }
0xcf: {  	v7 =	vadd.f32 v9, v6;
	[tilespmem:s3+$0x9000] =	vst v5;
	v2 =	vld [tilespmem:s3+$0xA180]  }
0xd0: {  	v5 =	vld [tilespmem:s3+$0xB000];
	[tilespmem:s3+$0x9100] =	vst v8;
	v8 =	vadd.f32 v11, v6  }
0xd1: {  	s14 =	simm.s32 $0x40;
	s17 =	simm.s32 $0x10;
	[tilespmem:s3+$0x9080] =	vst v7;
	v7 =	vadd.f32 v12, v1;
	v6 =	vld [tilespmem:s3+$0xB080]  }
.LBB2_6:
0xd2: {  	s23 =	sand.u32 $0x70, s17;
	s24 =	sand.u32 $0xE00, s14;
	p0 =	sne.s32 s17, $0x3F0;
	[tilespmem:s3+$0x9180] =	vst v8;
	v3 =	vadd.f32 v3, v1;
	v8 =	vld [tilespmem:s3+$0xB100]  }
0xd3: {  	s23 =	sor.u32 s23, s24;
	[tilespmem:s3+$0xA000] =	vst v7;
	v4 =	vadd.f32 v4, v1;
	v7 =	vld [tilespmem:s3+$0xB180]  }
0xd4: {  	v9 =	vld [tilespmem:s23+$0x12000];
	[tilespmem:s3+$0xA080] =	vst v3;
	v2 =	vadd.f32 v2, v1  }
0xd5: {  	v10 =	vld [tilespmem:s23+$0x12080];
	[tilespmem:s3+$0xA100] =	vst v4;
	v3 =	vadd.f32 v5, v0  }
0xd6: {  	v1 =	vld [tilespmem:s23+$0x12100];
	[tilespmem:s3+$0xA180] =	vst v2;
	v2 =	vadd.f32 v6, v0  }
0xd7: {  	v4 =	vld [tilespmem:s23+$0x12180];
	[tilespmem:s3+$0xB000] =	vst v3;
	v3 =	vadd.f32 v8, v0  }
0xd8: {  	v5 =	vld [tilespmem:s23+$0x8000];
	[tilespmem:s3+$0xB080] =	vst v2;
	v0 =	vadd.f32 v7, v0  }
0xd9: {  	v2 =	vld [tilespmem:s23+$0x8080];
	[tilespmem:s3+$0xB100] =	vst v3  }
0xda: {  	v3 =	vld [tilespmem:s23+$0x8100];
	[tilespmem:s3+$0xB180] =	vst v0;
	s3 =	smov.u32 s23  }
0xdb: {  	v6 =	vld [tilespmem:s3+$0x8180]  }
0xdc: {  	v7 =	vld [tilespmem:s3+$0x9000];
	v0 =	vmov v4  }
0xdd: {  	v4 =	vadd.f32 v5, v9;
	v5 =	vld [tilespmem:s3+$0x9080]  }
0xde: {  	v2 =	vadd.f32 v2, v9;
	v8 =	vld [tilespmem:s3+$0x9100]  }
0xdf: {  	[tilespmem:s3+$0x8000] =	vst v4;
	v3 =	vadd.f32 v3, v9;
	v11 =	vld [tilespmem:s3+$0x9180]  }
0xe0: {  	[tilespmem:s3+$0x8080] =	vst v2;
	v2 =	vadd.f32 v6, v9;
	v6 =	vld [tilespmem:s3+$0xA000]  }
.Ltmp2:
0xe1: {  	[tilespmem:s3+$0x8100] =	vst v3;
	v7 =	vadd.f32 v7, v10;
	v3 =	vld [tilespmem:s3+$0xA080];
	(pc) =	sbr.rel @p0 .LBB2_6-.Ltmp2, $4  }
0xe2: {  	[tilespmem:s3+$0x8180] =	vst v2;
	v5 =	vadd.f32 v5, v10;
	v4 =	vld [tilespmem:s3+$0xA100]  }
0xe3: {  	[tilespmem:s3+$0x9000] =	vst v7;
	v7 =	vadd.f32 v8, v10;
	v2 =	vld [tilespmem:s3+$0xA180]  }
0xe4: {  	[tilespmem:s3+$0x9080] =	vst v5;
	v8 =	vadd.f32 v11, v10;
	v5 =	vld [tilespmem:s3+$0xB000]  }
0xe5: {  	s14 =	sadd.s32 $0x40, s14;
	s17 =	sadd.s32 $0x10, s17;
	[tilespmem:s3+$0x9100] =	vst v7;
	v7 =	vadd.f32 v6, v1;
	v6 =	vld [tilespmem:s3+$0xB080]  }
0xe6: {  	[tilespmem:s3+$0x9180] =	vst v8;
	v8 =	vld [tilespmem:s3+$0xB100];
	v3 =	vadd.f32 v3, v1  }
0xe7: {  	[tilespmem:s3+$0xA000] =	vst v7;
	v4 =	vadd.f32 v4, v1;
	v7 =	vld [tilespmem:s3+$0xB180]  }
0xe8: {  	[tilespmem:s3+$0xA080] =	vst v3;
	v1 =	vadd.f32 v2, v1  }
0xe9: {  	[tilespmem:s3+$0xA100] =	vst v4;
	v2 =	vadd.f32 v5, v0  }
0xea: {  	[tilespmem:s3+$0xA180] =	vst v1;
	v1 =	vadd.f32 v6, v0  }
0xeb: {  	[tilespmem:s3+$0xB000] =	vst v2;
	v2 =	vadd.f32 v8, v0  }
0xec: {  	[tilespmem:s3+$0xB080] =	vst v1;
	v0 =	vadd.f32 v7, v0  }
0xed: {  	[tilespmem:s3+$0xB100] =	vst v2  }
0xee: {  	s17 =	simm.s32 $0x0;
	s14 =	rddreg [dreg:$0x10];
	s19 =	simm.s32 $0xA;
	[tilespmem:s3+$0xB180] =	vst v0  }
0xef: {  	[hbm4b:s14+s17] =	stream.linear.scatter [tilespmem:s18], [sflag:$0xB], $0x4000, $0x38;
	[tilespmem:$0x14000] =	vst v63  }
0xf0: {  	_ =	swait.ge [sflag:s19], $0x4000  }
0xf1: {  	[sflag:s19] =	ssyncset.done $0x0  }
0xf2: {  	s15 =	simm.s32 $0x4000;
	s23 =	rddreg [dreg:$0x11];
	[sflag:s19] =	ssyncadd.s32 $0xFFFFC000  }
0xf3: {  	[tilespmem:s15], [sflag:$0x2] =	stream.linear.gather [hbm4b:s23+s17], $0x2000, $0x38;
	[tilespmem:$0x14000] =	vst v63  }
0xf4: {  	s24 =	rddreg [dreg:$0x1a]  }
0xf5: {  	[tilespmem:s28], [sflag:$0x2] =	stream.linear.gather [hbm4b:s24+s17], $0x2000, $0x38;
	[tilespmem:$0x14000] =	vst v63  }
0xf6: {  	s28 =	rddreg [dreg:$0x12]  }
0xf7: {  	[tilespmem:s31], [sflag:$0x6] =	stream.strided.gather [hbm4b:s28+s12], $0x1000, s13, s12, $0x38;
	[tilespmem:$0x14000] =	vst v63  }
0xf8: {  	_ =	swait.ge [sflag:s0], $0x2000  }
0xf9: {  	[sflag:s0] =	ssyncset.done $0x0  }
0xfa: {  	[sflag:s0] =	ssyncadd.s32 $0xFFFFE000  }
0xfb: {  	_ =	swait.ge [sflag:s0], $0x2000  }
0xfc: {  	[sflag:s0] =	ssyncset.done $0x0  }
0xfd: {  	[sflag:s0] =	ssyncadd.s32 $0xFFFFE000  }
0xfe: {  	_ =	swait.ge [sflag:s4], $0x1000  }
0xff: {  	s3 =	sand.u32 $0xE00, s17;
	s31 =	sand.u32 $0x70, s17;
	[sflag:s4] =	ssyncset.done $0x0  }
0x100: {  	s3 =	sor.u32 s31, s3;
	[sflag:s4] =	ssyncadd.s32 $0xFFFFF000  }
0x101: {  	v2 =	vld [tilespmem:s3+$0x13000]  }
0x102: {  	v6 =	vld [tilespmem:s3+$0x13080]  }
0x103: {  	v1 =	vld [tilespmem:s3+$0x13100]  }
0x104: {  	v0 =	vld [tilespmem:s3+$0x13180]  }
0x105: {  	v3 =	vld [tilespmem:s3+$0xC000]  }
0x106: {  	v4 =	vld [tilespmem:s3+$0xC080]  }
0x107: {  	v5 =	vld [tilespmem:s3+$0xC100]  }
0x108: {  	v7 =	vld [tilespmem:s3+$0xC180]  }
0x109: {  	v8 =	vld [tilespmem:s3+$0xD000]  }
0x10a: {  	v10 =	vld [tilespmem:s3+$0xD100];
	v3 =	vadd.f32 v3, v2  }
0x10b: {  	v9 =	vld [tilespmem:s3+$0xD080];
	v4 =	vadd.f32 v4, v2  }
0x10c: {  	v11 =	vld [tilespmem:s3+$0xD180];
	[tilespmem:s3+$0xC000] =	vst v3;
	v3 =	vadd.f32 v5, v2  }
0x10d: {  	v12 =	vld [tilespmem:s3+$0xE000];
	[tilespmem:s3+$0xC080] =	vst v4;
	v2 =	vadd.f32 v7, v2  }
0x10e: {  	v5 =	vadd.f32 v8, v6;
	[tilespmem:s3+$0xC100] =	vst v3;
	v3 =	vld [tilespmem:s3+$0xE080]  }
0x10f: {  	v4 =	vld [tilespmem:s3+$0xE100];
	v8 =	vadd.f32 v10, v6;
	[tilespmem:s3+$0xC180] =	vst v2  }
0x110: {  	v7 =	vadd.f32 v9, v6;
	[tilespmem:s3+$0xD000] =	vst v5;
	v2 =	vld [tilespmem:s3+$0xE180]  }
0x111: {  	v5 =	vld [tilespmem:s3+$0xF000];
	[tilespmem:s3+$0xD100] =	vst v8;
	v8 =	vadd.f32 v11, v6  }
0x112: {  	s14 =	simm.s32 $0x40;
	s17 =	simm.s32 $0x10;
	[tilespmem:s3+$0xD080] =	vst v7;
	v7 =	vadd.f32 v12, v1;
	v6 =	vld [tilespmem:s3+$0xF080]  }
.LBB2_8:
0x113: {  	s23 =	sand.u32 $0x70, s17;
	s24 =	sand.u32 $0xE00, s14;
	p0 =	sne.s32 s17, $0x3F0;
	[tilespmem:s3+$0xD180] =	vst v8;
	v3 =	vadd.f32 v3, v1;
	v8 =	vld [tilespmem:s3+$0xF100]  }
0x114: {  	s23 =	sor.u32 s23, s24;
	[tilespmem:s3+$0xE000] =	vst v7;
	v4 =	vadd.f32 v4, v1;
	v7 =	vld [tilespmem:s3+$0xF180]  }
0x115: {  	v9 =	vld [tilespmem:s23+$0x13000];
	[tilespmem:s3+$0xE080] =	vst v3;
	v2 =	vadd.f32 v2, v1  }
0x116: {  	v10 =	vld [tilespmem:s23+$0x13080];
	[tilespmem:s3+$0xE100] =	vst v4;
	v3 =	vadd.f32 v5, v0  }
0x117: {  	v1 =	vld [tilespmem:s23+$0x13100];
	[tilespmem:s3+$0xE180] =	vst v2;
	v2 =	vadd.f32 v6, v0  }
0x118: {  	v4 =	vld [tilespmem:s23+$0x13180];
	[tilespmem:s3+$0xF000] =	vst v3;
	v3 =	vadd.f32 v8, v0  }
0x119: {  	v5 =	vld [tilespmem:s23+$0xC000];
	[tilespmem:s3+$0xF080] =	vst v2;
	v0 =	vadd.f32 v7, v0  }
0x11a: {  	v2 =	vld [tilespmem:s23+$0xC080];
	[tilespmem:s3+$0xF100] =	vst v3  }
0x11b: {  	v3 =	vld [tilespmem:s23+$0xC100];
	[tilespmem:s3+$0xF180] =	vst v0;
	s3 =	smov.u32 s23  }
0x11c: {  	v6 =	vld [tilespmem:s3+$0xC180]  }
0x11d: {  	v7 =	vld [tilespmem:s3+$0xD000];
	v0 =	vmov v4  }
0x11e: {  	v4 =	vadd.f32 v5, v9;
	v5 =	vld [tilespmem:s3+$0xD080]  }
0x11f: {  	v2 =	vadd.f32 v2, v9;
	v8 =	vld [tilespmem:s3+$0xD100]  }
0x120: {  	[tilespmem:s3+$0xC000] =	vst v4;
	v3 =	vadd.f32 v3, v9;
	v11 =	vld [tilespmem:s3+$0xD180]  }
0x121: {  	[tilespmem:s3+$0xC080] =	vst v2;
	v2 =	vadd.f32 v6, v9;
	v6 =	vld [tilespmem:s3+$0xE000]  }
.Ltmp3:
0x122: {  	[tilespmem:s3+$0xC100] =	vst v3;
	v7 =	vadd.f32 v7, v10;
	v3 =	vld [tilespmem:s3+$0xE080];
	(pc) =	sbr.rel @p0 .LBB2_8-.Ltmp3, $4  }
0x123: {  	[tilespmem:s3+$0xC180] =	vst v2;
	v5 =	vadd.f32 v5, v10;
	v4 =	vld [tilespmem:s3+$0xE100]  }
0x124: {  	[tilespmem:s3+$0xD000] =	vst v7;
	v7 =	vadd.f32 v8, v10;
	v2 =	vld [tilespmem:s3+$0xE180]  }
0x125: {  	[tilespmem:s3+$0xD080] =	vst v5;
	v8 =	vadd.f32 v11, v10;
	v5 =	vld [tilespmem:s3+$0xF000]  }
0x126: {  	s14 =	sadd.s32 $0x40, s14;
	s17 =	sadd.s32 $0x10, s17;
	[tilespmem:s3+$0xD100] =	vst v7;
	v7 =	vadd.f32 v6, v1;
	v6 =	vld [tilespmem:s3+$0xF080]  }
0x127: {  	[tilespmem:s3+$0xD180] =	vst v8;
	v57 =	vld [tilespmem:s3+$0xF100];
	v3 =	vadd.f32 v3, v1  }
0x128: {  	v58 =	vld [tilespmem:s3+$0xF180];
	[tilespmem:s3+$0xE000] =	vst v7;
	v4 =	vadd.f32 v4, v1  }
0x129: {  	[tilespmem:s3+$0xE080] =	vst v3;
	v59 =	vadd.f32 v2, v1  }
0x12a: {  	[tilespmem:s3+$0xE100] =	vst v4;
	v60 =	vadd.f32 v5, v0  }
0x12b: {  	[tilespmem:s3+$0xE180] =	vst v59;
	v61 =	vadd.f32 v6, v0  }
0x12c: {  	[tilespmem:s3+$0xF000] =	vst v60;
	v62 =	vadd.f32 v57, v0  }
0x12d: {  	v63 =	vadd.f32 v58, v0;
	[tilespmem:s3+$0xF080] =	vst v61  }
0x12e: {  	[tilespmem:s3+$0xF100] =	vst v62  }
0x12f: {  	s28 =	rddreg [dreg:$0x14];
	s31 =	simm.s32 $0x1;
	[tilespmem:s3+$0xF180] =	vst v63  }
0x130: {  	[hbm4b:s28+s5] =	stream.linear.scatter [tilespmem:s22], [sflag:$0xC], $0x4000, $0x38;
	[tilespmem:$0x14000] =	vst v63  }
.LBB2_10:
0x131: {  	s14 =	sshll.u32 s31, $0x2  }
0x132: {  	s3 =	sor.u32 $0x2, s14  }
0x133: {  	s17 =	sshll.u32 s3, $0x2  }
0x134: {  	s17 =	sadd.s32 s6, s17  }
0x135: {  	_ =	swait.ge [sflag:s9], $0x4000;
	s23 =	sshll.u32 s17, $0x9  }
0x136: {  	s28 =	simm.s32 $0x0;
	[sflag:s9] =	ssyncset.done $0x0;
	s23 =	sand.u32 $0x1FFFF000, s23  }
0x137: {  	[sflag:s9] =	ssyncadd.s32 $0xFFFFC000;
	s17 =	sshll.u32 s17, $0x7;
	s24 =	sadd.s32 s1, s23  }
0x138: {  	[tilespmem:s18], [sflag:$0x3] =	stream.linear.gather [hbm4b:s24+s28], $0x2000, $0x38;
	[tilespmem:$0x14000] =	vst v63  }
0x139: {  	s15 =	simm.s32 $0xA000;
	s17 =	sand.u32 $0x1FFFFC00, s17;
	s23 =	sadd.s32 s23, s7  }
0x13a: {  	[tilespmem:s15], [sflag:$0x3] =	stream.linear.gather [hbm4b:s23+s28], $0x2000, $0x38;
	[tilespmem:$0x14000] =	vst v63  }
0x13b: {  	s19 =	simm.s32 $0x12000;
	s17 =	sadd.s32 s2, s17  }
0x13c: {  	[tilespmem:s19], [sflag:$0x7] =	stream.strided.gather [hbm4b:s17+s12], $0x1000, s13, s12, $0x38;
	[tilespmem:$0x14000] =	vst v63  }
0x13d: {  	_ =	swait.ge [sflag:s21], $0x2000  }
0x13e: {  	[sflag:s21] =	ssyncset.done $0x0  }
0x13f: {  	[sflag:s21] =	ssyncadd.s32 $0xFFFFE000  }
0x140: {  	_ =	swait.ge [sflag:s21], $0x2000  }
0x141: {  	[sflag:s21] =	ssyncset.done $0x0  }
0x142: {  	[sflag:s21] =	ssyncadd.s32 $0xFFFFE000  }
0x143: {  	_ =	swait.ge [sflag:s10], $0x1000  }
0x144: {  	s24 =	sand.u32 $0xE00, s28;
	s23 =	sand.u32 $0x70, s28;
	[sflag:s10] =	ssyncset.done $0x0  }
0x145: {  	s17 =	sor.u32 s23, s24;
	[sflag:s10] =	ssyncadd.s32 $0xFFFFF000  }
0x146: {  	v2 =	vld [tilespmem:s17+$0x10000]  }
0x147: {  	v6 =	vld [tilespmem:s17+$0x10080]  }
0x148: {  	v1 =	vld [tilespmem:s17+$0x10100]  }
0x149: {  	v0 =	vld [tilespmem:s17+$0x10180]  }
0x14a: {  	v3 =	vld [tilespmem:s17+$0x0]  }
0x14b: {  	v4 =	vld [tilespmem:s17+$0x80]  }
0x14c: {  	v5 =	vld [tilespmem:s17+$0x100]  }
0x14d: {  	v7 =	vld [tilespmem:s17+$0x180]  }
0x14e: {  	v8 =	vld [tilespmem:s17+$0x1000]  }
0x14f: {  	v10 =	vld [tilespmem:s17+$0x1100];
	v3 =	vadd.f32 v3, v2  }
0x150: {  	v9 =	vld [tilespmem:s17+$0x1080];
	v4 =	vadd.f32 v4, v2  }
0x151: {  	v11 =	vld [tilespmem:s17+$0x1180];
	[tilespmem:s17+$0x0] =	vst v3;
	v3 =	vadd.f32 v5, v2  }
0x152: {  	v12 =	vld [tilespmem:s17+$0x2000];
	[tilespmem:s17+$0x80] =	vst v4;
	v2 =	vadd.f32 v7, v2  }
0x153: {  	v5 =	vadd.f32 v8, v6;
	[tilespmem:s17+$0x100] =	vst v3;
	v3 =	vld [tilespmem:s17+$0x2080]  }
0x154: {  	v4 =	vld [tilespmem:s17+$0x2100];
	v8 =	vadd.f32 v10, v6;
	[tilespmem:s17+$0x180] =	vst v2  }
0x155: {  	v7 =	vadd.f32 v9, v6;
	[tilespmem:s17+$0x1000] =	vst v5;
	v2 =	vld [tilespmem:s17+$0x2180]  }
0x156: {  	v5 =	vld [tilespmem:s17+$0x3000];
	[tilespmem:s17+$0x1100] =	vst v8;
	v8 =	vadd.f32 v11, v6  }
0x157: {  	s28 =	simm.s32 $0x40;
	s23 =	simm.s32 $0x10;
	[tilespmem:s17+$0x1080] =	vst v7;
	v7 =	vadd.f32 v12, v1;
	v6 =	vld [tilespmem:s17+$0x3080]  }
.LBB2_11:
0x158: {  	s24 =	sand.u32 $0x70, s23;
	s15 =	sand.u32 $0xE00, s28;
	p0 =	sne.s32 s23, $0x3F0;
	[tilespmem:s17+$0x1180] =	vst v8;
	v3 =	vadd.f32 v3, v1;
	v8 =	vld [tilespmem:s17+$0x3100]  }
0x159: {  	s15 =	sor.u32 s24, s15;
	[tilespmem:s17+$0x2000] =	vst v7;
	v4 =	vadd.f32 v4, v1;
	v7 =	vld [tilespmem:s17+$0x3180]  }
0x15a: {  	v9 =	vld [tilespmem:s15+$0x10000];
	[tilespmem:s17+$0x2080] =	vst v3;
	v2 =	vadd.f32 v2, v1  }
0x15b: {  	v10 =	vld [tilespmem:s15+$0x10080];
	[tilespmem:s17+$0x2100] =	vst v4;
	v3 =	vadd.f32 v5, v0  }
0x15c: {  	v1 =	vld [tilespmem:s15+$0x10100];
	[tilespmem:s17+$0x2180] =	vst v2;
	v2 =	vadd.f32 v6, v0  }
0x15d: {  	v4 =	vld [tilespmem:s15+$0x10180];
	[tilespmem:s17+$0x3000] =	vst v3;
	v3 =	vadd.f32 v8, v0  }
0x15e: {  	v5 =	vld [tilespmem:s15+$0x0];
	[tilespmem:s17+$0x3080] =	vst v2;
	v0 =	vadd.f32 v7, v0  }
0x15f: {  	v2 =	vld [tilespmem:s15+$0x80];
	[tilespmem:s17+$0x3100] =	vst v3  }
0x160: {  	v3 =	vld [tilespmem:s15+$0x100];
	[tilespmem:s17+$0x3180] =	vst v0;
	s17 =	smov.u32 s15  }
0x161: {  	v6 =	vld [tilespmem:s17+$0x180]  }
0x162: {  	v7 =	vld [tilespmem:s17+$0x1000];
	v0 =	vmov v4  }
0x163: {  	v4 =	vadd.f32 v5, v9;
	v5 =	vld [tilespmem:s17+$0x1080]  }
0x164: {  	v2 =	vadd.f32 v2, v9;
	v8 =	vld [tilespmem:s17+$0x1100]  }
0x165: {  	[tilespmem:s17+$0x0] =	vst v4;
	v3 =	vadd.f32 v3, v9;
	v11 =	vld [tilespmem:s17+$0x1180]  }
0x166: {  	[tilespmem:s17+$0x80] =	vst v2;
	v2 =	vadd.f32 v6, v9;
	v6 =	vld [tilespmem:s17+$0x2000]  }
.Ltmp4:
0x167: {  	[tilespmem:s17+$0x100] =	vst v3;
	v7 =	vadd.f32 v7, v10;
	v3 =	vld [tilespmem:s17+$0x2080];
	(pc) =	sbr.rel @p0 .LBB2_11-.Ltmp4, $4  }
0x168: {  	[tilespmem:s17+$0x180] =	vst v2;
	v5 =	vadd.f32 v5, v10;
	v4 =	vld [tilespmem:s17+$0x2100]  }
0x169: {  	[tilespmem:s17+$0x1000] =	vst v7;
	v7 =	vadd.f32 v8, v10;
	v2 =	vld [tilespmem:s17+$0x2180]  }
0x16a: {  	[tilespmem:s17+$0x1080] =	vst v5;
	v8 =	vadd.f32 v11, v10;
	v5 =	vld [tilespmem:s17+$0x3000]  }
0x16b: {  	s28 =	sadd.s32 $0x40, s28;
	s23 =	sadd.s32 $0x10, s23;
	[tilespmem:s17+$0x1100] =	vst v7;
	v7 =	vadd.f32 v6, v1;
	v6 =	vld [tilespmem:s17+$0x3080]  }
0x16c: {  	[tilespmem:s17+$0x1180] =	vst v8;
	v8 =	vld [tilespmem:s17+$0x3100];
	v3 =	vadd.f32 v3, v1  }
0x16d: {  	[tilespmem:s17+$0x2000] =	vst v7;
	v4 =	vadd.f32 v4, v1;
	v7 =	vld [tilespmem:s17+$0x3180]  }
0x16e: {  	[tilespmem:s17+$0x2080] =	vst v3;
	v1 =	vadd.f32 v2, v1  }
0x16f: {  	[tilespmem:s17+$0x2100] =	vst v4;
	v2 =	vadd.f32 v5, v0  }
0x170: {  	[tilespmem:s17+$0x2180] =	vst v1;
	v1 =	vadd.f32 v6, v0  }
0x171: {  	[tilespmem:s17+$0x3000] =	vst v2;
	v2 =	vadd.f32 v8, v0  }
0x172: {  	s28 =	sor.u32 $0x3, s14;
	[tilespmem:s17+$0x3080] =	vst v1;
	v0 =	vadd.f32 v7, v0  }
0x173: {  	s15 =	sshll.u32 s31, $0xD;
	s14 =	sshll.u32 s28, $0x2;
	[tilespmem:s17+$0x3100] =	vst v2  }
0x174: {  	s15 =	sadd.s32 s15, s16;
	s14 =	sadd.s32 s6, s14;
	[tilespmem:s17+$0x3180] =	vst v0;
	s17 =	simm.s32 $0x0  }
0x175: {  	[hbm4b:s15+s17] =	stream.linear.scatter [tilespmem:s17], [sflag:$0x9], $0x4000, $0x38;
	[tilespmem:$0x14000] =	vst v63  }
0x176: {  	s24 =	sshll.u32 s14, $0x9;
	_ =	swait.ge [sflag:s8], $0x4000  }
0x177: {  	s15 =	sand.u32 $0x1FFFF800, s24;
	[sflag:s8] =	ssyncset.done $0x0  }
0x178: {  	s14 =	sshll.u32 s14, $0x7;
	s23 =	sadd.s32 s1, s15;
	[sflag:s8] =	ssyncadd.s32 $0xFFFFC000  }
0x179: {  	[tilespmem:s22], [sflag:$0x4] =	stream.linear.gather [hbm4b:s23+s17], $0x2000, $0x38;
	[tilespmem:$0x14000] =	vst v63  }
0x17a: {  	s19 =	simm.s32 $0xE000;
	s14 =	sand.u32 $0x1FFFFC00, s14;
	s15 =	sadd.s32 s15, s7  }
0x17b: {  	[tilespmem:s19], [sflag:$0x4] =	stream.linear.gather [hbm4b:s15+s17], $0x2000, $0x38;
	[tilespmem:$0x14000] =	vst v63  }
0x17c: {  	s14 =	sadd.s32 s14, s11;
	s19 =	simm.s32 $0x13000  }
0x17d: {  	[tilespmem:s19], [sflag:$0x8] =	stream.strided.gather [hbm4b:s14+s12], $0x1000, s13, s12, $0x38;
	[tilespmem:$0x14000] =	vst v63  }
0x17e: {  	_ =	swait.ge [sflag:s25], $0x2000  }
0x17f: {  	[sflag:s25] =	ssyncset.done $0x0  }
0x180: {  	[sflag:s25] =	ssyncadd.s32 $0xFFFFE000  }
0x181: {  	_ =	swait.ge [sflag:s25], $0x2000  }
0x182: {  	[sflag:s25] =	ssyncset.done $0x0  }
0x183: {  	[sflag:s25] =	ssyncadd.s32 $0xFFFFE000  }
0x184: {  	_ =	swait.ge [sflag:s26], $0x1000  }
0x185: {  	s24 =	sand.u32 $0xE00, s17;
	s23 =	sand.u32 $0x70, s17;
	[sflag:s26] =	ssyncset.done $0x0  }
0x186: {  	s17 =	sor.u32 s23, s24;
	[sflag:s26] =	ssyncadd.s32 $0xFFFFF000  }
0x187: {  	v2 =	vld [tilespmem:s17+$0x11000]  }
0x188: {  	v6 =	vld [tilespmem:s17+$0x11080]  }
0x189: {  	v1 =	vld [tilespmem:s17+$0x11100]  }
0x18a: {  	v0 =	vld [tilespmem:s17+$0x11180]  }
0x18b: {  	v3 =	vld [tilespmem:s17+$0x4000]  }
0x18c: {  	v4 =	vld [tilespmem:s17+$0x4080]  }
0x18d: {  	v5 =	vld [tilespmem:s17+$0x4100]  }
0x18e: {  	v7 =	vld [tilespmem:s17+$0x4180]  }
0x18f: {  	v8 =	vld [tilespmem:s17+$0x5000]  }
0x190: {  	v10 =	vld [tilespmem:s17+$0x5100];
	v3 =	vadd.f32 v3, v2  }
0x191: {  	v9 =	vld [tilespmem:s17+$0x5080];
	v4 =	vadd.f32 v4, v2  }
0x192: {  	v11 =	vld [tilespmem:s17+$0x5180];
	[tilespmem:s17+$0x4000] =	vst v3;
	v3 =	vadd.f32 v5, v2  }
0x193: {  	v12 =	vld [tilespmem:s17+$0x6000];
	[tilespmem:s17+$0x4080] =	vst v4;
	v2 =	vadd.f32 v7, v2  }
0x194: {  	v5 =	vadd.f32 v8, v6;
	[tilespmem:s17+$0x4100] =	vst v3;
	v3 =	vld [tilespmem:s17+$0x6080]  }
0x195: {  	v4 =	vld [tilespmem:s17+$0x6100];
	v8 =	vadd.f32 v10, v6;
	[tilespmem:s17+$0x4180] =	vst v2  }
0x196: {  	v7 =	vadd.f32 v9, v6;
	[tilespmem:s17+$0x5000] =	vst v5;
	v2 =	vld [tilespmem:s17+$0x6180]  }
0x197: {  	v5 =	vld [tilespmem:s17+$0x7000];
	[tilespmem:s17+$0x5100] =	vst v8;
	v8 =	vadd.f32 v11, v6  }
0x198: {  	s23 =	simm.s32 $0x10;
	s14 =	simm.s32 $0x40;
	[tilespmem:s17+$0x5080] =	vst v7;
	v7 =	vadd.f32 v12, v1;
	v6 =	vld [tilespmem:s17+$0x7080]  }
.LBB2_13:
0x199: {  	s15 =	sand.u32 $0x70, s23;
	s24 =	sand.u32 $0xE00, s14;
	p0 =	sne.s32 s23, $0x3F0;
	[tilespmem:s17+$0x5180] =	vst v8;
	v3 =	vadd.f32 v3, v1;
	v8 =	vld [tilespmem:s17+$0x7100]  }
0x19a: {  	s15 =	sor.u32 s15, s24;
	[tilespmem:s17+$0x6000] =	vst v7;
	v4 =	vadd.f32 v4, v1;
	v7 =	vld [tilespmem:s17+$0x7180]  }
0x19b: {  	v9 =	vld [tilespmem:s15+$0x11000];
	[tilespmem:s17+$0x6080] =	vst v3;
	v2 =	vadd.f32 v2, v1  }
0x19c: {  	v10 =	vld [tilespmem:s15+$0x11080];
	[tilespmem:s17+$0x6100] =	vst v4;
	v3 =	vadd.f32 v5, v0  }
0x19d: {  	v1 =	vld [tilespmem:s15+$0x11100];
	[tilespmem:s17+$0x6180] =	vst v2;
	v2 =	vadd.f32 v6, v0  }
0x19e: {  	v4 =	vld [tilespmem:s15+$0x11180];
	[tilespmem:s17+$0x7000] =	vst v3;
	v3 =	vadd.f32 v8, v0  }
0x19f: {  	v5 =	vld [tilespmem:s15+$0x4000];
	[tilespmem:s17+$0x7080] =	vst v2;
	v0 =	vadd.f32 v7, v0  }
0x1a0: {  	v2 =	vld [tilespmem:s15+$0x4080];
	[tilespmem:s17+$0x7100] =	vst v3  }
0x1a1: {  	v3 =	vld [tilespmem:s15+$0x4100];
	[tilespmem:s17+$0x7180] =	vst v0;
	s17 =	smov.u32 s15  }
0x1a2: {  	v6 =	vld [tilespmem:s17+$0x4180]  }
0x1a3: {  	v7 =	vld [tilespmem:s17+$0x5000];
	v0 =	vmov v4  }
0x1a4: {  	v4 =	vadd.f32 v5, v9;
	v5 =	vld [tilespmem:s17+$0x5080]  }
0x1a5: {  	v2 =	vadd.f32 v2, v9;
	v8 =	vld [tilespmem:s17+$0x5100]  }
0x1a6: {  	[tilespmem:s17+$0x4000] =	vst v4;
	v3 =	vadd.f32 v3, v9;
	v11 =	vld [tilespmem:s17+$0x5180]  }
0x1a7: {  	[tilespmem:s17+$0x4080] =	vst v2;
	v2 =	vadd.f32 v6, v9;
	v6 =	vld [tilespmem:s17+$0x6000]  }
.Ltmp5:
0x1a8: {  	[tilespmem:s17+$0x4100] =	vst v3;
	v7 =	vadd.f32 v7, v10;
	v3 =	vld [tilespmem:s17+$0x6080];
	(pc) =	sbr.rel @p0 .LBB2_13-.Ltmp5, $4  }
0x1a9: {  	[tilespmem:s17+$0x4180] =	vst v2;
	v5 =	vadd.f32 v5, v10;
	v4 =	vld [tilespmem:s17+$0x6100]  }
0x1aa: {  	[tilespmem:s17+$0x5000] =	vst v7;
	v7 =	vadd.f32 v8, v10;
	v2 =	vld [tilespmem:s17+$0x6180]  }
0x1ab: {  	[tilespmem:s17+$0x5080] =	vst v5;
	v8 =	vadd.f32 v11, v10;
	v5 =	vld [tilespmem:s17+$0x7000]  }
0x1ac: {  	s14 =	sadd.s32 $0x40, s14;
	s23 =	sadd.s32 $0x10, s23;
	[tilespmem:s17+$0x5100] =	vst v7;
	v7 =	vadd.f32 v6, v1;
	v6 =	vld [tilespmem:s17+$0x7080]  }
0x1ad: {  	[tilespmem:s17+$0x5180] =	vst v8;
	v8 =	vld [tilespmem:s17+$0x7100];
	v3 =	vadd.f32 v3, v1  }
0x1ae: {  	[tilespmem:s17+$0x6000] =	vst v7;
	v4 =	vadd.f32 v4, v1;
	v7 =	vld [tilespmem:s17+$0x7180]  }
0x1af: {  	[tilespmem:s17+$0x6080] =	vst v3;
	v1 =	vadd.f32 v2, v1  }
0x1b0: {  	[tilespmem:s17+$0x6100] =	vst v4;
	v2 =	vadd.f32 v5, v0  }
0x1b1: {  	s14 =	sshll.u32 s31, $0x4;
	[tilespmem:s17+$0x6180] =	vst v1;
	v1 =	vadd.f32 v6, v0  }
0x1b2: {  	s15 =	sadd.s32 s14, s6;
	[tilespmem:s17+$0x7000] =	vst v2;
	v2 =	vadd.f32 v8, v0  }
0x1b3: {  	s19 =	rddreg [dreg:$0x2];
	s15 =	sshll.u32 s15, $0x9;
	[tilespmem:s17+$0x7080] =	vst v1;
	v0 =	vadd.f32 v7, v0  }
0x1b4: {  	s15 =	sadd.s32 s19, s15;
	[tilespmem:s17+$0x7100] =	vst v2  }
0x1b5: {  	p0 =	seq.s32 s31, $0xF;
	s19 =	simm.s32 $0x4000;
	s15 =	sadd.s32 $0x800, s15;
	[tilespmem:s17+$0x7180] =	vst v0  }
0x1b6: {  	[hbm4b:s15+s5] =	stream.linear.scatter [tilespmem:s19], [sflag:$0xA], $0x4000, $0x38;
	[tilespmem:$0x14000] =	vst v63  }
0x1b7: {  	s15 =	simm.s32 @!p0 $0x9  }
0x1b8: {  	_ =	swait.ge @!p0 [sflag:s15], $0x4000  }
0x1b9: {  	s17 =	rddreg [dreg:$0xd]  }
0x1ba: {  	s17 =	sadd.s32 @!p0 s14, s17  }
0x1bb: {  	[sflag:s15] =	ssyncset.done @!p0 $0x0;
	s23 =	sshll.u32 @!p0 s17, $0x9  }
0x1bc: {  	s24 =	simm.s32 @!p0 $0x0;
	[sflag:s15] =	ssyncadd.s32 @!p0 $0xFFFFC000;
	s15 =	sadd.s32 @!p0 s1, s23  }
0x1bd: {  	[tilespmem:s24], [sflag:$0x1] =	stream.linear.gather @!p0 [hbm4b:s15+s24], $0x2000, $0x38;
	[tilespmem:$0x14000] =	vst v63  }
0x1be: {  	s15 =	sadd.s32 @!p0 s23, s7;
	s23 =	simm.s32 @!p0 $0x2000  }
0x1bf: {  	[tilespmem:s23], [sflag:$0x1] =	stream.linear.gather @!p0 [hbm4b:s15+s24], $0x2000, $0x38;
	[tilespmem:$0x14000] =	vst v63  }
0x1c0: {  	s15 =	sshll.u32 @!p0 s17, $0x7;
	s17 =	simm.s32 @!p0 $0x200  }
0x1c1: {  	s23 =	simm.s32 @!p0 $0x400;
	s24 =	simm.s32 @!p0 $0x10000;
	s15 =	sadd.s32 @!p0 s2, s15  }
0x1c2: {  	[tilespmem:s24], [sflag:$0x5] =	stream.strided.gather @!p0 [hbm4b:s15+s17], $0x1000, s23, s17, $0x38;
	[tilespmem:$0x14000] =	vst v63  }
0x1c3: {  	_ =	swait.ge [sflag:s29], $0x2000  }
0x1c4: {  	[sflag:s29] =	ssyncset.done $0x0  }
0x1c5: {  	[sflag:s29] =	ssyncadd.s32 $0xFFFFE000  }
0x1c6: {  	_ =	swait.ge [sflag:s29], $0x2000  }
0x1c7: {  	[sflag:s29] =	ssyncset.done $0x0  }
0x1c8: {  	[sflag:s29] =	ssyncadd.s32 $0xFFFFE000  }
0x1c9: {  	s23 =	simm.s32 $0x0;
	_ =	swait.ge [sflag:s30], $0x1000  }
0x1ca: {  	s24 =	sand.u32 $0x70, s23;
	s15 =	sand.u32 $0xE00, s23;
	[sflag:s30] =	ssyncset.done $0x0  }
0x1cb: {  	s17 =	sor.u32 s24, s15;
	[sflag:s30] =	ssyncadd.s32 $0xFFFFF000  }
0x1cc: {  	v2 =	vld [tilespmem:s17+$0x12000]  }
0x1cd: {  	v6 =	vld [tilespmem:s17+$0x12080]  }
0x1ce: {  	v1 =	vld [tilespmem:s17+$0x12100]  }
0x1cf: {  	v0 =	vld [tilespmem:s17+$0x12180]  }
0x1d0: {  	v3 =	vld [tilespmem:s17+$0x8000]  }
0x1d1: {  	v4 =	vld [tilespmem:s17+$0x8080]  }
0x1d2: {  	v5 =	vld [tilespmem:s17+$0x8100]  }
0x1d3: {  	v7 =	vld [tilespmem:s17+$0x8180]  }
0x1d4: {  	v8 =	vld [tilespmem:s17+$0x9000]  }
0x1d5: {  	v10 =	vld [tilespmem:s17+$0x9100];
	v3 =	vadd.f32 v3, v2  }
0x1d6: {  	v9 =	vld [tilespmem:s17+$0x9080];
	v4 =	vadd.f32 v4, v2  }
0x1d7: {  	v11 =	vld [tilespmem:s17+$0x9180];
	[tilespmem:s17+$0x8000] =	vst v3;
	v3 =	vadd.f32 v5, v2  }
0x1d8: {  	v12 =	vld [tilespmem:s17+$0xA000];
	[tilespmem:s17+$0x8080] =	vst v4;
	v2 =	vadd.f32 v7, v2  }
0x1d9: {  	v5 =	vadd.f32 v8, v6;
	[tilespmem:s17+$0x8100] =	vst v3;
	v3 =	vld [tilespmem:s17+$0xA080]  }
0x1da: {  	v4 =	vld [tilespmem:s17+$0xA100];
	v8 =	vadd.f32 v10, v6;
	[tilespmem:s17+$0x8180] =	vst v2  }
0x1db: {  	v7 =	vadd.f32 v9, v6;
	[tilespmem:s17+$0x9000] =	vst v5;
	v2 =	vld [tilespmem:s17+$0xA180]  }
0x1dc: {  	v5 =	vld [tilespmem:s17+$0xB000];
	[tilespmem:s17+$0x9100] =	vst v8;
	v8 =	vadd.f32 v11, v6  }
0x1dd: {  	s19 =	smov.u32 s2;
	s23 =	simm.s32 $0x40;
	s24 =	simm.s32 $0x10;
	[tilespmem:s17+$0x9080] =	vst v7;
	v7 =	vadd.f32 v12, v1;
	v6 =	vld [tilespmem:s17+$0xB080]  }
.LBB2_15:
0x1de: {  	s15 =	sand.u32 $0x70, s24;
	s2 =	sand.u32 $0xE00, s23;
	p1 =	sne.s32 s24, $0x3F0;
	[tilespmem:s17+$0x9180] =	vst v8;
	v3 =	vadd.f32 v3, v1;
	v8 =	vld [tilespmem:s17+$0xB100]  }
0x1df: {  	s2 =	sor.u32 s15, s2;
	[tilespmem:s17+$0xA000] =	vst v7;
	v4 =	vadd.f32 v4, v1;
	v7 =	vld [tilespmem:s17+$0xB180]  }
0x1e0: {  	v9 =	vld [tilespmem:s2+$0x12000];
	[tilespmem:s17+$0xA080] =	vst v3;
	v2 =	vadd.f32 v2, v1  }
0x1e1: {  	v10 =	vld [tilespmem:s2+$0x12080];
	[tilespmem:s17+$0xA100] =	vst v4;
	v3 =	vadd.f32 v5, v0  }
0x1e2: {  	v1 =	vld [tilespmem:s2+$0x12100];
	[tilespmem:s17+$0xA180] =	vst v2;
	v2 =	vadd.f32 v6, v0  }
0x1e3: {  	v4 =	vld [tilespmem:s2+$0x12180];
	[tilespmem:s17+$0xB000] =	vst v3;
	v3 =	vadd.f32 v8, v0  }
0x1e4: {  	v5 =	vld [tilespmem:s2+$0x8000];
	[tilespmem:s17+$0xB080] =	vst v2;
	v0 =	vadd.f32 v7, v0  }
0x1e5: {  	v2 =	vld [tilespmem:s2+$0x8080];
	[tilespmem:s17+$0xB100] =	vst v3  }
0x1e6: {  	v3 =	vld [tilespmem:s2+$0x8100];
	[tilespmem:s17+$0xB180] =	vst v0;
	s17 =	smov.u32 s2  }
0x1e7: {  	v6 =	vld [tilespmem:s17+$0x8180]  }
0x1e8: {  	v7 =	vld [tilespmem:s17+$0x9000];
	v0 =	vmov v4  }
0x1e9: {  	v4 =	vadd.f32 v5, v9;
	v5 =	vld [tilespmem:s17+$0x9080]  }
0x1ea: {  	v2 =	vadd.f32 v2, v9;
	v8 =	vld [tilespmem:s17+$0x9100]  }
0x1eb: {  	[tilespmem:s17+$0x8000] =	vst v4;
	v3 =	vadd.f32 v3, v9;
	v11 =	vld [tilespmem:s17+$0x9180]  }
0x1ec: {  	[tilespmem:s17+$0x8080] =	vst v2;
	v2 =	vadd.f32 v6, v9;
	v6 =	vld [tilespmem:s17+$0xA000]  }
.Ltmp6:
0x1ed: {  	[tilespmem:s17+$0x8100] =	vst v3;
	v7 =	vadd.f32 v7, v10;
	v3 =	vld [tilespmem:s17+$0xA080];
	(pc) =	sbr.rel @p1 .LBB2_15-.Ltmp6, $4  }
0x1ee: {  	[tilespmem:s17+$0x8180] =	vst v2;
	v5 =	vadd.f32 v5, v10;
	v4 =	vld [tilespmem:s17+$0xA100]  }
0x1ef: {  	[tilespmem:s17+$0x9000] =	vst v7;
	v7 =	vadd.f32 v8, v10;
	v2 =	vld [tilespmem:s17+$0xA180]  }
0x1f0: {  	[tilespmem:s17+$0x9080] =	vst v5;
	v8 =	vadd.f32 v11, v10;
	v5 =	vld [tilespmem:s17+$0xB000]  }
0x1f1: {  	s23 =	sadd.s32 $0x40, s23;
	s24 =	sadd.s32 $0x10, s24;
	[tilespmem:s17+$0x9100] =	vst v7;
	v7 =	vadd.f32 v6, v1;
	v6 =	vld [tilespmem:s17+$0xB080]  }
0x1f2: {  	[tilespmem:s17+$0x9180] =	vst v8;
	v8 =	vld [tilespmem:s17+$0xB100];
	v3 =	vadd.f32 v3, v1  }
0x1f3: {  	[tilespmem:s17+$0xA000] =	vst v7;
	v4 =	vadd.f32 v4, v1;
	v7 =	vld [tilespmem:s17+$0xB180]  }
0x1f4: {  	[tilespmem:s17+$0xA080] =	vst v3;
	v1 =	vadd.f32 v2, v1  }
0x1f5: {  	[tilespmem:s17+$0xA100] =	vst v4;
	v2 =	vadd.f32 v5, v0  }
0x1f6: {  	[tilespmem:s17+$0xA180] =	vst v1;
	v1 =	vadd.f32 v6, v0  }
0x1f7: {  	[tilespmem:s17+$0xB000] =	vst v2;
	v2 =	vadd.f32 v8, v0  }
0x1f8: {  	[tilespmem:s17+$0xB080] =	vst v1;
	v0 =	vadd.f32 v7, v0  }
0x1f9: {  	s2 =	sshll.u32 s3, $0xB;
	[tilespmem:s17+$0xB100] =	vst v2  }
0x1fa: {  	s2 =	sadd.s32 s2, s16;
	[tilespmem:s17+$0xB180] =	vst v0  }
0x1fb: {  	[hbm4b:s2+s5] =	stream.linear.scatter [tilespmem:s18], [sflag:$0xB], $0x4000, $0x38;
	[tilespmem:$0x14000] =	vst v63  }
0x1fc: {  	s2 =	simm.s32 @!p0 $0xA  }
0x1fd: {  	_ =	swait.ge @!p0 [sflag:s2], $0x4000  }
0x1fe: {  	s3 =	sadd.s32 @!p0 s14, s20;
	[sflag:s2] =	ssyncset.done @!p0 $0x0  }
0x1ff: {  	[sflag:s2] =	ssyncadd.s32 @!p0 $0xFFFFC000;
	s2 =	sshll.u32 @!p0 s3, $0x9  }
0x200: {  	s15 =	simm.s32 @!p0 $0x0;
	s17 =	simm.s32 @!p0 $0x4000;
	s14 =	sadd.s32 @!p0 s1, s2  }
0x201: {  	[tilespmem:s17], [sflag:$0x2] =	stream.linear.gather @!p0 [hbm4b:s14+s15], $0x2000, $0x38;
	[tilespmem:$0x14000] =	vst v63  }
0x202: {  	s2 =	sadd.s32 @!p0 s2, s7;
	s14 =	simm.s32 @!p0 $0x6000  }
0x203: {  	[tilespmem:s14], [sflag:$0x2] =	stream.linear.gather @!p0 [hbm4b:s2+s15], $0x2000, $0x38;
	[tilespmem:$0x14000] =	vst v63  }
0x204: {  	s2 =	sshll.u32 @!p0 s3, $0x7  }
0x205: {  	s3 =	simm.s32 @!p0 $0x200;
	s2 =	sand.u32 @!p0 $0x1FF800, s2  }
0x206: {  	s14 =	simm.s32 @!p0 $0x400;
	s15 =	simm.s32 @!p0 $0x11000;
	s2 =	sadd.s32 @!p0 s2, s11  }
0x207: {  	[tilespmem:s15], [sflag:$0x6] =	stream.strided.gather @!p0 [hbm4b:s2+s3], $0x1000, s14, s3, $0x38;
	[tilespmem:$0x14000] =	vst v63  }
0x208: {  	_ =	swait.ge [sflag:s0], $0x2000  }
0x209: {  	[sflag:s0] =	ssyncset.done $0x0  }
0x20a: {  	[sflag:s0] =	ssyncadd.s32 $0xFFFFE000  }
0x20b: {  	_ =	swait.ge [sflag:s0], $0x2000  }
0x20c: {  	[sflag:s0] =	ssyncset.done $0x0  }
0x20d: {  	[sflag:s0] =	ssyncadd.s32 $0xFFFFE000  }
0x20e: {  	s23 =	simm.s32 $0x0;
	_ =	swait.ge [sflag:s4], $0x1000  }
0x20f: {  	s24 =	sand.u32 $0x70, s23;
	s2 =	sand.u32 $0xE00, s23;
	[sflag:s4] =	ssyncset.done $0x0  }
0x210: {  	s3 =	sor.u32 s24, s2;
	[sflag:s4] =	ssyncadd.s32 $0xFFFFF000  }
0x211: {  	v2 =	vld [tilespmem:s3+$0x13000]  }
0x212: {  	v6 =	vld [tilespmem:s3+$0x13080]  }
0x213: {  	v1 =	vld [tilespmem:s3+$0x13100]  }
0x214: {  	v0 =	vld [tilespmem:s3+$0x13180]  }
0x215: {  	v3 =	vld [tilespmem:s3+$0xC000]  }
0x216: {  	v4 =	vld [tilespmem:s3+$0xC080]  }
0x217: {  	v5 =	vld [tilespmem:s3+$0xC100]  }
0x218: {  	v7 =	vld [tilespmem:s3+$0xC180]  }
0x219: {  	v8 =	vld [tilespmem:s3+$0xD000]  }
0x21a: {  	v10 =	vld [tilespmem:s3+$0xD100];
	v3 =	vadd.f32 v3, v2  }
0x21b: {  	v9 =	vld [tilespmem:s3+$0xD080];
	v4 =	vadd.f32 v4, v2  }
0x21c: {  	v11 =	vld [tilespmem:s3+$0xD180];
	[tilespmem:s3+$0xC000] =	vst v3;
	v3 =	vadd.f32 v5, v2  }
0x21d: {  	v12 =	vld [tilespmem:s3+$0xE000];
	[tilespmem:s3+$0xC080] =	vst v4;
	v2 =	vadd.f32 v7, v2  }
0x21e: {  	v5 =	vadd.f32 v8, v6;
	[tilespmem:s3+$0xC100] =	vst v3;
	v3 =	vld [tilespmem:s3+$0xE080]  }
0x21f: {  	v4 =	vld [tilespmem:s3+$0xE100];
	v8 =	vadd.f32 v10, v6;
	[tilespmem:s3+$0xC180] =	vst v2  }
0x220: {  	v7 =	vadd.f32 v9, v6;
	[tilespmem:s3+$0xD000] =	vst v5;
	v2 =	vld [tilespmem:s3+$0xE180]  }
0x221: {  	v5 =	vld [tilespmem:s3+$0xF000];
	[tilespmem:s3+$0xD100] =	vst v8;
	v8 =	vadd.f32 v11, v6  }
0x222: {  	s17 =	simm.s32 $0x10;
	s14 =	simm.s32 $0x40;
	[tilespmem:s3+$0xD080] =	vst v7;
	v7 =	vadd.f32 v12, v1;
	v6 =	vld [tilespmem:s3+$0xF080]  }
.LBB2_17:
0x223: {  	s2 =	sand.u32 $0x70, s17;
	s15 =	sand.u32 $0xE00, s14;
	p0 =	sne.s32 s17, $0x3F0;
	[tilespmem:s3+$0xD180] =	vst v8;
	v3 =	vadd.f32 v3, v1;
	v8 =	vld [tilespmem:s3+$0xF100]  }
0x224: {  	s2 =	sor.u32 s2, s15;
	[tilespmem:s3+$0xE000] =	vst v7;
	v4 =	vadd.f32 v4, v1;
	v7 =	vld [tilespmem:s3+$0xF180]  }
0x225: {  	v9 =	vld [tilespmem:s2+$0x13000];
	[tilespmem:s3+$0xE080] =	vst v3;
	v2 =	vadd.f32 v2, v1  }
0x226: {  	v10 =	vld [tilespmem:s2+$0x13080];
	[tilespmem:s3+$0xE100] =	vst v4;
	v3 =	vadd.f32 v5, v0  }
0x227: {  	v1 =	vld [tilespmem:s2+$0x13100];
	[tilespmem:s3+$0xE180] =	vst v2;
	v2 =	vadd.f32 v6, v0  }
0x228: {  	v4 =	vld [tilespmem:s2+$0x13180];
	[tilespmem:s3+$0xF000] =	vst v3;
	v3 =	vadd.f32 v8, v0  }
0x229: {  	v5 =	vld [tilespmem:s2+$0xC000];
	[tilespmem:s3+$0xF080] =	vst v2;
	v0 =	vadd.f32 v7, v0  }
0x22a: {  	v2 =	vld [tilespmem:s2+$0xC080];
	[tilespmem:s3+$0xF100] =	vst v3  }
0x22b: {  	v3 =	vld [tilespmem:s2+$0xC100];
	[tilespmem:s3+$0xF180] =	vst v0;
	s3 =	smov.u32 s2  }
0x22c: {  	v6 =	vld [tilespmem:s3+$0xC180]  }
0x22d: {  	v7 =	vld [tilespmem:s3+$0xD000];
	v0 =	vmov v4  }
0x22e: {  	v4 =	vadd.f32 v5, v9;
	v5 =	vld [tilespmem:s3+$0xD080]  }
0x22f: {  	v2 =	vadd.f32 v2, v9;
	v8 =	vld [tilespmem:s3+$0xD100]  }
0x230: {  	[tilespmem:s3+$0xC000] =	vst v4;
	v3 =	vadd.f32 v3, v9;
	v11 =	vld [tilespmem:s3+$0xD180]  }
0x231: {  	[tilespmem:s3+$0xC080] =	vst v2;
	v2 =	vadd.f32 v6, v9;
	v6 =	vld [tilespmem:s3+$0xE000]  }
.Ltmp7:
0x232: {  	[tilespmem:s3+$0xC100] =	vst v3;
	v7 =	vadd.f32 v7, v10;
	v3 =	vld [tilespmem:s3+$0xE080];
	(pc) =	sbr.rel @p0 .LBB2_17-.Ltmp7, $4  }
0x233: {  	[tilespmem:s3+$0xC180] =	vst v2;
	v5 =	vadd.f32 v5, v10;
	v4 =	vld [tilespmem:s3+$0xE100]  }
0x234: {  	[tilespmem:s3+$0xD000] =	vst v7;
	v7 =	vadd.f32 v8, v10;
	v2 =	vld [tilespmem:s3+$0xE180]  }
0x235: {  	[tilespmem:s3+$0xD080] =	vst v5;
	v8 =	vadd.f32 v11, v10;
	v5 =	vld [tilespmem:s3+$0xF000]  }
0x236: {  	s14 =	sadd.s32 $0x40, s14;
	s17 =	sadd.s32 $0x10, s17;
	[tilespmem:s3+$0xD100] =	vst v7;
	v7 =	vadd.f32 v6, v1;
	v6 =	vld [tilespmem:s3+$0xF080]  }
0x237: {  	[tilespmem:s3+$0xD180] =	vst v8;
	v57 =	vld [tilespmem:s3+$0xF100];
	v3 =	vadd.f32 v3, v1  }
0x238: {  	v58 =	vld [tilespmem:s3+$0xF180];
	[tilespmem:s3+$0xE000] =	vst v7;
	v4 =	vadd.f32 v4, v1  }
0x239: {  	[tilespmem:s3+$0xE080] =	vst v3;
	v59 =	vadd.f32 v2, v1  }
0x23a: {  	[tilespmem:s3+$0xE100] =	vst v4;
	v60 =	vadd.f32 v5, v0  }
0x23b: {  	s31 =	sadd.s32 $0x1, s31;
	[tilespmem:s3+$0xE180] =	vst v59;
	v61 =	vadd.f32 v6, v0  }
0x23c: {  	p0 =	sne.s32 s31, $0x10;
	[tilespmem:s3+$0xF000] =	vst v60;
	v62 =	vadd.f32 v57, v0  }
.Ltmp8:
0x23d: {  	v63 =	vadd.f32 v58, v0;
	[tilespmem:s3+$0xF080] =	vst v61;
	(pc) =	sbr.rel @p0 .LBB2_10-.Ltmp8, $4  }
0x23e: {  	s2 =	sshll.u32 s28, $0xB;
	[tilespmem:s3+$0xF100] =	vst v62  }
0x23f: {  	s2 =	sadd.s32 s2, s16;
	[tilespmem:s3+$0xF180] =	vst v63  }
0x240: {  	[hbm4b:s2+s5] =	stream.linear.scatter [tilespmem:s22], [sflag:$0xC], $0x4000, $0x38;
	[tilespmem:$0x14000] =	vst v63  }
0x241: {  	s2 =	smov.u32 s19  }
0x242: {  	s3 =	simm.s32 $0x9  }
0x243: {  	_ =	swait.ge [sflag:s3], $0x4000  }
0x244: {  	[sflag:s3] =	ssyncset.done $0x0  }
0x245: {  	s23 =	simm.s32 $0xA;
	[sflag:s3] =	ssyncadd.s32 $0xFFFFC000  }
0x246: {  	_ =	swait.ge [sflag:s23], $0x4000  }
0x247: {  	[sflag:s23] =	ssyncset.done $0x0  }
0x248: {  	[sflag:s23] =	ssyncadd.s32 $0xFFFFC000  }
0x249: {  	_ =	swait.ge [sflag:s9], $0x4000  }
0x24a: {  	[sflag:s9] =	ssyncset.done $0x0  }
0x24b: {  	[sflag:s9] =	ssyncadd.s32 $0xFFFFC000  }
0x24c: {  	_ =	swait.ge [sflag:s8], $0x4000  }
0x24d: {  	s14 =	rddreg [dreg:$0x1b]  }
0x24e: {  	s24 =	rddreg [dreg:$0x15];
	s14 =	sadd.s32 $0x1, s14  }
0x24f: {  	p0 =	sne.s32 s14, s24  }
.Ltmp9:
0x250: {  	_ = 	snop;
	(pc) =	sbr.rel @p0 .LBB2_1-.Ltmp9, $3  }
0x251: {  	_ =	sdelay $0x1  }
0x252: {  	s15 =	simm.s32 $0x2000;
	s19 =	simm.s32 $0x10000;
	[sflag:s8] =	ssyncset.done $0x0  }
0x253: {  	s28 =	simm.s32 $0x6000;
	s31 =	simm.s32 $0x11000;
	[sflag:s8] =	ssyncadd.s32 $0xFFFFC000  }
0x254: {  	_ =	sfence.sel $0x180000  }
0x255: {  	[bflag:$0x0] =	sbarrier.arrive $0xFFFF  }
0x256: {  	_ =	strace $0x90000047  }
0x257: {  	s0 =	stileid.u32;
	[bflag:$0x2] =	sbarrier.arrive $0xFFFF  }
0x258: {  	p0 =	sne.s32 s0, $0x0;
	s0 =	rddreg [dreg:$0x3]  }
0x259: {  	s0 =	sadd.s32 @!p0 $0x100000, s0  }
0x25a: {  	[sflag:s0] =	ssyncadd.tile.s32 @!p0 $0x1;
	_ =	shalt  }
.Lfunc_end2:
_tile_overlayer_lowered:
.L_overlay_start_2:
0x25b: {  	(tag) =	ssettag $0x2  }
0x25c: {  	s0 =	rddreg [dreg:$0x0];
	s2 =	stileid.u32  }
0x25d: {  	s1 =	rddreg [dreg:$0x1];
	p0 =	sne.s32 s2, $0x0  }
0x25e: {  	s3 =	rddreg [dreg:$0x2];
	[bflag:$0x3] =	sbarrier.arrive $0xFFFF;
	s2 =	simm.s32 @!p0 $0x1C0D  }
0x25f: {  	[timem:s3], [sflag:s2] =	dma.local @!p0 [hbm:s0], s1  }
0x260: {  	s0 =	simm.s32 @!p0 $0xD  }
0x261: {  	_ =	swait.ge @!p0 [sflag:s0], s1  }
0x262: {  	s1 =	ssub.s32 @!p0 $0x0, s1;
	[sflag:s0] =	ssyncset.done @!p0 $0x0  }
0x263: {  	[sflag:s0] =	ssyncadd.s32 @!p0 s1  }
0x264: {  	[bflag:$0x3] =	sbarrier.arrive $0xFFFF  }
0x265: {  	_ =	shalt  }

</sc_bundles>
